<compile_context>
chip_gen: v7x
topology: tpu7x:2x2x1
jax: 0.10.2.dev20260603
libtpu: 0.0.44.dev20260713+nightly
codegen_flags: <defaults>
</compile_context>

<pallas_src>
import functools

import jax
import jax.numpy as jnp
from jax import lax
from jax.experimental import pallas as pl
from jax.experimental.pallas import tpu as pltpu
from jax.experimental.pallas import tpu_sc as plsc

_B = 16384
_D = 16
_G = 8
_NC = 2
_NS = 16
_NW = _NC * _NS
_BPW = _B // _NW
_PW = 16
_NPASS = _BPW // _PW
_SETROWS = _PW * _G
_L = 16
_SHARP = 5.0


def _body(u_emb, v_emb, rec, u, out, recv, uv, vgrp, ugrp, outv,
          sem_v0, sem_v1, sem_u0, sem_u1):
    wid = lax.axis_index("s") * _NC + lax.axis_index("c")
    base = wid * _BPW

    pltpu.sync_copy(rec.at[pl.ds(base, _BPW)], recv)
    pltpu.sync_copy(u.at[pl.ds(base, _BPW)], uv)

    lanes = lax.iota(jnp.int32, 16)
    sems = ((sem_v0, sem_u0), (sem_v1, sem_u1))

    def fire(h, parity):
        sem_v, sem_u = sems[parity]
        setbase = parity * _SETROWS
        rvec = recv[pl.ds(pl.multiple_of(h * _PW, _PW), _PW)]
        qvec = uv[pl.ds(pl.multiple_of(h * _PW, _PW), _PW)]
        for k in range(_PW):
            g8v = rvec[k] & jnp.int32(~(_G - 1))
            g8u = qvec[k] & jnp.int32(~(_G - 1))
            pltpu.async_copy(
                v_emb.at[pl.ds(pl.multiple_of(g8v, _G), _G), :],
                vgrp.at[pl.ds(setbase + k * _G, _G), :], sem_v)
            pltpu.async_copy(
                u_emb.at[pl.ds(pl.multiple_of(g8u, _G), _G), :],
                ugrp.at[pl.ds(setbase + k * _G, _G), :], sem_u)

    def drain(parity):
        sem_v, sem_u = sems[parity]
        setbase = parity * _SETROWS
        for k in range(_PW):
            pltpu.make_async_copy(
                v_emb.at[pl.ds(0, _G), :],
                vgrp.at[pl.ds(setbase + k * _G, _G), :], sem_v).wait()
            pltpu.make_async_copy(
                u_emb.at[pl.ds(0, _G), :],
                ugrp.at[pl.ds(setbase + k * _G, _G), :], sem_u).wait()

    def compute(h, parity):
        setbase = parity * _SETROWS
        rvec = recv[pl.ds(pl.multiple_of(h * _PW, _PW), _PW)]
        qvec = uv[pl.ds(pl.multiple_of(h * _PW, _PW), _PW)]
        slotbase = setbase + lanes * _G
        vrow = slotbase + (rvec & (_G - 1))
        urow = slotbase + (qvec & (_G - 1))
        acc = jnp.zeros((_L,), jnp.float32)
        for d in range(_D):
            col = jnp.full((_L,), d, jnp.int32)
            vcol = plsc.load_gather(vgrp, [vrow, col])
            ucol = plsc.load_gather(ugrp, [urow, col])
            acc = acc + vcol * ucol
        sig = 1.0 / (1.0 + jnp.exp(-_SHARP * acc))
        outv[pl.ds(pl.multiple_of(h * _PW, _PW), _PW)] = sig

    fire(0, 0)
    fire(1, 1)

    def step(i, carry):
        h0 = 2 * i
        drain(0)
        compute(h0, 0)

        @pl.when(h0 + 2 < _NPASS)
        def _():
            fire(h0 + 2, 0)

        drain(1)
        compute(h0 + 1, 1)

        @pl.when(h0 + 3 < _NPASS)
        def _():
            fire(h0 + 3, 1)

        return carry

    lax.fori_loop(0, _NPASS // 2, step, 0)

    pltpu.sync_copy(outv, out.at[pl.ds(base, _BPW)])


def kernel(uEmb, vEmb, rec, u):
    rec = rec.astype(jnp.int32)
    u = u.astype(jnp.int32)
    mesh = plsc.VectorSubcoreMesh(core_axis_name="c", subcore_axis_name="s")
    f = pl.kernel(
        _body,
        mesh=mesh,
        out_type=jax.ShapeDtypeStruct((_B,), jnp.float32),
        scratch_types=[
            pltpu.VMEM((_BPW,), jnp.int32),
            pltpu.VMEM((_BPW,), jnp.int32),
            pltpu.VMEM((2 * _SETROWS, _D), jnp.float32),
            pltpu.VMEM((2 * _SETROWS, _D), jnp.float32),
            pltpu.VMEM((_BPW,), jnp.float32),
            pltpu.SemaphoreType.DMA,
            pltpu.SemaphoreType.DMA,
            pltpu.SemaphoreType.DMA,
            pltpu.SemaphoreType.DMA,
        ],
        compiler_params=pltpu.CompilerParams(
            needs_layout_passes=False, use_tc_tiling_on_sc=True),
    )
    return f(uEmb, vEmb, rec, u)

# --- scband reference (transcript-rebuilt; emitter-appended) ---
"""Pipeline reference for scband-recsys-auction-9079560863928 (READ-ONLY COPY).

The authoritative reference and input builder live on the scoring server;
editing this copy changes nothing except your own understanding.
"""

import jax, jax.numpy as jnp
import numpy as np

NUM_USERS = 1000000
NUM_ITEMS = 1000000
EMBED_DIM = 16
BATCH = 16384
SHARPNESS = 5.0


def setup_inputs(seed: int = 0) -> dict:
    key = jax.random.key(seed)
    k1, k2, k3, k4 = jax.random.split(key, 4)
    uEmb = jax.random.normal(k1, (NUM_USERS, EMBED_DIM), dtype=jnp.float32) * 0.05
    vEmb = jax.random.normal(k2, (NUM_ITEMS, EMBED_DIM), dtype=jnp.float32) * 0.05
    rec = jax.random.randint(k3, (BATCH,), 0, NUM_ITEMS)
    u = jax.random.randint(k4, (BATCH,), 0, NUM_USERS)
    return {"uEmb": uEmb, "vEmb": vEmb, "rec": rec, "u": u}


def reference(uEmb, vEmb, rec, u):
    # Batched version of recsys_auction.sigmoid_pCTR:
    #   _pCTR(rec, u) = sum(vEmb[rec] * uEmb[u])
    #   sigmoid_pCTR  = sigmoid(sharpness * _pCTR)
    v_rows = jnp.take(vEmb, rec, axis=0)  # [B, D] gather from item table
    u_rows = jnp.take(uEmb, u, axis=0)    # [B, D] gather from user table
    logits = jnp.sum(v_rows * u_rows, axis=-1)  # [B]
    return jax.nn.sigmoid(SHARPNESS * logits)

if __name__ == "__main__":
    import jax
    _d = setup_inputs()
    print(jax.jit(kernel)(*tuple(_d.values())))

</pallas_src>

<mosaic_0001>
#map = affine_map<(d0, d1) -> (0, 0)>
#map1 = affine_map<(d0, d1) -> (0)>
module attributes {stable_mosaic.version = 14 : i64} {
  func.func @_body(%arg0: i32, %arg1: i32, %arg2: memref<1000000x16xf32, #tpu.memory_space<hbm>>, %arg3: memref<1000000x16xf32, #tpu.memory_space<hbm>>, %arg4: memref<16384xi32, #tpu.memory_space<hbm>>, %arg5: memref<16384xi32, #tpu.memory_space<hbm>>, %arg6: memref<16384xf32, #tpu.memory_space<hbm>>, %arg7: memref<512xi32, #tpu.memory_space<vmem>>, %arg8: memref<512xi32, #tpu.memory_space<vmem>>, %arg9: memref<256x16xf32, #tpu.memory_space<vmem>>, %arg10: memref<256x16xf32, #tpu.memory_space<vmem>>, %arg11: memref<512xf32, #tpu.memory_space<vmem>>, %arg12: memref<!tpu.dma_semaphore, #tpu.memory_space<semaphore_mem>>, %arg13: memref<!tpu.dma_semaphore, #tpu.memory_space<semaphore_mem>>, %arg14: memref<!tpu.dma_semaphore, #tpu.memory_space<semaphore_mem>>, %arg15: memref<!tpu.dma_semaphore, #tpu.memory_space<semaphore_mem>>) attributes {dimension_semantics = [#tpu.dimension_semantics<core_parallel>, #tpu.dimension_semantics<subcore_parallel>], iteration_bounds = array<i64: 2, 16>, scalar_prefetch = 0 : i64, scratch_operands = 9 : i64, tpu.core_type = #tpu.core_type<sc_vector_subcore>, window_params = [{transform_indices = #map}, {transform_indices = #map}, {transform_indices = #map1}, {transform_indices = #map1}, {transform_indices = #map1}]} {
    %mul3A = arith.constant 2 : i32
    %mul3A_0 = arith.muli %arg1, %mul3A : i32
    %add3A = arith.addi %mul3A_0, %arg0 : i32
    %mul3A_1 = arith.constant 512 : i32
    %mul3A_2 = arith.muli %add3A, %mul3A_1 : i32
    "tpu.region"() ({
      %run_scoped3A = tpu.sem_alloc : memref<!tpu.dma_semaphore, #tpu.memory_space<semaphore_mem>>
      %dma_start3A_978 = tpu.memref_slice %arg4[%mul3A_2] : memref<16384xi32, #tpu.memory_space<hbm>> -> memref<512xi32, #tpu.memory_space<hbm>>
      %dma_start3A_979 = tpu.memref_slice %arg4[%mul3A_2] : memref<16384xi32, #tpu.memory_space<hbm>> -> memref<512xi32, #tpu.memory_space<hbm>>
      tpu.enqueue_dma source(%dma_start3A_979 : memref<512xi32, #tpu.memory_space<hbm>>) target(%arg7 : memref<512xi32, #tpu.memory_space<vmem>>) target_semaphore(%run_scoped3A : memref<!tpu.dma_semaphore, #tpu.memory_space<semaphore_mem>>)
      %dma_wait3A = tpu.memref_slice %arg4[%mul3A_2] : memref<16384xi32, #tpu.memory_space<hbm>> -> memref<512xi32, #tpu.memory_space<hbm>>
      %dma_wait3A_980 = tpu.memref_slice %arg4[%mul3A_2] : memref<16384xi32, #tpu.memory_space<hbm>> -> memref<512xi32, #tpu.memory_space<hbm>>
      tpu.wait_dma2 semaphore(%run_scoped3A : memref<!tpu.dma_semaphore, #tpu.memory_space<semaphore_mem>>) src(%dma_wait3A_980 : memref<512xi32, #tpu.memory_space<hbm>>) dst(%arg7 : memref<512xi32, #tpu.memory_space<vmem>>)
      tpu.yield
    }) : () -> ()
    "tpu.region"() ({
      %run_scoped3A = tpu.sem_alloc : memref<!tpu.dma_semaphore, #tpu.memory_space<semaphore_mem>>
      %dma_start3A_978 = tpu.memref_slice %arg5[%mul3A_2] : memref<16384xi32, #tpu.memory_space<hbm>> -> memref<512xi32, #tpu.memory_space<hbm>>
      %dma_start3A_979 = tpu.memref_slice %arg5[%mul3A_2] : memref<16384xi32, #tpu.memory_space<hbm>> -> memref<512xi32, #tpu.memory_space<hbm>>
      tpu.enqueue_dma source(%dma_start3A_979 : memref<512xi32, #tpu.memory_space<hbm>>) target(%arg8 : memref<512xi32, #tpu.memory_space<vmem>>) target_semaphore(%run_scoped3A : memref<!tpu.dma_semaphore, #tpu.memory_space<semaphore_mem>>)
      %dma_wait3A = tpu.memref_slice %arg5[%mul3A_2] : memref<16384xi32, #tpu.memory_space<hbm>> -> memref<512xi32, #tpu.memory_space<hbm>>
      %dma_wait3A_980 = tpu.memref_slice %arg5[%mul3A_2] : memref<16384xi32, #tpu.memory_space<hbm>> -> memref<512xi32, #tpu.memory_space<hbm>>
      tpu.wait_dma2 semaphore(%run_scoped3A : memref<!tpu.dma_semaphore, #tpu.memory_space<semaphore_mem>>) src(%dma_wait3A_980 : memref<512xi32, #tpu.memory_space<hbm>>) dst(%arg8 : memref<512xi32, #tpu.memory_space<vmem>>)
      tpu.yield
    }) : () -> ()
    %iota3A = tpu.iota {dimensions = array<i32: 0>} : vector<16xi32>
    %multiple_of3A = arith.constant 0 : i32
    %multiple_of3A_3 = tpu.assume_multiple %multiple_of3A, 16 : i32
    %get3A = arith.index_cast %multiple_of3A_3 : i32 to index
    %get3A_4 = tpu.vector_load %arg7[%get3A] {strides = array<i32>} : memref<512xi32, #tpu.memory_space<vmem>>, vector<16xi32>,
    %multiple_of3A_5 = arith.constant 0 : i32
    %multiple_of3A_6 = tpu.assume_multiple %multiple_of3A_5, 16 : i32
    %get3A_7 = arith.index_cast %multiple_of3A_6 : i32 to index
    %get3A_8 = tpu.vector_load %arg8[%get3A_7] {strides = array<i32>} : memref<512xi32, #tpu.memory_space<vmem>>, vector<16xi32>,
    %slice3A = vector.extract_strided_slice %get3A_4 {offsets = [0], sizes = [1], strides = [1]} : vector<16xi32> to vector<1xi32>
    %squeeze3A = vector.extract %slice3A[0] : i32 from vector<1xi32>
    %and3A = arith.constant -8 : i32
    %and3A_9 = arith.andi %squeeze3A, %and3A : i32
    %slice3A_10 = vector.extract_strided_slice %get3A_8 {offsets = [0], sizes = [1], strides = [1]} : vector<16xi32> to vector<1xi32>
    %squeeze3A_11 = vector.extract %slice3A_10[0] : i32 from vector<1xi32>
    %and3A_12 = arith.constant -8 : i32
    %and3A_13 = arith.andi %squeeze3A_11, %and3A_12 : i32
    %multiple_of3A_14 = tpu.assume_multiple %and3A_9, 8 : i32
    %dma_start3A = arith.constant 0 : i32
    %dma_start3A_15 = arith.constant 0 : i32
    %dma_start3A_16 = tpu.memref_slice %arg9[%dma_start3A, %dma_start3A_15] : memref<256x16xf32, #tpu.memory_space<vmem>> -> memref<8x16xf32, #tpu.memory_space<vmem>>
    %dma_start3A_17 = arith.constant 0 : i32
    %dma_start3A_18 = tpu.memref_slice %arg3[%multiple_of3A_14, %dma_start3A_17] : memref<1000000x16xf32, #tpu.memory_space<hbm>> -> memref<8x16xf32, #tpu.memory_space<hbm>>
    %dma_start3A_19 = arith.constant 0 : i32
    %dma_start3A_20 = arith.constant 0 : i32
    %dma_start3A_21 = tpu.memref_slice %arg9[%dma_start3A_19, %dma_start3A_20] : memref<256x16xf32, #tpu.memory_space<vmem>> -> memref<8x16xf32, #tpu.memory_space<vmem>>
    %dma_start3A_22 = arith.constant 0 : i32
    %dma_start3A_23 = tpu.memref_slice %arg3[%multiple_of3A_14, %dma_start3A_22] : memref<1000000x16xf32, #tpu.memory_space<hbm>> -> memref<8x16xf32, #tpu.memory_space<hbm>>
    tpu.enqueue_dma source(%dma_start3A_23 : memref<8x16xf32, #tpu.memory_space<hbm>>) target(%dma_start3A_21 : memref<8x16xf32, #tpu.memory_space<vmem>>) target_semaphore(%arg12 : memref<!tpu.dma_semaphore, #tpu.memory_space<semaphore_mem>>)
    %multiple_of3A_24 = tpu.assume_multiple %and3A_13, 8 : i32
    %dma_start3A_25 = arith.constant 0 : i32
    %dma_start3A_26 = arith.constant 0 : i32
    %dma_start3A_27 = tpu.memref_slice %arg10[%dma_start3A_25, %dma_start3A_26] : memref<256x16xf32, #tpu.memory_space<vmem>> -> memref<8x16xf32, #tpu.memory_space<vmem>>
    %dma_start3A_28 = arith.constant 0 : i32
    %dma_start3A_29 = tpu.memref_slice %arg2[%multiple_of3A_24, %dma_start3A_28] : memref<1000000x16xf32, #tpu.memory_space<hbm>> -> memref<8x16xf32, #tpu.memory_space<hbm>>
    %dma_start3A_30 = arith.constant 0 : i32
    %dma_start3A_31 = arith.constant 0 : i32
    %dma_start3A_32 = tpu.memref_slice %arg10[%dma_start3A_30, %dma_start3A_31] : memref<256x16xf32, #tpu.memory_space<vmem>> -> memref<8x16xf32, #tpu.memory_space<vmem>>
    %dma_start3A_33 = arith.constant 0 : i32
    %dma_start3A_34 = tpu.memref_slice %arg2[%multiple_of3A_24, %dma_start3A_33] : memref<1000000x16xf32, #tpu.memory_space<hbm>> -> memref<8x16xf32, #tpu.memory_space<hbm>>
    tpu.enqueue_dma source(%dma_start3A_34 : memref<8x16xf32, #tpu.memory_space<hbm>>) target(%dma_start3A_32 : memref<8x16xf32, #tpu.memory_space<vmem>>) target_semaphore(%arg14 : memref<!tpu.dma_semaphore, #tpu.memory_space<semaphore_mem>>)
    %slice3A_35 = vector.extract_strided_slice %get3A_4 {offsets = [1], sizes = [1], strides = [1]} : vector<16xi32> to vector<1xi32>
    %squeeze3A_36 = vector.extract %slice3A_35[0] : i32 from vector<1xi32>
    %and3A_37 = arith.constant -8 : i32
    %and3A_38 = arith.andi %squeeze3A_36, %and3A_37 : i32
    %slice3A_39 = vector.extract_strided_slice %get3A_8 {offsets = [1], sizes = [1], strides = [1]} : vector<16xi32> to vector<1xi32>
    %squeeze3A_40 = vector.extract %slice3A_39[0] : i32 from vector<1xi32>
    %and3A_41 = arith.constant -8 : i32
    %and3A_42 = arith.andi %squeeze3A_40, %and3A_41 : i32
    %multiple_of3A_43 = tpu.assume_multiple %and3A_38, 8 : i32
    %dma_start3A_44 = arith.constant 8 : i32
    %dma_start3A_45 = arith.constant 0 : i32
    %dma_start3A_46 = tpu.memref_slice %arg9[%dma_start3A_44, %dma_start3A_45] : memref<256x16xf32, #tpu.memory_space<vmem>> -> memref<8x16xf32, #tpu.memory_space<vmem>>
    %dma_start3A_47 = arith.constant 0 : i32
    %dma_start3A_48 = tpu.memref_slice %arg3[%multiple_of3A_43, %dma_start3A_47] : memref<1000000x16xf32, #tpu.memory_space<hbm>> -> memref<8x16xf32, #tpu.memory_space<hbm>>
    %dma_start3A_49 = arith.constant 8 : i32
    %dma_start3A_50 = arith.constant 0 : i32
    %dma_start3A_51 = tpu.memref_slice %arg9[%dma_start3A_49, %dma_start3A_50] : memref<256x16xf32, #tpu.memory_space<vmem>> -> memref<8x16xf32, #tpu.memory_space<vmem>>
    %dma_start3A_52 = arith.constant 0 : i32
    %dma_start3A_53 = tpu.memref_slice %arg3[%multiple_of3A_43, %dma_start3A_52] : memref<1000000x16xf32, #tpu.memory_space<hbm>> -> memref<8x16xf32, #tpu.memory_space<hbm>>
    tpu.enqueue_dma source(%dma_start3A_53 : memref<8x16xf32, #tpu.memory_space<hbm>>) target(%dma_start3A_51 : memref<8x16xf32, #tpu.memory_space<vmem>>) target_semaphore(%arg12 : memref<!tpu.dma_semaphore, #tpu.memory_space<semaphore_mem>>)
    %multiple_of3A_54 = tpu.assume_multiple %and3A_42, 8 : i32
    %dma_start3A_55 = arith.constant 8 : i32
    %dma_start3A_56 = arith.constant 0 : i32
    %dma_start3A_57 = tpu.memref_slice %arg10[%dma_start3A_55, %dma_start3A_56] : memref<256x16xf32, #tpu.memory_space<vmem>> -> memref<8x16xf32, #tpu.memory_space<vmem>>
    %dma_start3A_58 = arith.constant 0 : i32
    %dma_start3A_59 = tpu.memref_slice %arg2[%multiple_of3A_54, %dma_start3A_58] : memref<1000000x16xf32, #tpu.memory_space<hbm>> -> memref<8x16xf32, #tpu.memory_space<hbm>>
    %dma_start3A_60 = arith.constant 8 : i32
    %dma_start3A_61 = arith.constant 0 : i32
    %dma_start3A_62 = tpu.memref_slice %arg10[%dma_start3A_60, %dma_start3A_61] : memref<256x16xf32, #tpu.memory_space<vmem>> -> memref<8x16xf32, #tpu.memory_space<vmem>>
    %dma_start3A_63 = arith.constant 0 : i32
    %dma_start3A_64 = tpu.memref_slice %arg2[%multiple_of3A_54, %dma_start3A_63] : memref<1000000x16xf32, #tpu.memory_space<hbm>> -> memref<8x16xf32, #tpu.memory_space<hbm>>
    tpu.enqueue_dma source(%dma_start3A_64 : memref<8x16xf32, #tpu.memory_space<hbm>>) target(%dma_start3A_62 : memref<8x16xf32, #tpu.memory_space<vmem>>) target_semaphore(%arg14 : memref<!tpu.dma_semaphore, #tpu.memory_space<semaphore_mem>>)
    %slice3A_65 = vector.extract_strided_slice %get3A_4 {offsets = [2], sizes = [1], strides = [1]} : vector<16xi32> to vector<1xi32>
    %squeeze3A_66 = vector.extract %slice3A_65[0] : i32 from vector<1xi32>
    %and3A_67 = arith.constant -8 : i32
    %and3A_68 = arith.andi %squeeze3A_66, %and3A_67 : i32
    %slice3A_69 = vector.extract_strided_slice %get3A_8 {offsets = [2], sizes = [1], strides = [1]} : vector<16xi32> to vector<1xi32>
    %squeeze3A_70 = vector.extract %slice3A_69[0] : i32 from vector<1xi32>
    %and3A_71 = arith.constant -8 : i32
    %and3A_72 = arith.andi %squeeze3A_70, %and3A_71 : i32
    %multiple_of3A_73 = tpu.assume_multiple %and3A_68, 8 : i32
    %dma_start3A_74 = arith.constant 16 : i32
    %dma_start3A_75 = arith.constant 0 : i32
    %dma_start3A_76 = tpu.memref_slice %arg9[%dma_start3A_74, %dma_start3A_75] : memref<256x16xf32, #tpu.memory_space<vmem>> -> memref<8x16xf32, #tpu.memory_space<vmem>>
    %dma_start3A_77 = arith.constant 0 : i32
    %dma_start3A_78 = tpu.memref_slice %arg3[%multiple_of3A_73, %dma_start3A_77] : memref<1000000x16xf32, #tpu.memory_space<hbm>> -> memref<8x16xf32, #tpu.memory_space<hbm>>
    %dma_start3A_79 = arith.constant 16 : i32
    %dma_start3A_80 = arith.constant 0 : i32
    %dma_start3A_81 = tpu.memref_slice %arg9[%dma_start3A_79, %dma_start3A_80] : memref<256x16xf32, #tpu.memory_space<vmem>> -> memref<8x16xf32, #tpu.memory_space<vmem>>
    %dma_start3A_82 = arith.constant 0 : i32
    %dma_start3A_83 = tpu.memref_slice %arg3[%multiple_of3A_73, %dma_start3A_82] : memref<1000000x16xf32, #tpu.memory_space<hbm>> -> memref<8x16xf32, #tpu.memory_space<hbm>>
    tpu.enqueue_dma source(%dma_start3A_83 : memref<8x16xf32, #tpu.memory_space<hbm>>) target(%dma_start3A_81 : memref<8x16xf32, #tpu.memory_space<vmem>>) target_semaphore(%arg12 : memref<!tpu.dma_semaphore, #tpu.memory_space<semaphore_mem>>)
    %multiple_of3A_84 = tpu.assume_multiple %and3A_72, 8 : i32
    %dma_start3A_85 = arith.constant 16 : i32
    %dma_start3A_86 = arith.constant 0 : i32
    %dma_start3A_87 = tpu.memref_slice %arg10[%dma_start3A_85, %dma_start3A_86] : memref<256x16xf32, #tpu.memory_space<vmem>> -> memref<8x16xf32, #tpu.memory_space<vmem>>
    %dma_start3A_88 = arith.constant 0 : i32
    %dma_start3A_89 = tpu.memref_slice %arg2[%multiple_of3A_84, %dma_start3A_88] : memref<1000000x16xf32, #tpu.memory_space<hbm>> -> memref<8x16xf32, #tpu.memory_space<hbm>>
    %dma_start3A_90 = arith.constant 16 : i32
    %dma_start3A_91 = arith.constant 0 : i32
    %dma_start3A_92 = tpu.memref_slice %arg10[%dma_start3A_90, %dma_start3A_91] : memref<256x16xf32, #tpu.memory_space<vmem>> -> memref<8x16xf32, #tpu.memory_space<vmem>>
    %dma_start3A_93 = arith.constant 0 : i32
    %dma_start3A_94 = tpu.memref_slice %arg2[%multiple_of3A_84, %dma_start3A_93] : memref<1000000x16xf32, #tpu.memory_space<hbm>> -> memref<8x16xf32, #tpu.memory_space<hbm>>
    tpu.enqueue_dma source(%dma_start3A_94 : memref<8x16xf32, #tpu.memory_space<hbm>>) target(%dma_start3A_92 : memref<8x16xf32, #tpu.memory_space<vmem>>) target_semaphore(%arg14 : memref<!tpu.dma_semaphore, #tpu.memory_space<semaphore_mem>>)
    %slice3A_95 = vector.extract_strided_slice %get3A_4 {offsets = [3], sizes = [1], strides = [1]} : vector<16xi32> to vector<1xi32>
    %squeeze3A_96 = vector.extract %slice3A_95[0] : i32 from vector<1xi32>
    %and3A_97 = arith.constant -8 : i32
    %and3A_98 = arith.andi %squeeze3A_96, %and3A_97 : i32
    %slice3A_99 = vector.extract_strided_slice %get3A_8 {offsets = [3], sizes = [1], strides = [1]} : vector<16xi32> to vector<1xi32>
    %squeeze3A_100 = vector.extract %slice3A_99[0] : i32 from vector<1xi32>
    %and3A_101 = arith.constant -8 : i32
    %and3A_102 = arith.andi %squeeze3A_100, %and3A_101 : i32
    %multiple_of3A_103 = tpu.assume_multiple %and3A_98, 8 : i32
    %dma_start3A_104 = arith.constant 24 : i32
    %dma_start3A_105 = arith.constant 0 : i32
    %dma_start3A_106 = tpu.memref_slice %arg9[%dma_start3A_104, %dma_start3A_105] : memref<256x16xf32, #tpu.memory_space<vmem>> -> memref<8x16xf32, #tpu.memory_space<vmem>>
    %dma_start3A_107 = arith.constant 0 : i32
    %dma_start3A_108 = tpu.memref_slice %arg3[%multiple_of3A_103, %dma_start3A_107] : memref<1000000x16xf32, #tpu.memory_space<hbm>> -> memref<8x16xf32, #tpu.memory_space<hbm>>
    %dma_start3A_109 = arith.constant 24 : i32
    %dma_start3A_110 = arith.constant 0 : i32
    %dma_start3A_111 = tpu.memref_slice %arg9[%dma_start3A_109, %dma_start3A_110] : memref<256x16xf32, #tpu.memory_space<vmem>> -> memref<8x16xf32, #tpu.memory_space<vmem>>
    %dma_start3A_112 = arith.constant 0 : i32
    %dma_start3A_113 = tpu.memref_slice %arg3[%multiple_of3A_103, %dma_start3A_112] : memref<1000000x16xf32, #tpu.memory_space<hbm>> -> memref<8x16xf32, #tpu.memory_space<hbm>>
    tpu.enqueue_dma source(%dma_start3A_113 : memref<8x16xf32, #tpu.memory_space<hbm>>) target(%dma_start3A_111 : memref<8x16xf32, #tpu.memory_space<vmem>>) target_semaphore(%arg12 : memref<!tpu.dma_semaphore, #tpu.memory_space<semaphore_mem>>)
    %multiple_of3A_114 = tpu.assume_multiple %and3A_102, 8 : i32
    %dma_start3A_115 = arith.constant 24 : i32
    %dma_start3A_116 = arith.constant 0 : i32
    %dma_start3A_117 = tpu.memref_slice %arg10[%dma_start3A_115, %dma_start3A_116] : memref<256x16xf32, #tpu.memory_space<vmem>> -> memref<8x16xf32, #tpu.memory_space<vmem>>
    %dma_start3A_118 = arith.constant 0 : i32
    %dma_start3A_119 = tpu.memref_slice %arg2[%multiple_of3A_114, %dma_start3A_118] : memref<1000000x16xf32, #tpu.memory_space<hbm>> -> memref<8x16xf32, #tpu.memory_space<hbm>>
    %dma_start3A_120 = arith.constant 24 : i32
    %dma_start3A_121 = arith.constant 0 : i32
    %dma_start3A_122 = tpu.memref_slice %arg10[%dma_start3A_120, %dma_start3A_121] : memref<256x16xf32, #tpu.memory_space<vmem>> -> memref<8x16xf32, #tpu.memory_space<vmem>>
    %dma_start3A_123 = arith.constant 0 : i32
    %dma_start3A_124 = tpu.memref_slice %arg2[%multiple_of3A_114, %dma_start3A_123] : memref<1000000x16xf32, #tpu.memory_space<hbm>> -> memref<8x16xf32, #tpu.memory_space<hbm>>
    tpu.enqueue_dma source(%dma_start3A_124 : memref<8x16xf32, #tpu.memory_space<hbm>>) target(%dma_start3A_122 : memref<8x16xf32, #tpu.memory_space<vmem>>) target_semaphore(%arg14 : memref<!tpu.dma_semaphore, #tpu.memory_space<semaphore_mem>>)
    %slice3A_125 = vector.extract_strided_slice %get3A_4 {offsets = [4], sizes = [1], strides = [1]} : vector<16xi32> to vector<1xi32>
    %squeeze3A_126 = vector.extract %slice3A_125[0] : i32 from vector<1xi32>
    %and3A_127 = arith.constant -8 : i32
    %and3A_128 = arith.andi %squeeze3A_126, %and3A_127 : i32
    %slice3A_129 = vector.extract_strided_slice %get3A_8 {offsets = [4], sizes = [1], strides = [1]} : vector<16xi32> to vector<1xi32>
    %squeeze3A_130 = vector.extract %slice3A_129[0] : i32 from vector<1xi32>
    %and3A_131 = arith.constant -8 : i32
    %and3A_132 = arith.andi %squeeze3A_130, %and3A_131 : i32
    %multiple_of3A_133 = tpu.assume_multiple %and3A_128, 8 : i32
    %dma_start3A_134 = arith.constant 32 : i32
    %dma_start3A_135 = arith.constant 0 : i32
    %dma_start3A_136 = tpu.memref_slice %arg9[%dma_start3A_134, %dma_start3A_135] : memref<256x16xf32, #tpu.memory_space<vmem>> -> memref<8x16xf32, #tpu.memory_space<vmem>>
    %dma_start3A_137 = arith.constant 0 : i32
    %dma_start3A_138 = tpu.memref_slice %arg3[%multiple_of3A_133, %dma_start3A_137] : memref<1000000x16xf32, #tpu.memory_space<hbm>> -> memref<8x16xf32, #tpu.memory_space<hbm>>
    %dma_start3A_139 = arith.constant 32 : i32
    %dma_start3A_140 = arith.constant 0 : i32
    %dma_start3A_141 = tpu.memref_slice %arg9[%dma_start3A_139, %dma_start3A_140] : memref<256x16xf32, #tpu.memory_space<vmem>> -> memref<8x16xf32, #tpu.memory_space<vmem>>
    %dma_start3A_142 = arith.constant 0 : i32
    %dma_start3A_143 = tpu.memref_slice %arg3[%multiple_of3A_133, %dma_start3A_142] : memref<1000000x16xf32, #tpu.memory_space<hbm>> -> memref<8x16xf32, #tpu.memory_space<hbm>>
    tpu.enqueue_dma source(%dma_start3A_143 : memref<8x16xf32, #tpu.memory_space<hbm>>) target(%dma_start3A_141 : memref<8x16xf32, #tpu.memory_space<vmem>>) target_semaphore(%arg12 : memref<!tpu.dma_semaphore, #tpu.memory_space<semaphore_mem>>)
    %multiple_of3A_144 = tpu.assume_multiple %and3A_132, 8 : i32
    %dma_start3A_145 = arith.constant 32 : i32
    %dma_start3A_146 = arith.constant 0 : i32
    %dma_start3A_147 = tpu.memref_slice %arg10[%dma_start3A_145, %dma_start3A_146] : memref<256x16xf32, #tpu.memory_space<vmem>> -> memref<8x16xf32, #tpu.memory_space<vmem>>
    %dma_start3A_148 = arith.constant 0 : i32
    %dma_start3A_149 = tpu.memref_slice %arg2[%multiple_of3A_144, %dma_start3A_148] : memref<1000000x16xf32, #tpu.memory_space<hbm>> -> memref<8x16xf32, #tpu.memory_space<hbm>>
    %dma_start3A_150 = arith.constant 32 : i32
    %dma_start3A_151 = arith.constant 0 : i32
    %dma_start3A_152 = tpu.memref_slice %arg10[%dma_start3A_150, %dma_start3A_151] : memref<256x16xf32, #tpu.memory_space<vmem>> -> memref<8x16xf32, #tpu.memory_space<vmem>>
    %dma_start3A_153 = arith.constant 0 : i32
    %dma_start3A_154 = tpu.memref_slice %arg2[%multiple_of3A_144, %dma_start3A_153] : memref<1000000x16xf32, #tpu.memory_space<hbm>> -> memref<8x16xf32, #tpu.memory_space<hbm>>
    tpu.enqueue_dma source(%dma_start3A_154 : memref<8x16xf32, #tpu.memory_space<hbm>>) target(%dma_start3A_152 : memref<8x16xf32, #tpu.memory_space<vmem>>) target_semaphore(%arg14 : memref<!tpu.dma_semaphore, #tpu.memory_space<semaphore_mem>>)
    %slice3A_155 = vector.extract_strided_slice %get3A_4 {offsets = [5], sizes = [1], strides = [1]} : vector<16xi32> to vector<1xi32>
    %squeeze3A_156 = vector.extract %slice3A_155[0] : i32 from vector<1xi32>
    %and3A_157 = arith.constant -8 : i32
    %and3A_158 = arith.andi %squeeze3A_156, %and3A_157 : i32
    %slice3A_159 = vector.extract_strided_slice %get3A_8 {offsets = [5], sizes = [1], strides = [1]} : vector<16xi32> to vector<1xi32>
    %squeeze3A_160 = vector.extract %slice3A_159[0] : i32 from vector<1xi32>
    %and3A_161 = arith.constant -8 : i32
    %and3A_162 = arith.andi %squeeze3A_160, %and3A_161 : i32
    %multiple_of3A_163 = tpu.assume_multiple %and3A_158, 8 : i32
    %dma_start3A_164 = arith.constant 40 : i32
    %dma_start3A_165 = arith.constant 0 : i32
    %dma_start3A_166 = tpu.memref_slice %arg9[%dma_start3A_164, %dma_start3A_165] : memref<256x16xf32, #tpu.memory_space<vmem>> -> memref<8x16xf32, #tpu.memory_space<vmem>>
    %dma_start3A_167 = arith.constant 0 : i32
    %dma_start3A_168 = tpu.memref_slice %arg3[%multiple_of3A_163, %dma_start3A_167] : memref<1000000x16xf32, #tpu.memory_space<hbm>> -> memref<8x16xf32, #tpu.memory_space<hbm>>
    %dma_start3A_169 = arith.constant 40 : i32
    %dma_start3A_170 = arith.constant 0 : i32
    %dma_start3A_171 = tpu.memref_slice %arg9[%dma_start3A_169, %dma_start3A_170] : memref<256x16xf32, #tpu.memory_space<vmem>> -> memref<8x16xf32, #tpu.memory_space<vmem>>
    %dma_start3A_172 = arith.constant 0 : i32
    %dma_start3A_173 = tpu.memref_slice %arg3[%multiple_of3A_163, %dma_start3A_172] : memref<1000000x16xf32, #tpu.memory_space<hbm>> -> memref<8x16xf32, #tpu.memory_space<hbm>>
    tpu.enqueue_dma source(%dma_start3A_173 : memref<8x16xf32, #tpu.memory_space<hbm>>) target(%dma_start3A_171 : memref<8x16xf32, #tpu.memory_space<vmem>>) target_semaphore(%arg12 : memref<!tpu.dma_semaphore, #tpu.memory_space<semaphore_mem>>)
    %multiple_of3A_174 = tpu.assume_multiple %and3A_162, 8 : i32
    %dma_start3A_175 = arith.constant 40 : i32
    %dma_start3A_176 = arith.constant 0 : i32
    %dma_start3A_177 = tpu.memref_slice %arg10[%dma_start3A_175, %dma_start3A_176] : memref<256x16xf32, #tpu.memory_space<vmem>> -> memref<8x16xf32, #tpu.memory_space<vmem>>
    %dma_start3A_178 = arith.constant 0 : i32
    %dma_start3A_179 = tpu.memref_slice %arg2[%multiple_of3A_174, %dma_start3A_178] : memref<1000000x16xf32, #tpu.memory_space<hbm>> -> memref<8x16xf32, #tpu.memory_space<hbm>>
    %dma_start3A_180 = arith.constant 40 : i32
    %dma_start3A_181 = arith.constant 0 : i32
    %dma_start3A_182 = tpu.memref_slice %arg10[%dma_start3A_180, %dma_start3A_181] : memref<256x16xf32, #tpu.memory_space<vmem>> -> memref<8x16xf32, #tpu.memory_space<vmem>>
    %dma_start3A_183 = arith.constant 0 : i32
    %dma_start3A_184 = tpu.memref_slice %arg2[%multiple_of3A_174, %dma_start3A_183] : memref<1000000x16xf32, #tpu.memory_space<hbm>> -> memref<8x16xf32, #tpu.memory_space<hbm>>
    tpu.enqueue_dma source(%dma_start3A_184 : memref<8x16xf32, #tpu.memory_space<hbm>>) target(%dma_start3A_182 : memref<8x16xf32, #tpu.memory_space<vmem>>) target_semaphore(%arg14 : memref<!tpu.dma_semaphore, #tpu.memory_space<semaphore_mem>>)
    %slice3A_185 = vector.extract_strided_slice %get3A_4 {offsets = [6], sizes = [1], strides = [1]} : vector<16xi32> to vector<1xi32>
    %squeeze3A_186 = vector.extract %slice3A_185[0] : i32 from vector<1xi32>
    %and3A_187 = arith.constant -8 : i32
    %and3A_188 = arith.andi %squeeze3A_186, %and3A_187 : i32
    %slice3A_189 = vector.extract_strided_slice %get3A_8 {offsets = [6], sizes = [1], strides = [1]} : vector<16xi32> to vector<1xi32>
    %squeeze3A_190 = vector.extract %slice3A_189[0] : i32 from vector<1xi32>
    %and3A_191 = arith.constant -8 : i32
    %and3A_192 = arith.andi %squeeze3A_190, %and3A_191 : i32
    %multiple_of3A_193 = tpu.assume_multiple %and3A_188, 8 : i32
    %dma_start3A_194 = arith.constant 48 : i32
    %dma_start3A_195 = arith.constant 0 : i32
    %dma_start3A_196 = tpu.memref_slice %arg9[%dma_start3A_194, %dma_start3A_195] : memref<256x16xf32, #tpu.memory_space<vmem>> -> memref<8x16xf32, #tpu.memory_space<vmem>>
    %dma_start3A_197 = arith.constant 0 : i32
    %dma_start3A_198 = tpu.memref_slice %arg3[%multiple_of3A_193, %dma_start3A_197] : memref<1000000x16xf32, #tpu.memory_space<hbm>> -> memref<8x16xf32, #tpu.memory_space<hbm>>
    %dma_start3A_199 = arith.constant 48 : i32
    %dma_start3A_200 = arith.constant 0 : i32
    %dma_start3A_201 = tpu.memref_slice %arg9[%dma_start3A_199, %dma_start3A_200] : memref<256x16xf32, #tpu.memory_space<vmem>> -> memref<8x16xf32, #tpu.memory_space<vmem>>
    %dma_start3A_202 = arith.constant 0 : i32
    %dma_start3A_203 = tpu.memref_slice %arg3[%multiple_of3A_193, %dma_start3A_202] : memref<1000000x16xf32, #tpu.memory_space<hbm>> -> memref<8x16xf32, #tpu.memory_space<hbm>>
    tpu.enqueue_dma source(%dma_start3A_203 : memref<8x16xf32, #tpu.memory_space<hbm>>) target(%dma_start3A_201 : memref<8x16xf32, #tpu.memory_space<vmem>>) target_semaphore(%arg12 : memref<!tpu.dma_semaphore, #tpu.memory_space<semaphore_mem>>)
    %multiple_of3A_204 = tpu.assume_multiple %and3A_192, 8 : i32
    %dma_start3A_205 = arith.constant 48 : i32
    %dma_start3A_206 = arith.constant 0 : i32
    %dma_start3A_207 = tpu.memref_slice %arg10[%dma_start3A_205, %dma_start3A_206] : memref<256x16xf32, #tpu.memory_space<vmem>> -> memref<8x16xf32, #tpu.memory_space<vmem>>
    %dma_start3A_208 = arith.constant 0 : i32
    %dma_start3A_209 = tpu.memref_slice %arg2[%multiple_of3A_204, %dma_start3A_208] : memref<1000000x16xf32, #tpu.memory_space<hbm>> -> memref<8x16xf32, #tpu.memory_space<hbm>>
    %dma_start3A_210 = arith.constant 48 : i32
    %dma_start3A_211 = arith.constant 0 : i32
    %dma_start3A_212 = tpu.memref_slice %arg10[%dma_start3A_210, %dma_start3A_211] : memref<256x16xf32, #tpu.memory_space<vmem>> -> memref<8x16xf32, #tpu.memory_space<vmem>>
    %dma_start3A_213 = arith.constant 0 : i32
    %dma_start3A_214 = tpu.memref_slice %arg2[%multiple_of3A_204, %dma_start3A_213] : memref<1000000x16xf32, #tpu.memory_space<hbm>> -> memref<8x16xf32, #tpu.memory_space<hbm>>
    tpu.enqueue_dma source(%dma_start3A_214 : memref<8x16xf32, #tpu.memory_space<hbm>>) target(%dma_start3A_212 : memref<8x16xf32, #tpu.memory_space<vmem>>) target_semaphore(%arg14 : memref<!tpu.dma_semaphore, #tpu.memory_space<semaphore_mem>>)
    %slice3A_215 = vector.extract_strided_slice %get3A_4 {offsets = [7], sizes = [1], strides = [1]} : vector<16xi32> to vector<1xi32>
    %squeeze3A_216 = vector.extract %slice3A_215[0] : i32 from vector<1xi32>
    %and3A_217 = arith.constant -8 : i32
    %and3A_218 = arith.andi %squeeze3A_216, %and3A_217 : i32
    %slice3A_219 = vector.extract_strided_slice %get3A_8 {offsets = [7], sizes = [1], strides = [1]} : vector<16xi32> to vector<1xi32>
    %squeeze3A_220 = vector.extract %slice3A_219[0] : i32 from vector<1xi32>
    %and3A_221 = arith.constant -8 : i32
    %and3A_222 = arith.andi %squeeze3A_220, %and3A_221 : i32
    %multiple_of3A_223 = tpu.assume_multiple %and3A_218, 8 : i32
    %dma_start3A_224 = arith.constant 56 : i32
    %dma_start3A_225 = arith.constant 0 : i32
    %dma_start3A_226 = tpu.memref_slice %arg9[%dma_start3A_224, %dma_start3A_225] : memref<256x16xf32, #tpu.memory_space<vmem>> -> memref<8x16xf32, #tpu.memory_space<vmem>>
    %dma_start3A_227 = arith.constant 0 : i32
    %dma_start3A_228 = tpu.memref_slice %arg3[%multiple_of3A_223, %dma_start3A_227] : memref<1000000x16xf32, #tpu.memory_space<hbm>> -> memref<8x16xf32, #tpu.memory_space<hbm>>
    %dma_start3A_229 = arith.constant 56 : i32
    %dma_start3A_230 = arith.constant 0 : i32
    %dma_start3A_231 = tpu.memref_slice %arg9[%dma_start3A_229, %dma_start3A_230] : memref<256x16xf32, #tpu.memory_space<vmem>> -> memref<8x16xf32, #tpu.memory_space<vmem>>
    %dma_start3A_232 = arith.constant 0 : i32
    %dma_start3A_233 = tpu.memref_slice %arg3[%multiple_of3A_223, %dma_start3A_232] : memref<1000000x16xf32, #tpu.memory_space<hbm>> -> memref<8x16xf32, #tpu.memory_space<hbm>>
    tpu.enqueue_dma source(%dma_start3A_233 : memref<8x16xf32, #tpu.memory_space<hbm>>) target(%dma_start3A_231 : memref<8x16xf32, #tpu.memory_space<vmem>>) target_semaphore(%arg12 : memref<!tpu.dma_semaphore, #tpu.memory_space<semaphore_mem>>)
    %multiple_of3A_234 = tpu.assume_multiple %and3A_222, 8 : i32
    %dma_start3A_235 = arith.constant 56 : i32
    %dma_start3A_236 = arith.constant 0 : i32
    %dma_start3A_237 = tpu.memref_slice %arg10[%dma_start3A_235, %dma_start3A_236] : memref<256x16xf32, #tpu.memory_space<vmem>> -> memref<8x16xf32, #tpu.memory_space<vmem>>
    %dma_start3A_238 = arith.constant 0 : i32
    %dma_start3A_239 = tpu.memref_slice %arg2[%multiple_of3A_234, %dma_start3A_238] : memref<1000000x16xf32, #tpu.memory_space<hbm>> -> memref<8x16xf32, #tpu.memory_space<hbm>>
    %dma_start3A_240 = arith.constant 56 : i32
    %dma_start3A_241 = arith.constant 0 : i32
    %dma_start3A_242 = tpu.memref_slice %arg10[%dma_start3A_240, %dma_start3A_241] : memref<256x16xf32, #tpu.memory_space<vmem>> -> memref<8x16xf32, #tpu.memory_space<vmem>>
    %dma_start3A_243 = arith.constant 0 : i32
    %dma_start3A_244 = tpu.memref_slice %arg2[%multiple_of3A_234, %dma_start3A_243] : memref<1000000x16xf32, #tpu.memory_space<hbm>> -> memref<8x16xf32, #tpu.memory_space<hbm>>
    tpu.enqueue_dma source(%dma_start3A_244 : memref<8x16xf32, #tpu.memory_space<hbm>>) target(%dma_start3A_242 : memref<8x16xf32, #tpu.memory_space<vmem>>) target_semaphore(%arg14 : memref<!tpu.dma_semaphore, #tpu.memory_space<semaphore_mem>>)
    %slice3A_245 = vector.extract_strided_slice %get3A_4 {offsets = [8], sizes = [1], strides = [1]} : vector<16xi32> to vector<1xi32>
    %squeeze3A_246 = vector.extract %slice3A_245[0] : i32 from vector<1xi32>
    %and3A_247 = arith.constant -8 : i32
    %and3A_248 = arith.andi %squeeze3A_246, %and3A_247 : i32
    %slice3A_249 = vector.extract_strided_slice %get3A_8 {offsets = [8], sizes = [1], strides = [1]} : vector<16xi32> to vector<1xi32>
    %squeeze3A_250 = vector.extract %slice3A_249[0] : i32 from vector<1xi32>
    %and3A_251 = arith.constant -8 : i32
    %and3A_252 = arith.andi %squeeze3A_250, %and3A_251 : i32
    %multiple_of3A_253 = tpu.assume_multiple %and3A_248, 8 : i32
    %dma_start3A_254 = arith.constant 64 : i32
    %dma_start3A_255 = arith.constant 0 : i32
    %dma_start3A_256 = tpu.memref_slice %arg9[%dma_start3A_254, %dma_start3A_255] : memref<256x16xf32, #tpu.memory_space<vmem>> -> memref<8x16xf32, #tpu.memory_space<vmem>>
    %dma_start3A_257 = arith.constant 0 : i32
    %dma_start3A_258 = tpu.memref_slice %arg3[%multiple_of3A_253, %dma_start3A_257] : memref<1000000x16xf32, #tpu.memory_space<hbm>> -> memref<8x16xf32, #tpu.memory_space<hbm>>
    %dma_start3A_259 = arith.constant 64 : i32
    %dma_start3A_260 = arith.constant 0 : i32
    %dma_start3A_261 = tpu.memref_slice %arg9[%dma_start3A_259, %dma_start3A_260] : memref<256x16xf32, #tpu.memory_space<vmem>> -> memref<8x16xf32, #tpu.memory_space<vmem>>
    %dma_start3A_262 = arith.constant 0 : i32
    %dma_start3A_263 = tpu.memref_slice %arg3[%multiple_of3A_253, %dma_start3A_262] : memref<1000000x16xf32, #tpu.memory_space<hbm>> -> memref<8x16xf32, #tpu.memory_space<hbm>>
    tpu.enqueue_dma source(%dma_start3A_263 : memref<8x16xf32, #tpu.memory_space<hbm>>) target(%dma_start3A_261 : memref<8x16xf32, #tpu.memory_space<vmem>>) target_semaphore(%arg12 : memref<!tpu.dma_semaphore, #tpu.memory_space<semaphore_mem>>)
    %multiple_of3A_264 = tpu.assume_multiple %and3A_252, 8 : i32
    %dma_start3A_265 = arith.constant 64 : i32
    %dma_start3A_266 = arith.constant 0 : i32
    %dma_start3A_267 = tpu.memref_slice %arg10[%dma_start3A_265, %dma_start3A_266] : memref<256x16xf32, #tpu.memory_space<vmem>> -> memref<8x16xf32, #tpu.memory_space<vmem>>
    %dma_start3A_268 = arith.constant 0 : i32
    %dma_start3A_269 = tpu.memref_slice %arg2[%multiple_of3A_264, %dma_start3A_268] : memref<1000000x16xf32, #tpu.memory_space<hbm>> -> memref<8x16xf32, #tpu.memory_space<hbm>>
    %dma_start3A_270 = arith.constant 64 : i32
    %dma_start3A_271 = arith.constant 0 : i32
    %dma_start3A_272 = tpu.memref_slice %arg10[%dma_start3A_270, %dma_start3A_271] : memref<256x16xf32, #tpu.memory_space<vmem>> -> memref<8x16xf32, #tpu.memory_space<vmem>>
    %dma_start3A_273 = arith.constant 0 : i32
    %dma_start3A_274 = tpu.memref_slice %arg2[%multiple_of3A_264, %dma_start3A_273] : memref<1000000x16xf32, #tpu.memory_space<hbm>> -> memref<8x16xf32, #tpu.memory_space<hbm>>
    tpu.enqueue_dma source(%dma_start3A_274 : memref<8x16xf32, #tpu.memory_space<hbm>>) target(%dma_start3A_272 : memref<8x16xf32, #tpu.memory_space<vmem>>) target_semaphore(%arg14 : memref<!tpu.dma_semaphore, #tpu.memory_space<semaphore_mem>>)
    %slice3A_275 = vector.extract_strided_slice %get3A_4 {offsets = [9], sizes = [1], strides = [1]} : vector<16xi32> to vector<1xi32>
    %squeeze3A_276 = vector.extract %slice3A_275[0] : i32 from vector<1xi32>
    %and3A_277 = arith.constant -8 : i32
    %and3A_278 = arith.andi %squeeze3A_276, %and3A_277 : i32
    %slice3A_279 = vector.extract_strided_slice %get3A_8 {offsets = [9], sizes = [1], strides = [1]} : vector<16xi32> to vector<1xi32>
    %squeeze3A_280 = vector.extract %slice3A_279[0] : i32 from vector<1xi32>
    %and3A_281 = arith.constant -8 : i32
    %and3A_282 = arith.andi %squeeze3A_280, %and3A_281 : i32
    %multiple_of3A_283 = tpu.assume_multiple %and3A_278, 8 : i32
    %dma_start3A_284 = arith.constant 72 : i32
    %dma_start3A_285 = arith.constant 0 : i32
    %dma_start3A_286 = tpu.memref_slice %arg9[%dma_start3A_284, %dma_start3A_285] : memref<256x16xf32, #tpu.memory_space<vmem>> -> memref<8x16xf32, #tpu.memory_space<vmem>>
    %dma_start3A_287 = arith.constant 0 : i32
    %dma_start3A_288 = tpu.memref_slice %arg3[%multiple_of3A_283, %dma_start3A_287] : memref<1000000x16xf32, #tpu.memory_space<hbm>> -> memref<8x16xf32, #tpu.memory_space<hbm>>
    %dma_start3A_289 = arith.constant 72 : i32
    %dma_start3A_290 = arith.constant 0 : i32
    %dma_start3A_291 = tpu.memref_slice %arg9[%dma_start3A_289, %dma_start3A_290] : memref<256x16xf32, #tpu.memory_space<vmem>> -> memref<8x16xf32, #tpu.memory_space<vmem>>
    %dma_start3A_292 = arith.constant 0 : i32
    %dma_start3A_293 = tpu.memref_slice %arg3[%multiple_of3A_283, %dma_start3A_292] : memref<1000000x16xf32, #tpu.memory_space<hbm>> -> memref<8x16xf32, #tpu.memory_space<hbm>>
    tpu.enqueue_dma source(%dma_start3A_293 : memref<8x16xf32, #tpu.memory_space<hbm>>) target(%dma_start3A_291 : memref<8x16xf32, #tpu.memory_space<vmem>>) target_semaphore(%arg12 : memref<!tpu.dma_semaphore, #tpu.memory_space<semaphore_mem>>)
    %multiple_of3A_294 = tpu.assume_multiple %and3A_282, 8 : i32
    %dma_start3A_295 = arith.constant 72 : i32
    %dma_start3A_296 = arith.constant 0 : i32
    %dma_start3A_297 = tpu.memref_slice %arg10[%dma_start3A_295, %dma_start3A_296] : memref<256x16xf32, #tpu.memory_space<vmem>> -> memref<8x16xf32, #tpu.memory_space<vmem>>
    %dma_start3A_298 = arith.constant 0 : i32
    %dma_start3A_299 = tpu.memref_slice %arg2[%multiple_of3A_294, %dma_start3A_298] : memref<1000000x16xf32, #tpu.memory_space<hbm>> -> memref<8x16xf32, #tpu.memory_space<hbm>>
    %dma_start3A_300 = arith.constant 72 : i32
    %dma_start3A_301 = arith.constant 0 : i32
    %dma_start3A_302 = tpu.memref_slice %arg10[%dma_start3A_300, %dma_start3A_301] : memref<256x16xf32, #tpu.memory_space<vmem>> -> memref<8x16xf32, #tpu.memory_space<vmem>>
    %dma_start3A_303 = arith.constant 0 : i32
    %dma_start3A_304 = tpu.memref_slice %arg2[%multiple_of3A_294, %dma_start3A_303] : memref<1000000x16xf32, #tpu.memory_space<hbm>> -> memref<8x16xf32, #tpu.memory_space<hbm>>
    tpu.enqueue_dma source(%dma_start3A_304 : memref<8x16xf32, #tpu.memory_space<hbm>>) target(%dma_start3A_302 : memref<8x16xf32, #tpu.memory_space<vmem>>) target_semaphore(%arg14 : memref<!tpu.dma_semaphore, #tpu.memory_space<semaphore_mem>>)
    %slice3A_305 = vector.extract_strided_slice %get3A_4 {offsets = [10], sizes = [1], strides = [1]} : vector<16xi32> to vector<1xi32>
    %squeeze3A_306 = vector.extract %slice3A_305[0] : i32 from vector<1xi32>
    %and3A_307 = arith.constant -8 : i32
    %and3A_308 = arith.andi %squeeze3A_306, %and3A_307 : i32
    %slice3A_309 = vector.extract_strided_slice %get3A_8 {offsets = [10], sizes = [1], strides = [1]} : vector<16xi32> to vector<1xi32>
    %squeeze3A_310 = vector.extract %slice3A_309[0] : i32 from vector<1xi32>
    %and3A_311 = arith.constant -8 : i32
    %and3A_312 = arith.andi %squeeze3A_310, %and3A_311 : i32
    %multiple_of3A_313 = tpu.assume_multiple %and3A_308, 8 : i32
    %dma_start3A_314 = arith.constant 80 : i32
    %dma_start3A_315 = arith.constant 0 : i32
    %dma_start3A_316 = tpu.memref_slice %arg9[%dma_start3A_314, %dma_start3A_315] : memref<256x16xf32, #tpu.memory_space<vmem>> -> memref<8x16xf32, #tpu.memory_space<vmem>>
    %dma_start3A_317 = arith.constant 0 : i32
    %dma_start3A_318 = tpu.memref_slice %arg3[%multiple_of3A_313, %dma_start3A_317] : memref<1000000x16xf32, #tpu.memory_space<hbm>> -> memref<8x16xf32, #tpu.memory_space<hbm>>
    %dma_start3A_319 = arith.constant 80 : i32
    %dma_start3A_320 = arith.constant 0 : i32
    %dma_start3A_321 = tpu.memref_slice %arg9[%dma_start3A_319, %dma_start3A_320] : memref<256x16xf32, #tpu.memory_space<vmem>> -> memref<8x16xf32, #tpu.memory_space<vmem>>
    %dma_start3A_322 = arith.constant 0 : i32
    %dma_start3A_323 = tpu.memref_slice %arg3[%multiple_of3A_313, %dma_start3A_322] : memref<1000000x16xf32, #tpu.memory_space<hbm>> -> memref<8x16xf32, #tpu.memory_space<hbm>>
    tpu.enqueue_dma source(%dma_start3A_323 : memref<8x16xf32, #tpu.memory_space<hbm>>) target(%dma_start3A_321 : memref<8x16xf32, #tpu.memory_space<vmem>>) target_semaphore(%arg12 : memref<!tpu.dma_semaphore, #tpu.memory_space<semaphore_mem>>)
    %multiple_of3A_324 = tpu.assume_multiple %and3A_312, 8 : i32
    %dma_start3A_325 = arith.constant 80 : i32
    %dma_start3A_326 = arith.constant 0 : i32
    %dma_start3A_327 = tpu.memref_slice %arg10[%dma_start3A_325, %dma_start3A_326] : memref<256x16xf32, #tpu.memory_space<vmem>> -> memref<8x16xf32, #tpu.memory_space<vmem>>
    %dma_start3A_328 = arith.constant 0 : i32
    %dma_start3A_329 = tpu.memref_slice %arg2[%multiple_of3A_324, %dma_start3A_328] : memref<1000000x16xf32, #tpu.memory_space<hbm>> -> memref<8x16xf32, #tpu.memory_space<hbm>>
    %dma_start3A_330 = arith.constant 80 : i32
    %dma_start3A_331 = arith.constant 0 : i32
    %dma_start3A_332 = tpu.memref_slice %arg10[%dma_start3A_330, %dma_start3A_331] : memref<256x16xf32, #tpu.memory_space<vmem>> -> memref<8x16xf32, #tpu.memory_space<vmem>>
    %dma_start3A_333 = arith.constant 0 : i32
    %dma_start3A_334 = tpu.memref_slice %arg2[%multiple_of3A_324, %dma_start3A_333] : memref<1000000x16xf32, #tpu.memory_space<hbm>> -> memref<8x16xf32, #tpu.memory_space<hbm>>
    tpu.enqueue_dma source(%dma_start3A_334 : memref<8x16xf32, #tpu.memory_space<hbm>>) target(%dma_start3A_332 : memref<8x16xf32, #tpu.memory_space<vmem>>) target_semaphore(%arg14 : memref<!tpu.dma_semaphore, #tpu.memory_space<semaphore_mem>>)
    %slice3A_335 = vector.extract_strided_slice %get3A_4 {offsets = [11], sizes = [1], strides = [1]} : vector<16xi32> to vector<1xi32>
    %squeeze3A_336 = vector.extract %slice3A_335[0] : i32 from vector<1xi32>
    %and3A_337 = arith.constant -8 : i32
    %and3A_338 = arith.andi %squeeze3A_336, %and3A_337 : i32
    %slice3A_339 = vector.extract_strided_slice %get3A_8 {offsets = [11], sizes = [1], strides = [1]} : vector<16xi32> to vector<1xi32>
    %squeeze3A_340 = vector.extract %slice3A_339[0] : i32 from vector<1xi32>
    %and3A_341 = arith.constant -8 : i32
    %and3A_342 = arith.andi %squeeze3A_340, %and3A_341 : i32
    %multiple_of3A_343 = tpu.assume_multiple %and3A_338, 8 : i32
    %dma_start3A_344 = arith.constant 88 : i32
    %dma_start3A_345 = arith.constant 0 : i32
    %dma_start3A_346 = tpu.memref_slice %arg9[%dma_start3A_344, %dma_start3A_345] : memref<256x16xf32, #tpu.memory_space<vmem>> -> memref<8x16xf32, #tpu.memory_space<vmem>>
    %dma_start3A_347 = arith.constant 0 : i32
    %dma_start3A_348 = tpu.memref_slice %arg3[%multiple_of3A_343, %dma_start3A_347] : memref<1000000x16xf32, #tpu.memory_space<hbm>> -> memref<8x16xf32, #tpu.memory_space<hbm>>
    %dma_start3A_349 = arith.constant 88 : i32
    %dma_start3A_350 = arith.constant 0 : i32
    %dma_start3A_351 = tpu.memref_slice %arg9[%dma_start3A_349, %dma_start3A_350] : memref<256x16xf32, #tpu.memory_space<vmem>> -> memref<8x16xf32, #tpu.memory_space<vmem>>
    %dma_start3A_352 = arith.constant 0 : i32
    %dma_start3A_353 = tpu.memref_slice %arg3[%multiple_of3A_343, %dma_start3A_352] : memref<1000000x16xf32, #tpu.memory_space<hbm>> -> memref<8x16xf32, #tpu.memory_space<hbm>>
    tpu.enqueue_dma source(%dma_start3A_353 : memref<8x16xf32, #tpu.memory_space<hbm>>) target(%dma_start3A_351 : memref<8x16xf32, #tpu.memory_space<vmem>>) target_semaphore(%arg12 : memref<!tpu.dma_semaphore, #tpu.memory_space<semaphore_mem>>)
    %multiple_of3A_354 = tpu.assume_multiple %and3A_342, 8 : i32
    %dma_start3A_355 = arith.constant 88 : i32
    %dma_start3A_356 = arith.constant 0 : i32
    %dma_start3A_357 = tpu.memref_slice %arg10[%dma_start3A_355, %dma_start3A_356] : memref<256x16xf32, #tpu.memory_space<vmem>> -> memref<8x16xf32, #tpu.memory_space<vmem>>
    %dma_start3A_358 = arith.constant 0 : i32
    %dma_start3A_359 = tpu.memref_slice %arg2[%multiple_of3A_354, %dma_start3A_358] : memref<1000000x16xf32, #tpu.memory_space<hbm>> -> memref<8x16xf32, #tpu.memory_space<hbm>>
    %dma_start3A_360 = arith.constant 88 : i32
    %dma_start3A_361 = arith.constant 0 : i32
    %dma_start3A_362 = tpu.memref_slice %arg10[%dma_start3A_360, %dma_start3A_361] : memref<256x16xf32, #tpu.memory_space<vmem>> -> memref<8x16xf32, #tpu.memory_space<vmem>>
    %dma_start3A_363 = arith.constant 0 : i32
    %dma_start3A_364 = tpu.memref_slice %arg2[%multiple_of3A_354, %dma_start3A_363] : memref<1000000x16xf32, #tpu.memory_space<hbm>> -> memref<8x16xf32, #tpu.memory_space<hbm>>
    tpu.enqueue_dma source(%dma_start3A_364 : memref<8x16xf32, #tpu.memory_space<hbm>>) target(%dma_start3A_362 : memref<8x16xf32, #tpu.memory_space<vmem>>) target_semaphore(%arg14 : memref<!tpu.dma_semaphore, #tpu.memory_space<semaphore_mem>>)
    %slice3A_365 = vector.extract_strided_slice %get3A_4 {offsets = [12], sizes = [1], strides = [1]} : vector<16xi32> to vector<1xi32>
    %squeeze3A_366 = vector.extract %slice3A_365[0] : i32 from vector<1xi32>
    %and3A_367 = arith.constant -8 : i32
    %and3A_368 = arith.andi %squeeze3A_366, %and3A_367 : i32
    %slice3A_369 = vector.extract_strided_slice %get3A_8 {offsets = [12], sizes = [1], strides = [1]} : vector<16xi32> to vector<1xi32>
    %squeeze3A_370 = vector.extract %slice3A_369[0] : i32 from vector<1xi32>
    %and3A_371 = arith.constant -8 : i32
    %and3A_372 = arith.andi %squeeze3A_370, %and3A_371 : i32
    %multiple_of3A_373 = tpu.assume_multiple %and3A_368, 8 : i32
    %dma_start3A_374 = arith.constant 96 : i32
    %dma_start3A_375 = arith.constant 0 : i32
    %dma_start3A_376 = tpu.memref_slice %arg9[%dma_start3A_374, %dma_start3A_375] : memref<256x16xf32, #tpu.memory_space<vmem>> -> memref<8x16xf32, #tpu.memory_space<vmem>>
    %dma_start3A_377 = arith.constant 0 : i32
    %dma_start3A_378 = tpu.memref_slice %arg3[%multiple_of3A_373, %dma_start3A_377] : memref<1000000x16xf32, #tpu.memory_space<hbm>> -> memref<8x16xf32, #tpu.memory_space<hbm>>
    %dma_start3A_379 = arith.constant 96 : i32
    %dma_start3A_380 = arith.constant 0 : i32
    %dma_start3A_381 = tpu.memref_slice %arg9[%dma_start3A_379, %dma_start3A_380] : memref<256x16xf32, #tpu.memory_space<vmem>> -> memref<8x16xf32, #tpu.memory_space<vmem>>
    %dma_start3A_382 = arith.constant 0 : i32
    %dma_start3A_383 = tpu.memref_slice %arg3[%multiple_of3A_373, %dma_start3A_382] : memref<1000000x16xf32, #tpu.memory_space<hbm>> -> memref<8x16xf32, #tpu.memory_space<hbm>>
    tpu.enqueue_dma source(%dma_start3A_383 : memref<8x16xf32, #tpu.memory_space<hbm>>) target(%dma_start3A_381 : memref<8x16xf32, #tpu.memory_space<vmem>>) target_semaphore(%arg12 : memref<!tpu.dma_semaphore, #tpu.memory_space<semaphore_mem>>)
    %multiple_of3A_384 = tpu.assume_multiple %and3A_372, 8 : i32
    %dma_start3A_385 = arith.constant 96 : i32
    %dma_start3A_386 = arith.constant 0 : i32
    %dma_start3A_387 = tpu.memref_slice %arg10[%dma_start3A_385, %dma_start3A_386] : memref<256x16xf32, #tpu.memory_space<vmem>> -> memref<8x16xf32, #tpu.memory_space<vmem>>
    %dma_start3A_388 = arith.constant 0 : i32
    %dma_start3A_389 = tpu.memref_slice %arg2[%multiple_of3A_384, %dma_start3A_388] : memref<1000000x16xf32, #tpu.memory_space<hbm>> -> memref<8x16xf32, #tpu.memory_space<hbm>>
    %dma_start3A_390 = arith.constant 96 : i32
    %dma_start3A_391 = arith.constant 0 : i32
    %dma_start3A_392 = tpu.memref_slice %arg10[%dma_start3A_390, %dma_start3A_391] : memref<256x16xf32, #tpu.memory_space<vmem>> -> memref<8x16xf32, #tpu.memory_space<vmem>>
    %dma_start3A_393 = arith.constant 0 : i32
    %dma_start3A_394 = tpu.memref_slice %arg2[%multiple_of3A_384, %dma_start3A_393] : memref<1000000x16xf32, #tpu.memory_space<hbm>> -> memref<8x16xf32, #tpu.memory_space<hbm>>
    tpu.enqueue_dma source(%dma_start3A_394 : memref<8x16xf32, #tpu.memory_space<hbm>>) target(%dma_start3A_392 : memref<8x16xf32, #tpu.memory_space<vmem>>) target_semaphore(%arg14 : memref<!tpu.dma_semaphore, #tpu.memory_space<semaphore_mem>>)
    %slice3A_395 = vector.extract_strided_slice %get3A_4 {offsets = [13], sizes = [1], strides = [1]} : vector<16xi32> to vector<1xi32>
    %squeeze3A_396 = vector.extract %slice3A_395[0] : i32 from vector<1xi32>
    %and3A_397 = arith.constant -8 : i32
    %and3A_398 = arith.andi %squeeze3A_396, %and3A_397 : i32
    %slice3A_399 = vector.extract_strided_slice %get3A_8 {offsets = [13], sizes = [1], strides = [1]} : vector<16xi32> to vector<1xi32>
    %squeeze3A_400 = vector.extract %slice3A_399[0] : i32 from vector<1xi32>
    %and3A_401 = arith.constant -8 : i32
    %and3A_402 = arith.andi %squeeze3A_400, %and3A_401 : i32
    %multiple_of3A_403 = tpu.assume_multiple %and3A_398, 8 : i32
    %dma_start3A_404 = arith.constant 104 : i32
    %dma_start3A_405 = arith.constant 0 : i32
    %dma_start3A_406 = tpu.memref_slice %arg9[%dma_start3A_404, %dma_start3A_405] : memref<256x16xf32, #tpu.memory_space<vmem>> -> memref<8x16xf32, #tpu.memory_space<vmem>>
    %dma_start3A_407 = arith.constant 0 : i32
    %dma_start3A_408 = tpu.memref_slice %arg3[%multiple_of3A_403, %dma_start3A_407] : memref<1000000x16xf32, #tpu.memory_space<hbm>> -> memref<8x16xf32, #tpu.memory_space<hbm>>
    %dma_start3A_409 = arith.constant 104 : i32
    %dma_start3A_410 = arith.constant 0 : i32
    %dma_start3A_411 = tpu.memref_slice %arg9[%dma_start3A_409, %dma_start3A_410] : memref<256x16xf32, #tpu.memory_space<vmem>> -> memref<8x16xf32, #tpu.memory_space<vmem>>
    %dma_start3A_412 = arith.constant 0 : i32
    %dma_start3A_413 = tpu.memref_slice %arg3[%multiple_of3A_403, %dma_start3A_412] : memref<1000000x16xf32, #tpu.memory_space<hbm>> -> memref<8x16xf32, #tpu.memory_space<hbm>>
    tpu.enqueue_dma source(%dma_start3A_413 : memref<8x16xf32, #tpu.memory_space<hbm>>) target(%dma_start3A_411 : memref<8x16xf32, #tpu.memory_space<vmem>>) target_semaphore(%arg12 : memref<!tpu.dma_semaphore, #tpu.memory_space<semaphore_mem>>)
    %multiple_of3A_414 = tpu.assume_multiple %and3A_402, 8 : i32
    %dma_start3A_415 = arith.constant 104 : i32
    %dma_start3A_416 = arith.constant 0 : i32
    %dma_start3A_417 = tpu.memref_slice %arg10[%dma_start3A_415, %dma_start3A_416] : memref<256x16xf32, #tpu.memory_space<vmem>> -> memref<8x16xf32, #tpu.memory_space<vmem>>
    %dma_start3A_418 = arith.constant 0 : i32
    %dma_start3A_419 = tpu.memref_slice %arg2[%multiple_of3A_414, %dma_start3A_418] : memref<1000000x16xf32, #tpu.memory_space<hbm>> -> memref<8x16xf32, #tpu.memory_space<hbm>>
    %dma_start3A_420 = arith.constant 104 : i32
    %dma_start3A_421 = arith.constant 0 : i32
    %dma_start3A_422 = tpu.memref_slice %arg10[%dma_start3A_420, %dma_start3A_421] : memref<256x16xf32, #tpu.memory_space<vmem>> -> memref<8x16xf32, #tpu.memory_space<vmem>>
    %dma_start3A_423 = arith.constant 0 : i32
    %dma_start3A_424 = tpu.memref_slice %arg2[%multiple_of3A_414, %dma_start3A_423] : memref<1000000x16xf32, #tpu.memory_space<hbm>> -> memref<8x16xf32, #tpu.memory_space<hbm>>
    tpu.enqueue_dma source(%dma_start3A_424 : memref<8x16xf32, #tpu.memory_space<hbm>>) target(%dma_start3A_422 : memref<8x16xf32, #tpu.memory_space<vmem>>) target_semaphore(%arg14 : memref<!tpu.dma_semaphore, #tpu.memory_space<semaphore_mem>>)
    %slice3A_425 = vector.extract_strided_slice %get3A_4 {offsets = [14], sizes = [1], strides = [1]} : vector<16xi32> to vector<1xi32>
    %squeeze3A_426 = vector.extract %slice3A_425[0] : i32 from vector<1xi32>
    %and3A_427 = arith.constant -8 : i32
    %and3A_428 = arith.andi %squeeze3A_426, %and3A_427 : i32
    %slice3A_429 = vector.extract_strided_slice %get3A_8 {offsets = [14], sizes = [1], strides = [1]} : vector<16xi32> to vector<1xi32>
    %squeeze3A_430 = vector.extract %slice3A_429[0] : i32 from vector<1xi32>
    %and3A_431 = arith.constant -8 : i32
    %and3A_432 = arith.andi %squeeze3A_430, %and3A_431 : i32
    %multiple_of3A_433 = tpu.assume_multiple %and3A_428, 8 : i32
    %dma_start3A_434 = arith.constant 112 : i32
    %dma_start3A_435 = arith.constant 0 : i32
    %dma_start3A_436 = tpu.memref_slice %arg9[%dma_start3A_434, %dma_start3A_435] : memref<256x16xf32, #tpu.memory_space<vmem>> -> memref<8x16xf32, #tpu.memory_space<vmem>>
    %dma_start3A_437 = arith.constant 0 : i32
    %dma_start3A_438 = tpu.memref_slice %arg3[%multiple_of3A_433, %dma_start3A_437] : memref<1000000x16xf32, #tpu.memory_space<hbm>> -> memref<8x16xf32, #tpu.memory_space<hbm>>
    %dma_start3A_439 = arith.constant 112 : i32
    %dma_start3A_440 = arith.constant 0 : i32
    %dma_start3A_441 = tpu.memref_slice %arg9[%dma_start3A_439, %dma_start3A_440] : memref<256x16xf32, #tpu.memory_space<vmem>> -> memref<8x16xf32, #tpu.memory_space<vmem>>
    %dma_start3A_442 = arith.constant 0 : i32
    %dma_start3A_443 = tpu.memref_slice %arg3[%multiple_of3A_433, %dma_start3A_442] : memref<1000000x16xf32, #tpu.memory_space<hbm>> -> memref<8x16xf32, #tpu.memory_space<hbm>>
    tpu.enqueue_dma source(%dma_start3A_443 : memref<8x16xf32, #tpu.memory_space<hbm>>) target(%dma_start3A_441 : memref<8x16xf32, #tpu.memory_space<vmem>>) target_semaphore(%arg12 : memref<!tpu.dma_semaphore, #tpu.memory_space<semaphore_mem>>)
    %multiple_of3A_444 = tpu.assume_multiple %and3A_432, 8 : i32
    %dma_start3A_445 = arith.constant 112 : i32
    %dma_start3A_446 = arith.constant 0 : i32
    %dma_start3A_447 = tpu.memref_slice %arg10[%dma_start3A_445, %dma_start3A_446] : memref<256x16xf32, #tpu.memory_space<vmem>> -> memref<8x16xf32, #tpu.memory_space<vmem>>
    %dma_start3A_448 = arith.constant 0 : i32
    %dma_start3A_449 = tpu.memref_slice %arg2[%multiple_of3A_444, %dma_start3A_448] : memref<1000000x16xf32, #tpu.memory_space<hbm>> -> memref<8x16xf32, #tpu.memory_space<hbm>>
    %dma_start3A_450 = arith.constant 112 : i32
    %dma_start3A_451 = arith.constant 0 : i32
    %dma_start3A_452 = tpu.memref_slice %arg10[%dma_start3A_450, %dma_start3A_451] : memref<256x16xf32, #tpu.memory_space<vmem>> -> memref<8x16xf32, #tpu.memory_space<vmem>>
    %dma_start3A_453 = arith.constant 0 : i32
    %dma_start3A_454 = tpu.memref_slice %arg2[%multiple_of3A_444, %dma_start3A_453] : memref<1000000x16xf32, #tpu.memory_space<hbm>> -> memref<8x16xf32, #tpu.memory_space<hbm>>
    tpu.enqueue_dma source(%dma_start3A_454 : memref<8x16xf32, #tpu.memory_space<hbm>>) target(%dma_start3A_452 : memref<8x16xf32, #tpu.memory_space<vmem>>) target_semaphore(%arg14 : memref<!tpu.dma_semaphore, #tpu.memory_space<semaphore_mem>>)
    %slice3A_455 = vector.extract_strided_slice %get3A_4 {offsets = [15], sizes = [1], strides = [1]} : vector<16xi32> to vector<1xi32>
    %squeeze3A_456 = vector.extract %slice3A_455[0] : i32 from vector<1xi32>
    %and3A_457 = arith.constant -8 : i32
    %and3A_458 = arith.andi %squeeze3A_456, %and3A_457 : i32
    %slice3A_459 = vector.extract_strided_slice %get3A_8 {offsets = [15], sizes = [1], strides = [1]} : vector<16xi32> to vector<1xi32>
    %squeeze3A_460 = vector.extract %slice3A_459[0] : i32 from vector<1xi32>
    %and3A_461 = arith.constant -8 : i32
    %and3A_462 = arith.andi %squeeze3A_460, %and3A_461 : i32
    %multiple_of3A_463 = tpu.assume_multiple %and3A_458, 8 : i32
    %dma_start3A_464 = arith.constant 120 : i32
    %dma_start3A_465 = arith.constant 0 : i32
    %dma_start3A_466 = tpu.memref_slice %arg9[%dma_start3A_464, %dma_start3A_465] : memref<256x16xf32, #tpu.memory_space<vmem>> -> memref<8x16xf32, #tpu.memory_space<vmem>>
    %dma_start3A_467 = arith.constant 0 : i32
    %dma_start3A_468 = tpu.memref_slice %arg3[%multiple_of3A_463, %dma_start3A_467] : memref<1000000x16xf32, #tpu.memory_space<hbm>> -> memref<8x16xf32, #tpu.memory_space<hbm>>
    %dma_start3A_469 = arith.constant 120 : i32
    %dma_start3A_470 = arith.constant 0 : i32
    %dma_start3A_471 = tpu.memref_slice %arg9[%dma_start3A_469, %dma_start3A_470] : memref<256x16xf32, #tpu.memory_space<vmem>> -> memref<8x16xf32, #tpu.memory_space<vmem>>
    %dma_start3A_472 = arith.constant 0 : i32
    %dma_start3A_473 = tpu.memref_slice %arg3[%multiple_of3A_463, %dma_start3A_472] : memref<1000000x16xf32, #tpu.memory_space<hbm>> -> memref<8x16xf32, #tpu.memory_space<hbm>>
    tpu.enqueue_dma source(%dma_start3A_473 : memref<8x16xf32, #tpu.memory_space<hbm>>) target(%dma_start3A_471 : memref<8x16xf32, #tpu.memory_space<vmem>>) target_semaphore(%arg12 : memref<!tpu.dma_semaphore, #tpu.memory_space<semaphore_mem>>)
    %multiple_of3A_474 = tpu.assume_multiple %and3A_462, 8 : i32
    %dma_start3A_475 = arith.constant 120 : i32
    %dma_start3A_476 = arith.constant 0 : i32
    %dma_start3A_477 = tpu.memref_slice %arg10[%dma_start3A_475, %dma_start3A_476] : memref<256x16xf32, #tpu.memory_space<vmem>> -> memref<8x16xf32, #tpu.memory_space<vmem>>
    %dma_start3A_478 = arith.constant 0 : i32
    %dma_start3A_479 = tpu.memref_slice %arg2[%multiple_of3A_474, %dma_start3A_478] : memref<1000000x16xf32, #tpu.memory_space<hbm>> -> memref<8x16xf32, #tpu.memory_space<hbm>>
    %dma_start3A_480 = arith.constant 120 : i32
    %dma_start3A_481 = arith.constant 0 : i32
    %dma_start3A_482 = tpu.memref_slice %arg10[%dma_start3A_480, %dma_start3A_481] : memref<256x16xf32, #tpu.memory_space<vmem>> -> memref<8x16xf32, #tpu.memory_space<vmem>>
    %dma_start3A_483 = arith.constant 0 : i32
    %dma_start3A_484 = tpu.memref_slice %arg2[%multiple_of3A_474, %dma_start3A_483] : memref<1000000x16xf32, #tpu.memory_space<hbm>> -> memref<8x16xf32, #tpu.memory_space<hbm>>
    tpu.enqueue_dma source(%dma_start3A_484 : memref<8x16xf32, #tpu.memory_space<hbm>>) target(%dma_start3A_482 : memref<8x16xf32, #tpu.memory_space<vmem>>) target_semaphore(%arg14 : memref<!tpu.dma_semaphore, #tpu.memory_space<semaphore_mem>>)
    %multiple_of3A_485 = arith.constant 16 : i32
    %multiple_of3A_486 = tpu.assume_multiple %multiple_of3A_485, 16 : i32
    %get3A_487 = arith.index_cast %multiple_of3A_486 : i32 to index
    %get3A_488 = tpu.vector_load %arg7[%get3A_487] {strides = array<i32>} : memref<512xi32, #tpu.memory_space<vmem>>, vector<16xi32>,
    %multiple_of3A_489 = arith.constant 16 : i32
    %multiple_of3A_490 = tpu.assume_multiple %multiple_of3A_489, 16 : i32
    %get3A_491 = arith.index_cast %multiple_of3A_490 : i32 to index
    %get3A_492 = tpu.vector_load %arg8[%get3A_491] {strides = array<i32>} : memref<512xi32, #tpu.memory_space<vmem>>, vector<16xi32>,
    %slice3A_493 = vector.extract_strided_slice %get3A_488 {offsets = [0], sizes = [1], strides = [1]} : vector<16xi32> to vector<1xi32>
    %squeeze3A_494 = vector.extract %slice3A_493[0] : i32 from vector<1xi32>
    %and3A_495 = arith.constant -8 : i32
    %and3A_496 = arith.andi %squeeze3A_494, %and3A_495 : i32
    %slice3A_497 = vector.extract_strided_slice %get3A_492 {offsets = [0], sizes = [1], strides = [1]} : vector<16xi32> to vector<1xi32>
    %squeeze3A_498 = vector.extract %slice3A_497[0] : i32 from vector<1xi32>
    %and3A_499 = arith.constant -8 : i32
    %and3A_500 = arith.andi %squeeze3A_498, %and3A_499 : i32
    %multiple_of3A_501 = tpu.assume_multiple %and3A_496, 8 : i32
    %dma_start3A_502 = arith.constant 128 : i32
    %dma_start3A_503 = arith.constant 0 : i32
    %dma_start3A_504 = tpu.memref_slice %arg9[%dma_start3A_502, %dma_start3A_503] : memref<256x16xf32, #tpu.memory_space<vmem>> -> memref<8x16xf32, #tpu.memory_space<vmem>>
    %dma_start3A_505 = arith.constant 0 : i32
    %dma_start3A_506 = tpu.memref_slice %arg3[%multiple_of3A_501, %dma_start3A_505] : memref<1000000x16xf32, #tpu.memory_space<hbm>> -> memref<8x16xf32, #tpu.memory_space<hbm>>
    %dma_start3A_507 = arith.constant 128 : i32
    %dma_start3A_508 = arith.constant 0 : i32
    %dma_start3A_509 = tpu.memref_slice %arg9[%dma_start3A_507, %dma_start3A_508] : memref<256x16xf32, #tpu.memory_space<vmem>> -> memref<8x16xf32, #tpu.memory_space<vmem>>
    %dma_start3A_510 = arith.constant 0 : i32
    %dma_start3A_511 = tpu.memref_slice %arg3[%multiple_of3A_501, %dma_start3A_510] : memref<1000000x16xf32, #tpu.memory_space<hbm>> -> memref<8x16xf32, #tpu.memory_space<hbm>>
    tpu.enqueue_dma source(%dma_start3A_511 : memref<8x16xf32, #tpu.memory_space<hbm>>) target(%dma_start3A_509 : memref<8x16xf32, #tpu.memory_space<vmem>>) target_semaphore(%arg13 : memref<!tpu.dma_semaphore, #tpu.memory_space<semaphore_mem>>)
    %multiple_of3A_512 = tpu.assume_multiple %and3A_500, 8 : i32
    %dma_start3A_513 = arith.constant 128 : i32
    %dma_start3A_514 = arith.constant 0 : i32
    %dma_start3A_515 = tpu.memref_slice %arg10[%dma_start3A_513, %dma_start3A_514] : memref<256x16xf32, #tpu.memory_space<vmem>> -> memref<8x16xf32, #tpu.memory_space<vmem>>
    %dma_start3A_516 = arith.constant 0 : i32
    %dma_start3A_517 = tpu.memref_slice %arg2[%multiple_of3A_512, %dma_start3A_516] : memref<1000000x16xf32, #tpu.memory_space<hbm>> -> memref<8x16xf32, #tpu.memory_space<hbm>>
    %dma_start3A_518 = arith.constant 128 : i32
    %dma_start3A_519 = arith.constant 0 : i32
    %dma_start3A_520 = tpu.memref_slice %arg10[%dma_start3A_518, %dma_start3A_519] : memref<256x16xf32, #tpu.memory_space<vmem>> -> memref<8x16xf32, #tpu.memory_space<vmem>>
    %dma_start3A_521 = arith.constant 0 : i32
    %dma_start3A_522 = tpu.memref_slice %arg2[%multiple_of3A_512, %dma_start3A_521] : memref<1000000x16xf32, #tpu.memory_space<hbm>> -> memref<8x16xf32, #tpu.memory_space<hbm>>
    tpu.enqueue_dma source(%dma_start3A_522 : memref<8x16xf32, #tpu.memory_space<hbm>>) target(%dma_start3A_520 : memref<8x16xf32, #tpu.memory_space<vmem>>) target_semaphore(%arg15 : memref<!tpu.dma_semaphore, #tpu.memory_space<semaphore_mem>>)
    %slice3A_523 = vector.extract_strided_slice %get3A_488 {offsets = [1], sizes = [1], strides = [1]} : vector<16xi32> to vector<1xi32>
    %squeeze3A_524 = vector.extract %slice3A_523[0] : i32 from vector<1xi32>
    %and3A_525 = arith.constant -8 : i32
    %and3A_526 = arith.andi %squeeze3A_524, %and3A_525 : i32
    %slice3A_527 = vector.extract_strided_slice %get3A_492 {offsets = [1], sizes = [1], strides = [1]} : vector<16xi32> to vector<1xi32>
    %squeeze3A_528 = vector.extract %slice3A_527[0] : i32 from vector<1xi32>
    %and3A_529 = arith.constant -8 : i32
    %and3A_530 = arith.andi %squeeze3A_528, %and3A_529 : i32
    %multiple_of3A_531 = tpu.assume_multiple %and3A_526, 8 : i32
    %dma_start3A_532 = arith.constant 136 : i32
    %dma_start3A_533 = arith.constant 0 : i32
    %dma_start3A_534 = tpu.memref_slice %arg9[%dma_start3A_532, %dma_start3A_533] : memref<256x16xf32, #tpu.memory_space<vmem>> -> memref<8x16xf32, #tpu.memory_space<vmem>>
    %dma_start3A_535 = arith.constant 0 : i32
    %dma_start3A_536 = tpu.memref_slice %arg3[%multiple_of3A_531, %dma_start3A_535] : memref<1000000x16xf32, #tpu.memory_space<hbm>> -> memref<8x16xf32, #tpu.memory_space<hbm>>
    %dma_start3A_537 = arith.constant 136 : i32
    %dma_start3A_538 = arith.constant 0 : i32
    %dma_start3A_539 = tpu.memref_slice %arg9[%dma_start3A_537, %dma_start3A_538] : memref<256x16xf32, #tpu.memory_space<vmem>> -> memref<8x16xf32, #tpu.memory_space<vmem>>
    %dma_start3A_540 = arith.constant 0 : i32
    %dma_start3A_541 = tpu.memref_slice %arg3[%multiple_of3A_531, %dma_start3A_540] : memref<1000000x16xf32, #tpu.memory_space<hbm>> -> memref<8x16xf32, #tpu.memory_space<hbm>>
    tpu.enqueue_dma source(%dma_start3A_541 : memref<8x16xf32, #tpu.memory_space<hbm>>) target(%dma_start3A_539 : memref<8x16xf32, #tpu.memory_space<vmem>>) target_semaphore(%arg13 : memref<!tpu.dma_semaphore, #tpu.memory_space<semaphore_mem>>)
    %multiple_of3A_542 = tpu.assume_multiple %and3A_530, 8 : i32
    %dma_start3A_543 = arith.constant 136 : i32
    %dma_start3A_544 = arith.constant 0 : i32
    %dma_start3A_545 = tpu.memref_slice %arg10[%dma_start3A_543, %dma_start3A_544] : memref<256x16xf32, #tpu.memory_space<vmem>> -> memref<8x16xf32, #tpu.memory_space<vmem>>
    %dma_start3A_546 = arith.constant 0 : i32
    %dma_start3A_547 = tpu.memref_slice %arg2[%multiple_of3A_542, %dma_start3A_546] : memref<1000000x16xf32, #tpu.memory_space<hbm>> -> memref<8x16xf32, #tpu.memory_space<hbm>>
    %dma_start3A_548 = arith.constant 136 : i32
    %dma_start3A_549 = arith.constant 0 : i32
    %dma_start3A_550 = tpu.memref_slice %arg10[%dma_start3A_548, %dma_start3A_549] : memref<256x16xf32, #tpu.memory_space<vmem>> -> memref<8x16xf32, #tpu.memory_space<vmem>>
    %dma_start3A_551 = arith.constant 0 : i32
    %dma_start3A_552 = tpu.memref_slice %arg2[%multiple_of3A_542, %dma_start3A_551] : memref<1000000x16xf32, #tpu.memory_space<hbm>> -> memref<8x16xf32, #tpu.memory_space<hbm>>
    tpu.enqueue_dma source(%dma_start3A_552 : memref<8x16xf32, #tpu.memory_space<hbm>>) target(%dma_start3A_550 : memref<8x16xf32, #tpu.memory_space<vmem>>) target_semaphore(%arg15 : memref<!tpu.dma_semaphore, #tpu.memory_space<semaphore_mem>>)
    %slice3A_553 = vector.extract_strided_slice %get3A_488 {offsets = [2], sizes = [1], strides = [1]} : vector<16xi32> to vector<1xi32>
    %squeeze3A_554 = vector.extract %slice3A_553[0] : i32 from vector<1xi32>
    %and3A_555 = arith.constant -8 : i32
    %and3A_556 = arith.andi %squeeze3A_554, %and3A_555 : i32
    %slice3A_557 = vector.extract_strided_slice %get3A_492 {offsets = [2], sizes = [1], strides = [1]} : vector<16xi32> to vector<1xi32>
    %squeeze3A_558 = vector.extract %slice3A_557[0] : i32 from vector<1xi32>
    %and3A_559 = arith.constant -8 : i32
    %and3A_560 = arith.andi %squeeze3A_558, %and3A_559 : i32
    %multiple_of3A_561 = tpu.assume_multiple %and3A_556, 8 : i32
    %dma_start3A_562 = arith.constant 144 : i32
    %dma_start3A_563 = arith.constant 0 : i32
    %dma_start3A_564 = tpu.memref_slice %arg9[%dma_start3A_562, %dma_start3A_563] : memref<256x16xf32, #tpu.memory_space<vmem>> -> memref<8x16xf32, #tpu.memory_space<vmem>>
    %dma_start3A_565 = arith.constant 0 : i32
    %dma_start3A_566 = tpu.memref_slice %arg3[%multiple_of3A_561, %dma_start3A_565] : memref<1000000x16xf32, #tpu.memory_space<hbm>> -> memref<8x16xf32, #tpu.memory_space<hbm>>
    %dma_start3A_567 = arith.constant 144 : i32
    %dma_start3A_568 = arith.constant 0 : i32
    %dma_start3A_569 = tpu.memref_slice %arg9[%dma_start3A_567, %dma_start3A_568] : memref<256x16xf32, #tpu.memory_space<vmem>> -> memref<8x16xf32, #tpu.memory_space<vmem>>
    %dma_start3A_570 = arith.constant 0 : i32
    %dma_start3A_571 = tpu.memref_slice %arg3[%multiple_of3A_561, %dma_start3A_570] : memref<1000000x16xf32, #tpu.memory_space<hbm>> -> memref<8x16xf32, #tpu.memory_space<hbm>>
    tpu.enqueue_dma source(%dma_start3A_571 : memref<8x16xf32, #tpu.memory_space<hbm>>) target(%dma_start3A_569 : memref<8x16xf32, #tpu.memory_space<vmem>>) target_semaphore(%arg13 : memref<!tpu.dma_semaphore, #tpu.memory_space<semaphore_mem>>)
    %multiple_of3A_572 = tpu.assume_multiple %and3A_560, 8 : i32
    %dma_start3A_573 = arith.constant 144 : i32
    %dma_start3A_574 = arith.constant 0 : i32
    %dma_start3A_575 = tpu.memref_slice %arg10[%dma_start3A_573, %dma_start3A_574] : memref<256x16xf32, #tpu.memory_space<vmem>> -> memref<8x16xf32, #tpu.memory_space<vmem>>
    %dma_start3A_576 = arith.constant 0 : i32
    %dma_start3A_577 = tpu.memref_slice %arg2[%multiple_of3A_572, %dma_start3A_576] : memref<1000000x16xf32, #tpu.memory_space<hbm>> -> memref<8x16xf32, #tpu.memory_space<hbm>>
    %dma_start3A_578 = arith.constant 144 : i32
    %dma_start3A_579 = arith.constant 0 : i32
    %dma_start3A_580 = tpu.memref_slice %arg10[%dma_start3A_578, %dma_start3A_579] : memref<256x16xf32, #tpu.memory_space<vmem>> -> memref<8x16xf32, #tpu.memory_space<vmem>>
    %dma_start3A_581 = arith.constant 0 : i32
    %dma_start3A_582 = tpu.memref_slice %arg2[%multiple_of3A_572, %dma_start3A_581] : memref<1000000x16xf32, #tpu.memory_space<hbm>> -> memref<8x16xf32, #tpu.memory_space<hbm>>
    tpu.enqueue_dma source(%dma_start3A_582 : memref<8x16xf32, #tpu.memory_space<hbm>>) target(%dma_start3A_580 : memref<8x16xf32, #tpu.memory_space<vmem>>) target_semaphore(%arg15 : memref<!tpu.dma_semaphore, #tpu.memory_space<semaphore_mem>>)
    %slice3A_583 = vector.extract_strided_slice %get3A_488 {offsets = [3], sizes = [1], strides = [1]} : vector<16xi32> to vector<1xi32>
    %squeeze3A_584 = vector.extract %slice3A_583[0] : i32 from vector<1xi32>
    %and3A_585 = arith.constant -8 : i32
    %and3A_586 = arith.andi %squeeze3A_584, %and3A_585 : i32
    %slice3A_587 = vector.extract_strided_slice %get3A_492 {offsets = [3], sizes = [1], strides = [1]} : vector<16xi32> to vector<1xi32>
    %squeeze3A_588 = vector.extract %slice3A_587[0] : i32 from vector<1xi32>
    %and3A_589 = arith.constant -8 : i32
    %and3A_590 = arith.andi %squeeze3A_588, %and3A_589 : i32
    %multiple_of3A_591 = tpu.assume_multiple %and3A_586, 8 : i32
    %dma_start3A_592 = arith.constant 152 : i32
    %dma_start3A_593 = arith.constant 0 : i32
    %dma_start3A_594 = tpu.memref_slice %arg9[%dma_start3A_592, %dma_start3A_593] : memref<256x16xf32, #tpu.memory_space<vmem>> -> memref<8x16xf32, #tpu.memory_space<vmem>>
    %dma_start3A_595 = arith.constant 0 : i32
    %dma_start3A_596 = tpu.memref_slice %arg3[%multiple_of3A_591, %dma_start3A_595] : memref<1000000x16xf32, #tpu.memory_space<hbm>> -> memref<8x16xf32, #tpu.memory_space<hbm>>
    %dma_start3A_597 = arith.constant 152 : i32
    %dma_start3A_598 = arith.constant 0 : i32
    %dma_start3A_599 = tpu.memref_slice %arg9[%dma_start3A_597, %dma_start3A_598] : memref<256x16xf32, #tpu.memory_space<vmem>> -> memref<8x16xf32, #tpu.memory_space<vmem>>
    %dma_start3A_600 = arith.constant 0 : i32
    %dma_start3A_601 = tpu.memref_slice %arg3[%multiple_of3A_591, %dma_start3A_600] : memref<1000000x16xf32, #tpu.memory_space<hbm>> -> memref<8x16xf32, #tpu.memory_space<hbm>>
    tpu.enqueue_dma source(%dma_start3A_601 : memref<8x16xf32, #tpu.memory_space<hbm>>) target(%dma_start3A_599 : memref<8x16xf32, #tpu.memory_space<vmem>>) target_semaphore(%arg13 : memref<!tpu.dma_semaphore, #tpu.memory_space<semaphore_mem>>)
    %multiple_of3A_602 = tpu.assume_multiple %and3A_590, 8 : i32
    %dma_start3A_603 = arith.constant 152 : i32
    %dma_start3A_604 = arith.constant 0 : i32
    %dma_start3A_605 = tpu.memref_slice %arg10[%dma_start3A_603, %dma_start3A_604] : memref<256x16xf32, #tpu.memory_space<vmem>> -> memref<8x16xf32, #tpu.memory_space<vmem>>
    %dma_start3A_606 = arith.constant 0 : i32
    %dma_start3A_607 = tpu.memref_slice %arg2[%multiple_of3A_602, %dma_start3A_606] : memref<1000000x16xf32, #tpu.memory_space<hbm>> -> memref<8x16xf32, #tpu.memory_space<hbm>>
    %dma_start3A_608 = arith.constant 152 : i32
    %dma_start3A_609 = arith.constant 0 : i32
    %dma_start3A_610 = tpu.memref_slice %arg10[%dma_start3A_608, %dma_start3A_609] : memref<256x16xf32, #tpu.memory_space<vmem>> -> memref<8x16xf32, #tpu.memory_space<vmem>>
    %dma_start3A_611 = arith.constant 0 : i32
    %dma_start3A_612 = tpu.memref_slice %arg2[%multiple_of3A_602, %dma_start3A_611] : memref<1000000x16xf32, #tpu.memory_space<hbm>> -> memref<8x16xf32, #tpu.memory_space<hbm>>
    tpu.enqueue_dma source(%dma_start3A_612 : memref<8x16xf32, #tpu.memory_space<hbm>>) target(%dma_start3A_610 : memref<8x16xf32, #tpu.memory_space<vmem>>) target_semaphore(%arg15 : memref<!tpu.dma_semaphore, #tpu.memory_space<semaphore_mem>>)
    %slice3A_613 = vector.extract_strided_slice %get3A_488 {offsets = [4], sizes = [1], strides = [1]} : vector<16xi32> to vector<1xi32>
    %squeeze3A_614 = vector.extract %slice3A_613[0] : i32 from vector<1xi32>
    %and3A_615 = arith.constant -8 : i32
    %and3A_616 = arith.andi %squeeze3A_614, %and3A_615 : i32
    %slice3A_617 = vector.extract_strided_slice %get3A_492 {offsets = [4], sizes = [1], strides = [1]} : vector<16xi32> to vector<1xi32>
    %squeeze3A_618 = vector.extract %slice3A_617[0] : i32 from vector<1xi32>
    %and3A_619 = arith.constant -8 : i32
    %and3A_620 = arith.andi %squeeze3A_618, %and3A_619 : i32
    %multiple_of3A_621 = tpu.assume_multiple %and3A_616, 8 : i32
    %dma_start3A_622 = arith.constant 160 : i32
    %dma_start3A_623 = arith.constant 0 : i32
    %dma_start3A_624 = tpu.memref_slice %arg9[%dma_start3A_622, %dma_start3A_623] : memref<256x16xf32, #tpu.memory_space<vmem>> -> memref<8x16xf32, #tpu.memory_space<vmem>>
    %dma_start3A_625 = arith.constant 0 : i32
    %dma_start3A_626 = tpu.memref_slice %arg3[%multiple_of3A_621, %dma_start3A_625] : memref<1000000x16xf32, #tpu.memory_space<hbm>> -> memref<8x16xf32, #tpu.memory_space<hbm>>
    %dma_start3A_627 = arith.constant 160 : i32
    %dma_start3A_628 = arith.constant 0 : i32
    %dma_start3A_629 = tpu.memref_slice %arg9[%dma_start3A_627, %dma_start3A_628] : memref<256x16xf32, #tpu.memory_space<vmem>> -> memref<8x16xf32, #tpu.memory_space<vmem>>
    %dma_start3A_630 = arith.constant 0 : i32
    %dma_start3A_631 = tpu.memref_slice %arg3[%multiple_of3A_621, %dma_start3A_630] : memref<1000000x16xf32, #tpu.memory_space<hbm>> -> memref<8x16xf32, #tpu.memory_space<hbm>>
    tpu.enqueue_dma source(%dma_start3A_631 : memref<8x16xf32, #tpu.memory_space<hbm>>) target(%dma_start3A_629 : memref<8x16xf32, #tpu.memory_space<vmem>>) target_semaphore(%arg13 : memref<!tpu.dma_semaphore, #tpu.memory_space<semaphore_mem>>)
    %multiple_of3A_632 = tpu.assume_multiple %and3A_620, 8 : i32
    %dma_start3A_633 = arith.constant 160 : i32
    %dma_start3A_634 = arith.constant 0 : i32
    %dma_start3A_635 = tpu.memref_slice %arg10[%dma_start3A_633, %dma_start3A_634] : memref<256x16xf32, #tpu.memory_space<vmem>> -> memref<8x16xf32, #tpu.memory_space<vmem>>
    %dma_start3A_636 = arith.constant 0 : i32
    %dma_start3A_637 = tpu.memref_slice %arg2[%multiple_of3A_632, %dma_start3A_636] : memref<1000000x16xf32, #tpu.memory_space<hbm>> -> memref<8x16xf32, #tpu.memory_space<hbm>>
    %dma_start3A_638 = arith.constant 160 : i32
    %dma_start3A_639 = arith.constant 0 : i32
    %dma_start3A_640 = tpu.memref_slice %arg10[%dma_start3A_638, %dma_start3A_639] : memref<256x16xf32, #tpu.memory_space<vmem>> -> memref<8x16xf32, #tpu.memory_space<vmem>>
    %dma_start3A_641 = arith.constant 0 : i32
    %dma_start3A_642 = tpu.memref_slice %arg2[%multiple_of3A_632, %dma_start3A_641] : memref<1000000x16xf32, #tpu.memory_space<hbm>> -> memref<8x16xf32, #tpu.memory_space<hbm>>
    tpu.enqueue_dma source(%dma_start3A_642 : memref<8x16xf32, #tpu.memory_space<hbm>>) target(%dma_start3A_640 : memref<8x16xf32, #tpu.memory_space<vmem>>) target_semaphore(%arg15 : memref<!tpu.dma_semaphore, #tpu.memory_space<semaphore_mem>>)
    %slice3A_643 = vector.extract_strided_slice %get3A_488 {offsets = [5], sizes = [1], strides = [1]} : vector<16xi32> to vector<1xi32>
    %squeeze3A_644 = vector.extract %slice3A_643[0] : i32 from vector<1xi32>
    %and3A_645 = arith.constant -8 : i32
    %and3A_646 = arith.andi %squeeze3A_644, %and3A_645 : i32
    %slice3A_647 = vector.extract_strided_slice %get3A_492 {offsets = [5], sizes = [1], strides = [1]} : vector<16xi32> to vector<1xi32>
    %squeeze3A_648 = vector.extract %slice3A_647[0] : i32 from vector<1xi32>
    %and3A_649 = arith.constant -8 : i32
    %and3A_650 = arith.andi %squeeze3A_648, %and3A_649 : i32
    %multiple_of3A_651 = tpu.assume_multiple %and3A_646, 8 : i32
    %dma_start3A_652 = arith.constant 168 : i32
    %dma_start3A_653 = arith.constant 0 : i32
    %dma_start3A_654 = tpu.memref_slice %arg9[%dma_start3A_652, %dma_start3A_653] : memref<256x16xf32, #tpu.memory_space<vmem>> -> memref<8x16xf32, #tpu.memory_space<vmem>>
    %dma_start3A_655 = arith.constant 0 : i32
    %dma_start3A_656 = tpu.memref_slice %arg3[%multiple_of3A_651, %dma_start3A_655] : memref<1000000x16xf32, #tpu.memory_space<hbm>> -> memref<8x16xf32, #tpu.memory_space<hbm>>
    %dma_start3A_657 = arith.constant 168 : i32
    %dma_start3A_658 = arith.constant 0 : i32
    %dma_start3A_659 = tpu.memref_slice %arg9[%dma_start3A_657, %dma_start3A_658] : memref<256x16xf32, #tpu.memory_space<vmem>> -> memref<8x16xf32, #tpu.memory_space<vmem>>
    %dma_start3A_660 = arith.constant 0 : i32
    %dma_start3A_661 = tpu.memref_slice %arg3[%multiple_of3A_651, %dma_start3A_660] : memref<1000000x16xf32, #tpu.memory_space<hbm>> -> memref<8x16xf32, #tpu.memory_space<hbm>>
    tpu.enqueue_dma source(%dma_start3A_661 : memref<8x16xf32, #tpu.memory_space<hbm>>) target(%dma_start3A_659 : memref<8x16xf32, #tpu.memory_space<vmem>>) target_semaphore(%arg13 : memref<!tpu.dma_semaphore, #tpu.memory_space<semaphore_mem>>)
    %multiple_of3A_662 = tpu.assume_multiple %and3A_650, 8 : i32
    %dma_start3A_663 = arith.constant 168 : i32
    %dma_start3A_664 = arith.constant 0 : i32
    %dma_start3A_665 = tpu.memref_slice %arg10[%dma_start3A_663, %dma_start3A_664] : memref<256x16xf32, #tpu.memory_space<vmem>> -> memref<8x16xf32, #tpu.memory_space<vmem>>
    %dma_start3A_666 = arith.constant 0 : i32
    %dma_start3A_667 = tpu.memref_slice %arg2[%multiple_of3A_662, %dma_start3A_666] : memref<1000000x16xf32, #tpu.memory_space<hbm>> -> memref<8x16xf32, #tpu.memory_space<hbm>>
    %dma_start3A_668 = arith.constant 168 : i32
    %dma_start3A_669 = arith.constant 0 : i32
    %dma_start3A_670 = tpu.memref_slice %arg10[%dma_start3A_668, %dma_start3A_669] : memref<256x16xf32, #tpu.memory_space<vmem>> -> memref<8x16xf32, #tpu.memory_space<vmem>>
    %dma_start3A_671 = arith.constant 0 : i32
    %dma_start3A_672 = tpu.memref_slice %arg2[%multiple_of3A_662, %dma_start3A_671] : memref<1000000x16xf32, #tpu.memory_space<hbm>> -> memref<8x16xf32, #tpu.memory_space<hbm>>
    tpu.enqueue_dma source(%dma_start3A_672 : memref<8x16xf32, #tpu.memory_space<hbm>>) target(%dma_start3A_670 : memref<8x16xf32, #tpu.memory_space<vmem>>) target_semaphore(%arg15 : memref<!tpu.dma_semaphore, #tpu.memory_space<semaphore_mem>>)
    %slice3A_673 = vector.extract_strided_slice %get3A_488 {offsets = [6], sizes = [1], strides = [1]} : vector<16xi32> to vector<1xi32>
    %squeeze3A_674 = vector.extract %slice3A_673[0] : i32 from vector<1xi32>
    %and3A_675 = arith.constant -8 : i32
    %and3A_676 = arith.andi %squeeze3A_674, %and3A_675 : i32
    %slice3A_677 = vector.extract_strided_slice %get3A_492 {offsets = [6], sizes = [1], strides = [1]} : vector<16xi32> to vector<1xi32>
    %squeeze3A_678 = vector.extract %slice3A_677[0] : i32 from vector<1xi32>
    %and3A_679 = arith.constant -8 : i32
    %and3A_680 = arith.andi %squeeze3A_678, %and3A_679 : i32
    %multiple_of3A_681 = tpu.assume_multiple %and3A_676, 8 : i32
    %dma_start3A_682 = arith.constant 176 : i32
    %dma_start3A_683 = arith.constant 0 : i32
    %dma_start3A_684 = tpu.memref_slice %arg9[%dma_start3A_682, %dma_start3A_683] : memref<256x16xf32, #tpu.memory_space<vmem>> -> memref<8x16xf32, #tpu.memory_space<vmem>>
    %dma_start3A_685 = arith.constant 0 : i32
    %dma_start3A_686 = tpu.memref_slice %arg3[%multiple_of3A_681, %dma_start3A_685] : memref<1000000x16xf32, #tpu.memory_space<hbm>> -> memref<8x16xf32, #tpu.memory_space<hbm>>
    %dma_start3A_687 = arith.constant 176 : i32
    %dma_start3A_688 = arith.constant 0 : i32
    %dma_start3A_689 = tpu.memref_slice %arg9[%dma_start3A_687, %dma_start3A_688] : memref<256x16xf32, #tpu.memory_space<vmem>> -> memref<8x16xf32, #tpu.memory_space<vmem>>
    %dma_start3A_690 = arith.constant 0 : i32
    %dma_start3A_691 = tpu.memref_slice %arg3[%multiple_of3A_681, %dma_start3A_690] : memref<1000000x16xf32, #tpu.memory_space<hbm>> -> memref<8x16xf32, #tpu.memory_space<hbm>>
    tpu.enqueue_dma source(%dma_start3A_691 : memref<8x16xf32, #tpu.memory_space<hbm>>) target(%dma_start3A_689 : memref<8x16xf32, #tpu.memory_space<vmem>>) target_semaphore(%arg13 : memref<!tpu.dma_semaphore, #tpu.memory_space<semaphore_mem>>)
    %multiple_of3A_692 = tpu.assume_multiple %and3A_680, 8 : i32
    %dma_start3A_693 = arith.constant 176 : i32
    %dma_start3A_694 = arith.constant 0 : i32
    %dma_start3A_695 = tpu.memref_slice %arg10[%dma_start3A_693, %dma_start3A_694] : memref<256x16xf32, #tpu.memory_space<vmem>> -> memref<8x16xf32, #tpu.memory_space<vmem>>
    %dma_start3A_696 = arith.constant 0 : i32
    %dma_start3A_697 = tpu.memref_slice %arg2[%multiple_of3A_692, %dma_start3A_696] : memref<1000000x16xf32, #tpu.memory_space<hbm>> -> memref<8x16xf32, #tpu.memory_space<hbm>>
    %dma_start3A_698 = arith.constant 176 : i32
    %dma_start3A_699 = arith.constant 0 : i32
    %dma_start3A_700 = tpu.memref_slice %arg10[%dma_start3A_698, %dma_start3A_699] : memref<256x16xf32, #tpu.memory_space<vmem>> -> memref<8x16xf32, #tpu.memory_space<vmem>>
    %dma_start3A_701 = arith.constant 0 : i32
    %dma_start3A_702 = tpu.memref_slice %arg2[%multiple_of3A_692, %dma_start3A_701] : memref<1000000x16xf32, #tpu.memory_space<hbm>> -> memref<8x16xf32, #tpu.memory_space<hbm>>
    tpu.enqueue_dma source(%dma_start3A_702 : memref<8x16xf32, #tpu.memory_space<hbm>>) target(%dma_start3A_700 : memref<8x16xf32, #tpu.memory_space<vmem>>) target_semaphore(%arg15 : memref<!tpu.dma_semaphore, #tpu.memory_space<semaphore_mem>>)
    %slice3A_703 = vector.extract_strided_slice %get3A_488 {offsets = [7], sizes = [1], strides = [1]} : vector<16xi32> to vector<1xi32>
    %squeeze3A_704 = vector.extract %slice3A_703[0] : i32 from vector<1xi32>
    %and3A_705 = arith.constant -8 : i32
    %and3A_706 = arith.andi %squeeze3A_704, %and3A_705 : i32
    %slice3A_707 = vector.extract_strided_slice %get3A_492 {offsets = [7], sizes = [1], strides = [1]} : vector<16xi32> to vector<1xi32>
    %squeeze3A_708 = vector.extract %slice3A_707[0] : i32 from vector<1xi32>
    %and3A_709 = arith.constant -8 : i32
    %and3A_710 = arith.andi %squeeze3A_708, %and3A_709 : i32
    %multiple_of3A_711 = tpu.assume_multiple %and3A_706, 8 : i32
    %dma_start3A_712 = arith.constant 184 : i32
    %dma_start3A_713 = arith.constant 0 : i32
    %dma_start3A_714 = tpu.memref_slice %arg9[%dma_start3A_712, %dma_start3A_713] : memref<256x16xf32, #tpu.memory_space<vmem>> -> memref<8x16xf32, #tpu.memory_space<vmem>>
    %dma_start3A_715 = arith.constant 0 : i32
    %dma_start3A_716 = tpu.memref_slice %arg3[%multiple_of3A_711, %dma_start3A_715] : memref<1000000x16xf32, #tpu.memory_space<hbm>> -> memref<8x16xf32, #tpu.memory_space<hbm>>
    %dma_start3A_717 = arith.constant 184 : i32
    %dma_start3A_718 = arith.constant 0 : i32
    %dma_start3A_719 = tpu.memref_slice %arg9[%dma_start3A_717, %dma_start3A_718] : memref<256x16xf32, #tpu.memory_space<vmem>> -> memref<8x16xf32, #tpu.memory_space<vmem>>
    %dma_start3A_720 = arith.constant 0 : i32
    %dma_start3A_721 = tpu.memref_slice %arg3[%multiple_of3A_711, %dma_start3A_720] : memref<1000000x16xf32, #tpu.memory_space<hbm>> -> memref<8x16xf32, #tpu.memory_space<hbm>>
    tpu.enqueue_dma source(%dma_start3A_721 : memref<8x16xf32, #tpu.memory_space<hbm>>) target(%dma_start3A_719 : memref<8x16xf32, #tpu.memory_space<vmem>>) target_semaphore(%arg13 : memref<!tpu.dma_semaphore, #tpu.memory_space<semaphore_mem>>)
    %multiple_of3A_722 = tpu.assume_multiple %and3A_710, 8 : i32
    %dma_start3A_723 = arith.constant 184 : i32
    %dma_start3A_724 = arith.constant 0 : i32
    %dma_start3A_725 = tpu.memref_slice %arg10[%dma_start3A_723, %dma_start3A_724] : memref<256x16xf32, #tpu.memory_space<vmem>> -> memref<8x16xf32, #tpu.memory_space<vmem>>
    %dma_start3A_726 = arith.constant 0 : i32
    %dma_start3A_727 = tpu.memref_slice %arg2[%multiple_of3A_722, %dma_start3A_726] : memref<1000000x16xf32, #tpu.memory_space<hbm>> -> memref<8x16xf32, #tpu.memory_space<hbm>>
    %dma_start3A_728 = arith.constant 184 : i32
    %dma_start3A_729 = arith.constant 0 : i32
    %dma_start3A_730 = tpu.memref_slice %arg10[%dma_start3A_728, %dma_start3A_729] : memref<256x16xf32, #tpu.memory_space<vmem>> -> memref<8x16xf32, #tpu.memory_space<vmem>>
    %dma_start3A_731 = arith.constant 0 : i32
    %dma_start3A_732 = tpu.memref_slice %arg2[%multiple_of3A_722, %dma_start3A_731] : memref<1000000x16xf32, #tpu.memory_space<hbm>> -> memref<8x16xf32, #tpu.memory_space<hbm>>
    tpu.enqueue_dma source(%dma_start3A_732 : memref<8x16xf32, #tpu.memory_space<hbm>>) target(%dma_start3A_730 : memref<8x16xf32, #tpu.memory_space<vmem>>) target_semaphore(%arg15 : memref<!tpu.dma_semaphore, #tpu.memory_space<semaphore_mem>>)
    %slice3A_733 = vector.extract_strided_slice %get3A_488 {offsets = [8], sizes = [1], strides = [1]} : vector<16xi32> to vector<1xi32>
    %squeeze3A_734 = vector.extract %slice3A_733[0] : i32 from vector<1xi32>
    %and3A_735 = arith.constant -8 : i32
    %and3A_736 = arith.andi %squeeze3A_734, %and3A_735 : i32
    %slice3A_737 = vector.extract_strided_slice %get3A_492 {offsets = [8], sizes = [1], strides = [1]} : vector<16xi32> to vector<1xi32>
    %squeeze3A_738 = vector.extract %slice3A_737[0] : i32 from vector<1xi32>
    %and3A_739 = arith.constant -8 : i32
    %and3A_740 = arith.andi %squeeze3A_738, %and3A_739 : i32
    %multiple_of3A_741 = tpu.assume_multiple %and3A_736, 8 : i32
    %dma_start3A_742 = arith.constant 192 : i32
    %dma_start3A_743 = arith.constant 0 : i32
    %dma_start3A_744 = tpu.memref_slice %arg9[%dma_start3A_742, %dma_start3A_743] : memref<256x16xf32, #tpu.memory_space<vmem>> -> memref<8x16xf32, #tpu.memory_space<vmem>>
    %dma_start3A_745 = arith.constant 0 : i32
    %dma_start3A_746 = tpu.memref_slice %arg3[%multiple_of3A_741, %dma_start3A_745] : memref<1000000x16xf32, #tpu.memory_space<hbm>> -> memref<8x16xf32, #tpu.memory_space<hbm>>
    %dma_start3A_747 = arith.constant 192 : i32
    %dma_start3A_748 = arith.constant 0 : i32
    %dma_start3A_749 = tpu.memref_slice %arg9[%dma_start3A_747, %dma_start3A_748] : memref<256x16xf32, #tpu.memory_space<vmem>> -> memref<8x16xf32, #tpu.memory_space<vmem>>
    %dma_start3A_750 = arith.constant 0 : i32
    %dma_start3A_751 = tpu.memref_slice %arg3[%multiple_of3A_741, %dma_start3A_750] : memref<1000000x16xf32, #tpu.memory_space<hbm>> -> memref<8x16xf32, #tpu.memory_space<hbm>>
    tpu.enqueue_dma source(%dma_start3A_751 : memref<8x16xf32, #tpu.memory_space<hbm>>) target(%dma_start3A_749 : memref<8x16xf32, #tpu.memory_space<vmem>>) target_semaphore(%arg13 : memref<!tpu.dma_semaphore, #tpu.memory_space<semaphore_mem>>)
    %multiple_of3A_752 = tpu.assume_multiple %and3A_740, 8 : i32
    %dma_start3A_753 = arith.constant 192 : i32
    %dma_start3A_754 = arith.constant 0 : i32
    %dma_start3A_755 = tpu.memref_slice %arg10[%dma_start3A_753, %dma_start3A_754] : memref<256x16xf32, #tpu.memory_space<vmem>> -> memref<8x16xf32, #tpu.memory_space<vmem>>
    %dma_start3A_756 = arith.constant 0 : i32
    %dma_start3A_757 = tpu.memref_slice %arg2[%multiple_of3A_752, %dma_start3A_756] : memref<1000000x16xf32, #tpu.memory_space<hbm>> -> memref<8x16xf32, #tpu.memory_space<hbm>>
    %dma_start3A_758 = arith.constant 192 : i32
    %dma_start3A_759 = arith.constant 0 : i32
    %dma_start3A_760 = tpu.memref_slice %arg10[%dma_start3A_758, %dma_start3A_759] : memref<256x16xf32, #tpu.memory_space<vmem>> -> memref<8x16xf32, #tpu.memory_space<vmem>>
    %dma_start3A_761 = arith.constant 0 : i32
    %dma_start3A_762 = tpu.memref_slice %arg2[%multiple_of3A_752, %dma_start3A_761] : memref<1000000x16xf32, #tpu.memory_space<hbm>> -> memref<8x16xf32, #tpu.memory_space<hbm>>
    tpu.enqueue_dma source(%dma_start3A_762 : memref<8x16xf32, #tpu.memory_space<hbm>>) target(%dma_start3A_760 : memref<8x16xf32, #tpu.memory_space<vmem>>) target_semaphore(%arg15 : memref<!tpu.dma_semaphore, #tpu.memory_space<semaphore_mem>>)
    %slice3A_763 = vector.extract_strided_slice %get3A_488 {offsets = [9], sizes = [1], strides = [1]} : vector<16xi32> to vector<1xi32>
    %squeeze3A_764 = vector.extract %slice3A_763[0] : i32 from vector<1xi32>
    %and3A_765 = arith.constant -8 : i32
    %and3A_766 = arith.andi %squeeze3A_764, %and3A_765 : i32
    %slice3A_767 = vector.extract_strided_slice %get3A_492 {offsets = [9], sizes = [1], strides = [1]} : vector<16xi32> to vector<1xi32>
    %squeeze3A_768 = vector.extract %slice3A_767[0] : i32 from vector<1xi32>
    %and3A_769 = arith.constant -8 : i32
    %and3A_770 = arith.andi %squeeze3A_768, %and3A_769 : i32
    %multiple_of3A_771 = tpu.assume_multiple %and3A_766, 8 : i32
    %dma_start3A_772 = arith.constant 200 : i32
    %dma_start3A_773 = arith.constant 0 : i32
    %dma_start3A_774 = tpu.memref_slice %arg9[%dma_start3A_772, %dma_start3A_773] : memref<256x16xf32, #tpu.memory_space<vmem>> -> memref<8x16xf32, #tpu.memory_space<vmem>>
    %dma_start3A_775 = arith.constant 0 : i32
    %dma_start3A_776 = tpu.memref_slice %arg3[%multiple_of3A_771, %dma_start3A_775] : memref<1000000x16xf32, #tpu.memory_space<hbm>> -> memref<8x16xf32, #tpu.memory_space<hbm>>
    %dma_start3A_777 = arith.constant 200 : i32
    %dma_start3A_778 = arith.constant 0 : i32
    %dma_start3A_779 = tpu.memref_slice %arg9[%dma_start3A_777, %dma_start3A_778] : memref<256x16xf32, #tpu.memory_space<vmem>> -> memref<8x16xf32, #tpu.memory_space<vmem>>
    %dma_start3A_780 = arith.constant 0 : i32
    %dma_start3A_781 = tpu.memref_slice %arg3[%multiple_of3A_771, %dma_start3A_780] : memref<1000000x16xf32, #tpu.memory_space<hbm>> -> memref<8x16xf32, #tpu.memory_space<hbm>>
    tpu.enqueue_dma source(%dma_start3A_781 : memref<8x16xf32, #tpu.memory_space<hbm>>) target(%dma_start3A_779 : memref<8x16xf32, #tpu.memory_space<vmem>>) target_semaphore(%arg13 : memref<!tpu.dma_semaphore, #tpu.memory_space<semaphore_mem>>)
    %multiple_of3A_782 = tpu.assume_multiple %and3A_770, 8 : i32
    %dma_start3A_783 = arith.constant 200 : i32
    %dma_start3A_784 = arith.constant 0 : i32
    %dma_start3A_785 = tpu.memref_slice %arg10[%dma_start3A_783, %dma_start3A_784] : memref<256x16xf32, #tpu.memory_space<vmem>> -> memref<8x16xf32, #tpu.memory_space<vmem>>
    %dma_start3A_786 = arith.constant 0 : i32
    %dma_start3A_787 = tpu.memref_slice %arg2[%multiple_of3A_782, %dma_start3A_786] : memref<1000000x16xf32, #tpu.memory_space<hbm>> -> memref<8x16xf32, #tpu.memory_space<hbm>>
    %dma_start3A_788 = arith.constant 200 : i32
    %dma_start3A_789 = arith.constant 0 : i32
    %dma_start3A_790 = tpu.memref_slice %arg10[%dma_start3A_788, %dma_start3A_789] : memref<256x16xf32, #tpu.memory_space<vmem>> -> memref<8x16xf32, #tpu.memory_space<vmem>>
    %dma_start3A_791 = arith.constant 0 : i32
    %dma_start3A_792 = tpu.memref_slice %arg2[%multiple_of3A_782, %dma_start3A_791] : memref<1000000x16xf32, #tpu.memory_space<hbm>> -> memref<8x16xf32, #tpu.memory_space<hbm>>
    tpu.enqueue_dma source(%dma_start3A_792 : memref<8x16xf32, #tpu.memory_space<hbm>>) target(%dma_start3A_790 : memref<8x16xf32, #tpu.memory_space<vmem>>) target_semaphore(%arg15 : memref<!tpu.dma_semaphore, #tpu.memory_space<semaphore_mem>>)
    %slice3A_793 = vector.extract_strided_slice %get3A_488 {offsets = [10], sizes = [1], strides = [1]} : vector<16xi32> to vector<1xi32>
    %squeeze3A_794 = vector.extract %slice3A_793[0] : i32 from vector<1xi32>
    %and3A_795 = arith.constant -8 : i32
    %and3A_796 = arith.andi %squeeze3A_794, %and3A_795 : i32
    %slice3A_797 = vector.extract_strided_slice %get3A_492 {offsets = [10], sizes = [1], strides = [1]} : vector<16xi32> to vector<1xi32>
    %squeeze3A_798 = vector.extract %slice3A_797[0] : i32 from vector<1xi32>
    %and3A_799 = arith.constant -8 : i32
    %and3A_800 = arith.andi %squeeze3A_798, %and3A_799 : i32
    %multiple_of3A_801 = tpu.assume_multiple %and3A_796, 8 : i32
    %dma_start3A_802 = arith.constant 208 : i32
    %dma_start3A_803 = arith.constant 0 : i32
    %dma_start3A_804 = tpu.memref_slice %arg9[%dma_start3A_802, %dma_start3A_803] : memref<256x16xf32, #tpu.memory_space<vmem>> -> memref<8x16xf32, #tpu.memory_space<vmem>>
    %dma_start3A_805 = arith.constant 0 : i32
    %dma_start3A_806 = tpu.memref_slice %arg3[%multiple_of3A_801, %dma_start3A_805] : memref<1000000x16xf32, #tpu.memory_space<hbm>> -> memref<8x16xf32, #tpu.memory_space<hbm>>
    %dma_start3A_807 = arith.constant 208 : i32
    %dma_start3A_808 = arith.constant 0 : i32
    %dma_start3A_809 = tpu.memref_slice %arg9[%dma_start3A_807, %dma_start3A_808] : memref<256x16xf32, #tpu.memory_space<vmem>> -> memref<8x16xf32, #tpu.memory_space<vmem>>
    %dma_start3A_810 = arith.constant 0 : i32
    %dma_start3A_811 = tpu.memref_slice %arg3[%multiple_of3A_801, %dma_start3A_810] : memref<1000000x16xf32, #tpu.memory_space<hbm>> -> memref<8x16xf32, #tpu.memory_space<hbm>>
    tpu.enqueue_dma source(%dma_start3A_811 : memref<8x16xf32, #tpu.memory_space<hbm>>) target(%dma_start3A_809 : memref<8x16xf32, #tpu.memory_space<vmem>>) target_semaphore(%arg13 : memref<!tpu.dma_semaphore, #tpu.memory_space<semaphore_mem>>)
    %multiple_of3A_812 = tpu.assume_multiple %and3A_800, 8 : i32
    %dma_start3A_813 = arith.constant 208 : i32
    %dma_start3A_814 = arith.constant 0 : i32
    %dma_start3A_815 = tpu.memref_slice %arg10[%dma_start3A_813, %dma_start3A_814] : memref<256x16xf32, #tpu.memory_space<vmem>> -> memref<8x16xf32, #tpu.memory_space<vmem>>
    %dma_start3A_816 = arith.constant 0 : i32
    %dma_start3A_817 = tpu.memref_slice %arg2[%multiple_of3A_812, %dma_start3A_816] : memref<1000000x16xf32, #tpu.memory_space<hbm>> -> memref<8x16xf32, #tpu.memory_space<hbm>>
    %dma_start3A_818 = arith.constant 208 : i32
    %dma_start3A_819 = arith.constant 0 : i32
    %dma_start3A_820 = tpu.memref_slice %arg10[%dma_start3A_818, %dma_start3A_819] : memref<256x16xf32, #tpu.memory_space<vmem>> -> memref<8x16xf32, #tpu.memory_space<vmem>>
    %dma_start3A_821 = arith.constant 0 : i32
    %dma_start3A_822 = tpu.memref_slice %arg2[%multiple_of3A_812, %dma_start3A_821] : memref<1000000x16xf32, #tpu.memory_space<hbm>> -> memref<8x16xf32, #tpu.memory_space<hbm>>
    tpu.enqueue_dma source(%dma_start3A_822 : memref<8x16xf32, #tpu.memory_space<hbm>>) target(%dma_start3A_820 : memref<8x16xf32, #tpu.memory_space<vmem>>) target_semaphore(%arg15 : memref<!tpu.dma_semaphore, #tpu.memory_space<semaphore_mem>>)
    %slice3A_823 = vector.extract_strided_slice %get3A_488 {offsets = [11], sizes = [1], strides = [1]} : vector<16xi32> to vector<1xi32>
    %squeeze3A_824 = vector.extract %slice3A_823[0] : i32 from vector<1xi32>
    %and3A_825 = arith.constant -8 : i32
    %and3A_826 = arith.andi %squeeze3A_824, %and3A_825 : i32
    %slice3A_827 = vector.extract_strided_slice %get3A_492 {offsets = [11], sizes = [1], strides = [1]} : vector<16xi32> to vector<1xi32>
    %squeeze3A_828 = vector.extract %slice3A_827[0] : i32 from vector<1xi32>
    %and3A_829 = arith.constant -8 : i32
    %and3A_830 = arith.andi %squeeze3A_828, %and3A_829 : i32
    %multiple_of3A_831 = tpu.assume_multiple %and3A_826, 8 : i32
    %dma_start3A_832 = arith.constant 216 : i32
    %dma_start3A_833 = arith.constant 0 : i32
    %dma_start3A_834 = tpu.memref_slice %arg9[%dma_start3A_832, %dma_start3A_833] : memref<256x16xf32, #tpu.memory_space<vmem>> -> memref<8x16xf32, #tpu.memory_space<vmem>>
    %dma_start3A_835 = arith.constant 0 : i32
    %dma_start3A_836 = tpu.memref_slice %arg3[%multiple_of3A_831, %dma_start3A_835] : memref<1000000x16xf32, #tpu.memory_space<hbm>> -> memref<8x16xf32, #tpu.memory_space<hbm>>
    %dma_start3A_837 = arith.constant 216 : i32
    %dma_start3A_838 = arith.constant 0 : i32
    %dma_start3A_839 = tpu.memref_slice %arg9[%dma_start3A_837, %dma_start3A_838] : memref<256x16xf32, #tpu.memory_space<vmem>> -> memref<8x16xf32, #tpu.memory_space<vmem>>
    %dma_start3A_840 = arith.constant 0 : i32
    %dma_start3A_841 = tpu.memref_slice %arg3[%multiple_of3A_831, %dma_start3A_840] : memref<1000000x16xf32, #tpu.memory_space<hbm>> -> memref<8x16xf32, #tpu.memory_space<hbm>>
    tpu.enqueue_dma source(%dma_start3A_841 : memref<8x16xf32, #tpu.memory_space<hbm>>) target(%dma_start3A_839 : memref<8x16xf32, #tpu.memory_space<vmem>>) target_semaphore(%arg13 : memref<!tpu.dma_semaphore, #tpu.memory_space<semaphore_mem>>)
    %multiple_of3A_842 = tpu.assume_multiple %and3A_830, 8 : i32
    %dma_start3A_843 = arith.constant 216 : i32
    %dma_start3A_844 = arith.constant 0 : i32
    %dma_start3A_845 = tpu.memref_slice %arg10[%dma_start3A_843, %dma_start3A_844] : memref<256x16xf32, #tpu.memory_space<vmem>> -> memref<8x16xf32, #tpu.memory_space<vmem>>
    %dma_start3A_846 = arith.constant 0 : i32
    %dma_start3A_847 = tpu.memref_slice %arg2[%multiple_of3A_842, %dma_start3A_846] : memref<1000000x16xf32, #tpu.memory_space<hbm>> -> memref<8x16xf32, #tpu.memory_space<hbm>>
    %dma_start3A_848 = arith.constant 216 : i32
    %dma_start3A_849 = arith.constant 0 : i32
    %dma_start3A_850 = tpu.memref_slice %arg10[%dma_start3A_848, %dma_start3A_849] : memref<256x16xf32, #tpu.memory_space<vmem>> -> memref<8x16xf32, #tpu.memory_space<vmem>>
    %dma_start3A_851 = arith.constant 0 : i32
    %dma_start3A_852 = tpu.memref_slice %arg2[%multiple_of3A_842, %dma_start3A_851] : memref<1000000x16xf32, #tpu.memory_space<hbm>> -> memref<8x16xf32, #tpu.memory_space<hbm>>
    tpu.enqueue_dma source(%dma_start3A_852 : memref<8x16xf32, #tpu.memory_space<hbm>>) target(%dma_start3A_850 : memref<8x16xf32, #tpu.memory_space<vmem>>) target_semaphore(%arg15 : memref<!tpu.dma_semaphore, #tpu.memory_space<semaphore_mem>>)
    %slice3A_853 = vector.extract_strided_slice %get3A_488 {offsets = [12], sizes = [1], strides = [1]} : vector<16xi32> to vector<1xi32>
    %squeeze3A_854 = vector.extract %slice3A_853[0] : i32 from vector<1xi32>
    %and3A_855 = arith.constant -8 : i32
    %and3A_856 = arith.andi %squeeze3A_854, %and3A_855 : i32
    %slice3A_857 = vector.extract_strided_slice %get3A_492 {offsets = [12], sizes = [1], strides = [1]} : vector<16xi32> to vector<1xi32>
    %squeeze3A_858 = vector.extract %slice3A_857[0] : i32 from vector<1xi32>
    %and3A_859 = arith.constant -8 : i32
    %and3A_860 = arith.andi %squeeze3A_858, %and3A_859 : i32
    %multiple_of3A_861 = tpu.assume_multiple %and3A_856, 8 : i32
    %dma_start3A_862 = arith.constant 224 : i32
    %dma_start3A_863 = arith.constant 0 : i32
    %dma_start3A_864 = tpu.memref_slice %arg9[%dma_start3A_862, %dma_start3A_863] : memref<256x16xf32, #tpu.memory_space<vmem>> -> memref<8x16xf32, #tpu.memory_space<vmem>>
    %dma_start3A_865 = arith.constant 0 : i32
    %dma_start3A_866 = tpu.memref_slice %arg3[%multiple_of3A_861, %dma_start3A_865] : memref<1000000x16xf32, #tpu.memory_space<hbm>> -> memref<8x16xf32, #tpu.memory_space<hbm>>
    %dma_start3A_867 = arith.constant 224 : i32
    %dma_start3A_868 = arith.constant 0 : i32
    %dma_start3A_869 = tpu.memref_slice %arg9[%dma_start3A_867, %dma_start3A_868] : memref<256x16xf32, #tpu.memory_space<vmem>> -> memref<8x16xf32, #tpu.memory_space<vmem>>
    %dma_start3A_870 = arith.constant 0 : i32
    %dma_start3A_871 = tpu.memref_slice %arg3[%multiple_of3A_861, %dma_start3A_870] : memref<1000000x16xf32, #tpu.memory_space<hbm>> -> memref<8x16xf32, #tpu.memory_space<hbm>>
    tpu.enqueue_dma source(%dma_start3A_871 : memref<8x16xf32, #tpu.memory_space<hbm>>) target(%dma_start3A_869 : memref<8x16xf32, #tpu.memory_space<vmem>>) target_semaphore(%arg13 : memref<!tpu.dma_semaphore, #tpu.memory_space<semaphore_mem>>)
    %multiple_of3A_872 = tpu.assume_multiple %and3A_860, 8 : i32
    %dma_start3A_873 = arith.constant 224 : i32
    %dma_start3A_874 = arith.constant 0 : i32
    %dma_start3A_875 = tpu.memref_slice %arg10[%dma_start3A_873, %dma_start3A_874] : memref<256x16xf32, #tpu.memory_space<vmem>> -> memref<8x16xf32, #tpu.memory_space<vmem>>
    %dma_start3A_876 = arith.constant 0 : i32
    %dma_start3A_877 = tpu.memref_slice %arg2[%multiple_of3A_872, %dma_start3A_876] : memref<1000000x16xf32, #tpu.memory_space<hbm>> -> memref<8x16xf32, #tpu.memory_space<hbm>>
    %dma_start3A_878 = arith.constant 224 : i32
    %dma_start3A_879 = arith.constant 0 : i32
    %dma_start3A_880 = tpu.memref_slice %arg10[%dma_start3A_878, %dma_start3A_879] : memref<256x16xf32, #tpu.memory_space<vmem>> -> memref<8x16xf32, #tpu.memory_space<vmem>>
    %dma_start3A_881 = arith.constant 0 : i32
    %dma_start3A_882 = tpu.memref_slice %arg2[%multiple_of3A_872, %dma_start3A_881] : memref<1000000x16xf32, #tpu.memory_space<hbm>> -> memref<8x16xf32, #tpu.memory_space<hbm>>
    tpu.enqueue_dma source(%dma_start3A_882 : memref<8x16xf32, #tpu.memory_space<hbm>>) target(%dma_start3A_880 : memref<8x16xf32, #tpu.memory_space<vmem>>) target_semaphore(%arg15 : memref<!tpu.dma_semaphore, #tpu.memory_space<semaphore_mem>>)
    %slice3A_883 = vector.extract_strided_slice %get3A_488 {offsets = [13], sizes = [1], strides = [1]} : vector<16xi32> to vector<1xi32>
    %squeeze3A_884 = vector.extract %slice3A_883[0] : i32 from vector<1xi32>
    %and3A_885 = arith.constant -8 : i32
    %and3A_886 = arith.andi %squeeze3A_884, %and3A_885 : i32
    %slice3A_887 = vector.extract_strided_slice %get3A_492 {offsets = [13], sizes = [1], strides = [1]} : vector<16xi32> to vector<1xi32>
    %squeeze3A_888 = vector.extract %slice3A_887[0] : i32 from vector<1xi32>
    %and3A_889 = arith.constant -8 : i32
    %and3A_890 = arith.andi %squeeze3A_888, %and3A_889 : i32
    %multiple_of3A_891 = tpu.assume_multiple %and3A_886, 8 : i32
    %dma_start3A_892 = arith.constant 232 : i32
    %dma_start3A_893 = arith.constant 0 : i32
    %dma_start3A_894 = tpu.memref_slice %arg9[%dma_start3A_892, %dma_start3A_893] : memref<256x16xf32, #tpu.memory_space<vmem>> -> memref<8x16xf32, #tpu.memory_space<vmem>>
    %dma_start3A_895 = arith.constant 0 : i32
    %dma_start3A_896 = tpu.memref_slice %arg3[%multiple_of3A_891, %dma_start3A_895] : memref<1000000x16xf32, #tpu.memory_space<hbm>> -> memref<8x16xf32, #tpu.memory_space<hbm>>
    %dma_start3A_897 = arith.constant 232 : i32
    %dma_start3A_898 = arith.constant 0 : i32
    %dma_start3A_899 = tpu.memref_slice %arg9[%dma_start3A_897, %dma_start3A_898] : memref<256x16xf32, #tpu.memory_space<vmem>> -> memref<8x16xf32, #tpu.memory_space<vmem>>
    %dma_start3A_900 = arith.constant 0 : i32
    %dma_start3A_901 = tpu.memref_slice %arg3[%multiple_of3A_891, %dma_start3A_900] : memref<1000000x16xf32, #tpu.memory_space<hbm>> -> memref<8x16xf32, #tpu.memory_space<hbm>>
    tpu.enqueue_dma source(%dma_start3A_901 : memref<8x16xf32, #tpu.memory_space<hbm>>) target(%dma_start3A_899 : memref<8x16xf32, #tpu.memory_space<vmem>>) target_semaphore(%arg13 : memref<!tpu.dma_semaphore, #tpu.memory_space<semaphore_mem>>)
    %multiple_of3A_902 = tpu.assume_multiple %and3A_890, 8 : i32
    %dma_start3A_903 = arith.constant 232 : i32
    %dma_start3A_904 = arith.constant 0 : i32
    %dma_start3A_905 = tpu.memref_slice %arg10[%dma_start3A_903, %dma_start3A_904] : memref<256x16xf32, #tpu.memory_space<vmem>> -> memref<8x16xf32, #tpu.memory_space<vmem>>
    %dma_start3A_906 = arith.constant 0 : i32
    %dma_start3A_907 = tpu.memref_slice %arg2[%multiple_of3A_902, %dma_start3A_906] : memref<1000000x16xf32, #tpu.memory_space<hbm>> -> memref<8x16xf32, #tpu.memory_space<hbm>>
    %dma_start3A_908 = arith.constant 232 : i32
    %dma_start3A_909 = arith.constant 0 : i32
    %dma_start3A_910 = tpu.memref_slice %arg10[%dma_start3A_908, %dma_start3A_909] : memref<256x16xf32, #tpu.memory_space<vmem>> -> memref<8x16xf32, #tpu.memory_space<vmem>>
    %dma_start3A_911 = arith.constant 0 : i32
    %dma_start3A_912 = tpu.memref_slice %arg2[%multiple_of3A_902, %dma_start3A_911] : memref<1000000x16xf32, #tpu.memory_space<hbm>> -> memref<8x16xf32, #tpu.memory_space<hbm>>
    tpu.enqueue_dma source(%dma_start3A_912 : memref<8x16xf32, #tpu.memory_space<hbm>>) target(%dma_start3A_910 : memref<8x16xf32, #tpu.memory_space<vmem>>) target_semaphore(%arg15 : memref<!tpu.dma_semaphore, #tpu.memory_space<semaphore_mem>>)
    %slice3A_913 = vector.extract_strided_slice %get3A_488 {offsets = [14], sizes = [1], strides = [1]} : vector<16xi32> to vector<1xi32>
    %squeeze3A_914 = vector.extract %slice3A_913[0] : i32 from vector<1xi32>
    %and3A_915 = arith.constant -8 : i32
    %and3A_916 = arith.andi %squeeze3A_914, %and3A_915 : i32
    %slice3A_917 = vector.extract_strided_slice %get3A_492 {offsets = [14], sizes = [1], strides = [1]} : vector<16xi32> to vector<1xi32>
    %squeeze3A_918 = vector.extract %slice3A_917[0] : i32 from vector<1xi32>
    %and3A_919 = arith.constant -8 : i32
    %and3A_920 = arith.andi %squeeze3A_918, %and3A_919 : i32
    %multiple_of3A_921 = tpu.assume_multiple %and3A_916, 8 : i32
    %dma_start3A_922 = arith.constant 240 : i32
    %dma_start3A_923 = arith.constant 0 : i32
    %dma_start3A_924 = tpu.memref_slice %arg9[%dma_start3A_922, %dma_start3A_923] : memref<256x16xf32, #tpu.memory_space<vmem>> -> memref<8x16xf32, #tpu.memory_space<vmem>>
    %dma_start3A_925 = arith.constant 0 : i32
    %dma_start3A_926 = tpu.memref_slice %arg3[%multiple_of3A_921, %dma_start3A_925] : memref<1000000x16xf32, #tpu.memory_space<hbm>> -> memref<8x16xf32, #tpu.memory_space<hbm>>
    %dma_start3A_927 = arith.constant 240 : i32
    %dma_start3A_928 = arith.constant 0 : i32
    %dma_start3A_929 = tpu.memref_slice %arg9[%dma_start3A_927, %dma_start3A_928] : memref<256x16xf32, #tpu.memory_space<vmem>> -> memref<8x16xf32, #tpu.memory_space<vmem>>
    %dma_start3A_930 = arith.constant 0 : i32
    %dma_start3A_931 = tpu.memref_slice %arg3[%multiple_of3A_921, %dma_start3A_930] : memref<1000000x16xf32, #tpu.memory_space<hbm>> -> memref<8x16xf32, #tpu.memory_space<hbm>>
    tpu.enqueue_dma source(%dma_start3A_931 : memref<8x16xf32, #tpu.memory_space<hbm>>) target(%dma_start3A_929 : memref<8x16xf32, #tpu.memory_space<vmem>>) target_semaphore(%arg13 : memref<!tpu.dma_semaphore, #tpu.memory_space<semaphore_mem>>)
    %multiple_of3A_932 = tpu.assume_multiple %and3A_920, 8 : i32
    %dma_start3A_933 = arith.constant 240 : i32
    %dma_start3A_934 = arith.constant 0 : i32
    %dma_start3A_935 = tpu.memref_slice %arg10[%dma_start3A_933, %dma_start3A_934] : memref<256x16xf32, #tpu.memory_space<vmem>> -> memref<8x16xf32, #tpu.memory_space<vmem>>
    %dma_start3A_936 = arith.constant 0 : i32
    %dma_start3A_937 = tpu.memref_slice %arg2[%multiple_of3A_932, %dma_start3A_936] : memref<1000000x16xf32, #tpu.memory_space<hbm>> -> memref<8x16xf32, #tpu.memory_space<hbm>>
    %dma_start3A_938 = arith.constant 240 : i32
    %dma_start3A_939 = arith.constant 0 : i32
    %dma_start3A_940 = tpu.memref_slice %arg10[%dma_start3A_938, %dma_start3A_939] : memref<256x16xf32, #tpu.memory_space<vmem>> -> memref<8x16xf32, #tpu.memory_space<vmem>>
    %dma_start3A_941 = arith.constant 0 : i32
    %dma_start3A_942 = tpu.memref_slice %arg2[%multiple_of3A_932, %dma_start3A_941] : memref<1000000x16xf32, #tpu.memory_space<hbm>> -> memref<8x16xf32, #tpu.memory_space<hbm>>
    tpu.enqueue_dma source(%dma_start3A_942 : memref<8x16xf32, #tpu.memory_space<hbm>>) target(%dma_start3A_940 : memref<8x16xf32, #tpu.memory_space<vmem>>) target_semaphore(%arg15 : memref<!tpu.dma_semaphore, #tpu.memory_space<semaphore_mem>>)
    %slice3A_943 = vector.extract_strided_slice %get3A_488 {offsets = [15], sizes = [1], strides = [1]} : vector<16xi32> to vector<1xi32>
    %squeeze3A_944 = vector.extract %slice3A_943[0] : i32 from vector<1xi32>
    %and3A_945 = arith.constant -8 : i32
    %and3A_946 = arith.andi %squeeze3A_944, %and3A_945 : i32
    %slice3A_947 = vector.extract_strided_slice %get3A_492 {offsets = [15], sizes = [1], strides = [1]} : vector<16xi32> to vector<1xi32>
    %squeeze3A_948 = vector.extract %slice3A_947[0] : i32 from vector<1xi32>
    %and3A_949 = arith.constant -8 : i32
    %and3A_950 = arith.andi %squeeze3A_948, %and3A_949 : i32
    %multiple_of3A_951 = tpu.assume_multiple %and3A_946, 8 : i32
    %dma_start3A_952 = arith.constant 248 : i32
    %dma_start3A_953 = arith.constant 0 : i32
    %dma_start3A_954 = tpu.memref_slice %arg9[%dma_start3A_952, %dma_start3A_953] : memref<256x16xf32, #tpu.memory_space<vmem>> -> memref<8x16xf32, #tpu.memory_space<vmem>>
    %dma_start3A_955 = arith.constant 0 : i32
    %dma_start3A_956 = tpu.memref_slice %arg3[%multiple_of3A_951, %dma_start3A_955] : memref<1000000x16xf32, #tpu.memory_space<hbm>> -> memref<8x16xf32, #tpu.memory_space<hbm>>
    %dma_start3A_957 = arith.constant 248 : i32
    %dma_start3A_958 = arith.constant 0 : i32
    %dma_start3A_959 = tpu.memref_slice %arg9[%dma_start3A_957, %dma_start3A_958] : memref<256x16xf32, #tpu.memory_space<vmem>> -> memref<8x16xf32, #tpu.memory_space<vmem>>
    %dma_start3A_960 = arith.constant 0 : i32
    %dma_start3A_961 = tpu.memref_slice %arg3[%multiple_of3A_951, %dma_start3A_960] : memref<1000000x16xf32, #tpu.memory_space<hbm>> -> memref<8x16xf32, #tpu.memory_space<hbm>>
    tpu.enqueue_dma source(%dma_start3A_961 : memref<8x16xf32, #tpu.memory_space<hbm>>) target(%dma_start3A_959 : memref<8x16xf32, #tpu.memory_space<vmem>>) target_semaphore(%arg13 : memref<!tpu.dma_semaphore, #tpu.memory_space<semaphore_mem>>)
    %multiple_of3A_962 = tpu.assume_multiple %and3A_950, 8 : i32
    %dma_start3A_963 = arith.constant 248 : i32
    %dma_start3A_964 = arith.constant 0 : i32
    %dma_start3A_965 = tpu.memref_slice %arg10[%dma_start3A_963, %dma_start3A_964] : memref<256x16xf32, #tpu.memory_space<vmem>> -> memref<8x16xf32, #tpu.memory_space<vmem>>
    %dma_start3A_966 = arith.constant 0 : i32
    %dma_start3A_967 = tpu.memref_slice %arg2[%multiple_of3A_962, %dma_start3A_966] : memref<1000000x16xf32, #tpu.memory_space<hbm>> -> memref<8x16xf32, #tpu.memory_space<hbm>>
    %dma_start3A_968 = arith.constant 248 : i32
    %dma_start3A_969 = arith.constant 0 : i32
    %dma_start3A_970 = tpu.memref_slice %arg10[%dma_start3A_968, %dma_start3A_969] : memref<256x16xf32, #tpu.memory_space<vmem>> -> memref<8x16xf32, #tpu.memory_space<vmem>>
    %dma_start3A_971 = arith.constant 0 : i32
    %dma_start3A_972 = tpu.memref_slice %arg2[%multiple_of3A_962, %dma_start3A_971] : memref<1000000x16xf32, #tpu.memory_space<hbm>> -> memref<8x16xf32, #tpu.memory_space<hbm>>
    tpu.enqueue_dma source(%dma_start3A_972 : memref<8x16xf32, #tpu.memory_space<hbm>>) target(%dma_start3A_970 : memref<8x16xf32, #tpu.memory_space<vmem>>) target_semaphore(%arg15 : memref<!tpu.dma_semaphore, #tpu.memory_space<semaphore_mem>>)
    %scan3A = arith.constant 0 : i32
    %scan3A_973 = arith.constant 0 : i32
    %scan3A_974 = arith.constant 16 : i32
    %scan3A_975 = arith.addi %scan3A_973, %scan3A_974 : i32
    %scan3A_976 = arith.constant 1 : i32
    scf.for %scan3A_978 = %scan3A_973 to %scan3A_975 step %scan3A_976  : i32 {
      %mul3A_979 = arith.constant 2 : i32
      %mul3A_980 = arith.muli %mul3A_979, %scan3A_978 : i32
      %dma_wait3A = arith.constant 0 : i32
      %dma_wait3A_981 = arith.constant 0 : i32
      %dma_wait3A_982 = tpu.memref_slice %arg9[%dma_wait3A, %dma_wait3A_981] : memref<256x16xf32, #tpu.memory_space<vmem>> -> memref<8x16xf32, #tpu.memory_space<vmem>>
      %dma_wait3A_983 = arith.constant 0 : i32
      %dma_wait3A_984 = arith.constant 0 : i32
      %dma_wait3A_985 = tpu.memref_slice %arg3[%dma_wait3A_983, %dma_wait3A_984] : memref<1000000x16xf32, #tpu.memory_space<hbm>> -> memref<8x16xf32, #tpu.memory_space<hbm>>
      %dma_wait3A_986 = arith.constant 0 : i32
      %dma_wait3A_987 = arith.constant 0 : i32
      %dma_wait3A_988 = tpu.memref_slice %arg9[%dma_wait3A_986, %dma_wait3A_987] : memref<256x16xf32, #tpu.memory_space<vmem>> -> memref<8x16xf32, #tpu.memory_space<vmem>>
      %dma_wait3A_989 = arith.constant 0 : i32
      %dma_wait3A_990 = arith.constant 0 : i32
      %dma_wait3A_991 = tpu.memref_slice %arg3[%dma_wait3A_989, %dma_wait3A_990] : memref<1000000x16xf32, #tpu.memory_space<hbm>> -> memref<8x16xf32, #tpu.memory_space<hbm>>
      tpu.wait_dma2 semaphore(%arg12 : memref<!tpu.dma_semaphore, #tpu.memory_space<semaphore_mem>>) src(%dma_wait3A_991 : memref<8x16xf32, #tpu.memory_space<hbm>>) dst(%dma_wait3A_988 : memref<8x16xf32, #tpu.memory_space<vmem>>)
      %dma_wait3A_992 = arith.constant 0 : i32
      %dma_wait3A_993 = arith.constant 0 : i32
      %dma_wait3A_994 = tpu.memref_slice %arg10[%dma_wait3A_992, %dma_wait3A_993] : memref<256x16xf32, #tpu.memory_space<vmem>> -> memref<8x16xf32, #tpu.memory_space<vmem>>
      %dma_wait3A_995 = arith.constant 0 : i32
      %dma_wait3A_996 = arith.constant 0 : i32
      %dma_wait3A_997 = tpu.memref_slice %arg2[%dma_wait3A_995, %dma_wait3A_996] : memref<1000000x16xf32, #tpu.memory_space<hbm>> -> memref<8x16xf32, #tpu.memory_space<hbm>>
      %dma_wait3A_998 = arith.constant 0 : i32
      %dma_wait3A_999 = arith.constant 0 : i32
      %dma_wait3A_1000 = tpu.memref_slice %arg10[%dma_wait3A_998, %dma_wait3A_999] : memref<256x16xf32, #tpu.memory_space<vmem>> -> memref<8x16xf32, #tpu.memory_space<vmem>>
      %dma_wait3A_1001 = arith.constant 0 : i32
      %dma_wait3A_1002 = arith.constant 0 : i32
      %dma_wait3A_1003 = tpu.memref_slice %arg2[%dma_wait3A_1001, %dma_wait3A_1002] : memref<1000000x16xf32, #tpu.memory_space<hbm>> -> memref<8x16xf32, #tpu.memory_space<hbm>>
      tpu.wait_dma2 semaphore(%arg14 : memref<!tpu.dma_semaphore, #tpu.memory_space<semaphore_mem>>) src(%dma_wait3A_1003 : memref<8x16xf32, #tpu.memory_space<hbm>>) dst(%dma_wait3A_1000 : memref<8x16xf32, #tpu.memory_space<vmem>>)
      %dma_wait3A_1004 = arith.constant 8 : i32
      %dma_wait3A_1005 = arith.constant 0 : i32
      %dma_wait3A_1006 = tpu.memref_slice %arg9[%dma_wait3A_1004, %dma_wait3A_1005] : memref<256x16xf32, #tpu.memory_space<vmem>> -> memref<8x16xf32, #tpu.memory_space<vmem>>
      %dma_wait3A_1007 = arith.constant 0 : i32
      %dma_wait3A_1008 = arith.constant 0 : i32
      %dma_wait3A_1009 = tpu.memref_slice %arg3[%dma_wait3A_1007, %dma_wait3A_1008] : memref<1000000x16xf32, #tpu.memory_space<hbm>> -> memref<8x16xf32, #tpu.memory_space<hbm>>
      %dma_wait3A_1010 = arith.constant 8 : i32
      %dma_wait3A_1011 = arith.constant 0 : i32
      %dma_wait3A_1012 = tpu.memref_slice %arg9[%dma_wait3A_1010, %dma_wait3A_1011] : memref<256x16xf32, #tpu.memory_space<vmem>> -> memref<8x16xf32, #tpu.memory_space<vmem>>
      %dma_wait3A_1013 = arith.constant 0 : i32
      %dma_wait3A_1014 = arith.constant 0 : i32
      %dma_wait3A_1015 = tpu.memref_slice %arg3[%dma_wait3A_1013, %dma_wait3A_1014] : memref<1000000x16xf32, #tpu.memory_space<hbm>> -> memref<8x16xf32, #tpu.memory_space<hbm>>
      tpu.wait_dma2 semaphore(%arg12 : memref<!tpu.dma_semaphore, #tpu.memory_space<semaphore_mem>>) src(%dma_wait3A_1015 : memref<8x16xf32, #tpu.memory_space<hbm>>) dst(%dma_wait3A_1012 : memref<8x16xf32, #tpu.memory_space<vmem>>)
      %dma_wait3A_1016 = arith.constant 8 : i32
      %dma_wait3A_1017 = arith.constant 0 : i32
      %dma_wait3A_1018 = tpu.memref_slice %arg10[%dma_wait3A_1016, %dma_wait3A_1017] : memref<256x16xf32, #tpu.memory_space<vmem>> -> memref<8x16xf32, #tpu.memory_space<vmem>>
      %dma_wait3A_1019 = arith.constant 0 : i32
      %dma_wait3A_1020 = arith.constant 0 : i32
      %dma_wait3A_1021 = tpu.memref_slice %arg2[%dma_wait3A_1019, %dma_wait3A_1020] : memref<1000000x16xf32, #tpu.memory_space<hbm>> -> memref<8x16xf32, #tpu.memory_space<hbm>>
      %dma_wait3A_1022 = arith.constant 8 : i32
      %dma_wait3A_1023 = arith.constant 0 : i32
      %dma_wait3A_1024 = tpu.memref_slice %arg10[%dma_wait3A_1022, %dma_wait3A_1023] : memref<256x16xf32, #tpu.memory_space<vmem>> -> memref<8x16xf32, #tpu.memory_space<vmem>>
      %dma_wait3A_1025 = arith.constant 0 : i32
      %dma_wait3A_1026 = arith.constant 0 : i32
      %dma_wait3A_1027 = tpu.memref_slice %arg2[%dma_wait3A_1025, %dma_wait3A_1026] : memref<1000000x16xf32, #tpu.memory_space<hbm>> -> memref<8x16xf32, #tpu.memory_space<hbm>>
      tpu.wait_dma2 semaphore(%arg14 : memref<!tpu.dma_semaphore, #tpu.memory_space<semaphore_mem>>) src(%dma_wait3A_1027 : memref<8x16xf32, #tpu.memory_space<hbm>>) dst(%dma_wait3A_1024 : memref<8x16xf32, #tpu.memory_space<vmem>>)
      %dma_wait3A_1028 = arith.constant 16 : i32
      %dma_wait3A_1029 = arith.constant 0 : i32
      %dma_wait3A_1030 = tpu.memref_slice %arg9[%dma_wait3A_1028, %dma_wait3A_1029] : memref<256x16xf32, #tpu.memory_space<vmem>> -> memref<8x16xf32, #tpu.memory_space<vmem>>
      %dma_wait3A_1031 = arith.constant 0 : i32
      %dma_wait3A_1032 = arith.constant 0 : i32
      %dma_wait3A_1033 = tpu.memref_slice %arg3[%dma_wait3A_1031, %dma_wait3A_1032] : memref<1000000x16xf32, #tpu.memory_space<hbm>> -> memref<8x16xf32, #tpu.memory_space<hbm>>
      %dma_wait3A_1034 = arith.constant 16 : i32
      %dma_wait3A_1035 = arith.constant 0 : i32
      %dma_wait3A_1036 = tpu.memref_slice %arg9[%dma_wait3A_1034, %dma_wait3A_1035] : memref<256x16xf32, #tpu.memory_space<vmem>> -> memref<8x16xf32, #tpu.memory_space<vmem>>
      %dma_wait3A_1037 = arith.constant 0 : i32
      %dma_wait3A_1038 = arith.constant 0 : i32
      %dma_wait3A_1039 = tpu.memref_slice %arg3[%dma_wait3A_1037, %dma_wait3A_1038] : memref<1000000x16xf32, #tpu.memory_space<hbm>> -> memref<8x16xf32, #tpu.memory_space<hbm>>
      tpu.wait_dma2 semaphore(%arg12 : memref<!tpu.dma_semaphore, #tpu.memory_space<semaphore_mem>>) src(%dma_wait3A_1039 : memref<8x16xf32, #tpu.memory_space<hbm>>) dst(%dma_wait3A_1036 : memref<8x16xf32, #tpu.memory_space<vmem>>)
      %dma_wait3A_1040 = arith.constant 16 : i32
      %dma_wait3A_1041 = arith.constant 0 : i32
      %dma_wait3A_1042 = tpu.memref_slice %arg10[%dma_wait3A_1040, %dma_wait3A_1041] : memref<256x16xf32, #tpu.memory_space<vmem>> -> memref<8x16xf32, #tpu.memory_space<vmem>>
      %dma_wait3A_1043 = arith.constant 0 : i32
      %dma_wait3A_1044 = arith.constant 0 : i32
      %dma_wait3A_1045 = tpu.memref_slice %arg2[%dma_wait3A_1043, %dma_wait3A_1044] : memref<1000000x16xf32, #tpu.memory_space<hbm>> -> memref<8x16xf32, #tpu.memory_space<hbm>>
      %dma_wait3A_1046 = arith.constant 16 : i32
      %dma_wait3A_1047 = arith.constant 0 : i32
      %dma_wait3A_1048 = tpu.memref_slice %arg10[%dma_wait3A_1046, %dma_wait3A_1047] : memref<256x16xf32, #tpu.memory_space<vmem>> -> memref<8x16xf32, #tpu.memory_space<vmem>>
      %dma_wait3A_1049 = arith.constant 0 : i32
      %dma_wait3A_1050 = arith.constant 0 : i32
      %dma_wait3A_1051 = tpu.memref_slice %arg2[%dma_wait3A_1049, %dma_wait3A_1050] : memref<1000000x16xf32, #tpu.memory_space<hbm>> -> memref<8x16xf32, #tpu.memory_space<hbm>>
      tpu.wait_dma2 semaphore(%arg14 : memref<!tpu.dma_semaphore, #tpu.memory_space<semaphore_mem>>) src(%dma_wait3A_1051 : memref<8x16xf32, #tpu.memory_space<hbm>>) dst(%dma_wait3A_1048 : memref<8x16xf32, #tpu.memory_space<vmem>>)
      %dma_wait3A_1052 = arith.constant 24 : i32
      %dma_wait3A_1053 = arith.constant 0 : i32
      %dma_wait3A_1054 = tpu.memref_slice %arg9[%dma_wait3A_1052, %dma_wait3A_1053] : memref<256x16xf32, #tpu.memory_space<vmem>> -> memref<8x16xf32, #tpu.memory_space<vmem>>
      %dma_wait3A_1055 = arith.constant 0 : i32
      %dma_wait3A_1056 = arith.constant 0 : i32
      %dma_wait3A_1057 = tpu.memref_slice %arg3[%dma_wait3A_1055, %dma_wait3A_1056] : memref<1000000x16xf32, #tpu.memory_space<hbm>> -> memref<8x16xf32, #tpu.memory_space<hbm>>
      %dma_wait3A_1058 = arith.constant 24 : i32
      %dma_wait3A_1059 = arith.constant 0 : i32
      %dma_wait3A_1060 = tpu.memref_slice %arg9[%dma_wait3A_1058, %dma_wait3A_1059] : memref<256x16xf32, #tpu.memory_space<vmem>> -> memref<8x16xf32, #tpu.memory_space<vmem>>
      %dma_wait3A_1061 = arith.constant 0 : i32
      %dma_wait3A_1062 = arith.constant 0 : i32
      %dma_wait3A_1063 = tpu.memref_slice %arg3[%dma_wait3A_1061, %dma_wait3A_1062] : memref<1000000x16xf32, #tpu.memory_space<hbm>> -> memref<8x16xf32, #tpu.memory_space<hbm>>
      tpu.wait_dma2 semaphore(%arg12 : memref<!tpu.dma_semaphore, #tpu.memory_space<semaphore_mem>>) src(%dma_wait3A_1063 : memref<8x16xf32, #tpu.memory_space<hbm>>) dst(%dma_wait3A_1060 : memref<8x16xf32, #tpu.memory_space<vmem>>)
      %dma_wait3A_1064 = arith.constant 24 : i32
      %dma_wait3A_1065 = arith.constant 0 : i32
      %dma_wait3A_1066 = tpu.memref_slice %arg10[%dma_wait3A_1064, %dma_wait3A_1065] : memref<256x16xf32, #tpu.memory_space<vmem>> -> memref<8x16xf32, #tpu.memory_space<vmem>>
      %dma_wait3A_1067 = arith.constant 0 : i32
      %dma_wait3A_1068 = arith.constant 0 : i32
      %dma_wait3A_1069 = tpu.memref_slice %arg2[%dma_wait3A_1067, %dma_wait3A_1068] : memref<1000000x16xf32, #tpu.memory_space<hbm>> -> memref<8x16xf32, #tpu.memory_space<hbm>>
      %dma_wait3A_1070 = arith.constant 24 : i32
      %dma_wait3A_1071 = arith.constant 0 : i32
      %dma_wait3A_1072 = tpu.memref_slice %arg10[%dma_wait3A_1070, %dma_wait3A_1071] : memref<256x16xf32, #tpu.memory_space<vmem>> -> memref<8x16xf32, #tpu.memory_space<vmem>>
      %dma_wait3A_1073 = arith.constant 0 : i32
      %dma_wait3A_1074 = arith.constant 0 : i32
      %dma_wait3A_1075 = tpu.memref_slice %arg2[%dma_wait3A_1073, %dma_wait3A_1074] : memref<1000000x16xf32, #tpu.memory_space<hbm>> -> memref<8x16xf32, #tpu.memory_space<hbm>>
      tpu.wait_dma2 semaphore(%arg14 : memref<!tpu.dma_semaphore, #tpu.memory_space<semaphore_mem>>) src(%dma_wait3A_1075 : memref<8x16xf32, #tpu.memory_space<hbm>>) dst(%dma_wait3A_1072 : memref<8x16xf32, #tpu.memory_space<vmem>>)
      %dma_wait3A_1076 = arith.constant 32 : i32
      %dma_wait3A_1077 = arith.constant 0 : i32
      %dma_wait3A_1078 = tpu.memref_slice %arg9[%dma_wait3A_1076, %dma_wait3A_1077] : memref<256x16xf32, #tpu.memory_space<vmem>> -> memref<8x16xf32, #tpu.memory_space<vmem>>
      %dma_wait3A_1079 = arith.constant 0 : i32
      %dma_wait3A_1080 = arith.constant 0 : i32
      %dma_wait3A_1081 = tpu.memref_slice %arg3[%dma_wait3A_1079, %dma_wait3A_1080] : memref<1000000x16xf32, #tpu.memory_space<hbm>> -> memref<8x16xf32, #tpu.memory_space<hbm>>
      %dma_wait3A_1082 = arith.constant 32 : i32
      %dma_wait3A_1083 = arith.constant 0 : i32
      %dma_wait3A_1084 = tpu.memref_slice %arg9[%dma_wait3A_1082, %dma_wait3A_1083] : memref<256x16xf32, #tpu.memory_space<vmem>> -> memref<8x16xf32, #tpu.memory_space<vmem>>
      %dma_wait3A_1085 = arith.constant 0 : i32
      %dma_wait3A_1086 = arith.constant 0 : i32
      %dma_wait3A_1087 = tpu.memref_slice %arg3[%dma_wait3A_1085, %dma_wait3A_1086] : memref<1000000x16xf32, #tpu.memory_space<hbm>> -> memref<8x16xf32, #tpu.memory_space<hbm>>
      tpu.wait_dma2 semaphore(%arg12 : memref<!tpu.dma_semaphore, #tpu.memory_space<semaphore_mem>>) src(%dma_wait3A_1087 : memref<8x16xf32, #tpu.memory_space<hbm>>) dst(%dma_wait3A_1084 : memref<8x16xf32, #tpu.memory_space<vmem>>)
      %dma_wait3A_1088 = arith.constant 32 : i32
      %dma_wait3A_1089 = arith.constant 0 : i32
      %dma_wait3A_1090 = tpu.memref_slice %arg10[%dma_wait3A_1088, %dma_wait3A_1089] : memref<256x16xf32, #tpu.memory_space<vmem>> -> memref<8x16xf32, #tpu.memory_space<vmem>>
      %dma_wait3A_1091 = arith.constant 0 : i32
      %dma_wait3A_1092 = arith.constant 0 : i32
      %dma_wait3A_1093 = tpu.memref_slice %arg2[%dma_wait3A_1091, %dma_wait3A_1092] : memref<1000000x16xf32, #tpu.memory_space<hbm>> -> memref<8x16xf32, #tpu.memory_space<hbm>>
      %dma_wait3A_1094 = arith.constant 32 : i32
      %dma_wait3A_1095 = arith.constant 0 : i32
      %dma_wait3A_1096 = tpu.memref_slice %arg10[%dma_wait3A_1094, %dma_wait3A_1095] : memref<256x16xf32, #tpu.memory_space<vmem>> -> memref<8x16xf32, #tpu.memory_space<vmem>>
      %dma_wait3A_1097 = arith.constant 0 : i32
      %dma_wait3A_1098 = arith.constant 0 : i32
      %dma_wait3A_1099 = tpu.memref_slice %arg2[%dma_wait3A_1097, %dma_wait3A_1098] : memref<1000000x16xf32, #tpu.memory_space<hbm>> -> memref<8x16xf32, #tpu.memory_space<hbm>>
      tpu.wait_dma2 semaphore(%arg14 : memref<!tpu.dma_semaphore, #tpu.memory_space<semaphore_mem>>) src(%dma_wait3A_1099 : memref<8x16xf32, #tpu.memory_space<hbm>>) dst(%dma_wait3A_1096 : memref<8x16xf32, #tpu.memory_space<vmem>>)
      %dma_wait3A_1100 = arith.constant 40 : i32
      %dma_wait3A_1101 = arith.constant 0 : i32
      %dma_wait3A_1102 = tpu.memref_slice %arg9[%dma_wait3A_1100, %dma_wait3A_1101] : memref<256x16xf32, #tpu.memory_space<vmem>> -> memref<8x16xf32, #tpu.memory_space<vmem>>
      %dma_wait3A_1103 = arith.constant 0 : i32
      %dma_wait3A_1104 = arith.constant 0 : i32
      %dma_wait3A_1105 = tpu.memref_slice %arg3[%dma_wait3A_1103, %dma_wait3A_1104] : memref<1000000x16xf32, #tpu.memory_space<hbm>> -> memref<8x16xf32, #tpu.memory_space<hbm>>
      %dma_wait3A_1106 = arith.constant 40 : i32
      %dma_wait3A_1107 = arith.constant 0 : i32
      %dma_wait3A_1108 = tpu.memref_slice %arg9[%dma_wait3A_1106, %dma_wait3A_1107] : memref<256x16xf32, #tpu.memory_space<vmem>> -> memref<8x16xf32, #tpu.memory_space<vmem>>
      %dma_wait3A_1109 = arith.constant 0 : i32
      %dma_wait3A_1110 = arith.constant 0 : i32
      %dma_wait3A_1111 = tpu.memref_slice %arg3[%dma_wait3A_1109, %dma_wait3A_1110] : memref<1000000x16xf32, #tpu.memory_space<hbm>> -> memref<8x16xf32, #tpu.memory_space<hbm>>
      tpu.wait_dma2 semaphore(%arg12 : memref<!tpu.dma_semaphore, #tpu.memory_space<semaphore_mem>>) src(%dma_wait3A_1111 : memref<8x16xf32, #tpu.memory_space<hbm>>) dst(%dma_wait3A_1108 : memref<8x16xf32, #tpu.memory_space<vmem>>)
      %dma_wait3A_1112 = arith.constant 40 : i32
      %dma_wait3A_1113 = arith.constant 0 : i32
      %dma_wait3A_1114 = tpu.memref_slice %arg10[%dma_wait3A_1112, %dma_wait3A_1113] : memref<256x16xf32, #tpu.memory_space<vmem>> -> memref<8x16xf32, #tpu.memory_space<vmem>>
      %dma_wait3A_1115 = arith.constant 0 : i32
      %dma_wait3A_1116 = arith.constant 0 : i32
      %dma_wait3A_1117 = tpu.memref_slice %arg2[%dma_wait3A_1115, %dma_wait3A_1116] : memref<1000000x16xf32, #tpu.memory_space<hbm>> -> memref<8x16xf32, #tpu.memory_space<hbm>>
      %dma_wait3A_1118 = arith.constant 40 : i32
      %dma_wait3A_1119 = arith.constant 0 : i32
      %dma_wait3A_1120 = tpu.memref_slice %arg10[%dma_wait3A_1118, %dma_wait3A_1119] : memref<256x16xf32, #tpu.memory_space<vmem>> -> memref<8x16xf32, #tpu.memory_space<vmem>>
      %dma_wait3A_1121 = arith.constant 0 : i32
      %dma_wait3A_1122 = arith.constant 0 : i32
      %dma_wait3A_1123 = tpu.memref_slice %arg2[%dma_wait3A_1121, %dma_wait3A_1122] : memref<1000000x16xf32, #tpu.memory_space<hbm>> -> memref<8x16xf32, #tpu.memory_space<hbm>>
      tpu.wait_dma2 semaphore(%arg14 : memref<!tpu.dma_semaphore, #tpu.memory_space<semaphore_mem>>) src(%dma_wait3A_1123 : memref<8x16xf32, #tpu.memory_space<hbm>>) dst(%dma_wait3A_1120 : memref<8x16xf32, #tpu.memory_space<vmem>>)
      %dma_wait3A_1124 = arith.constant 48 : i32
      %dma_wait3A_1125 = arith.constant 0 : i32
      %dma_wait3A_1126 = tpu.memref_slice %arg9[%dma_wait3A_1124, %dma_wait3A_1125] : memref<256x16xf32, #tpu.memory_space<vmem>> -> memref<8x16xf32, #tpu.memory_space<vmem>>
      %dma_wait3A_1127 = arith.constant 0 : i32
      %dma_wait3A_1128 = arith.constant 0 : i32
      %dma_wait3A_1129 = tpu.memref_slice %arg3[%dma_wait3A_1127, %dma_wait3A_1128] : memref<1000000x16xf32, #tpu.memory_space<hbm>> -> memref<8x16xf32, #tpu.memory_space<hbm>>
      %dma_wait3A_1130 = arith.constant 48 : i32
      %dma_wait3A_1131 = arith.constant 0 : i32
      %dma_wait3A_1132 = tpu.memref_slice %arg9[%dma_wait3A_1130, %dma_wait3A_1131] : memref<256x16xf32, #tpu.memory_space<vmem>> -> memref<8x16xf32, #tpu.memory_space<vmem>>
      %dma_wait3A_1133 = arith.constant 0 : i32
      %dma_wait3A_1134 = arith.constant 0 : i32
      %dma_wait3A_1135 = tpu.memref_slice %arg3[%dma_wait3A_1133, %dma_wait3A_1134] : memref<1000000x16xf32, #tpu.memory_space<hbm>> -> memref<8x16xf32, #tpu.memory_space<hbm>>
      tpu.wait_dma2 semaphore(%arg12 : memref<!tpu.dma_semaphore, #tpu.memory_space<semaphore_mem>>) src(%dma_wait3A_1135 : memref<8x16xf32, #tpu.memory_space<hbm>>) dst(%dma_wait3A_1132 : memref<8x16xf32, #tpu.memory_space<vmem>>)
      %dma_wait3A_1136 = arith.constant 48 : i32
      %dma_wait3A_1137 = arith.constant 0 : i32
      %dma_wait3A_1138 = tpu.memref_slice %arg10[%dma_wait3A_1136, %dma_wait3A_1137] : memref<256x16xf32, #tpu.memory_space<vmem>> -> memref<8x16xf32, #tpu.memory_space<vmem>>
      %dma_wait3A_1139 = arith.constant 0 : i32
      %dma_wait3A_1140 = arith.constant 0 : i32
      %dma_wait3A_1141 = tpu.memref_slice %arg2[%dma_wait3A_1139, %dma_wait3A_1140] : memref<1000000x16xf32, #tpu.memory_space<hbm>> -> memref<8x16xf32, #tpu.memory_space<hbm>>
      %dma_wait3A_1142 = arith.constant 48 : i32
      %dma_wait3A_1143 = arith.constant 0 : i32
      %dma_wait3A_1144 = tpu.memref_slice %arg10[%dma_wait3A_1142, %dma_wait3A_1143] : memref<256x16xf32, #tpu.memory_space<vmem>> -> memref<8x16xf32, #tpu.memory_space<vmem>>
      %dma_wait3A_1145 = arith.constant 0 : i32
      %dma_wait3A_1146 = arith.constant 0 : i32
      %dma_wait3A_1147 = tpu.memref_slice %arg2[%dma_wait3A_1145, %dma_wait3A_1146] : memref<1000000x16xf32, #tpu.memory_space<hbm>> -> memref<8x16xf32, #tpu.memory_space<hbm>>
      tpu.wait_dma2 semaphore(%arg14 : memref<!tpu.dma_semaphore, #tpu.memory_space<semaphore_mem>>) src(%dma_wait3A_1147 : memref<8x16xf32, #tpu.memory_space<hbm>>) dst(%dma_wait3A_1144 : memref<8x16xf32, #tpu.memory_space<vmem>>)
      %dma_wait3A_1148 = arith.constant 56 : i32
      %dma_wait3A_1149 = arith.constant 0 : i32
      %dma_wait3A_1150 = tpu.memref_slice %arg9[%dma_wait3A_1148, %dma_wait3A_1149] : memref<256x16xf32, #tpu.memory_space<vmem>> -> memref<8x16xf32, #tpu.memory_space<vmem>>
      %dma_wait3A_1151 = arith.constant 0 : i32
      %dma_wait3A_1152 = arith.constant 0 : i32
      %dma_wait3A_1153 = tpu.memref_slice %arg3[%dma_wait3A_1151, %dma_wait3A_1152] : memref<1000000x16xf32, #tpu.memory_space<hbm>> -> memref<8x16xf32, #tpu.memory_space<hbm>>
      %dma_wait3A_1154 = arith.constant 56 : i32
      %dma_wait3A_1155 = arith.constant 0 : i32
      %dma_wait3A_1156 = tpu.memref_slice %arg9[%dma_wait3A_1154, %dma_wait3A_1155] : memref<256x16xf32, #tpu.memory_space<vmem>> -> memref<8x16xf32, #tpu.memory_space<vmem>>
      %dma_wait3A_1157 = arith.constant 0 : i32
      %dma_wait3A_1158 = arith.constant 0 : i32
      %dma_wait3A_1159 = tpu.memref_slice %arg3[%dma_wait3A_1157, %dma_wait3A_1158] : memref<1000000x16xf32, #tpu.memory_space<hbm>> -> memref<8x16xf32, #tpu.memory_space<hbm>>
      tpu.wait_dma2 semaphore(%arg12 : memref<!tpu.dma_semaphore, #tpu.memory_space<semaphore_mem>>) src(%dma_wait3A_1159 : memref<8x16xf32, #tpu.memory_space<hbm>>) dst(%dma_wait3A_1156 : memref<8x16xf32, #tpu.memory_space<vmem>>)
      %dma_wait3A_1160 = arith.constant 56 : i32
      %dma_wait3A_1161 = arith.constant 0 : i32
      %dma_wait3A_1162 = tpu.memref_slice %arg10[%dma_wait3A_1160, %dma_wait3A_1161] : memref<256x16xf32, #tpu.memory_space<vmem>> -> memref<8x16xf32, #tpu.memory_space<vmem>>
      %dma_wait3A_1163 = arith.constant 0 : i32
      %dma_wait3A_1164 = arith.constant 0 : i32
      %dma_wait3A_1165 = tpu.memref_slice %arg2[%dma_wait3A_1163, %dma_wait3A_1164] : memref<1000000x16xf32, #tpu.memory_space<hbm>> -> memref<8x16xf32, #tpu.memory_space<hbm>>
      %dma_wait3A_1166 = arith.constant 56 : i32
      %dma_wait3A_1167 = arith.constant 0 : i32
      %dma_wait3A_1168 = tpu.memref_slice %arg10[%dma_wait3A_1166, %dma_wait3A_1167] : memref<256x16xf32, #tpu.memory_space<vmem>> -> memref<8x16xf32, #tpu.memory_space<vmem>>
      %dma_wait3A_1169 = arith.constant 0 : i32
      %dma_wait3A_1170 = arith.constant 0 : i32
      %dma_wait3A_1171 = tpu.memref_slice %arg2[%dma_wait3A_1169, %dma_wait3A_1170] : memref<1000000x16xf32, #tpu.memory_space<hbm>> -> memref<8x16xf32, #tpu.memory_space<hbm>>
      tpu.wait_dma2 semaphore(%arg14 : memref<!tpu.dma_semaphore, #tpu.memory_space<semaphore_mem>>) src(%dma_wait3A_1171 : memref<8x16xf32, #tpu.memory_space<hbm>>) dst(%dma_wait3A_1168 : memref<8x16xf32, #tpu.memory_space<vmem>>)
      %dma_wait3A_1172 = arith.constant 64 : i32
      %dma_wait3A_1173 = arith.constant 0 : i32
      %dma_wait3A_1174 = tpu.memref_slice %arg9[%dma_wait3A_1172, %dma_wait3A_1173] : memref<256x16xf32, #tpu.memory_space<vmem>> -> memref<8x16xf32, #tpu.memory_space<vmem>>
      %dma_wait3A_1175 = arith.constant 0 : i32
      %dma_wait3A_1176 = arith.constant 0 : i32
      %dma_wait3A_1177 = tpu.memref_slice %arg3[%dma_wait3A_1175, %dma_wait3A_1176] : memref<1000000x16xf32, #tpu.memory_space<hbm>> -> memref<8x16xf32, #tpu.memory_space<hbm>>
      %dma_wait3A_1178 = arith.constant 64 : i32
      %dma_wait3A_1179 = arith.constant 0 : i32
      %dma_wait3A_1180 = tpu.memref_slice %arg9[%dma_wait3A_1178, %dma_wait3A_1179] : memref<256x16xf32, #tpu.memory_space<vmem>> -> memref<8x16xf32, #tpu.memory_space<vmem>>
      %dma_wait3A_1181 = arith.constant 0 : i32
      %dma_wait3A_1182 = arith.constant 0 : i32
      %dma_wait3A_1183 = tpu.memref_slice %arg3[%dma_wait3A_1181, %dma_wait3A_1182] : memref<1000000x16xf32, #tpu.memory_space<hbm>> -> memref<8x16xf32, #tpu.memory_space<hbm>>
      tpu.wait_dma2 semaphore(%arg12 : memref<!tpu.dma_semaphore, #tpu.memory_space<semaphore_mem>>) src(%dma_wait3A_1183 : memref<8x16xf32, #tpu.memory_space<hbm>>) dst(%dma_wait3A_1180 : memref<8x16xf32, #tpu.memory_space<vmem>>)
      %dma_wait3A_1184 = arith.constant 64 : i32
      %dma_wait3A_1185 = arith.constant 0 : i32
      %dma_wait3A_1186 = tpu.memref_slice %arg10[%dma_wait3A_1184, %dma_wait3A_1185] : memref<256x16xf32, #tpu.memory_space<vmem>> -> memref<8x16xf32, #tpu.memory_space<vmem>>
      %dma_wait3A_1187 = arith.constant 0 : i32
      %dma_wait3A_1188 = arith.constant 0 : i32
      %dma_wait3A_1189 = tpu.memref_slice %arg2[%dma_wait3A_1187, %dma_wait3A_1188] : memref<1000000x16xf32, #tpu.memory_space<hbm>> -> memref<8x16xf32, #tpu.memory_space<hbm>>
      %dma_wait3A_1190 = arith.constant 64 : i32
      %dma_wait3A_1191 = arith.constant 0 : i32
      %dma_wait3A_1192 = tpu.memref_slice %arg10[%dma_wait3A_1190, %dma_wait3A_1191] : memref<256x16xf32, #tpu.memory_space<vmem>> -> memref<8x16xf32, #tpu.memory_space<vmem>>
      %dma_wait3A_1193 = arith.constant 0 : i32
      %dma_wait3A_1194 = arith.constant 0 : i32
      %dma_wait3A_1195 = tpu.memref_slice %arg2[%dma_wait3A_1193, %dma_wait3A_1194] : memref<1000000x16xf32, #tpu.memory_space<hbm>> -> memref<8x16xf32, #tpu.memory_space<hbm>>
      tpu.wait_dma2 semaphore(%arg14 : memref<!tpu.dma_semaphore, #tpu.memory_space<semaphore_mem>>) src(%dma_wait3A_1195 : memref<8x16xf32, #tpu.memory_space<hbm>>) dst(%dma_wait3A_1192 : memref<8x16xf32, #tpu.memory_space<vmem>>)
      %dma_wait3A_1196 = arith.constant 72 : i32
      %dma_wait3A_1197 = arith.constant 0 : i32
      %dma_wait3A_1198 = tpu.memref_slice %arg9[%dma_wait3A_1196, %dma_wait3A_1197] : memref<256x16xf32, #tpu.memory_space<vmem>> -> memref<8x16xf32, #tpu.memory_space<vmem>>
      %dma_wait3A_1199 = arith.constant 0 : i32
      %dma_wait3A_1200 = arith.constant 0 : i32
      %dma_wait3A_1201 = tpu.memref_slice %arg3[%dma_wait3A_1199, %dma_wait3A_1200] : memref<1000000x16xf32, #tpu.memory_space<hbm>> -> memref<8x16xf32, #tpu.memory_space<hbm>>
      %dma_wait3A_1202 = arith.constant 72 : i32
      %dma_wait3A_1203 = arith.constant 0 : i32
      %dma_wait3A_1204 = tpu.memref_slice %arg9[%dma_wait3A_1202, %dma_wait3A_1203] : memref<256x16xf32, #tpu.memory_space<vmem>> -> memref<8x16xf32, #tpu.memory_space<vmem>>
      %dma_wait3A_1205 = arith.constant 0 : i32
      %dma_wait3A_1206 = arith.constant 0 : i32
      %dma_wait3A_1207 = tpu.memref_slice %arg3[%dma_wait3A_1205, %dma_wait3A_1206] : memref<1000000x16xf32, #tpu.memory_space<hbm>> -> memref<8x16xf32, #tpu.memory_space<hbm>>
      tpu.wait_dma2 semaphore(%arg12 : memref<!tpu.dma_semaphore, #tpu.memory_space<semaphore_mem>>) src(%dma_wait3A_1207 : memref<8x16xf32, #tpu.memory_space<hbm>>) dst(%dma_wait3A_1204 : memref<8x16xf32, #tpu.memory_space<vmem>>)
      %dma_wait3A_1208 = arith.constant 72 : i32
      %dma_wait3A_1209 = arith.constant 0 : i32
      %dma_wait3A_1210 = tpu.memref_slice %arg10[%dma_wait3A_1208, %dma_wait3A_1209] : memref<256x16xf32, #tpu.memory_space<vmem>> -> memref<8x16xf32, #tpu.memory_space<vmem>>
      %dma_wait3A_1211 = arith.constant 0 : i32
      %dma_wait3A_1212 = arith.constant 0 : i32
      %dma_wait3A_1213 = tpu.memref_slice %arg2[%dma_wait3A_1211, %dma_wait3A_1212] : memref<1000000x16xf32, #tpu.memory_space<hbm>> -> memref<8x16xf32, #tpu.memory_space<hbm>>
      %dma_wait3A_1214 = arith.constant 72 : i32
      %dma_wait3A_1215 = arith.constant 0 : i32
      %dma_wait3A_1216 = tpu.memref_slice %arg10[%dma_wait3A_1214, %dma_wait3A_1215] : memref<256x16xf32, #tpu.memory_space<vmem>> -> memref<8x16xf32, #tpu.memory_space<vmem>>
      %dma_wait3A_1217 = arith.constant 0 : i32
      %dma_wait3A_1218 = arith.constant 0 : i32
      %dma_wait3A_1219 = tpu.memref_slice %arg2[%dma_wait3A_1217, %dma_wait3A_1218] : memref<1000000x16xf32, #tpu.memory_space<hbm>> -> memref<8x16xf32, #tpu.memory_space<hbm>>
      tpu.wait_dma2 semaphore(%arg14 : memref<!tpu.dma_semaphore, #tpu.memory_space<semaphore_mem>>) src(%dma_wait3A_1219 : memref<8x16xf32, #tpu.memory_space<hbm>>) dst(%dma_wait3A_1216 : memref<8x16xf32, #tpu.memory_space<vmem>>)
      %dma_wait3A_1220 = arith.constant 80 : i32
      %dma_wait3A_1221 = arith.constant 0 : i32
      %dma_wait3A_1222 = tpu.memref_slice %arg9[%dma_wait3A_1220, %dma_wait3A_1221] : memref<256x16xf32, #tpu.memory_space<vmem>> -> memref<8x16xf32, #tpu.memory_space<vmem>>
      %dma_wait3A_1223 = arith.constant 0 : i32
      %dma_wait3A_1224 = arith.constant 0 : i32
      %dma_wait3A_1225 = tpu.memref_slice %arg3[%dma_wait3A_1223, %dma_wait3A_1224] : memref<1000000x16xf32, #tpu.memory_space<hbm>> -> memref<8x16xf32, #tpu.memory_space<hbm>>
      %dma_wait3A_1226 = arith.constant 80 : i32
      %dma_wait3A_1227 = arith.constant 0 : i32
      %dma_wait3A_1228 = tpu.memref_slice %arg9[%dma_wait3A_1226, %dma_wait3A_1227] : memref<256x16xf32, #tpu.memory_space<vmem>> -> memref<8x16xf32, #tpu.memory_space<vmem>>
      %dma_wait3A_1229 = arith.constant 0 : i32
      %dma_wait3A_1230 = arith.constant 0 : i32
      %dma_wait3A_1231 = tpu.memref_slice %arg3[%dma_wait3A_1229, %dma_wait3A_1230] : memref<1000000x16xf32, #tpu.memory_space<hbm>> -> memref<8x16xf32, #tpu.memory_space<hbm>>
      tpu.wait_dma2 semaphore(%arg12 : memref<!tpu.dma_semaphore, #tpu.memory_space<semaphore_mem>>) src(%dma_wait3A_1231 : memref<8x16xf32, #tpu.memory_space<hbm>>) dst(%dma_wait3A_1228 : memref<8x16xf32, #tpu.memory_space<vmem>>)
      %dma_wait3A_1232 = arith.constant 80 : i32
      %dma_wait3A_1233 = arith.constant 0 : i32
      %dma_wait3A_1234 = tpu.memref_slice %arg10[%dma_wait3A_1232, %dma_wait3A_1233] : memref<256x16xf32, #tpu.memory_space<vmem>> -> memref<8x16xf32, #tpu.memory_space<vmem>>
      %dma_wait3A_1235 = arith.constant 0 : i32
      %dma_wait3A_1236 = arith.constant 0 : i32
      %dma_wait3A_1237 = tpu.memref_slice %arg2[%dma_wait3A_1235, %dma_wait3A_1236] : memref<1000000x16xf32, #tpu.memory_space<hbm>> -> memref<8x16xf32, #tpu.memory_space<hbm>>
      %dma_wait3A_1238 = arith.constant 80 : i32
      %dma_wait3A_1239 = arith.constant 0 : i32
      %dma_wait3A_1240 = tpu.memref_slice %arg10[%dma_wait3A_1238, %dma_wait3A_1239] : memref<256x16xf32, #tpu.memory_space<vmem>> -> memref<8x16xf32, #tpu.memory_space<vmem>>
      %dma_wait3A_1241 = arith.constant 0 : i32
      %dma_wait3A_1242 = arith.constant 0 : i32
      %dma_wait3A_1243 = tpu.memref_slice %arg2[%dma_wait3A_1241, %dma_wait3A_1242] : memref<1000000x16xf32, #tpu.memory_space<hbm>> -> memref<8x16xf32, #tpu.memory_space<hbm>>
      tpu.wait_dma2 semaphore(%arg14 : memref<!tpu.dma_semaphore, #tpu.memory_space<semaphore_mem>>) src(%dma_wait3A_1243 : memref<8x16xf32, #tpu.memory_space<hbm>>) dst(%dma_wait3A_1240 : memref<8x16xf32, #tpu.memory_space<vmem>>)
      %dma_wait3A_1244 = arith.constant 88 : i32
      %dma_wait3A_1245 = arith.constant 0 : i32
      %dma_wait3A_1246 = tpu.memref_slice %arg9[%dma_wait3A_1244, %dma_wait3A_1245] : memref<256x16xf32, #tpu.memory_space<vmem>> -> memref<8x16xf32, #tpu.memory_space<vmem>>
      %dma_wait3A_1247 = arith.constant 0 : i32
      %dma_wait3A_1248 = arith.constant 0 : i32
      %dma_wait3A_1249 = tpu.memref_slice %arg3[%dma_wait3A_1247, %dma_wait3A_1248] : memref<1000000x16xf32, #tpu.memory_space<hbm>> -> memref<8x16xf32, #tpu.memory_space<hbm>>
      %dma_wait3A_1250 = arith.constant 88 : i32
      %dma_wait3A_1251 = arith.constant 0 : i32
      %dma_wait3A_1252 = tpu.memref_slice %arg9[%dma_wait3A_1250, %dma_wait3A_1251] : memref<256x16xf32, #tpu.memory_space<vmem>> -> memref<8x16xf32, #tpu.memory_space<vmem>>
      %dma_wait3A_1253 = arith.constant 0 : i32
      %dma_wait3A_1254 = arith.constant 0 : i32
      %dma_wait3A_1255 = tpu.memref_slice %arg3[%dma_wait3A_1253, %dma_wait3A_1254] : memref<1000000x16xf32, #tpu.memory_space<hbm>> -> memref<8x16xf32, #tpu.memory_space<hbm>>
      tpu.wait_dma2 semaphore(%arg12 : memref<!tpu.dma_semaphore, #tpu.memory_space<semaphore_mem>>) src(%dma_wait3A_1255 : memref<8x16xf32, #tpu.memory_space<hbm>>) dst(%dma_wait3A_1252 : memref<8x16xf32, #tpu.memory_space<vmem>>)
      %dma_wait3A_1256 = arith.constant 88 : i32
      %dma_wait3A_1257 = arith.constant 0 : i32
      %dma_wait3A_1258 = tpu.memref_slice %arg10[%dma_wait3A_1256, %dma_wait3A_1257] : memref<256x16xf32, #tpu.memory_space<vmem>> -> memref<8x16xf32, #tpu.memory_space<vmem>>
      %dma_wait3A_1259 = arith.constant 0 : i32
      %dma_wait3A_1260 = arith.constant 0 : i32
      %dma_wait3A_1261 = tpu.memref_slice %arg2[%dma_wait3A_1259, %dma_wait3A_1260] : memref<1000000x16xf32, #tpu.memory_space<hbm>> -> memref<8x16xf32, #tpu.memory_space<hbm>>
      %dma_wait3A_1262 = arith.constant 88 : i32
      %dma_wait3A_1263 = arith.constant 0 : i32
      %dma_wait3A_1264 = tpu.memref_slice %arg10[%dma_wait3A_1262, %dma_wait3A_1263] : memref<256x16xf32, #tpu.memory_space<vmem>> -> memref<8x16xf32, #tpu.memory_space<vmem>>
      %dma_wait3A_1265 = arith.constant 0 : i32
      %dma_wait3A_1266 = arith.constant 0 : i32
      %dma_wait3A_1267 = tpu.memref_slice %arg2[%dma_wait3A_1265, %dma_wait3A_1266] : memref<1000000x16xf32, #tpu.memory_space<hbm>> -> memref<8x16xf32, #tpu.memory_space<hbm>>
      tpu.wait_dma2 semaphore(%arg14 : memref<!tpu.dma_semaphore, #tpu.memory_space<semaphore_mem>>) src(%dma_wait3A_1267 : memref<8x16xf32, #tpu.memory_space<hbm>>) dst(%dma_wait3A_1264 : memref<8x16xf32, #tpu.memory_space<vmem>>)
      %dma_wait3A_1268 = arith.constant 96 : i32
      %dma_wait3A_1269 = arith.constant 0 : i32
      %dma_wait3A_1270 = tpu.memref_slice %arg9[%dma_wait3A_1268, %dma_wait3A_1269] : memref<256x16xf32, #tpu.memory_space<vmem>> -> memref<8x16xf32, #tpu.memory_space<vmem>>
      %dma_wait3A_1271 = arith.constant 0 : i32
      %dma_wait3A_1272 = arith.constant 0 : i32
      %dma_wait3A_1273 = tpu.memref_slice %arg3[%dma_wait3A_1271, %dma_wait3A_1272] : memref<1000000x16xf32, #tpu.memory_space<hbm>> -> memref<8x16xf32, #tpu.memory_space<hbm>>
      %dma_wait3A_1274 = arith.constant 96 : i32
      %dma_wait3A_1275 = arith.constant 0 : i32
      %dma_wait3A_1276 = tpu.memref_slice %arg9[%dma_wait3A_1274, %dma_wait3A_1275] : memref<256x16xf32, #tpu.memory_space<vmem>> -> memref<8x16xf32, #tpu.memory_space<vmem>>
      %dma_wait3A_1277 = arith.constant 0 : i32
      %dma_wait3A_1278 = arith.constant 0 : i32
      %dma_wait3A_1279 = tpu.memref_slice %arg3[%dma_wait3A_1277, %dma_wait3A_1278] : memref<1000000x16xf32, #tpu.memory_space<hbm>> -> memref<8x16xf32, #tpu.memory_space<hbm>>
      tpu.wait_dma2 semaphore(%arg12 : memref<!tpu.dma_semaphore, #tpu.memory_space<semaphore_mem>>) src(%dma_wait3A_1279 : memref<8x16xf32, #tpu.memory_space<hbm>>) dst(%dma_wait3A_1276 : memref<8x16xf32, #tpu.memory_space<vmem>>)
      %dma_wait3A_1280 = arith.constant 96 : i32
      %dma_wait3A_1281 = arith.constant 0 : i32
      %dma_wait3A_1282 = tpu.memref_slice %arg10[%dma_wait3A_1280, %dma_wait3A_1281] : memref<256x16xf32, #tpu.memory_space<vmem>> -> memref<8x16xf32, #tpu.memory_space<vmem>>
      %dma_wait3A_1283 = arith.constant 0 : i32
      %dma_wait3A_1284 = arith.constant 0 : i32
      %dma_wait3A_1285 = tpu.memref_slice %arg2[%dma_wait3A_1283, %dma_wait3A_1284] : memref<1000000x16xf32, #tpu.memory_space<hbm>> -> memref<8x16xf32, #tpu.memory_space<hbm>>
      %dma_wait3A_1286 = arith.constant 96 : i32
      %dma_wait3A_1287 = arith.constant 0 : i32
      %dma_wait3A_1288 = tpu.memref_slice %arg10[%dma_wait3A_1286, %dma_wait3A_1287] : memref<256x16xf32, #tpu.memory_space<vmem>> -> memref<8x16xf32, #tpu.memory_space<vmem>>
      %dma_wait3A_1289 = arith.constant 0 : i32
      %dma_wait3A_1290 = arith.constant 0 : i32
      %dma_wait3A_1291 = tpu.memref_slice %arg2[%dma_wait3A_1289, %dma_wait3A_1290] : memref<1000000x16xf32, #tpu.memory_space<hbm>> -> memref<8x16xf32, #tpu.memory_space<hbm>>
      tpu.wait_dma2 semaphore(%arg14 : memref<!tpu.dma_semaphore, #tpu.memory_space<semaphore_mem>>) src(%dma_wait3A_1291 : memref<8x16xf32, #tpu.memory_space<hbm>>) dst(%dma_wait3A_1288 : memref<8x16xf32, #tpu.memory_space<vmem>>)
      %dma_wait3A_1292 = arith.constant 104 : i32
      %dma_wait3A_1293 = arith.constant 0 : i32
      %dma_wait3A_1294 = tpu.memref_slice %arg9[%dma_wait3A_1292, %dma_wait3A_1293] : memref<256x16xf32, #tpu.memory_space<vmem>> -> memref<8x16xf32, #tpu.memory_space<vmem>>
      %dma_wait3A_1295 = arith.constant 0 : i32
      %dma_wait3A_1296 = arith.constant 0 : i32
      %dma_wait3A_1297 = tpu.memref_slice %arg3[%dma_wait3A_1295, %dma_wait3A_1296] : memref<1000000x16xf32, #tpu.memory_space<hbm>> -> memref<8x16xf32, #tpu.memory_space<hbm>>
      %dma_wait3A_1298 = arith.constant 104 : i32
      %dma_wait3A_1299 = arith.constant 0 : i32
      %dma_wait3A_1300 = tpu.memref_slice %arg9[%dma_wait3A_1298, %dma_wait3A_1299] : memref<256x16xf32, #tpu.memory_space<vmem>> -> memref<8x16xf32, #tpu.memory_space<vmem>>
      %dma_wait3A_1301 = arith.constant 0 : i32
      %dma_wait3A_1302 = arith.constant 0 : i32
      %dma_wait3A_1303 = tpu.memref_slice %arg3[%dma_wait3A_1301, %dma_wait3A_1302] : memref<1000000x16xf32, #tpu.memory_space<hbm>> -> memref<8x16xf32, #tpu.memory_space<hbm>>
      tpu.wait_dma2 semaphore(%arg12 : memref<!tpu.dma_semaphore, #tpu.memory_space<semaphore_mem>>) src(%dma_wait3A_1303 : memref<8x16xf32, #tpu.memory_space<hbm>>) dst(%dma_wait3A_1300 : memref<8x16xf32, #tpu.memory_space<vmem>>)
      %dma_wait3A_1304 = arith.constant 104 : i32
      %dma_wait3A_1305 = arith.constant 0 : i32
      %dma_wait3A_1306 = tpu.memref_slice %arg10[%dma_wait3A_1304, %dma_wait3A_1305] : memref<256x16xf32, #tpu.memory_space<vmem>> -> memref<8x16xf32, #tpu.memory_space<vmem>>
      %dma_wait3A_1307 = arith.constant 0 : i32
      %dma_wait3A_1308 = arith.constant 0 : i32
      %dma_wait3A_1309 = tpu.memref_slice %arg2[%dma_wait3A_1307, %dma_wait3A_1308] : memref<1000000x16xf32, #tpu.memory_space<hbm>> -> memref<8x16xf32, #tpu.memory_space<hbm>>
      %dma_wait3A_1310 = arith.constant 104 : i32
      %dma_wait3A_1311 = arith.constant 0 : i32
      %dma_wait3A_1312 = tpu.memref_slice %arg10[%dma_wait3A_1310, %dma_wait3A_1311] : memref<256x16xf32, #tpu.memory_space<vmem>> -> memref<8x16xf32, #tpu.memory_space<vmem>>
      %dma_wait3A_1313 = arith.constant 0 : i32
      %dma_wait3A_1314 = arith.constant 0 : i32
      %dma_wait3A_1315 = tpu.memref_slice %arg2[%dma_wait3A_1313, %dma_wait3A_1314] : memref<1000000x16xf32, #tpu.memory_space<hbm>> -> memref<8x16xf32, #tpu.memory_space<hbm>>
      tpu.wait_dma2 semaphore(%arg14 : memref<!tpu.dma_semaphore, #tpu.memory_space<semaphore_mem>>) src(%dma_wait3A_1315 : memref<8x16xf32, #tpu.memory_space<hbm>>) dst(%dma_wait3A_1312 : memref<8x16xf32, #tpu.memory_space<vmem>>)
      %dma_wait3A_1316 = arith.constant 112 : i32
      %dma_wait3A_1317 = arith.constant 0 : i32
      %dma_wait3A_1318 = tpu.memref_slice %arg9[%dma_wait3A_1316, %dma_wait3A_1317] : memref<256x16xf32, #tpu.memory_space<vmem>> -> memref<8x16xf32, #tpu.memory_space<vmem>>
      %dma_wait3A_1319 = arith.constant 0 : i32
      %dma_wait3A_1320 = arith.constant 0 : i32
      %dma_wait3A_1321 = tpu.memref_slice %arg3[%dma_wait3A_1319, %dma_wait3A_1320] : memref<1000000x16xf32, #tpu.memory_space<hbm>> -> memref<8x16xf32, #tpu.memory_space<hbm>>
      %dma_wait3A_1322 = arith.constant 112 : i32
      %dma_wait3A_1323 = arith.constant 0 : i32
      %dma_wait3A_1324 = tpu.memref_slice %arg9[%dma_wait3A_1322, %dma_wait3A_1323] : memref<256x16xf32, #tpu.memory_space<vmem>> -> memref<8x16xf32, #tpu.memory_space<vmem>>
      %dma_wait3A_1325 = arith.constant 0 : i32
      %dma_wait3A_1326 = arith.constant 0 : i32
      %dma_wait3A_1327 = tpu.memref_slice %arg3[%dma_wait3A_1325, %dma_wait3A_1326] : memref<1000000x16xf32, #tpu.memory_space<hbm>> -> memref<8x16xf32, #tpu.memory_space<hbm>>
      tpu.wait_dma2 semaphore(%arg12 : memref<!tpu.dma_semaphore, #tpu.memory_space<semaphore_mem>>) src(%dma_wait3A_1327 : memref<8x16xf32, #tpu.memory_space<hbm>>) dst(%dma_wait3A_1324 : memref<8x16xf32, #tpu.memory_space<vmem>>)
      %dma_wait3A_1328 = arith.constant 112 : i32
      %dma_wait3A_1329 = arith.constant 0 : i32
      %dma_wait3A_1330 = tpu.memref_slice %arg10[%dma_wait3A_1328, %dma_wait3A_1329] : memref<256x16xf32, #tpu.memory_space<vmem>> -> memref<8x16xf32, #tpu.memory_space<vmem>>
      %dma_wait3A_1331 = arith.constant 0 : i32
      %dma_wait3A_1332 = arith.constant 0 : i32
      %dma_wait3A_1333 = tpu.memref_slice %arg2[%dma_wait3A_1331, %dma_wait3A_1332] : memref<1000000x16xf32, #tpu.memory_space<hbm>> -> memref<8x16xf32, #tpu.memory_space<hbm>>
      %dma_wait3A_1334 = arith.constant 112 : i32
      %dma_wait3A_1335 = arith.constant 0 : i32
      %dma_wait3A_1336 = tpu.memref_slice %arg10[%dma_wait3A_1334, %dma_wait3A_1335] : memref<256x16xf32, #tpu.memory_space<vmem>> -> memref<8x16xf32, #tpu.memory_space<vmem>>
      %dma_wait3A_1337 = arith.constant 0 : i32
      %dma_wait3A_1338 = arith.constant 0 : i32
      %dma_wait3A_1339 = tpu.memref_slice %arg2[%dma_wait3A_1337, %dma_wait3A_1338] : memref<1000000x16xf32, #tpu.memory_space<hbm>> -> memref<8x16xf32, #tpu.memory_space<hbm>>
      tpu.wait_dma2 semaphore(%arg14 : memref<!tpu.dma_semaphore, #tpu.memory_space<semaphore_mem>>) src(%dma_wait3A_1339 : memref<8x16xf32, #tpu.memory_space<hbm>>) dst(%dma_wait3A_1336 : memref<8x16xf32, #tpu.memory_space<vmem>>)
      %dma_wait3A_1340 = arith.constant 120 : i32
      %dma_wait3A_1341 = arith.constant 0 : i32
      %dma_wait3A_1342 = tpu.memref_slice %arg9[%dma_wait3A_1340, %dma_wait3A_1341] : memref<256x16xf32, #tpu.memory_space<vmem>> -> memref<8x16xf32, #tpu.memory_space<vmem>>
      %dma_wait3A_1343 = arith.constant 0 : i32
      %dma_wait3A_1344 = arith.constant 0 : i32
      %dma_wait3A_1345 = tpu.memref_slice %arg3[%dma_wait3A_1343, %dma_wait3A_1344] : memref<1000000x16xf32, #tpu.memory_space<hbm>> -> memref<8x16xf32, #tpu.memory_space<hbm>>
      %dma_wait3A_1346 = arith.constant 120 : i32
      %dma_wait3A_1347 = arith.constant 0 : i32
      %dma_wait3A_1348 = tpu.memref_slice %arg9[%dma_wait3A_1346, %dma_wait3A_1347] : memref<256x16xf32, #tpu.memory_space<vmem>> -> memref<8x16xf32, #tpu.memory_space<vmem>>
      %dma_wait3A_1349 = arith.constant 0 : i32
      %dma_wait3A_1350 = arith.constant 0 : i32
      %dma_wait3A_1351 = tpu.memref_slice %arg3[%dma_wait3A_1349, %dma_wait3A_1350] : memref<1000000x16xf32, #tpu.memory_space<hbm>> -> memref<8x16xf32, #tpu.memory_space<hbm>>
      tpu.wait_dma2 semaphore(%arg12 : memref<!tpu.dma_semaphore, #tpu.memory_space<semaphore_mem>>) src(%dma_wait3A_1351 : memref<8x16xf32, #tpu.memory_space<hbm>>) dst(%dma_wait3A_1348 : memref<8x16xf32, #tpu.memory_space<vmem>>)
      %dma_wait3A_1352 = arith.constant 120 : i32
      %dma_wait3A_1353 = arith.constant 0 : i32
      %dma_wait3A_1354 = tpu.memref_slice %arg10[%dma_wait3A_1352, %dma_wait3A_1353] : memref<256x16xf32, #tpu.memory_space<vmem>> -> memref<8x16xf32, #tpu.memory_space<vmem>>
      %dma_wait3A_1355 = arith.constant 0 : i32
      %dma_wait3A_1356 = arith.constant 0 : i32
      %dma_wait3A_1357 = tpu.memref_slice %arg2[%dma_wait3A_1355, %dma_wait3A_1356] : memref<1000000x16xf32, #tpu.memory_space<hbm>> -> memref<8x16xf32, #tpu.memory_space<hbm>>
      %dma_wait3A_1358 = arith.constant 120 : i32
      %dma_wait3A_1359 = arith.constant 0 : i32
      %dma_wait3A_1360 = tpu.memref_slice %arg10[%dma_wait3A_1358, %dma_wait3A_1359] : memref<256x16xf32, #tpu.memory_space<vmem>> -> memref<8x16xf32, #tpu.memory_space<vmem>>
      %dma_wait3A_1361 = arith.constant 0 : i32
      %dma_wait3A_1362 = arith.constant 0 : i32
      %dma_wait3A_1363 = tpu.memref_slice %arg2[%dma_wait3A_1361, %dma_wait3A_1362] : memref<1000000x16xf32, #tpu.memory_space<hbm>> -> memref<8x16xf32, #tpu.memory_space<hbm>>
      tpu.wait_dma2 semaphore(%arg14 : memref<!tpu.dma_semaphore, #tpu.memory_space<semaphore_mem>>) src(%dma_wait3A_1363 : memref<8x16xf32, #tpu.memory_space<hbm>>) dst(%dma_wait3A_1360 : memref<8x16xf32, #tpu.memory_space<vmem>>)
      %mul3A_1364 = arith.constant 16 : i32
      %mul3A_1365 = arith.muli %mul3A_980, %mul3A_1364 : i32
      %multiple_of3A_1366 = tpu.assume_multiple %mul3A_1365, 16 : i32
      %get3A_1367 = arith.index_cast %multiple_of3A_1366 : i32 to index
      %get3A_1368 = tpu.vector_load %arg7[%get3A_1367] {strides = array<i32>} : memref<512xi32, #tpu.memory_space<vmem>>, vector<16xi32>,
      %mul3A_1369 = arith.constant 16 : i32
      %mul3A_1370 = arith.muli %mul3A_980, %mul3A_1369 : i32
      %multiple_of3A_1371 = tpu.assume_multiple %mul3A_1370, 16 : i32
      %get3A_1372 = arith.index_cast %multiple_of3A_1371 : i32 to index
      %get3A_1373 = tpu.vector_load %arg8[%get3A_1372] {strides = array<i32>} : memref<512xi32, #tpu.memory_space<vmem>>, vector<16xi32>,
      %mul3A_1374 = arith.constant 8 : i32
      %mul3A_1375 = vector.broadcast %mul3A_1374 : i32 to vector<16xi32>
      %mul3A_1376 = arith.muli %iota3A, %mul3A_1375 : vector<16xi32>
      %add3A_1377 = arith.constant 0 : i32
      %add3A_1378 = vector.broadcast %add3A_1377 : i32 to vector<16xi32>
      %add3A_1379 = arith.addi %add3A_1378, %mul3A_1376 : vector<16xi32>
      %and3A_1380 = arith.constant 7 : i32
      %and3A_1381 = vector.broadcast %and3A_1380 : i32 to vector<16xi32>
      %and3A_1382 = arith.andi %get3A_1368, %and3A_1381 : vector<16xi32>
      %add3A_1383 = arith.addi %add3A_1379, %and3A_1382 : vector<16xi32>
      %and3A_1384 = arith.constant 7 : i32
      %and3A_1385 = vector.broadcast %and3A_1384 : i32 to vector<16xi32>
      %and3A_1386 = arith.andi %get3A_1373, %and3A_1385 : vector<16xi32>
      %add3A_1387 = arith.addi %add3A_1379, %and3A_1386 : vector<16xi32>
      %broadcast_in_dim3A = arith.constant 0.000000e+00 : f32
      %broadcast_in_dim3A_1388 = vector.broadcast %broadcast_in_dim3A : f32 to vector<16xf32>
      %broadcast_in_dim3A_1389 = arith.constant 0 : i32
      %broadcast_in_dim3A_1390 = vector.broadcast %broadcast_in_dim3A_1389 : i32 to vector<16xi32>
      %gather3A = tpu.vector_load_idx %arg9[%add3A_1383, %broadcast_in_dim3A_1390] : memref<256x16xf32, #tpu.memory_space<vmem>>[vector<16xi32>, vector<16xi32>], vector<16xf32>,
      %gather3A_1391 = tpu.vector_load_idx %arg10[%add3A_1387, %broadcast_in_dim3A_1390] : memref<256x16xf32, #tpu.memory_space<vmem>>[vector<16xi32>, vector<16xi32>], vector<16xf32>,
      %mul3A_1392 = arith.mulf %gather3A, %gather3A_1391 : vector<16xf32>
      %add3A_1393 = arith.addf %broadcast_in_dim3A_1388, %mul3A_1392 : vector<16xf32>
      %broadcast_in_dim3A_1394 = arith.constant 1 : i32
      %broadcast_in_dim3A_1395 = vector.broadcast %broadcast_in_dim3A_1394 : i32 to vector<16xi32>
      %gather3A_1396 = tpu.vector_load_idx %arg9[%add3A_1383, %broadcast_in_dim3A_1395] : memref<256x16xf32, #tpu.memory_space<vmem>>[vector<16xi32>, vector<16xi32>], vector<16xf32>,
      %gather3A_1397 = tpu.vector_load_idx %arg10[%add3A_1387, %broadcast_in_dim3A_1395] : memref<256x16xf32, #tpu.memory_space<vmem>>[vector<16xi32>, vector<16xi32>], vector<16xf32>,
      %mul3A_1398 = arith.mulf %gather3A_1396, %gather3A_1397 : vector<16xf32>
      %add3A_1399 = arith.addf %add3A_1393, %mul3A_1398 : vector<16xf32>
      %broadcast_in_dim3A_1400 = arith.constant 2 : i32
      %broadcast_in_dim3A_1401 = vector.broadcast %broadcast_in_dim3A_1400 : i32 to vector<16xi32>
      %gather3A_1402 = tpu.vector_load_idx %arg9[%add3A_1383, %broadcast_in_dim3A_1401] : memref<256x16xf32, #tpu.memory_space<vmem>>[vector<16xi32>, vector<16xi32>], vector<16xf32>,
      %gather3A_1403 = tpu.vector_load_idx %arg10[%add3A_1387, %broadcast_in_dim3A_1401] : memref<256x16xf32, #tpu.memory_space<vmem>>[vector<16xi32>, vector<16xi32>], vector<16xf32>,
      %mul3A_1404 = arith.mulf %gather3A_1402, %gather3A_1403 : vector<16xf32>
      %add3A_1405 = arith.addf %add3A_1399, %mul3A_1404 : vector<16xf32>
      %broadcast_in_dim3A_1406 = arith.constant 3 : i32
      %broadcast_in_dim3A_1407 = vector.broadcast %broadcast_in_dim3A_1406 : i32 to vector<16xi32>
      %gather3A_1408 = tpu.vector_load_idx %arg9[%add3A_1383, %broadcast_in_dim3A_1407] : memref<256x16xf32, #tpu.memory_space<vmem>>[vector<16xi32>, vector<16xi32>], vector<16xf32>,
      %gather3A_1409 = tpu.vector_load_idx %arg10[%add3A_1387, %broadcast_in_dim3A_1407] : memref<256x16xf32, #tpu.memory_space<vmem>>[vector<16xi32>, vector<16xi32>], vector<16xf32>,
      %mul3A_1410 = arith.mulf %gather3A_1408, %gather3A_1409 : vector<16xf32>
      %add3A_1411 = arith.addf %add3A_1405, %mul3A_1410 : vector<16xf32>
      %broadcast_in_dim3A_1412 = arith.constant 4 : i32
      %broadcast_in_dim3A_1413 = vector.broadcast %broadcast_in_dim3A_1412 : i32 to vector<16xi32>
      %gather3A_1414 = tpu.vector_load_idx %arg9[%add3A_1383, %broadcast_in_dim3A_1413] : memref<256x16xf32, #tpu.memory_space<vmem>>[vector<16xi32>, vector<16xi32>], vector<16xf32>,
      %gather3A_1415 = tpu.vector_load_idx %arg10[%add3A_1387, %broadcast_in_dim3A_1413] : memref<256x16xf32, #tpu.memory_space<vmem>>[vector<16xi32>, vector<16xi32>], vector<16xf32>,
      %mul3A_1416 = arith.mulf %gather3A_1414, %gather3A_1415 : vector<16xf32>
      %add3A_1417 = arith.addf %add3A_1411, %mul3A_1416 : vector<16xf32>
      %broadcast_in_dim3A_1418 = arith.constant 5 : i32
      %broadcast_in_dim3A_1419 = vector.broadcast %broadcast_in_dim3A_1418 : i32 to vector<16xi32>
      %gather3A_1420 = tpu.vector_load_idx %arg9[%add3A_1383, %broadcast_in_dim3A_1419] : memref<256x16xf32, #tpu.memory_space<vmem>>[vector<16xi32>, vector<16xi32>], vector<16xf32>,
      %gather3A_1421 = tpu.vector_load_idx %arg10[%add3A_1387, %broadcast_in_dim3A_1419] : memref<256x16xf32, #tpu.memory_space<vmem>>[vector<16xi32>, vector<16xi32>], vector<16xf32>,
      %mul3A_1422 = arith.mulf %gather3A_1420, %gather3A_1421 : vector<16xf32>
      %add3A_1423 = arith.addf %add3A_1417, %mul3A_1422 : vector<16xf32>
      %broadcast_in_dim3A_1424 = arith.constant 6 : i32
      %broadcast_in_dim3A_1425 = vector.broadcast %broadcast_in_dim3A_1424 : i32 to vector<16xi32>
      %gather3A_1426 = tpu.vector_load_idx %arg9[%add3A_1383, %broadcast_in_dim3A_1425] : memref<256x16xf32, #tpu.memory_space<vmem>>[vector<16xi32>, vector<16xi32>], vector<16xf32>,
      %gather3A_1427 = tpu.vector_load_idx %arg10[%add3A_1387, %broadcast_in_dim3A_1425] : memref<256x16xf32, #tpu.memory_space<vmem>>[vector<16xi32>, vector<16xi32>], vector<16xf32>,
      %mul3A_1428 = arith.mulf %gather3A_1426, %gather3A_1427 : vector<16xf32>
      %add3A_1429 = arith.addf %add3A_1423, %mul3A_1428 : vector<16xf32>
      %broadcast_in_dim3A_1430 = arith.constant 7 : i32
      %broadcast_in_dim3A_1431 = vector.broadcast %broadcast_in_dim3A_1430 : i32 to vector<16xi32>
      %gather3A_1432 = tpu.vector_load_idx %arg9[%add3A_1383, %broadcast_in_dim3A_1431] : memref<256x16xf32, #tpu.memory_space<vmem>>[vector<16xi32>, vector<16xi32>], vector<16xf32>,
      %gather3A_1433 = tpu.vector_load_idx %arg10[%add3A_1387, %broadcast_in_dim3A_1431] : memref<256x16xf32, #tpu.memory_space<vmem>>[vector<16xi32>, vector<16xi32>], vector<16xf32>,
      %mul3A_1434 = arith.mulf %gather3A_1432, %gather3A_1433 : vector<16xf32>
      %add3A_1435 = arith.addf %add3A_1429, %mul3A_1434 : vector<16xf32>
      %broadcast_in_dim3A_1436 = arith.constant 8 : i32
      %broadcast_in_dim3A_1437 = vector.broadcast %broadcast_in_dim3A_1436 : i32 to vector<16xi32>
      %gather3A_1438 = tpu.vector_load_idx %arg9[%add3A_1383, %broadcast_in_dim3A_1437] : memref<256x16xf32, #tpu.memory_space<vmem>>[vector<16xi32>, vector<16xi32>], vector<16xf32>,
      %gather3A_1439 = tpu.vector_load_idx %arg10[%add3A_1387, %broadcast_in_dim3A_1437] : memref<256x16xf32, #tpu.memory_space<vmem>>[vector<16xi32>, vector<16xi32>], vector<16xf32>,
      %mul3A_1440 = arith.mulf %gather3A_1438, %gather3A_1439 : vector<16xf32>
      %add3A_1441 = arith.addf %add3A_1435, %mul3A_1440 : vector<16xf32>
      %broadcast_in_dim3A_1442 = arith.constant 9 : i32
      %broadcast_in_dim3A_1443 = vector.broadcast %broadcast_in_dim3A_1442 : i32 to vector<16xi32>
      %gather3A_1444 = tpu.vector_load_idx %arg9[%add3A_1383, %broadcast_in_dim3A_1443] : memref<256x16xf32, #tpu.memory_space<vmem>>[vector<16xi32>, vector<16xi32>], vector<16xf32>,
      %gather3A_1445 = tpu.vector_load_idx %arg10[%add3A_1387, %broadcast_in_dim3A_1443] : memref<256x16xf32, #tpu.memory_space<vmem>>[vector<16xi32>, vector<16xi32>], vector<16xf32>,
      %mul3A_1446 = arith.mulf %gather3A_1444, %gather3A_1445 : vector<16xf32>
      %add3A_1447 = arith.addf %add3A_1441, %mul3A_1446 : vector<16xf32>
      %broadcast_in_dim3A_1448 = arith.constant 10 : i32
      %broadcast_in_dim3A_1449 = vector.broadcast %broadcast_in_dim3A_1448 : i32 to vector<16xi32>
      %gather3A_1450 = tpu.vector_load_idx %arg9[%add3A_1383, %broadcast_in_dim3A_1449] : memref<256x16xf32, #tpu.memory_space<vmem>>[vector<16xi32>, vector<16xi32>], vector<16xf32>,
      %gather3A_1451 = tpu.vector_load_idx %arg10[%add3A_1387, %broadcast_in_dim3A_1449] : memref<256x16xf32, #tpu.memory_space<vmem>>[vector<16xi32>, vector<16xi32>], vector<16xf32>,
      %mul3A_1452 = arith.mulf %gather3A_1450, %gather3A_1451 : vector<16xf32>
      %add3A_1453 = arith.addf %add3A_1447, %mul3A_1452 : vector<16xf32>
      %broadcast_in_dim3A_1454 = arith.constant 11 : i32
      %broadcast_in_dim3A_1455 = vector.broadcast %broadcast_in_dim3A_1454 : i32 to vector<16xi32>
      %gather3A_1456 = tpu.vector_load_idx %arg9[%add3A_1383, %broadcast_in_dim3A_1455] : memref<256x16xf32, #tpu.memory_space<vmem>>[vector<16xi32>, vector<16xi32>], vector<16xf32>,
      %gather3A_1457 = tpu.vector_load_idx %arg10[%add3A_1387, %broadcast_in_dim3A_1455] : memref<256x16xf32, #tpu.memory_space<vmem>>[vector<16xi32>, vector<16xi32>], vector<16xf32>,
      %mul3A_1458 = arith.mulf %gather3A_1456, %gather3A_1457 : vector<16xf32>
      %add3A_1459 = arith.addf %add3A_1453, %mul3A_1458 : vector<16xf32>
      %broadcast_in_dim3A_1460 = arith.constant 12 : i32
      %broadcast_in_dim3A_1461 = vector.broadcast %broadcast_in_dim3A_1460 : i32 to vector<16xi32>
      %gather3A_1462 = tpu.vector_load_idx %arg9[%add3A_1383, %broadcast_in_dim3A_1461] : memref<256x16xf32, #tpu.memory_space<vmem>>[vector<16xi32>, vector<16xi32>], vector<16xf32>,
      %gather3A_1463 = tpu.vector_load_idx %arg10[%add3A_1387, %broadcast_in_dim3A_1461] : memref<256x16xf32, #tpu.memory_space<vmem>>[vector<16xi32>, vector<16xi32>], vector<16xf32>,
      %mul3A_1464 = arith.mulf %gather3A_1462, %gather3A_1463 : vector<16xf32>
      %add3A_1465 = arith.addf %add3A_1459, %mul3A_1464 : vector<16xf32>
      %broadcast_in_dim3A_1466 = arith.constant 13 : i32
      %broadcast_in_dim3A_1467 = vector.broadcast %broadcast_in_dim3A_1466 : i32 to vector<16xi32>
      %gather3A_1468 = tpu.vector_load_idx %arg9[%add3A_1383, %broadcast_in_dim3A_1467] : memref<256x16xf32, #tpu.memory_space<vmem>>[vector<16xi32>, vector<16xi32>], vector<16xf32>,
      %gather3A_1469 = tpu.vector_load_idx %arg10[%add3A_1387, %broadcast_in_dim3A_1467] : memref<256x16xf32, #tpu.memory_space<vmem>>[vector<16xi32>, vector<16xi32>], vector<16xf32>,
      %mul3A_1470 = arith.mulf %gather3A_1468, %gather3A_1469 : vector<16xf32>
      %add3A_1471 = arith.addf %add3A_1465, %mul3A_1470 : vector<16xf32>
      %broadcast_in_dim3A_1472 = arith.constant 14 : i32
      %broadcast_in_dim3A_1473 = vector.broadcast %broadcast_in_dim3A_1472 : i32 to vector<16xi32>
      %gather3A_1474 = tpu.vector_load_idx %arg9[%add3A_1383, %broadcast_in_dim3A_1473] : memref<256x16xf32, #tpu.memory_space<vmem>>[vector<16xi32>, vector<16xi32>], vector<16xf32>,
      %gather3A_1475 = tpu.vector_load_idx %arg10[%add3A_1387, %broadcast_in_dim3A_1473] : memref<256x16xf32, #tpu.memory_space<vmem>>[vector<16xi32>, vector<16xi32>], vector<16xf32>,
      %mul3A_1476 = arith.mulf %gather3A_1474, %gather3A_1475 : vector<16xf32>
      %add3A_1477 = arith.addf %add3A_1471, %mul3A_1476 : vector<16xf32>
      %broadcast_in_dim3A_1478 = arith.constant 15 : i32
      %broadcast_in_dim3A_1479 = vector.broadcast %broadcast_in_dim3A_1478 : i32 to vector<16xi32>
      %gather3A_1480 = tpu.vector_load_idx %arg9[%add3A_1383, %broadcast_in_dim3A_1479] : memref<256x16xf32, #tpu.memory_space<vmem>>[vector<16xi32>, vector<16xi32>], vector<16xf32>,
      %gather3A_1481 = tpu.vector_load_idx %arg10[%add3A_1387, %broadcast_in_dim3A_1479] : memref<256x16xf32, #tpu.memory_space<vmem>>[vector<16xi32>, vector<16xi32>], vector<16xf32>,
      %mul3A_1482 = arith.mulf %gather3A_1480, %gather3A_1481 : vector<16xf32>
      %add3A_1483 = arith.addf %add3A_1477, %mul3A_1482 : vector<16xf32>
      %mul3A_1484 = arith.constant -5.000000e+00 : f32
      %mul3A_1485 = vector.broadcast %mul3A_1484 : f32 to vector<16xf32>
      %mul3A_1486 = arith.mulf %mul3A_1485, %add3A_1483 : vector<16xf32>
      %exp3A = math.exp %mul3A_1486 : vector<16xf32>
      %add3A_1487 = arith.constant 1.000000e+00 : f32
      %add3A_1488 = vector.broadcast %add3A_1487 : f32 to vector<16xf32>
      %add3A_1489 = arith.addf %add3A_1488, %exp3A : vector<16xf32>
      %div3A = arith.constant 1.000000e+00 : f32
      %div3A_1490 = vector.broadcast %div3A : f32 to vector<16xf32>
      %div3A_1491 = arith.divf %div3A_1490, %add3A_1489 : vector<16xf32>
      %mul3A_1492 = arith.constant 16 : i32
      %mul3A_1493 = arith.muli %mul3A_980, %mul3A_1492 : i32
      %multiple_of3A_1494 = tpu.assume_multiple %mul3A_1493, 16 : i32
      %swap3A = arith.index_cast %multiple_of3A_1494 : i32 to index
      %swap3A_1495 = tpu.vector_load %arg11[%swap3A] {strides = array<i32>} : memref<512xf32, #tpu.memory_space<vmem>>, vector<16xf32>,
      tpu.vector_store %arg11[%swap3A], %div3A_1491 {strides = array<i32>} : memref<512xf32, #tpu.memory_space<vmem>>, vector<16xf32>,
      %add3A_1496 = arith.constant 2 : i32
      %add3A_1497 = arith.addi %mul3A_980, %add3A_1496 : i32
      %lt3A = arith.constant 32 : i32
      %lt3A_1498 = arith.cmpi slt, %add3A_1497, %lt3A : i32
      %convert_element_type3A = arith.extui %lt3A_1498 : i1 to i32
      %cond3A = arith.constant 0 : i32
      %cond3A_1499 = arith.cmpi ne, %convert_element_type3A, %cond3A : i32
      scf.if %cond3A_1499 {
        %add3A_2030 = arith.constant 2 : i32
        %add3A_2031 = arith.addi %mul3A_980, %add3A_2030 : i32
        %mul3A_2032 = arith.constant 16 : i32
        %mul3A_2033 = arith.muli %add3A_2031, %mul3A_2032 : i32
        %multiple_of3A_2034 = tpu.assume_multiple %mul3A_2033, 16 : i32
        %get3A_2035 = arith.index_cast %multiple_of3A_2034 : i32 to index
        %get3A_2036 = tpu.vector_load %arg7[%get3A_2035] {strides = array<i32>} : memref<512xi32, #tpu.memory_space<vmem>>, vector<16xi32>,
        %mul3A_2037 = arith.constant 16 : i32
        %mul3A_2038 = arith.muli %add3A_2031, %mul3A_2037 : i32
        %multiple_of3A_2039 = tpu.assume_multiple %mul3A_2038, 16 : i32
        %get3A_2040 = arith.index_cast %multiple_of3A_2039 : i32 to index
        %get3A_2041 = tpu.vector_load %arg8[%get3A_2040] {strides = array<i32>} : memref<512xi32, #tpu.memory_space<vmem>>, vector<16xi32>,
        %slice3A_2042 = vector.extract_strided_slice %get3A_2036 {offsets = [0], sizes = [1], strides = [1]} : vector<16xi32> to vector<1xi32>
        %squeeze3A_2043 = vector.extract %slice3A_2042[0] : i32 from vector<1xi32>
        %and3A_2044 = arith.constant -8 : i32
        %and3A_2045 = arith.andi %squeeze3A_2043, %and3A_2044 : i32
        %slice3A_2046 = vector.extract_strided_slice %get3A_2041 {offsets = [0], sizes = [1], strides = [1]} : vector<16xi32> to vector<1xi32>
        %squeeze3A_2047 = vector.extract %slice3A_2046[0] : i32 from vector<1xi32>
        %and3A_2048 = arith.constant -8 : i32
        %and3A_2049 = arith.andi %squeeze3A_2047, %and3A_2048 : i32
        %multiple_of3A_2050 = tpu.assume_multiple %and3A_2045, 8 : i32
        %dma_start3A_2051 = arith.constant 0 : i32
        %dma_start3A_2052 = arith.constant 0 : i32
        %dma_start3A_2053 = tpu.memref_slice %arg9[%dma_start3A_2051, %dma_start3A_2052] : memref<256x16xf32, #tpu.memory_space<vmem>> -> memref<8x16xf32, #tpu.memory_space<vmem>>
        %dma_start3A_2054 = arith.constant 0 : i32
        %dma_start3A_2055 = tpu.memref_slice %arg3[%multiple_of3A_2050, %dma_start3A_2054] : memref<1000000x16xf32, #tpu.memory_space<hbm>> -> memref<8x16xf32, #tpu.memory_space<hbm>>
        %dma_start3A_2056 = arith.constant 0 : i32
        %dma_start3A_2057 = arith.constant 0 : i32
        %dma_start3A_2058 = tpu.memref_slice %arg9[%dma_start3A_2056, %dma_start3A_2057] : memref<256x16xf32, #tpu.memory_space<vmem>> -> memref<8x16xf32, #tpu.memory_space<vmem>>
        %dma_start3A_2059 = arith.constant 0 : i32
        %dma_start3A_2060 = tpu.memref_slice %arg3[%multiple_of3A_2050, %dma_start3A_2059] : memref<1000000x16xf32, #tpu.memory_space<hbm>> -> memref<8x16xf32, #tpu.memory_space<hbm>>
        tpu.enqueue_dma source(%dma_start3A_2060 : memref<8x16xf32, #tpu.memory_space<hbm>>) target(%dma_start3A_2058 : memref<8x16xf32, #tpu.memory_space<vmem>>) target_semaphore(%arg12 : memref<!tpu.dma_semaphore, #tpu.memory_space<semaphore_mem>>)
        %multiple_of3A_2061 = tpu.assume_multiple %and3A_2049, 8 : i32
        %dma_start3A_2062 = arith.constant 0 : i32
        %dma_start3A_2063 = arith.constant 0 : i32
        %dma_start3A_2064 = tpu.memref_slice %arg10[%dma_start3A_2062, %dma_start3A_2063] : memref<256x16xf32, #tpu.memory_space<vmem>> -> memref<8x16xf32, #tpu.memory_space<vmem>>
        %dma_start3A_2065 = arith.constant 0 : i32
        %dma_start3A_2066 = tpu.memref_slice %arg2[%multiple_of3A_2061, %dma_start3A_2065] : memref<1000000x16xf32, #tpu.memory_space<hbm>> -> memref<8x16xf32, #tpu.memory_space<hbm>>
        %dma_start3A_2067 = arith.constant 0 : i32
        %dma_start3A_2068 = arith.constant 0 : i32
        %dma_start3A_2069 = tpu.memref_slice %arg10[%dma_start3A_2067, %dma_start3A_2068] : memref<256x16xf32, #tpu.memory_space<vmem>> -> memref<8x16xf32, #tpu.memory_space<vmem>>
        %dma_start3A_2070 = arith.constant 0 : i32
        %dma_start3A_2071 = tpu.memref_slice %arg2[%multiple_of3A_2061, %dma_start3A_2070] : memref<1000000x16xf32, #tpu.memory_space<hbm>> -> memref<8x16xf32, #tpu.memory_space<hbm>>
        tpu.enqueue_dma source(%dma_start3A_2071 : memref<8x16xf32, #tpu.memory_space<hbm>>) target(%dma_start3A_2069 : memref<8x16xf32, #tpu.memory_space<vmem>>) target_semaphore(%arg14 : memref<!tpu.dma_semaphore, #tpu.memory_space<semaphore_mem>>)
        %slice3A_2072 = vector.extract_strided_slice %get3A_2036 {offsets = [1], sizes = [1], strides = [1]} : vector<16xi32> to vector<1xi32>
        %squeeze3A_2073 = vector.extract %slice3A_2072[0] : i32 from vector<1xi32>
        %and3A_2074 = arith.constant -8 : i32
        %and3A_2075 = arith.andi %squeeze3A_2073, %and3A_2074 : i32
        %slice3A_2076 = vector.extract_strided_slice %get3A_2041 {offsets = [1], sizes = [1], strides = [1]} : vector<16xi32> to vector<1xi32>
        %squeeze3A_2077 = vector.extract %slice3A_2076[0] : i32 from vector<1xi32>
        %and3A_2078 = arith.constant -8 : i32
        %and3A_2079 = arith.andi %squeeze3A_2077, %and3A_2078 : i32
        %multiple_of3A_2080 = tpu.assume_multiple %and3A_2075, 8 : i32
        %dma_start3A_2081 = arith.constant 8 : i32
        %dma_start3A_2082 = arith.constant 0 : i32
        %dma_start3A_2083 = tpu.memref_slice %arg9[%dma_start3A_2081, %dma_start3A_2082] : memref<256x16xf32, #tpu.memory_space<vmem>> -> memref<8x16xf32, #tpu.memory_space<vmem>>
        %dma_start3A_2084 = arith.constant 0 : i32
        %dma_start3A_2085 = tpu.memref_slice %arg3[%multiple_of3A_2080, %dma_start3A_2084] : memref<1000000x16xf32, #tpu.memory_space<hbm>> -> memref<8x16xf32, #tpu.memory_space<hbm>>
        %dma_start3A_2086 = arith.constant 8 : i32
        %dma_start3A_2087 = arith.constant 0 : i32
        %dma_start3A_2088 = tpu.memref_slice %arg9[%dma_start3A_2086, %dma_start3A_2087] : memref<256x16xf32, #tpu.memory_space<vmem>> -> memref<8x16xf32, #tpu.memory_space<vmem>>
        %dma_start3A_2089 = arith.constant 0 : i32
        %dma_start3A_2090 = tpu.memref_slice %arg3[%multiple_of3A_2080, %dma_start3A_2089] : memref<1000000x16xf32, #tpu.memory_space<hbm>> -> memref<8x16xf32, #tpu.memory_space<hbm>>
        tpu.enqueue_dma source(%dma_start3A_2090 : memref<8x16xf32, #tpu.memory_space<hbm>>) target(%dma_start3A_2088 : memref<8x16xf32, #tpu.memory_space<vmem>>) target_semaphore(%arg12 : memref<!tpu.dma_semaphore, #tpu.memory_space<semaphore_mem>>)
        %multiple_of3A_2091 = tpu.assume_multiple %and3A_2079, 8 : i32
        %dma_start3A_2092 = arith.constant 8 : i32
        %dma_start3A_2093 = arith.constant 0 : i32
        %dma_start3A_2094 = tpu.memref_slice %arg10[%dma_start3A_2092, %dma_start3A_2093] : memref<256x16xf32, #tpu.memory_space<vmem>> -> memref<8x16xf32, #tpu.memory_space<vmem>>
        %dma_start3A_2095 = arith.constant 0 : i32
        %dma_start3A_2096 = tpu.memref_slice %arg2[%multiple_of3A_2091, %dma_start3A_2095] : memref<1000000x16xf32, #tpu.memory_space<hbm>> -> memref<8x16xf32, #tpu.memory_space<hbm>>
        %dma_start3A_2097 = arith.constant 8 : i32
        %dma_start3A_2098 = arith.constant 0 : i32
        %dma_start3A_2099 = tpu.memref_slice %arg10[%dma_start3A_2097, %dma_start3A_2098] : memref<256x16xf32, #tpu.memory_space<vmem>> -> memref<8x16xf32, #tpu.memory_space<vmem>>
        %dma_start3A_2100 = arith.constant 0 : i32
        %dma_start3A_2101 = tpu.memref_slice %arg2[%multiple_of3A_2091, %dma_start3A_2100] : memref<1000000x16xf32, #tpu.memory_space<hbm>> -> memref<8x16xf32, #tpu.memory_space<hbm>>
        tpu.enqueue_dma source(%dma_start3A_2101 : memref<8x16xf32, #tpu.memory_space<hbm>>) target(%dma_start3A_2099 : memref<8x16xf32, #tpu.memory_space<vmem>>) target_semaphore(%arg14 : memref<!tpu.dma_semaphore, #tpu.memory_space<semaphore_mem>>)
        %slice3A_2102 = vector.extract_strided_slice %get3A_2036 {offsets = [2], sizes = [1], strides = [1]} : vector<16xi32> to vector<1xi32>
        %squeeze3A_2103 = vector.extract %slice3A_2102[0] : i32 from vector<1xi32>
        %and3A_2104 = arith.constant -8 : i32
        %and3A_2105 = arith.andi %squeeze3A_2103, %and3A_2104 : i32
        %slice3A_2106 = vector.extract_strided_slice %get3A_2041 {offsets = [2], sizes = [1], strides = [1]} : vector<16xi32> to vector<1xi32>
        %squeeze3A_2107 = vector.extract %slice3A_2106[0] : i32 from vector<1xi32>
        %and3A_2108 = arith.constant -8 : i32
        %and3A_2109 = arith.andi %squeeze3A_2107, %and3A_2108 : i32
        %multiple_of3A_2110 = tpu.assume_multiple %and3A_2105, 8 : i32
        %dma_start3A_2111 = arith.constant 16 : i32
        %dma_start3A_2112 = arith.constant 0 : i32
        %dma_start3A_2113 = tpu.memref_slice %arg9[%dma_start3A_2111, %dma_start3A_2112] : memref<256x16xf32, #tpu.memory_space<vmem>> -> memref<8x16xf32, #tpu.memory_space<vmem>>
        %dma_start3A_2114 = arith.constant 0 : i32
        %dma_start3A_2115 = tpu.memref_slice %arg3[%multiple_of3A_2110, %dma_start3A_2114] : memref<1000000x16xf32, #tpu.memory_space<hbm>> -> memref<8x16xf32, #tpu.memory_space<hbm>>
        %dma_start3A_2116 = arith.constant 16 : i32
        %dma_start3A_2117 = arith.constant 0 : i32
        %dma_start3A_2118 = tpu.memref_slice %arg9[%dma_start3A_2116, %dma_start3A_2117] : memref<256x16xf32, #tpu.memory_space<vmem>> -> memref<8x16xf32, #tpu.memory_space<vmem>>
        %dma_start3A_2119 = arith.constant 0 : i32
        %dma_start3A_2120 = tpu.memref_slice %arg3[%multiple_of3A_2110, %dma_start3A_2119] : memref<1000000x16xf32, #tpu.memory_space<hbm>> -> memref<8x16xf32, #tpu.memory_space<hbm>>
        tpu.enqueue_dma source(%dma_start3A_2120 : memref<8x16xf32, #tpu.memory_space<hbm>>) target(%dma_start3A_2118 : memref<8x16xf32, #tpu.memory_space<vmem>>) target_semaphore(%arg12 : memref<!tpu.dma_semaphore, #tpu.memory_space<semaphore_mem>>)
        %multiple_of3A_2121 = tpu.assume_multiple %and3A_2109, 8 : i32
        %dma_start3A_2122 = arith.constant 16 : i32
        %dma_start3A_2123 = arith.constant 0 : i32
        %dma_start3A_2124 = tpu.memref_slice %arg10[%dma_start3A_2122, %dma_start3A_2123] : memref<256x16xf32, #tpu.memory_space<vmem>> -> memref<8x16xf32, #tpu.memory_space<vmem>>
        %dma_start3A_2125 = arith.constant 0 : i32
        %dma_start3A_2126 = tpu.memref_slice %arg2[%multiple_of3A_2121, %dma_start3A_2125] : memref<1000000x16xf32, #tpu.memory_space<hbm>> -> memref<8x16xf32, #tpu.memory_space<hbm>>
        %dma_start3A_2127 = arith.constant 16 : i32
        %dma_start3A_2128 = arith.constant 0 : i32
        %dma_start3A_2129 = tpu.memref_slice %arg10[%dma_start3A_2127, %dma_start3A_2128] : memref<256x16xf32, #tpu.memory_space<vmem>> -> memref<8x16xf32, #tpu.memory_space<vmem>>
        %dma_start3A_2130 = arith.constant 0 : i32
        %dma_start3A_2131 = tpu.memref_slice %arg2[%multiple_of3A_2121, %dma_start3A_2130] : memref<1000000x16xf32, #tpu.memory_space<hbm>> -> memref<8x16xf32, #tpu.memory_space<hbm>>
        tpu.enqueue_dma source(%dma_start3A_2131 : memref<8x16xf32, #tpu.memory_space<hbm>>) target(%dma_start3A_2129 : memref<8x16xf32, #tpu.memory_space<vmem>>) target_semaphore(%arg14 : memref<!tpu.dma_semaphore, #tpu.memory_space<semaphore_mem>>)
        %slice3A_2132 = vector.extract_strided_slice %get3A_2036 {offsets = [3], sizes = [1], strides = [1]} : vector<16xi32> to vector<1xi32>
        %squeeze3A_2133 = vector.extract %slice3A_2132[0] : i32 from vector<1xi32>
        %and3A_2134 = arith.constant -8 : i32
        %and3A_2135 = arith.andi %squeeze3A_2133, %and3A_2134 : i32
        %slice3A_2136 = vector.extract_strided_slice %get3A_2041 {offsets = [3], sizes = [1], strides = [1]} : vector<16xi32> to vector<1xi32>
        %squeeze3A_2137 = vector.extract %slice3A_2136[0] : i32 from vector<1xi32>
        %and3A_2138 = arith.constant -8 : i32
        %and3A_2139 = arith.andi %squeeze3A_2137, %and3A_2138 : i32
        %multiple_of3A_2140 = tpu.assume_multiple %and3A_2135, 8 : i32
        %dma_start3A_2141 = arith.constant 24 : i32
        %dma_start3A_2142 = arith.constant 0 : i32
        %dma_start3A_2143 = tpu.memref_slice %arg9[%dma_start3A_2141, %dma_start3A_2142] : memref<256x16xf32, #tpu.memory_space<vmem>> -> memref<8x16xf32, #tpu.memory_space<vmem>>
        %dma_start3A_2144 = arith.constant 0 : i32
        %dma_start3A_2145 = tpu.memref_slice %arg3[%multiple_of3A_2140, %dma_start3A_2144] : memref<1000000x16xf32, #tpu.memory_space<hbm>> -> memref<8x16xf32, #tpu.memory_space<hbm>>
        %dma_start3A_2146 = arith.constant 24 : i32
        %dma_start3A_2147 = arith.constant 0 : i32
        %dma_start3A_2148 = tpu.memref_slice %arg9[%dma_start3A_2146, %dma_start3A_2147] : memref<256x16xf32, #tpu.memory_space<vmem>> -> memref<8x16xf32, #tpu.memory_space<vmem>>
        %dma_start3A_2149 = arith.constant 0 : i32
        %dma_start3A_2150 = tpu.memref_slice %arg3[%multiple_of3A_2140, %dma_start3A_2149] : memref<1000000x16xf32, #tpu.memory_space<hbm>> -> memref<8x16xf32, #tpu.memory_space<hbm>>
        tpu.enqueue_dma source(%dma_start3A_2150 : memref<8x16xf32, #tpu.memory_space<hbm>>) target(%dma_start3A_2148 : memref<8x16xf32, #tpu.memory_space<vmem>>) target_semaphore(%arg12 : memref<!tpu.dma_semaphore, #tpu.memory_space<semaphore_mem>>)
        %multiple_of3A_2151 = tpu.assume_multiple %and3A_2139, 8 : i32
        %dma_start3A_2152 = arith.constant 24 : i32
        %dma_start3A_2153 = arith.constant 0 : i32
        %dma_start3A_2154 = tpu.memref_slice %arg10[%dma_start3A_2152, %dma_start3A_2153] : memref<256x16xf32, #tpu.memory_space<vmem>> -> memref<8x16xf32, #tpu.memory_space<vmem>>
        %dma_start3A_2155 = arith.constant 0 : i32
        %dma_start3A_2156 = tpu.memref_slice %arg2[%multiple_of3A_2151, %dma_start3A_2155] : memref<1000000x16xf32, #tpu.memory_space<hbm>> -> memref<8x16xf32, #tpu.memory_space<hbm>>
        %dma_start3A_2157 = arith.constant 24 : i32
        %dma_start3A_2158 = arith.constant 0 : i32
        %dma_start3A_2159 = tpu.memref_slice %arg10[%dma_start3A_2157, %dma_start3A_2158] : memref<256x16xf32, #tpu.memory_space<vmem>> -> memref<8x16xf32, #tpu.memory_space<vmem>>
        %dma_start3A_2160 = arith.constant 0 : i32
        %dma_start3A_2161 = tpu.memref_slice %arg2[%multiple_of3A_2151, %dma_start3A_2160] : memref<1000000x16xf32, #tpu.memory_space<hbm>> -> memref<8x16xf32, #tpu.memory_space<hbm>>
        tpu.enqueue_dma source(%dma_start3A_2161 : memref<8x16xf32, #tpu.memory_space<hbm>>) target(%dma_start3A_2159 : memref<8x16xf32, #tpu.memory_space<vmem>>) target_semaphore(%arg14 : memref<!tpu.dma_semaphore, #tpu.memory_space<semaphore_mem>>)
        %slice3A_2162 = vector.extract_strided_slice %get3A_2036 {offsets = [4], sizes = [1], strides = [1]} : vector<16xi32> to vector<1xi32>
        %squeeze3A_2163 = vector.extract %slice3A_2162[0] : i32 from vector<1xi32>
        %and3A_2164 = arith.constant -8 : i32
        %and3A_2165 = arith.andi %squeeze3A_2163, %and3A_2164 : i32
        %slice3A_2166 = vector.extract_strided_slice %get3A_2041 {offsets = [4], sizes = [1], strides = [1]} : vector<16xi32> to vector<1xi32>
        %squeeze3A_2167 = vector.extract %slice3A_2166[0] : i32 from vector<1xi32>
        %and3A_2168 = arith.constant -8 : i32
        %and3A_2169 = arith.andi %squeeze3A_2167, %and3A_2168 : i32
        %multiple_of3A_2170 = tpu.assume_multiple %and3A_2165, 8 : i32
        %dma_start3A_2171 = arith.constant 32 : i32
        %dma_start3A_2172 = arith.constant 0 : i32
        %dma_start3A_2173 = tpu.memref_slice %arg9[%dma_start3A_2171, %dma_start3A_2172] : memref<256x16xf32, #tpu.memory_space<vmem>> -> memref<8x16xf32, #tpu.memory_space<vmem>>
        %dma_start3A_2174 = arith.constant 0 : i32
        %dma_start3A_2175 = tpu.memref_slice %arg3[%multiple_of3A_2170, %dma_start3A_2174] : memref<1000000x16xf32, #tpu.memory_space<hbm>> -> memref<8x16xf32, #tpu.memory_space<hbm>>
        %dma_start3A_2176 = arith.constant 32 : i32
        %dma_start3A_2177 = arith.constant 0 : i32
        %dma_start3A_2178 = tpu.memref_slice %arg9[%dma_start3A_2176, %dma_start3A_2177] : memref<256x16xf32, #tpu.memory_space<vmem>> -> memref<8x16xf32, #tpu.memory_space<vmem>>
        %dma_start3A_2179 = arith.constant 0 : i32
        %dma_start3A_2180 = tpu.memref_slice %arg3[%multiple_of3A_2170, %dma_start3A_2179] : memref<1000000x16xf32, #tpu.memory_space<hbm>> -> memref<8x16xf32, #tpu.memory_space<hbm>>
        tpu.enqueue_dma source(%dma_start3A_2180 : memref<8x16xf32, #tpu.memory_space<hbm>>) target(%dma_start3A_2178 : memref<8x16xf32, #tpu.memory_space<vmem>>) target_semaphore(%arg12 : memref<!tpu.dma_semaphore, #tpu.memory_space<semaphore_mem>>)
        %multiple_of3A_2181 = tpu.assume_multiple %and3A_2169, 8 : i32
        %dma_start3A_2182 = arith.constant 32 : i32
        %dma_start3A_2183 = arith.constant 0 : i32
        %dma_start3A_2184 = tpu.memref_slice %arg10[%dma_start3A_2182, %dma_start3A_2183] : memref<256x16xf32, #tpu.memory_space<vmem>> -> memref<8x16xf32, #tpu.memory_space<vmem>>
        %dma_start3A_2185 = arith.constant 0 : i32
        %dma_start3A_2186 = tpu.memref_slice %arg2[%multiple_of3A_2181, %dma_start3A_2185] : memref<1000000x16xf32, #tpu.memory_space<hbm>> -> memref<8x16xf32, #tpu.memory_space<hbm>>
        %dma_start3A_2187 = arith.constant 32 : i32
        %dma_start3A_2188 = arith.constant 0 : i32
        %dma_start3A_2189 = tpu.memref_slice %arg10[%dma_start3A_2187, %dma_start3A_2188] : memref<256x16xf32, #tpu.memory_space<vmem>> -> memref<8x16xf32, #tpu.memory_space<vmem>>
        %dma_start3A_2190 = arith.constant 0 : i32
        %dma_start3A_2191 = tpu.memref_slice %arg2[%multiple_of3A_2181, %dma_start3A_2190] : memref<1000000x16xf32, #tpu.memory_space<hbm>> -> memref<8x16xf32, #tpu.memory_space<hbm>>
        tpu.enqueue_dma source(%dma_start3A_2191 : memref<8x16xf32, #tpu.memory_space<hbm>>) target(%dma_start3A_2189 : memref<8x16xf32, #tpu.memory_space<vmem>>) target_semaphore(%arg14 : memref<!tpu.dma_semaphore, #tpu.memory_space<semaphore_mem>>)
        %slice3A_2192 = vector.extract_strided_slice %get3A_2036 {offsets = [5], sizes = [1], strides = [1]} : vector<16xi32> to vector<1xi32>
        %squeeze3A_2193 = vector.extract %slice3A_2192[0] : i32 from vector<1xi32>
        %and3A_2194 = arith.constant -8 : i32
        %and3A_2195 = arith.andi %squeeze3A_2193, %and3A_2194 : i32
        %slice3A_2196 = vector.extract_strided_slice %get3A_2041 {offsets = [5], sizes = [1], strides = [1]} : vector<16xi32> to vector<1xi32>
        %squeeze3A_2197 = vector.extract %slice3A_2196[0] : i32 from vector<1xi32>
        %and3A_2198 = arith.constant -8 : i32
        %and3A_2199 = arith.andi %squeeze3A_2197, %and3A_2198 : i32
        %multiple_of3A_2200 = tpu.assume_multiple %and3A_2195, 8 : i32
        %dma_start3A_2201 = arith.constant 40 : i32
        %dma_start3A_2202 = arith.constant 0 : i32
        %dma_start3A_2203 = tpu.memref_slice %arg9[%dma_start3A_2201, %dma_start3A_2202] : memref<256x16xf32, #tpu.memory_space<vmem>> -> memref<8x16xf32, #tpu.memory_space<vmem>>
        %dma_start3A_2204 = arith.constant 0 : i32
        %dma_start3A_2205 = tpu.memref_slice %arg3[%multiple_of3A_2200, %dma_start3A_2204] : memref<1000000x16xf32, #tpu.memory_space<hbm>> -> memref<8x16xf32, #tpu.memory_space<hbm>>
        %dma_start3A_2206 = arith.constant 40 : i32
        %dma_start3A_2207 = arith.constant 0 : i32
        %dma_start3A_2208 = tpu.memref_slice %arg9[%dma_start3A_2206, %dma_start3A_2207] : memref<256x16xf32, #tpu.memory_space<vmem>> -> memref<8x16xf32, #tpu.memory_space<vmem>>
        %dma_start3A_2209 = arith.constant 0 : i32
        %dma_start3A_2210 = tpu.memref_slice %arg3[%multiple_of3A_2200, %dma_start3A_2209] : memref<1000000x16xf32, #tpu.memory_space<hbm>> -> memref<8x16xf32, #tpu.memory_space<hbm>>
        tpu.enqueue_dma source(%dma_start3A_2210 : memref<8x16xf32, #tpu.memory_space<hbm>>) target(%dma_start3A_2208 : memref<8x16xf32, #tpu.memory_space<vmem>>) target_semaphore(%arg12 : memref<!tpu.dma_semaphore, #tpu.memory_space<semaphore_mem>>)
        %multiple_of3A_2211 = tpu.assume_multiple %and3A_2199, 8 : i32
        %dma_start3A_2212 = arith.constant 40 : i32
        %dma_start3A_2213 = arith.constant 0 : i32
        %dma_start3A_2214 = tpu.memref_slice %arg10[%dma_start3A_2212, %dma_start3A_2213] : memref<256x16xf32, #tpu.memory_space<vmem>> -> memref<8x16xf32, #tpu.memory_space<vmem>>
        %dma_start3A_2215 = arith.constant 0 : i32
        %dma_start3A_2216 = tpu.memref_slice %arg2[%multiple_of3A_2211, %dma_start3A_2215] : memref<1000000x16xf32, #tpu.memory_space<hbm>> -> memref<8x16xf32, #tpu.memory_space<hbm>>
        %dma_start3A_2217 = arith.constant 40 : i32
        %dma_start3A_2218 = arith.constant 0 : i32
        %dma_start3A_2219 = tpu.memref_slice %arg10[%dma_start3A_2217, %dma_start3A_2218] : memref<256x16xf32, #tpu.memory_space<vmem>> -> memref<8x16xf32, #tpu.memory_space<vmem>>
        %dma_start3A_2220 = arith.constant 0 : i32
        %dma_start3A_2221 = tpu.memref_slice %arg2[%multiple_of3A_2211, %dma_start3A_2220] : memref<1000000x16xf32, #tpu.memory_space<hbm>> -> memref<8x16xf32, #tpu.memory_space<hbm>>
        tpu.enqueue_dma source(%dma_start3A_2221 : memref<8x16xf32, #tpu.memory_space<hbm>>) target(%dma_start3A_2219 : memref<8x16xf32, #tpu.memory_space<vmem>>) target_semaphore(%arg14 : memref<!tpu.dma_semaphore, #tpu.memory_space<semaphore_mem>>)
        %slice3A_2222 = vector.extract_strided_slice %get3A_2036 {offsets = [6], sizes = [1], strides = [1]} : vector<16xi32> to vector<1xi32>
        %squeeze3A_2223 = vector.extract %slice3A_2222[0] : i32 from vector<1xi32>
        %and3A_2224 = arith.constant -8 : i32
        %and3A_2225 = arith.andi %squeeze3A_2223, %and3A_2224 : i32
        %slice3A_2226 = vector.extract_strided_slice %get3A_2041 {offsets = [6], sizes = [1], strides = [1]} : vector<16xi32> to vector<1xi32>
        %squeeze3A_2227 = vector.extract %slice3A_2226[0] : i32 from vector<1xi32>
        %and3A_2228 = arith.constant -8 : i32
        %and3A_2229 = arith.andi %squeeze3A_2227, %and3A_2228 : i32
        %multiple_of3A_2230 = tpu.assume_multiple %and3A_2225, 8 : i32
        %dma_start3A_2231 = arith.constant 48 : i32
        %dma_start3A_2232 = arith.constant 0 : i32
        %dma_start3A_2233 = tpu.memref_slice %arg9[%dma_start3A_2231, %dma_start3A_2232] : memref<256x16xf32, #tpu.memory_space<vmem>> -> memref<8x16xf32, #tpu.memory_space<vmem>>
        %dma_start3A_2234 = arith.constant 0 : i32
        %dma_start3A_2235 = tpu.memref_slice %arg3[%multiple_of3A_2230, %dma_start3A_2234] : memref<1000000x16xf32, #tpu.memory_space<hbm>> -> memref<8x16xf32, #tpu.memory_space<hbm>>
        %dma_start3A_2236 = arith.constant 48 : i32
        %dma_start3A_2237 = arith.constant 0 : i32
        %dma_start3A_2238 = tpu.memref_slice %arg9[%dma_start3A_2236, %dma_start3A_2237] : memref<256x16xf32, #tpu.memory_space<vmem>> -> memref<8x16xf32, #tpu.memory_space<vmem>>
        %dma_start3A_2239 = arith.constant 0 : i32
        %dma_start3A_2240 = tpu.memref_slice %arg3[%multiple_of3A_2230, %dma_start3A_2239] : memref<1000000x16xf32, #tpu.memory_space<hbm>> -> memref<8x16xf32, #tpu.memory_space<hbm>>
        tpu.enqueue_dma source(%dma_start3A_2240 : memref<8x16xf32, #tpu.memory_space<hbm>>) target(%dma_start3A_2238 : memref<8x16xf32, #tpu.memory_space<vmem>>) target_semaphore(%arg12 : memref<!tpu.dma_semaphore, #tpu.memory_space<semaphore_mem>>)
        %multiple_of3A_2241 = tpu.assume_multiple %and3A_2229, 8 : i32
        %dma_start3A_2242 = arith.constant 48 : i32
        %dma_start3A_2243 = arith.constant 0 : i32
        %dma_start3A_2244 = tpu.memref_slice %arg10[%dma_start3A_2242, %dma_start3A_2243] : memref<256x16xf32, #tpu.memory_space<vmem>> -> memref<8x16xf32, #tpu.memory_space<vmem>>
        %dma_start3A_2245 = arith.constant 0 : i32
        %dma_start3A_2246 = tpu.memref_slice %arg2[%multiple_of3A_2241, %dma_start3A_2245] : memref<1000000x16xf32, #tpu.memory_space<hbm>> -> memref<8x16xf32, #tpu.memory_space<hbm>>
        %dma_start3A_2247 = arith.constant 48 : i32
        %dma_start3A_2248 = arith.constant 0 : i32
        %dma_start3A_2249 = tpu.memref_slice %arg10[%dma_start3A_2247, %dma_start3A_2248] : memref<256x16xf32, #tpu.memory_space<vmem>> -> memref<8x16xf32, #tpu.memory_space<vmem>>
        %dma_start3A_2250 = arith.constant 0 : i32
        %dma_start3A_2251 = tpu.memref_slice %arg2[%multiple_of3A_2241, %dma_start3A_2250] : memref<1000000x16xf32, #tpu.memory_space<hbm>> -> memref<8x16xf32, #tpu.memory_space<hbm>>
        tpu.enqueue_dma source(%dma_start3A_2251 : memref<8x16xf32, #tpu.memory_space<hbm>>) target(%dma_start3A_2249 : memref<8x16xf32, #tpu.memory_space<vmem>>) target_semaphore(%arg14 : memref<!tpu.dma_semaphore, #tpu.memory_space<semaphore_mem>>)
        %slice3A_2252 = vector.extract_strided_slice %get3A_2036 {offsets = [7], sizes = [1], strides = [1]} : vector<16xi32> to vector<1xi32>
        %squeeze3A_2253 = vector.extract %slice3A_2252[0] : i32 from vector<1xi32>
        %and3A_2254 = arith.constant -8 : i32
        %and3A_2255 = arith.andi %squeeze3A_2253, %and3A_2254 : i32
        %slice3A_2256 = vector.extract_strided_slice %get3A_2041 {offsets = [7], sizes = [1], strides = [1]} : vector<16xi32> to vector<1xi32>
        %squeeze3A_2257 = vector.extract %slice3A_2256[0] : i32 from vector<1xi32>
        %and3A_2258 = arith.constant -8 : i32
        %and3A_2259 = arith.andi %squeeze3A_2257, %and3A_2258 : i32
        %multiple_of3A_2260 = tpu.assume_multiple %and3A_2255, 8 : i32
        %dma_start3A_2261 = arith.constant 56 : i32
        %dma_start3A_2262 = arith.constant 0 : i32
        %dma_start3A_2263 = tpu.memref_slice %arg9[%dma_start3A_2261, %dma_start3A_2262] : memref<256x16xf32, #tpu.memory_space<vmem>> -> memref<8x16xf32, #tpu.memory_space<vmem>>
        %dma_start3A_2264 = arith.constant 0 : i32
        %dma_start3A_2265 = tpu.memref_slice %arg3[%multiple_of3A_2260, %dma_start3A_2264] : memref<1000000x16xf32, #tpu.memory_space<hbm>> -> memref<8x16xf32, #tpu.memory_space<hbm>>
        %dma_start3A_2266 = arith.constant 56 : i32
        %dma_start3A_2267 = arith.constant 0 : i32
        %dma_start3A_2268 = tpu.memref_slice %arg9[%dma_start3A_2266, %dma_start3A_2267] : memref<256x16xf32, #tpu.memory_space<vmem>> -> memref<8x16xf32, #tpu.memory_space<vmem>>
        %dma_start3A_2269 = arith.constant 0 : i32
        %dma_start3A_2270 = tpu.memref_slice %arg3[%multiple_of3A_2260, %dma_start3A_2269] : memref<1000000x16xf32, #tpu.memory_space<hbm>> -> memref<8x16xf32, #tpu.memory_space<hbm>>
        tpu.enqueue_dma source(%dma_start3A_2270 : memref<8x16xf32, #tpu.memory_space<hbm>>) target(%dma_start3A_2268 : memref<8x16xf32, #tpu.memory_space<vmem>>) target_semaphore(%arg12 : memref<!tpu.dma_semaphore, #tpu.memory_space<semaphore_mem>>)
        %multiple_of3A_2271 = tpu.assume_multiple %and3A_2259, 8 : i32
        %dma_start3A_2272 = arith.constant 56 : i32
        %dma_start3A_2273 = arith.constant 0 : i32
        %dma_start3A_2274 = tpu.memref_slice %arg10[%dma_start3A_2272, %dma_start3A_2273] : memref<256x16xf32, #tpu.memory_space<vmem>> -> memref<8x16xf32, #tpu.memory_space<vmem>>
        %dma_start3A_2275 = arith.constant 0 : i32
        %dma_start3A_2276 = tpu.memref_slice %arg2[%multiple_of3A_2271, %dma_start3A_2275] : memref<1000000x16xf32, #tpu.memory_space<hbm>> -> memref<8x16xf32, #tpu.memory_space<hbm>>
        %dma_start3A_2277 = arith.constant 56 : i32
        %dma_start3A_2278 = arith.constant 0 : i32
        %dma_start3A_2279 = tpu.memref_slice %arg10[%dma_start3A_2277, %dma_start3A_2278] : memref<256x16xf32, #tpu.memory_space<vmem>> -> memref<8x16xf32, #tpu.memory_space<vmem>>
        %dma_start3A_2280 = arith.constant 0 : i32
        %dma_start3A_2281 = tpu.memref_slice %arg2[%multiple_of3A_2271, %dma_start3A_2280] : memref<1000000x16xf32, #tpu.memory_space<hbm>> -> memref<8x16xf32, #tpu.memory_space<hbm>>
        tpu.enqueue_dma source(%dma_start3A_2281 : memref<8x16xf32, #tpu.memory_space<hbm>>) target(%dma_start3A_2279 : memref<8x16xf32, #tpu.memory_space<vmem>>) target_semaphore(%arg14 : memref<!tpu.dma_semaphore, #tpu.memory_space<semaphore_mem>>)
        %slice3A_2282 = vector.extract_strided_slice %get3A_2036 {offsets = [8], sizes = [1], strides = [1]} : vector<16xi32> to vector<1xi32>
        %squeeze3A_2283 = vector.extract %slice3A_2282[0] : i32 from vector<1xi32>
        %and3A_2284 = arith.constant -8 : i32
        %and3A_2285 = arith.andi %squeeze3A_2283, %and3A_2284 : i32
        %slice3A_2286 = vector.extract_strided_slice %get3A_2041 {offsets = [8], sizes = [1], strides = [1]} : vector<16xi32> to vector<1xi32>
        %squeeze3A_2287 = vector.extract %slice3A_2286[0] : i32 from vector<1xi32>
        %and3A_2288 = arith.constant -8 : i32
        %and3A_2289 = arith.andi %squeeze3A_2287, %and3A_2288 : i32
        %multiple_of3A_2290 = tpu.assume_multiple %and3A_2285, 8 : i32
        %dma_start3A_2291 = arith.constant 64 : i32
        %dma_start3A_2292 = arith.constant 0 : i32
        %dma_start3A_2293 = tpu.memref_slice %arg9[%dma_start3A_2291, %dma_start3A_2292] : memref<256x16xf32, #tpu.memory_space<vmem>> -> memref<8x16xf32, #tpu.memory_space<vmem>>
        %dma_start3A_2294 = arith.constant 0 : i32
        %dma_start3A_2295 = tpu.memref_slice %arg3[%multiple_of3A_2290, %dma_start3A_2294] : memref<1000000x16xf32, #tpu.memory_space<hbm>> -> memref<8x16xf32, #tpu.memory_space<hbm>>
        %dma_start3A_2296 = arith.constant 64 : i32
        %dma_start3A_2297 = arith.constant 0 : i32
        %dma_start3A_2298 = tpu.memref_slice %arg9[%dma_start3A_2296, %dma_start3A_2297] : memref<256x16xf32, #tpu.memory_space<vmem>> -> memref<8x16xf32, #tpu.memory_space<vmem>>
        %dma_start3A_2299 = arith.constant 0 : i32
        %dma_start3A_2300 = tpu.memref_slice %arg3[%multiple_of3A_2290, %dma_start3A_2299] : memref<1000000x16xf32, #tpu.memory_space<hbm>> -> memref<8x16xf32, #tpu.memory_space<hbm>>
        tpu.enqueue_dma source(%dma_start3A_2300 : memref<8x16xf32, #tpu.memory_space<hbm>>) target(%dma_start3A_2298 : memref<8x16xf32, #tpu.memory_space<vmem>>) target_semaphore(%arg12 : memref<!tpu.dma_semaphore, #tpu.memory_space<semaphore_mem>>)
        %multiple_of3A_2301 = tpu.assume_multiple %and3A_2289, 8 : i32
        %dma_start3A_2302 = arith.constant 64 : i32
        %dma_start3A_2303 = arith.constant 0 : i32
        %dma_start3A_2304 = tpu.memref_slice %arg10[%dma_start3A_2302, %dma_start3A_2303] : memref<256x16xf32, #tpu.memory_space<vmem>> -> memref<8x16xf32, #tpu.memory_space<vmem>>
        %dma_start3A_2305 = arith.constant 0 : i32
        %dma_start3A_2306 = tpu.memref_slice %arg2[%multiple_of3A_2301, %dma_start3A_2305] : memref<1000000x16xf32, #tpu.memory_space<hbm>> -> memref<8x16xf32, #tpu.memory_space<hbm>>
        %dma_start3A_2307 = arith.constant 64 : i32
        %dma_start3A_2308 = arith.constant 0 : i32
        %dma_start3A_2309 = tpu.memref_slice %arg10[%dma_start3A_2307, %dma_start3A_2308] : memref<256x16xf32, #tpu.memory_space<vmem>> -> memref<8x16xf32, #tpu.memory_space<vmem>>
        %dma_start3A_2310 = arith.constant 0 : i32
        %dma_start3A_2311 = tpu.memref_slice %arg2[%multiple_of3A_2301, %dma_start3A_2310] : memref<1000000x16xf32, #tpu.memory_space<hbm>> -> memref<8x16xf32, #tpu.memory_space<hbm>>
        tpu.enqueue_dma source(%dma_start3A_2311 : memref<8x16xf32, #tpu.memory_space<hbm>>) target(%dma_start3A_2309 : memref<8x16xf32, #tpu.memory_space<vmem>>) target_semaphore(%arg14 : memref<!tpu.dma_semaphore, #tpu.memory_space<semaphore_mem>>)
        %slice3A_2312 = vector.extract_strided_slice %get3A_2036 {offsets = [9], sizes = [1], strides = [1]} : vector<16xi32> to vector<1xi32>
        %squeeze3A_2313 = vector.extract %slice3A_2312[0] : i32 from vector<1xi32>
        %and3A_2314 = arith.constant -8 : i32
        %and3A_2315 = arith.andi %squeeze3A_2313, %and3A_2314 : i32
        %slice3A_2316 = vector.extract_strided_slice %get3A_2041 {offsets = [9], sizes = [1], strides = [1]} : vector<16xi32> to vector<1xi32>
        %squeeze3A_2317 = vector.extract %slice3A_2316[0] : i32 from vector<1xi32>
        %and3A_2318 = arith.constant -8 : i32
        %and3A_2319 = arith.andi %squeeze3A_2317, %and3A_2318 : i32
        %multiple_of3A_2320 = tpu.assume_multiple %and3A_2315, 8 : i32
        %dma_start3A_2321 = arith.constant 72 : i32
        %dma_start3A_2322 = arith.constant 0 : i32
        %dma_start3A_2323 = tpu.memref_slice %arg9[%dma_start3A_2321, %dma_start3A_2322] : memref<256x16xf32, #tpu.memory_space<vmem>> -> memref<8x16xf32, #tpu.memory_space<vmem>>
        %dma_start3A_2324 = arith.constant 0 : i32
        %dma_start3A_2325 = tpu.memref_slice %arg3[%multiple_of3A_2320, %dma_start3A_2324] : memref<1000000x16xf32, #tpu.memory_space<hbm>> -> memref<8x16xf32, #tpu.memory_space<hbm>>
        %dma_start3A_2326 = arith.constant 72 : i32
        %dma_start3A_2327 = arith.constant 0 : i32
        %dma_start3A_2328 = tpu.memref_slice %arg9[%dma_start3A_2326, %dma_start3A_2327] : memref<256x16xf32, #tpu.memory_space<vmem>> -> memref<8x16xf32, #tpu.memory_space<vmem>>
        %dma_start3A_2329 = arith.constant 0 : i32
        %dma_start3A_2330 = tpu.memref_slice %arg3[%multiple_of3A_2320, %dma_start3A_2329] : memref<1000000x16xf32, #tpu.memory_space<hbm>> -> memref<8x16xf32, #tpu.memory_space<hbm>>
        tpu.enqueue_dma source(%dma_start3A_2330 : memref<8x16xf32, #tpu.memory_space<hbm>>) target(%dma_start3A_2328 : memref<8x16xf32, #tpu.memory_space<vmem>>) target_semaphore(%arg12 : memref<!tpu.dma_semaphore, #tpu.memory_space<semaphore_mem>>)
        %multiple_of3A_2331 = tpu.assume_multiple %and3A_2319, 8 : i32
        %dma_start3A_2332 = arith.constant 72 : i32
        %dma_start3A_2333 = arith.constant 0 : i32
        %dma_start3A_2334 = tpu.memref_slice %arg10[%dma_start3A_2332, %dma_start3A_2333] : memref<256x16xf32, #tpu.memory_space<vmem>> -> memref<8x16xf32, #tpu.memory_space<vmem>>
        %dma_start3A_2335 = arith.constant 0 : i32
        %dma_start3A_2336 = tpu.memref_slice %arg2[%multiple_of3A_2331, %dma_start3A_2335] : memref<1000000x16xf32, #tpu.memory_space<hbm>> -> memref<8x16xf32, #tpu.memory_space<hbm>>
        %dma_start3A_2337 = arith.constant 72 : i32
        %dma_start3A_2338 = arith.constant 0 : i32
        %dma_start3A_2339 = tpu.memref_slice %arg10[%dma_start3A_2337, %dma_start3A_2338] : memref<256x16xf32, #tpu.memory_space<vmem>> -> memref<8x16xf32, #tpu.memory_space<vmem>>
        %dma_start3A_2340 = arith.constant 0 : i32
        %dma_start3A_2341 = tpu.memref_slice %arg2[%multiple_of3A_2331, %dma_start3A_2340] : memref<1000000x16xf32, #tpu.memory_space<hbm>> -> memref<8x16xf32, #tpu.memory_space<hbm>>
        tpu.enqueue_dma source(%dma_start3A_2341 : memref<8x16xf32, #tpu.memory_space<hbm>>) target(%dma_start3A_2339 : memref<8x16xf32, #tpu.memory_space<vmem>>) target_semaphore(%arg14 : memref<!tpu.dma_semaphore, #tpu.memory_space<semaphore_mem>>)
        %slice3A_2342 = vector.extract_strided_slice %get3A_2036 {offsets = [10], sizes = [1], strides = [1]} : vector<16xi32> to vector<1xi32>
        %squeeze3A_2343 = vector.extract %slice3A_2342[0] : i32 from vector<1xi32>
        %and3A_2344 = arith.constant -8 : i32
        %and3A_2345 = arith.andi %squeeze3A_2343, %and3A_2344 : i32
        %slice3A_2346 = vector.extract_strided_slice %get3A_2041 {offsets = [10], sizes = [1], strides = [1]} : vector<16xi32> to vector<1xi32>
        %squeeze3A_2347 = vector.extract %slice3A_2346[0] : i32 from vector<1xi32>
        %and3A_2348 = arith.constant -8 : i32
        %and3A_2349 = arith.andi %squeeze3A_2347, %and3A_2348 : i32
        %multiple_of3A_2350 = tpu.assume_multiple %and3A_2345, 8 : i32
        %dma_start3A_2351 = arith.constant 80 : i32
        %dma_start3A_2352 = arith.constant 0 : i32
        %dma_start3A_2353 = tpu.memref_slice %arg9[%dma_start3A_2351, %dma_start3A_2352] : memref<256x16xf32, #tpu.memory_space<vmem>> -> memref<8x16xf32, #tpu.memory_space<vmem>>
        %dma_start3A_2354 = arith.constant 0 : i32
        %dma_start3A_2355 = tpu.memref_slice %arg3[%multiple_of3A_2350, %dma_start3A_2354] : memref<1000000x16xf32, #tpu.memory_space<hbm>> -> memref<8x16xf32, #tpu.memory_space<hbm>>
        %dma_start3A_2356 = arith.constant 80 : i32
        %dma_start3A_2357 = arith.constant 0 : i32
        %dma_start3A_2358 = tpu.memref_slice %arg9[%dma_start3A_2356, %dma_start3A_2357] : memref<256x16xf32, #tpu.memory_space<vmem>> -> memref<8x16xf32, #tpu.memory_space<vmem>>
        %dma_start3A_2359 = arith.constant 0 : i32
        %dma_start3A_2360 = tpu.memref_slice %arg3[%multiple_of3A_2350, %dma_start3A_2359] : memref<1000000x16xf32, #tpu.memory_space<hbm>> -> memref<8x16xf32, #tpu.memory_space<hbm>>
        tpu.enqueue_dma source(%dma_start3A_2360 : memref<8x16xf32, #tpu.memory_space<hbm>>) target(%dma_start3A_2358 : memref<8x16xf32, #tpu.memory_space<vmem>>) target_semaphore(%arg12 : memref<!tpu.dma_semaphore, #tpu.memory_space<semaphore_mem>>)
        %multiple_of3A_2361 = tpu.assume_multiple %and3A_2349, 8 : i32
        %dma_start3A_2362 = arith.constant 80 : i32
        %dma_start3A_2363 = arith.constant 0 : i32
        %dma_start3A_2364 = tpu.memref_slice %arg10[%dma_start3A_2362, %dma_start3A_2363] : memref<256x16xf32, #tpu.memory_space<vmem>> -> memref<8x16xf32, #tpu.memory_space<vmem>>
        %dma_start3A_2365 = arith.constant 0 : i32
        %dma_start3A_2366 = tpu.memref_slice %arg2[%multiple_of3A_2361, %dma_start3A_2365] : memref<1000000x16xf32, #tpu.memory_space<hbm>> -> memref<8x16xf32, #tpu.memory_space<hbm>>
        %dma_start3A_2367 = arith.constant 80 : i32
        %dma_start3A_2368 = arith.constant 0 : i32
        %dma_start3A_2369 = tpu.memref_slice %arg10[%dma_start3A_2367, %dma_start3A_2368] : memref<256x16xf32, #tpu.memory_space<vmem>> -> memref<8x16xf32, #tpu.memory_space<vmem>>
        %dma_start3A_2370 = arith.constant 0 : i32
        %dma_start3A_2371 = tpu.memref_slice %arg2[%multiple_of3A_2361, %dma_start3A_2370] : memref<1000000x16xf32, #tpu.memory_space<hbm>> -> memref<8x16xf32, #tpu.memory_space<hbm>>
        tpu.enqueue_dma source(%dma_start3A_2371 : memref<8x16xf32, #tpu.memory_space<hbm>>) target(%dma_start3A_2369 : memref<8x16xf32, #tpu.memory_space<vmem>>) target_semaphore(%arg14 : memref<!tpu.dma_semaphore, #tpu.memory_space<semaphore_mem>>)
        %slice3A_2372 = vector.extract_strided_slice %get3A_2036 {offsets = [11], sizes = [1], strides = [1]} : vector<16xi32> to vector<1xi32>
        %squeeze3A_2373 = vector.extract %slice3A_2372[0] : i32 from vector<1xi32>
        %and3A_2374 = arith.constant -8 : i32
        %and3A_2375 = arith.andi %squeeze3A_2373, %and3A_2374 : i32
        %slice3A_2376 = vector.extract_strided_slice %get3A_2041 {offsets = [11], sizes = [1], strides = [1]} : vector<16xi32> to vector<1xi32>
        %squeeze3A_2377 = vector.extract %slice3A_2376[0] : i32 from vector<1xi32>
        %and3A_2378 = arith.constant -8 : i32
        %and3A_2379 = arith.andi %squeeze3A_2377, %and3A_2378 : i32
        %multiple_of3A_2380 = tpu.assume_multiple %and3A_2375, 8 : i32
        %dma_start3A_2381 = arith.constant 88 : i32
        %dma_start3A_2382 = arith.constant 0 : i32
        %dma_start3A_2383 = tpu.memref_slice %arg9[%dma_start3A_2381, %dma_start3A_2382] : memref<256x16xf32, #tpu.memory_space<vmem>> -> memref<8x16xf32, #tpu.memory_space<vmem>>
        %dma_start3A_2384 = arith.constant 0 : i32
        %dma_start3A_2385 = tpu.memref_slice %arg3[%multiple_of3A_2380, %dma_start3A_2384] : memref<1000000x16xf32, #tpu.memory_space<hbm>> -> memref<8x16xf32, #tpu.memory_space<hbm>>
        %dma_start3A_2386 = arith.constant 88 : i32
        %dma_start3A_2387 = arith.constant 0 : i32
        %dma_start3A_2388 = tpu.memref_slice %arg9[%dma_start3A_2386, %dma_start3A_2387] : memref<256x16xf32, #tpu.memory_space<vmem>> -> memref<8x16xf32, #tpu.memory_space<vmem>>
        %dma_start3A_2389 = arith.constant 0 : i32
        %dma_start3A_2390 = tpu.memref_slice %arg3[%multiple_of3A_2380, %dma_start3A_2389] : memref<1000000x16xf32, #tpu.memory_space<hbm>> -> memref<8x16xf32, #tpu.memory_space<hbm>>
        tpu.enqueue_dma source(%dma_start3A_2390 : memref<8x16xf32, #tpu.memory_space<hbm>>) target(%dma_start3A_2388 : memref<8x16xf32, #tpu.memory_space<vmem>>) target_semaphore(%arg12 : memref<!tpu.dma_semaphore, #tpu.memory_space<semaphore_mem>>)
        %multiple_of3A_2391 = tpu.assume_multiple %and3A_2379, 8 : i32
        %dma_start3A_2392 = arith.constant 88 : i32
        %dma_start3A_2393 = arith.constant 0 : i32
        %dma_start3A_2394 = tpu.memref_slice %arg10[%dma_start3A_2392, %dma_start3A_2393] : memref<256x16xf32, #tpu.memory_space<vmem>> -> memref<8x16xf32, #tpu.memory_space<vmem>>
        %dma_start3A_2395 = arith.constant 0 : i32
        %dma_start3A_2396 = tpu.memref_slice %arg2[%multiple_of3A_2391, %dma_start3A_2395] : memref<1000000x16xf32, #tpu.memory_space<hbm>> -> memref<8x16xf32, #tpu.memory_space<hbm>>
        %dma_start3A_2397 = arith.constant 88 : i32
        %dma_start3A_2398 = arith.constant 0 : i32
        %dma_start3A_2399 = tpu.memref_slice %arg10[%dma_start3A_2397, %dma_start3A_2398] : memref<256x16xf32, #tpu.memory_space<vmem>> -> memref<8x16xf32, #tpu.memory_space<vmem>>
        %dma_start3A_2400 = arith.constant 0 : i32
        %dma_start3A_2401 = tpu.memref_slice %arg2[%multiple_of3A_2391, %dma_start3A_2400] : memref<1000000x16xf32, #tpu.memory_space<hbm>> -> memref<8x16xf32, #tpu.memory_space<hbm>>
        tpu.enqueue_dma source(%dma_start3A_2401 : memref<8x16xf32, #tpu.memory_space<hbm>>) target(%dma_start3A_2399 : memref<8x16xf32, #tpu.memory_space<vmem>>) target_semaphore(%arg14 : memref<!tpu.dma_semaphore, #tpu.memory_space<semaphore_mem>>)
        %slice3A_2402 = vector.extract_strided_slice %get3A_2036 {offsets = [12], sizes = [1], strides = [1]} : vector<16xi32> to vector<1xi32>
        %squeeze3A_2403 = vector.extract %slice3A_2402[0] : i32 from vector<1xi32>
        %and3A_2404 = arith.constant -8 : i32
        %and3A_2405 = arith.andi %squeeze3A_2403, %and3A_2404 : i32
        %slice3A_2406 = vector.extract_strided_slice %get3A_2041 {offsets = [12], sizes = [1], strides = [1]} : vector<16xi32> to vector<1xi32>
        %squeeze3A_2407 = vector.extract %slice3A_2406[0] : i32 from vector<1xi32>
        %and3A_2408 = arith.constant -8 : i32
        %and3A_2409 = arith.andi %squeeze3A_2407, %and3A_2408 : i32
        %multiple_of3A_2410 = tpu.assume_multiple %and3A_2405, 8 : i32
        %dma_start3A_2411 = arith.constant 96 : i32
        %dma_start3A_2412 = arith.constant 0 : i32
        %dma_start3A_2413 = tpu.memref_slice %arg9[%dma_start3A_2411, %dma_start3A_2412] : memref<256x16xf32, #tpu.memory_space<vmem>> -> memref<8x16xf32, #tpu.memory_space<vmem>>
        %dma_start3A_2414 = arith.constant 0 : i32
        %dma_start3A_2415 = tpu.memref_slice %arg3[%multiple_of3A_2410, %dma_start3A_2414] : memref<1000000x16xf32, #tpu.memory_space<hbm>> -> memref<8x16xf32, #tpu.memory_space<hbm>>
        %dma_start3A_2416 = arith.constant 96 : i32
        %dma_start3A_2417 = arith.constant 0 : i32
        %dma_start3A_2418 = tpu.memref_slice %arg9[%dma_start3A_2416, %dma_start3A_2417] : memref<256x16xf32, #tpu.memory_space<vmem>> -> memref<8x16xf32, #tpu.memory_space<vmem>>
        %dma_start3A_2419 = arith.constant 0 : i32
        %dma_start3A_2420 = tpu.memref_slice %arg3[%multiple_of3A_2410, %dma_start3A_2419] : memref<1000000x16xf32, #tpu.memory_space<hbm>> -> memref<8x16xf32, #tpu.memory_space<hbm>>
        tpu.enqueue_dma source(%dma_start3A_2420 : memref<8x16xf32, #tpu.memory_space<hbm>>) target(%dma_start3A_2418 : memref<8x16xf32, #tpu.memory_space<vmem>>) target_semaphore(%arg12 : memref<!tpu.dma_semaphore, #tpu.memory_space<semaphore_mem>>)
        %multiple_of3A_2421 = tpu.assume_multiple %and3A_2409, 8 : i32
        %dma_start3A_2422 = arith.constant 96 : i32
        %dma_start3A_2423 = arith.constant 0 : i32
        %dma_start3A_2424 = tpu.memref_slice %arg10[%dma_start3A_2422, %dma_start3A_2423] : memref<256x16xf32, #tpu.memory_space<vmem>> -> memref<8x16xf32, #tpu.memory_space<vmem>>
        %dma_start3A_2425 = arith.constant 0 : i32
        %dma_start3A_2426 = tpu.memref_slice %arg2[%multiple_of3A_2421, %dma_start3A_2425] : memref<1000000x16xf32, #tpu.memory_space<hbm>> -> memref<8x16xf32, #tpu.memory_space<hbm>>
        %dma_start3A_2427 = arith.constant 96 : i32
        %dma_start3A_2428 = arith.constant 0 : i32
        %dma_start3A_2429 = tpu.memref_slice %arg10[%dma_start3A_2427, %dma_start3A_2428] : memref<256x16xf32, #tpu.memory_space<vmem>> -> memref<8x16xf32, #tpu.memory_space<vmem>>
        %dma_start3A_2430 = arith.constant 0 : i32
        %dma_start3A_2431 = tpu.memref_slice %arg2[%multiple_of3A_2421, %dma_start3A_2430] : memref<1000000x16xf32, #tpu.memory_space<hbm>> -> memref<8x16xf32, #tpu.memory_space<hbm>>
        tpu.enqueue_dma source(%dma_start3A_2431 : memref<8x16xf32, #tpu.memory_space<hbm>>) target(%dma_start3A_2429 : memref<8x16xf32, #tpu.memory_space<vmem>>) target_semaphore(%arg14 : memref<!tpu.dma_semaphore, #tpu.memory_space<semaphore_mem>>)
        %slice3A_2432 = vector.extract_strided_slice %get3A_2036 {offsets = [13], sizes = [1], strides = [1]} : vector<16xi32> to vector<1xi32>
        %squeeze3A_2433 = vector.extract %slice3A_2432[0] : i32 from vector<1xi32>
        %and3A_2434 = arith.constant -8 : i32
        %and3A_2435 = arith.andi %squeeze3A_2433, %and3A_2434 : i32
        %slice3A_2436 = vector.extract_strided_slice %get3A_2041 {offsets = [13], sizes = [1], strides = [1]} : vector<16xi32> to vector<1xi32>
        %squeeze3A_2437 = vector.extract %slice3A_2436[0] : i32 from vector<1xi32>
        %and3A_2438 = arith.constant -8 : i32
        %and3A_2439 = arith.andi %squeeze3A_2437, %and3A_2438 : i32
        %multiple_of3A_2440 = tpu.assume_multiple %and3A_2435, 8 : i32
        %dma_start3A_2441 = arith.constant 104 : i32
        %dma_start3A_2442 = arith.constant 0 : i32
        %dma_start3A_2443 = tpu.memref_slice %arg9[%dma_start3A_2441, %dma_start3A_2442] : memref<256x16xf32, #tpu.memory_space<vmem>> -> memref<8x16xf32, #tpu.memory_space<vmem>>
        %dma_start3A_2444 = arith.constant 0 : i32
        %dma_start3A_2445 = tpu.memref_slice %arg3[%multiple_of3A_2440, %dma_start3A_2444] : memref<1000000x16xf32, #tpu.memory_space<hbm>> -> memref<8x16xf32, #tpu.memory_space<hbm>>
        %dma_start3A_2446 = arith.constant 104 : i32
        %dma_start3A_2447 = arith.constant 0 : i32
        %dma_start3A_2448 = tpu.memref_slice %arg9[%dma_start3A_2446, %dma_start3A_2447] : memref<256x16xf32, #tpu.memory_space<vmem>> -> memref<8x16xf32, #tpu.memory_space<vmem>>
        %dma_start3A_2449 = arith.constant 0 : i32
        %dma_start3A_2450 = tpu.memref_slice %arg3[%multiple_of3A_2440, %dma_start3A_2449] : memref<1000000x16xf32, #tpu.memory_space<hbm>> -> memref<8x16xf32, #tpu.memory_space<hbm>>
        tpu.enqueue_dma source(%dma_start3A_2450 : memref<8x16xf32, #tpu.memory_space<hbm>>) target(%dma_start3A_2448 : memref<8x16xf32, #tpu.memory_space<vmem>>) target_semaphore(%arg12 : memref<!tpu.dma_semaphore, #tpu.memory_space<semaphore_mem>>)
        %multiple_of3A_2451 = tpu.assume_multiple %and3A_2439, 8 : i32
        %dma_start3A_2452 = arith.constant 104 : i32
        %dma_start3A_2453 = arith.constant 0 : i32
        %dma_start3A_2454 = tpu.memref_slice %arg10[%dma_start3A_2452, %dma_start3A_2453] : memref<256x16xf32, #tpu.memory_space<vmem>> -> memref<8x16xf32, #tpu.memory_space<vmem>>
        %dma_start3A_2455 = arith.constant 0 : i32
        %dma_start3A_2456 = tpu.memref_slice %arg2[%multiple_of3A_2451, %dma_start3A_2455] : memref<1000000x16xf32, #tpu.memory_space<hbm>> -> memref<8x16xf32, #tpu.memory_space<hbm>>
        %dma_start3A_2457 = arith.constant 104 : i32
        %dma_start3A_2458 = arith.constant 0 : i32
        %dma_start3A_2459 = tpu.memref_slice %arg10[%dma_start3A_2457, %dma_start3A_2458] : memref<256x16xf32, #tpu.memory_space<vmem>> -> memref<8x16xf32, #tpu.memory_space<vmem>>
        %dma_start3A_2460 = arith.constant 0 : i32
        %dma_start3A_2461 = tpu.memref_slice %arg2[%multiple_of3A_2451, %dma_start3A_2460] : memref<1000000x16xf32, #tpu.memory_space<hbm>> -> memref<8x16xf32, #tpu.memory_space<hbm>>
        tpu.enqueue_dma source(%dma_start3A_2461 : memref<8x16xf32, #tpu.memory_space<hbm>>) target(%dma_start3A_2459 : memref<8x16xf32, #tpu.memory_space<vmem>>) target_semaphore(%arg14 : memref<!tpu.dma_semaphore, #tpu.memory_space<semaphore_mem>>)
        %slice3A_2462 = vector.extract_strided_slice %get3A_2036 {offsets = [14], sizes = [1], strides = [1]} : vector<16xi32> to vector<1xi32>
        %squeeze3A_2463 = vector.extract %slice3A_2462[0] : i32 from vector<1xi32>
        %and3A_2464 = arith.constant -8 : i32
        %and3A_2465 = arith.andi %squeeze3A_2463, %and3A_2464 : i32
        %slice3A_2466 = vector.extract_strided_slice %get3A_2041 {offsets = [14], sizes = [1], strides = [1]} : vector<16xi32> to vector<1xi32>
        %squeeze3A_2467 = vector.extract %slice3A_2466[0] : i32 from vector<1xi32>
        %and3A_2468 = arith.constant -8 : i32
        %and3A_2469 = arith.andi %squeeze3A_2467, %and3A_2468 : i32
        %multiple_of3A_2470 = tpu.assume_multiple %and3A_2465, 8 : i32
        %dma_start3A_2471 = arith.constant 112 : i32
        %dma_start3A_2472 = arith.constant 0 : i32
        %dma_start3A_2473 = tpu.memref_slice %arg9[%dma_start3A_2471, %dma_start3A_2472] : memref<256x16xf32, #tpu.memory_space<vmem>> -> memref<8x16xf32, #tpu.memory_space<vmem>>
        %dma_start3A_2474 = arith.constant 0 : i32
        %dma_start3A_2475 = tpu.memref_slice %arg3[%multiple_of3A_2470, %dma_start3A_2474] : memref<1000000x16xf32, #tpu.memory_space<hbm>> -> memref<8x16xf32, #tpu.memory_space<hbm>>
        %dma_start3A_2476 = arith.constant 112 : i32
        %dma_start3A_2477 = arith.constant 0 : i32
        %dma_start3A_2478 = tpu.memref_slice %arg9[%dma_start3A_2476, %dma_start3A_2477] : memref<256x16xf32, #tpu.memory_space<vmem>> -> memref<8x16xf32, #tpu.memory_space<vmem>>
        %dma_start3A_2479 = arith.constant 0 : i32
        %dma_start3A_2480 = tpu.memref_slice %arg3[%multiple_of3A_2470, %dma_start3A_2479] : memref<1000000x16xf32, #tpu.memory_space<hbm>> -> memref<8x16xf32, #tpu.memory_space<hbm>>
        tpu.enqueue_dma source(%dma_start3A_2480 : memref<8x16xf32, #tpu.memory_space<hbm>>) target(%dma_start3A_2478 : memref<8x16xf32, #tpu.memory_space<vmem>>) target_semaphore(%arg12 : memref<!tpu.dma_semaphore, #tpu.memory_space<semaphore_mem>>)
        %multiple_of3A_2481 = tpu.assume_multiple %and3A_2469, 8 : i32
        %dma_start3A_2482 = arith.constant 112 : i32
        %dma_start3A_2483 = arith.constant 0 : i32
        %dma_start3A_2484 = tpu.memref_slice %arg10[%dma_start3A_2482, %dma_start3A_2483] : memref<256x16xf32, #tpu.memory_space<vmem>> -> memref<8x16xf32, #tpu.memory_space<vmem>>
        %dma_start3A_2485 = arith.constant 0 : i32
        %dma_start3A_2486 = tpu.memref_slice %arg2[%multiple_of3A_2481, %dma_start3A_2485] : memref<1000000x16xf32, #tpu.memory_space<hbm>> -> memref<8x16xf32, #tpu.memory_space<hbm>>
        %dma_start3A_2487 = arith.constant 112 : i32
        %dma_start3A_2488 = arith.constant 0 : i32
        %dma_start3A_2489 = tpu.memref_slice %arg10[%dma_start3A_2487, %dma_start3A_2488] : memref<256x16xf32, #tpu.memory_space<vmem>> -> memref<8x16xf32, #tpu.memory_space<vmem>>
        %dma_start3A_2490 = arith.constant 0 : i32
        %dma_start3A_2491 = tpu.memref_slice %arg2[%multiple_of3A_2481, %dma_start3A_2490] : memref<1000000x16xf32, #tpu.memory_space<hbm>> -> memref<8x16xf32, #tpu.memory_space<hbm>>
        tpu.enqueue_dma source(%dma_start3A_2491 : memref<8x16xf32, #tpu.memory_space<hbm>>) target(%dma_start3A_2489 : memref<8x16xf32, #tpu.memory_space<vmem>>) target_semaphore(%arg14 : memref<!tpu.dma_semaphore, #tpu.memory_space<semaphore_mem>>)
        %slice3A_2492 = vector.extract_strided_slice %get3A_2036 {offsets = [15], sizes = [1], strides = [1]} : vector<16xi32> to vector<1xi32>
        %squeeze3A_2493 = vector.extract %slice3A_2492[0] : i32 from vector<1xi32>
        %and3A_2494 = arith.constant -8 : i32
        %and3A_2495 = arith.andi %squeeze3A_2493, %and3A_2494 : i32
        %slice3A_2496 = vector.extract_strided_slice %get3A_2041 {offsets = [15], sizes = [1], strides = [1]} : vector<16xi32> to vector<1xi32>
        %squeeze3A_2497 = vector.extract %slice3A_2496[0] : i32 from vector<1xi32>
        %and3A_2498 = arith.constant -8 : i32
        %and3A_2499 = arith.andi %squeeze3A_2497, %and3A_2498 : i32
        %multiple_of3A_2500 = tpu.assume_multiple %and3A_2495, 8 : i32
        %dma_start3A_2501 = arith.constant 120 : i32
        %dma_start3A_2502 = arith.constant 0 : i32
        %dma_start3A_2503 = tpu.memref_slice %arg9[%dma_start3A_2501, %dma_start3A_2502] : memref<256x16xf32, #tpu.memory_space<vmem>> -> memref<8x16xf32, #tpu.memory_space<vmem>>
        %dma_start3A_2504 = arith.constant 0 : i32
        %dma_start3A_2505 = tpu.memref_slice %arg3[%multiple_of3A_2500, %dma_start3A_2504] : memref<1000000x16xf32, #tpu.memory_space<hbm>> -> memref<8x16xf32, #tpu.memory_space<hbm>>
        %dma_start3A_2506 = arith.constant 120 : i32
        %dma_start3A_2507 = arith.constant 0 : i32
        %dma_start3A_2508 = tpu.memref_slice %arg9[%dma_start3A_2506, %dma_start3A_2507] : memref<256x16xf32, #tpu.memory_space<vmem>> -> memref<8x16xf32, #tpu.memory_space<vmem>>
        %dma_start3A_2509 = arith.constant 0 : i32
        %dma_start3A_2510 = tpu.memref_slice %arg3[%multiple_of3A_2500, %dma_start3A_2509] : memref<1000000x16xf32, #tpu.memory_space<hbm>> -> memref<8x16xf32, #tpu.memory_space<hbm>>
        tpu.enqueue_dma source(%dma_start3A_2510 : memref<8x16xf32, #tpu.memory_space<hbm>>) target(%dma_start3A_2508 : memref<8x16xf32, #tpu.memory_space<vmem>>) target_semaphore(%arg12 : memref<!tpu.dma_semaphore, #tpu.memory_space<semaphore_mem>>)
        %multiple_of3A_2511 = tpu.assume_multiple %and3A_2499, 8 : i32
        %dma_start3A_2512 = arith.constant 120 : i32
        %dma_start3A_2513 = arith.constant 0 : i32
        %dma_start3A_2514 = tpu.memref_slice %arg10[%dma_start3A_2512, %dma_start3A_2513] : memref<256x16xf32, #tpu.memory_space<vmem>> -> memref<8x16xf32, #tpu.memory_space<vmem>>
        %dma_start3A_2515 = arith.constant 0 : i32
        %dma_start3A_2516 = tpu.memref_slice %arg2[%multiple_of3A_2511, %dma_start3A_2515] : memref<1000000x16xf32, #tpu.memory_space<hbm>> -> memref<8x16xf32, #tpu.memory_space<hbm>>
        %dma_start3A_2517 = arith.constant 120 : i32
        %dma_start3A_2518 = arith.constant 0 : i32
        %dma_start3A_2519 = tpu.memref_slice %arg10[%dma_start3A_2517, %dma_start3A_2518] : memref<256x16xf32, #tpu.memory_space<vmem>> -> memref<8x16xf32, #tpu.memory_space<vmem>>
        %dma_start3A_2520 = arith.constant 0 : i32
        %dma_start3A_2521 = tpu.memref_slice %arg2[%multiple_of3A_2511, %dma_start3A_2520] : memref<1000000x16xf32, #tpu.memory_space<hbm>> -> memref<8x16xf32, #tpu.memory_space<hbm>>
        tpu.enqueue_dma source(%dma_start3A_2521 : memref<8x16xf32, #tpu.memory_space<hbm>>) target(%dma_start3A_2519 : memref<8x16xf32, #tpu.memory_space<vmem>>) target_semaphore(%arg14 : memref<!tpu.dma_semaphore, #tpu.memory_space<semaphore_mem>>)
      } else {
      }
      %dma_wait3A_1500 = arith.constant 128 : i32
      %dma_wait3A_1501 = arith.constant 0 : i32
      %dma_wait3A_1502 = tpu.memref_slice %arg9[%dma_wait3A_1500, %dma_wait3A_1501] : memref<256x16xf32, #tpu.memory_space<vmem>> -> memref<8x16xf32, #tpu.memory_space<vmem>>
      %dma_wait3A_1503 = arith.constant 0 : i32
      %dma_wait3A_1504 = arith.constant 0 : i32
      %dma_wait3A_1505 = tpu.memref_slice %arg3[%dma_wait3A_1503, %dma_wait3A_1504] : memref<1000000x16xf32, #tpu.memory_space<hbm>> -> memref<8x16xf32, #tpu.memory_space<hbm>>
      %dma_wait3A_1506 = arith.constant 128 : i32
      %dma_wait3A_1507 = arith.constant 0 : i32
      %dma_wait3A_1508 = tpu.memref_slice %arg9[%dma_wait3A_1506, %dma_wait3A_1507] : memref<256x16xf32, #tpu.memory_space<vmem>> -> memref<8x16xf32, #tpu.memory_space<vmem>>
      %dma_wait3A_1509 = arith.constant 0 : i32
      %dma_wait3A_1510 = arith.constant 0 : i32
      %dma_wait3A_1511 = tpu.memref_slice %arg3[%dma_wait3A_1509, %dma_wait3A_1510] : memref<1000000x16xf32, #tpu.memory_space<hbm>> -> memref<8x16xf32, #tpu.memory_space<hbm>>
      tpu.wait_dma2 semaphore(%arg13 : memref<!tpu.dma_semaphore, #tpu.memory_space<semaphore_mem>>) src(%dma_wait3A_1511 : memref<8x16xf32, #tpu.memory_space<hbm>>) dst(%dma_wait3A_1508 : memref<8x16xf32, #tpu.memory_space<vmem>>)
      %dma_wait3A_1512 = arith.constant 128 : i32
      %dma_wait3A_1513 = arith.constant 0 : i32
      %dma_wait3A_1514 = tpu.memref_slice %arg10[%dma_wait3A_1512, %dma_wait3A_1513] : memref<256x16xf32, #tpu.memory_space<vmem>> -> memref<8x16xf32, #tpu.memory_space<vmem>>
      %dma_wait3A_1515 = arith.constant 0 : i32
      %dma_wait3A_1516 = arith.constant 0 : i32
      %dma_wait3A_1517 = tpu.memref_slice %arg2[%dma_wait3A_1515, %dma_wait3A_1516] : memref<1000000x16xf32, #tpu.memory_space<hbm>> -> memref<8x16xf32, #tpu.memory_space<hbm>>
      %dma_wait3A_1518 = arith.constant 128 : i32
      %dma_wait3A_1519 = arith.constant 0 : i32
      %dma_wait3A_1520 = tpu.memref_slice %arg10[%dma_wait3A_1518, %dma_wait3A_1519] : memref<256x16xf32, #tpu.memory_space<vmem>> -> memref<8x16xf32, #tpu.memory_space<vmem>>
      %dma_wait3A_1521 = arith.constant 0 : i32
      %dma_wait3A_1522 = arith.constant 0 : i32
      %dma_wait3A_1523 = tpu.memref_slice %arg2[%dma_wait3A_1521, %dma_wait3A_1522] : memref<1000000x16xf32, #tpu.memory_space<hbm>> -> memref<8x16xf32, #tpu.memory_space<hbm>>
      tpu.wait_dma2 semaphore(%arg15 : memref<!tpu.dma_semaphore, #tpu.memory_space<semaphore_mem>>) src(%dma_wait3A_1523 : memref<8x16xf32, #tpu.memory_space<hbm>>) dst(%dma_wait3A_1520 : memref<8x16xf32, #tpu.memory_space<vmem>>)
      %dma_wait3A_1524 = arith.constant 136 : i32
      %dma_wait3A_1525 = arith.constant 0 : i32
      %dma_wait3A_1526 = tpu.memref_slice %arg9[%dma_wait3A_1524, %dma_wait3A_1525] : memref<256x16xf32, #tpu.memory_space<vmem>> -> memref<8x16xf32, #tpu.memory_space<vmem>>
      %dma_wait3A_1527 = arith.constant 0 : i32
      %dma_wait3A_1528 = arith.constant 0 : i32
      %dma_wait3A_1529 = tpu.memref_slice %arg3[%dma_wait3A_1527, %dma_wait3A_1528] : memref<1000000x16xf32, #tpu.memory_space<hbm>> -> memref<8x16xf32, #tpu.memory_space<hbm>>
      %dma_wait3A_1530 = arith.constant 136 : i32
      %dma_wait3A_1531 = arith.constant 0 : i32
      %dma_wait3A_1532 = tpu.memref_slice %arg9[%dma_wait3A_1530, %dma_wait3A_1531] : memref<256x16xf32, #tpu.memory_space<vmem>> -> memref<8x16xf32, #tpu.memory_space<vmem>>
      %dma_wait3A_1533 = arith.constant 0 : i32
      %dma_wait3A_1534 = arith.constant 0 : i32
      %dma_wait3A_1535 = tpu.memref_slice %arg3[%dma_wait3A_1533, %dma_wait3A_1534] : memref<1000000x16xf32, #tpu.memory_space<hbm>> -> memref<8x16xf32, #tpu.memory_space<hbm>>
      tpu.wait_dma2 semaphore(%arg13 : memref<!tpu.dma_semaphore, #tpu.memory_space<semaphore_mem>>) src(%dma_wait3A_1535 : memref<8x16xf32, #tpu.memory_space<hbm>>) dst(%dma_wait3A_1532 : memref<8x16xf32, #tpu.memory_space<vmem>>)
      %dma_wait3A_1536 = arith.constant 136 : i32
      %dma_wait3A_1537 = arith.constant 0 : i32
      %dma_wait3A_1538 = tpu.memref_slice %arg10[%dma_wait3A_1536, %dma_wait3A_1537] : memref<256x16xf32, #tpu.memory_space<vmem>> -> memref<8x16xf32, #tpu.memory_space<vmem>>
      %dma_wait3A_1539 = arith.constant 0 : i32
      %dma_wait3A_1540 = arith.constant 0 : i32
      %dma_wait3A_1541 = tpu.memref_slice %arg2[%dma_wait3A_1539, %dma_wait3A_1540] : memref<1000000x16xf32, #tpu.memory_space<hbm>> -> memref<8x16xf32, #tpu.memory_space<hbm>>
      %dma_wait3A_1542 = arith.constant 136 : i32
      %dma_wait3A_1543 = arith.constant 0 : i32
      %dma_wait3A_1544 = tpu.memref_slice %arg10[%dma_wait3A_1542, %dma_wait3A_1543] : memref<256x16xf32, #tpu.memory_space<vmem>> -> memref<8x16xf32, #tpu.memory_space<vmem>>
      %dma_wait3A_1545 = arith.constant 0 : i32
      %dma_wait3A_1546 = arith.constant 0 : i32
      %dma_wait3A_1547 = tpu.memref_slice %arg2[%dma_wait3A_1545, %dma_wait3A_1546] : memref<1000000x16xf32, #tpu.memory_space<hbm>> -> memref<8x16xf32, #tpu.memory_space<hbm>>
      tpu.wait_dma2 semaphore(%arg15 : memref<!tpu.dma_semaphore, #tpu.memory_space<semaphore_mem>>) src(%dma_wait3A_1547 : memref<8x16xf32, #tpu.memory_space<hbm>>) dst(%dma_wait3A_1544 : memref<8x16xf32, #tpu.memory_space<vmem>>)
      %dma_wait3A_1548 = arith.constant 144 : i32
      %dma_wait3A_1549 = arith.constant 0 : i32
      %dma_wait3A_1550 = tpu.memref_slice %arg9[%dma_wait3A_1548, %dma_wait3A_1549] : memref<256x16xf32, #tpu.memory_space<vmem>> -> memref<8x16xf32, #tpu.memory_space<vmem>>
      %dma_wait3A_1551 = arith.constant 0 : i32
      %dma_wait3A_1552 = arith.constant 0 : i32
      %dma_wait3A_1553 = tpu.memref_slice %arg3[%dma_wait3A_1551, %dma_wait3A_1552] : memref<1000000x16xf32, #tpu.memory_space<hbm>> -> memref<8x16xf32, #tpu.memory_space<hbm>>
      %dma_wait3A_1554 = arith.constant 144 : i32
      %dma_wait3A_1555 = arith.constant 0 : i32
      %dma_wait3A_1556 = tpu.memref_slice %arg9[%dma_wait3A_1554, %dma_wait3A_1555] : memref<256x16xf32, #tpu.memory_space<vmem>> -> memref<8x16xf32, #tpu.memory_space<vmem>>
      %dma_wait3A_1557 = arith.constant 0 : i32
      %dma_wait3A_1558 = arith.constant 0 : i32
      %dma_wait3A_1559 = tpu.memref_slice %arg3[%dma_wait3A_1557, %dma_wait3A_1558] : memref<1000000x16xf32, #tpu.memory_space<hbm>> -> memref<8x16xf32, #tpu.memory_space<hbm>>
      tpu.wait_dma2 semaphore(%arg13 : memref<!tpu.dma_semaphore, #tpu.memory_space<semaphore_mem>>) src(%dma_wait3A_1559 : memref<8x16xf32, #tpu.memory_space<hbm>>) dst(%dma_wait3A_1556 : memref<8x16xf32, #tpu.memory_space<vmem>>)
      %dma_wait3A_1560 = arith.constant 144 : i32
      %dma_wait3A_1561 = arith.constant 0 : i32
      %dma_wait3A_1562 = tpu.memref_slice %arg10[%dma_wait3A_1560, %dma_wait3A_1561] : memref<256x16xf32, #tpu.memory_space<vmem>> -> memref<8x16xf32, #tpu.memory_space<vmem>>
      %dma_wait3A_1563 = arith.constant 0 : i32
      %dma_wait3A_1564 = arith.constant 0 : i32
      %dma_wait3A_1565 = tpu.memref_slice %arg2[%dma_wait3A_1563, %dma_wait3A_1564] : memref<1000000x16xf32, #tpu.memory_space<hbm>> -> memref<8x16xf32, #tpu.memory_space<hbm>>
      %dma_wait3A_1566 = arith.constant 144 : i32
      %dma_wait3A_1567 = arith.constant 0 : i32
      %dma_wait3A_1568 = tpu.memref_slice %arg10[%dma_wait3A_1566, %dma_wait3A_1567] : memref<256x16xf32, #tpu.memory_space<vmem>> -> memref<8x16xf32, #tpu.memory_space<vmem>>
      %dma_wait3A_1569 = arith.constant 0 : i32
      %dma_wait3A_1570 = arith.constant 0 : i32
      %dma_wait3A_1571 = tpu.memref_slice %arg2[%dma_wait3A_1569, %dma_wait3A_1570] : memref<1000000x16xf32, #tpu.memory_space<hbm>> -> memref<8x16xf32, #tpu.memory_space<hbm>>
      tpu.wait_dma2 semaphore(%arg15 : memref<!tpu.dma_semaphore, #tpu.memory_space<semaphore_mem>>) src(%dma_wait3A_1571 : memref<8x16xf32, #tpu.memory_space<hbm>>) dst(%dma_wait3A_1568 : memref<8x16xf32, #tpu.memory_space<vmem>>)
      %dma_wait3A_1572 = arith.constant 152 : i32
      %dma_wait3A_1573 = arith.constant 0 : i32
      %dma_wait3A_1574 = tpu.memref_slice %arg9[%dma_wait3A_1572, %dma_wait3A_1573] : memref<256x16xf32, #tpu.memory_space<vmem>> -> memref<8x16xf32, #tpu.memory_space<vmem>>
      %dma_wait3A_1575 = arith.constant 0 : i32
      %dma_wait3A_1576 = arith.constant 0 : i32
      %dma_wait3A_1577 = tpu.memref_slice %arg3[%dma_wait3A_1575, %dma_wait3A_1576] : memref<1000000x16xf32, #tpu.memory_space<hbm>> -> memref<8x16xf32, #tpu.memory_space<hbm>>
      %dma_wait3A_1578 = arith.constant 152 : i32
      %dma_wait3A_1579 = arith.constant 0 : i32
      %dma_wait3A_1580 = tpu.memref_slice %arg9[%dma_wait3A_1578, %dma_wait3A_1579] : memref<256x16xf32, #tpu.memory_space<vmem>> -> memref<8x16xf32, #tpu.memory_space<vmem>>
      %dma_wait3A_1581 = arith.constant 0 : i32
      %dma_wait3A_1582 = arith.constant 0 : i32
      %dma_wait3A_1583 = tpu.memref_slice %arg3[%dma_wait3A_1581, %dma_wait3A_1582] : memref<1000000x16xf32, #tpu.memory_space<hbm>> -> memref<8x16xf32, #tpu.memory_space<hbm>>
      tpu.wait_dma2 semaphore(%arg13 : memref<!tpu.dma_semaphore, #tpu.memory_space<semaphore_mem>>) src(%dma_wait3A_1583 : memref<8x16xf32, #tpu.memory_space<hbm>>) dst(%dma_wait3A_1580 : memref<8x16xf32, #tpu.memory_space<vmem>>)
      %dma_wait3A_1584 = arith.constant 152 : i32
      %dma_wait3A_1585 = arith.constant 0 : i32
      %dma_wait3A_1586 = tpu.memref_slice %arg10[%dma_wait3A_1584, %dma_wait3A_1585] : memref<256x16xf32, #tpu.memory_space<vmem>> -> memref<8x16xf32, #tpu.memory_space<vmem>>
      %dma_wait3A_1587 = arith.constant 0 : i32
      %dma_wait3A_1588 = arith.constant 0 : i32
      %dma_wait3A_1589 = tpu.memref_slice %arg2[%dma_wait3A_1587, %dma_wait3A_1588] : memref<1000000x16xf32, #tpu.memory_space<hbm>> -> memref<8x16xf32, #tpu.memory_space<hbm>>
      %dma_wait3A_1590 = arith.constant 152 : i32
      %dma_wait3A_1591 = arith.constant 0 : i32
      %dma_wait3A_1592 = tpu.memref_slice %arg10[%dma_wait3A_1590, %dma_wait3A_1591] : memref<256x16xf32, #tpu.memory_space<vmem>> -> memref<8x16xf32, #tpu.memory_space<vmem>>
      %dma_wait3A_1593 = arith.constant 0 : i32
      %dma_wait3A_1594 = arith.constant 0 : i32
      %dma_wait3A_1595 = tpu.memref_slice %arg2[%dma_wait3A_1593, %dma_wait3A_1594] : memref<1000000x16xf32, #tpu.memory_space<hbm>> -> memref<8x16xf32, #tpu.memory_space<hbm>>
      tpu.wait_dma2 semaphore(%arg15 : memref<!tpu.dma_semaphore, #tpu.memory_space<semaphore_mem>>) src(%dma_wait3A_1595 : memref<8x16xf32, #tpu.memory_space<hbm>>) dst(%dma_wait3A_1592 : memref<8x16xf32, #tpu.memory_space<vmem>>)
      %dma_wait3A_1596 = arith.constant 160 : i32
      %dma_wait3A_1597 = arith.constant 0 : i32
      %dma_wait3A_1598 = tpu.memref_slice %arg9[%dma_wait3A_1596, %dma_wait3A_1597] : memref<256x16xf32, #tpu.memory_space<vmem>> -> memref<8x16xf32, #tpu.memory_space<vmem>>
      %dma_wait3A_1599 = arith.constant 0 : i32
      %dma_wait3A_1600 = arith.constant 0 : i32
      %dma_wait3A_1601 = tpu.memref_slice %arg3[%dma_wait3A_1599, %dma_wait3A_1600] : memref<1000000x16xf32, #tpu.memory_space<hbm>> -> memref<8x16xf32, #tpu.memory_space<hbm>>
      %dma_wait3A_1602 = arith.constant 160 : i32
      %dma_wait3A_1603 = arith.constant 0 : i32
      %dma_wait3A_1604 = tpu.memref_slice %arg9[%dma_wait3A_1602, %dma_wait3A_1603] : memref<256x16xf32, #tpu.memory_space<vmem>> -> memref<8x16xf32, #tpu.memory_space<vmem>>
      %dma_wait3A_1605 = arith.constant 0 : i32
      %dma_wait3A_1606 = arith.constant 0 : i32
      %dma_wait3A_1607 = tpu.memref_slice %arg3[%dma_wait3A_1605, %dma_wait3A_1606] : memref<1000000x16xf32, #tpu.memory_space<hbm>> -> memref<8x16xf32, #tpu.memory_space<hbm>>
      tpu.wait_dma2 semaphore(%arg13 : memref<!tpu.dma_semaphore, #tpu.memory_space<semaphore_mem>>) src(%dma_wait3A_1607 : memref<8x16xf32, #tpu.memory_space<hbm>>) dst(%dma_wait3A_1604 : memref<8x16xf32, #tpu.memory_space<vmem>>)
      %dma_wait3A_1608 = arith.constant 160 : i32
      %dma_wait3A_1609 = arith.constant 0 : i32
      %dma_wait3A_1610 = tpu.memref_slice %arg10[%dma_wait3A_1608, %dma_wait3A_1609] : memref<256x16xf32, #tpu.memory_space<vmem>> -> memref<8x16xf32, #tpu.memory_space<vmem>>
      %dma_wait3A_1611 = arith.constant 0 : i32
      %dma_wait3A_1612 = arith.constant 0 : i32
      %dma_wait3A_1613 = tpu.memref_slice %arg2[%dma_wait3A_1611, %dma_wait3A_1612] : memref<1000000x16xf32, #tpu.memory_space<hbm>> -> memref<8x16xf32, #tpu.memory_space<hbm>>
      %dma_wait3A_1614 = arith.constant 160 : i32
      %dma_wait3A_1615 = arith.constant 0 : i32
      %dma_wait3A_1616 = tpu.memref_slice %arg10[%dma_wait3A_1614, %dma_wait3A_1615] : memref<256x16xf32, #tpu.memory_space<vmem>> -> memref<8x16xf32, #tpu.memory_space<vmem>>
      %dma_wait3A_1617 = arith.constant 0 : i32
      %dma_wait3A_1618 = arith.constant 0 : i32
      %dma_wait3A_1619 = tpu.memref_slice %arg2[%dma_wait3A_1617, %dma_wait3A_1618] : memref<1000000x16xf32, #tpu.memory_space<hbm>> -> memref<8x16xf32, #tpu.memory_space<hbm>>
      tpu.wait_dma2 semaphore(%arg15 : memref<!tpu.dma_semaphore, #tpu.memory_space<semaphore_mem>>) src(%dma_wait3A_1619 : memref<8x16xf32, #tpu.memory_space<hbm>>) dst(%dma_wait3A_1616 : memref<8x16xf32, #tpu.memory_space<vmem>>)
      %dma_wait3A_1620 = arith.constant 168 : i32
      %dma_wait3A_1621 = arith.constant 0 : i32
      %dma_wait3A_1622 = tpu.memref_slice %arg9[%dma_wait3A_1620, %dma_wait3A_1621] : memref<256x16xf32, #tpu.memory_space<vmem>> -> memref<8x16xf32, #tpu.memory_space<vmem>>
      %dma_wait3A_1623 = arith.constant 0 : i32
      %dma_wait3A_1624 = arith.constant 0 : i32
      %dma_wait3A_1625 = tpu.memref_slice %arg3[%dma_wait3A_1623, %dma_wait3A_1624] : memref<1000000x16xf32, #tpu.memory_space<hbm>> -> memref<8x16xf32, #tpu.memory_space<hbm>>
      %dma_wait3A_1626 = arith.constant 168 : i32
      %dma_wait3A_1627 = arith.constant 0 : i32
      %dma_wait3A_1628 = tpu.memref_slice %arg9[%dma_wait3A_1626, %dma_wait3A_1627] : memref<256x16xf32, #tpu.memory_space<vmem>> -> memref<8x16xf32, #tpu.memory_space<vmem>>
      %dma_wait3A_1629 = arith.constant 0 : i32
      %dma_wait3A_1630 = arith.constant 0 : i32
      %dma_wait3A_1631 = tpu.memref_slice %arg3[%dma_wait3A_1629, %dma_wait3A_1630] : memref<1000000x16xf32, #tpu.memory_space<hbm>> -> memref<8x16xf32, #tpu.memory_space<hbm>>
      tpu.wait_dma2 semaphore(%arg13 : memref<!tpu.dma_semaphore, #tpu.memory_space<semaphore_mem>>) src(%dma_wait3A_1631 : memref<8x16xf32, #tpu.memory_space<hbm>>) dst(%dma_wait3A_1628 : memref<8x16xf32, #tpu.memory_space<vmem>>)
      %dma_wait3A_1632 = arith.constant 168 : i32
      %dma_wait3A_1633 = arith.constant 0 : i32
      %dma_wait3A_1634 = tpu.memref_slice %arg10[%dma_wait3A_1632, %dma_wait3A_1633] : memref<256x16xf32, #tpu.memory_space<vmem>> -> memref<8x16xf32, #tpu.memory_space<vmem>>
      %dma_wait3A_1635 = arith.constant 0 : i32
      %dma_wait3A_1636 = arith.constant 0 : i32
      %dma_wait3A_1637 = tpu.memref_slice %arg2[%dma_wait3A_1635, %dma_wait3A_1636] : memref<1000000x16xf32, #tpu.memory_space<hbm>> -> memref<8x16xf32, #tpu.memory_space<hbm>>
      %dma_wait3A_1638 = arith.constant 168 : i32
      %dma_wait3A_1639 = arith.constant 0 : i32
      %dma_wait3A_1640 = tpu.memref_slice %arg10[%dma_wait3A_1638, %dma_wait3A_1639] : memref<256x16xf32, #tpu.memory_space<vmem>> -> memref<8x16xf32, #tpu.memory_space<vmem>>
      %dma_wait3A_1641 = arith.constant 0 : i32
      %dma_wait3A_1642 = arith.constant 0 : i32
      %dma_wait3A_1643 = tpu.memref_slice %arg2[%dma_wait3A_1641, %dma_wait3A_1642] : memref<1000000x16xf32, #tpu.memory_space<hbm>> -> memref<8x16xf32, #tpu.memory_space<hbm>>
      tpu.wait_dma2 semaphore(%arg15 : memref<!tpu.dma_semaphore, #tpu.memory_space<semaphore_mem>>) src(%dma_wait3A_1643 : memref<8x16xf32, #tpu.memory_space<hbm>>) dst(%dma_wait3A_1640 : memref<8x16xf32, #tpu.memory_space<vmem>>)
      %dma_wait3A_1644 = arith.constant 176 : i32
      %dma_wait3A_1645 = arith.constant 0 : i32
      %dma_wait3A_1646 = tpu.memref_slice %arg9[%dma_wait3A_1644, %dma_wait3A_1645] : memref<256x16xf32, #tpu.memory_space<vmem>> -> memref<8x16xf32, #tpu.memory_space<vmem>>
      %dma_wait3A_1647 = arith.constant 0 : i32
      %dma_wait3A_1648 = arith.constant 0 : i32
      %dma_wait3A_1649 = tpu.memref_slice %arg3[%dma_wait3A_1647, %dma_wait3A_1648] : memref<1000000x16xf32, #tpu.memory_space<hbm>> -> memref<8x16xf32, #tpu.memory_space<hbm>>
      %dma_wait3A_1650 = arith.constant 176 : i32
      %dma_wait3A_1651 = arith.constant 0 : i32
      %dma_wait3A_1652 = tpu.memref_slice %arg9[%dma_wait3A_1650, %dma_wait3A_1651] : memref<256x16xf32, #tpu.memory_space<vmem>> -> memref<8x16xf32, #tpu.memory_space<vmem>>
      %dma_wait3A_1653 = arith.constant 0 : i32
      %dma_wait3A_1654 = arith.constant 0 : i32
      %dma_wait3A_1655 = tpu.memref_slice %arg3[%dma_wait3A_1653, %dma_wait3A_1654] : memref<1000000x16xf32, #tpu.memory_space<hbm>> -> memref<8x16xf32, #tpu.memory_space<hbm>>
      tpu.wait_dma2 semaphore(%arg13 : memref<!tpu.dma_semaphore, #tpu.memory_space<semaphore_mem>>) src(%dma_wait3A_1655 : memref<8x16xf32, #tpu.memory_space<hbm>>) dst(%dma_wait3A_1652 : memref<8x16xf32, #tpu.memory_space<vmem>>)
      %dma_wait3A_1656 = arith.constant 176 : i32
      %dma_wait3A_1657 = arith.constant 0 : i32
      %dma_wait3A_1658 = tpu.memref_slice %arg10[%dma_wait3A_1656, %dma_wait3A_1657] : memref<256x16xf32, #tpu.memory_space<vmem>> -> memref<8x16xf32, #tpu.memory_space<vmem>>
      %dma_wait3A_1659 = arith.constant 0 : i32
      %dma_wait3A_1660 = arith.constant 0 : i32
      %dma_wait3A_1661 = tpu.memref_slice %arg2[%dma_wait3A_1659, %dma_wait3A_1660] : memref<1000000x16xf32, #tpu.memory_space<hbm>> -> memref<8x16xf32, #tpu.memory_space<hbm>>
      %dma_wait3A_1662 = arith.constant 176 : i32
      %dma_wait3A_1663 = arith.constant 0 : i32
      %dma_wait3A_1664 = tpu.memref_slice %arg10[%dma_wait3A_1662, %dma_wait3A_1663] : memref<256x16xf32, #tpu.memory_space<vmem>> -> memref<8x16xf32, #tpu.memory_space<vmem>>
      %dma_wait3A_1665 = arith.constant 0 : i32
      %dma_wait3A_1666 = arith.constant 0 : i32
      %dma_wait3A_1667 = tpu.memref_slice %arg2[%dma_wait3A_1665, %dma_wait3A_1666] : memref<1000000x16xf32, #tpu.memory_space<hbm>> -> memref<8x16xf32, #tpu.memory_space<hbm>>
      tpu.wait_dma2 semaphore(%arg15 : memref<!tpu.dma_semaphore, #tpu.memory_space<semaphore_mem>>) src(%dma_wait3A_1667 : memref<8x16xf32, #tpu.memory_space<hbm>>) dst(%dma_wait3A_1664 : memref<8x16xf32, #tpu.memory_space<vmem>>)
      %dma_wait3A_1668 = arith.constant 184 : i32
      %dma_wait3A_1669 = arith.constant 0 : i32
      %dma_wait3A_1670 = tpu.memref_slice %arg9[%dma_wait3A_1668, %dma_wait3A_1669] : memref<256x16xf32, #tpu.memory_space<vmem>> -> memref<8x16xf32, #tpu.memory_space<vmem>>
      %dma_wait3A_1671 = arith.constant 0 : i32
      %dma_wait3A_1672 = arith.constant 0 : i32
      %dma_wait3A_1673 = tpu.memref_slice %arg3[%dma_wait3A_1671, %dma_wait3A_1672] : memref<1000000x16xf32, #tpu.memory_space<hbm>> -> memref<8x16xf32, #tpu.memory_space<hbm>>
      %dma_wait3A_1674 = arith.constant 184 : i32
      %dma_wait3A_1675 = arith.constant 0 : i32
      %dma_wait3A_1676 = tpu.memref_slice %arg9[%dma_wait3A_1674, %dma_wait3A_1675] : memref<256x16xf32, #tpu.memory_space<vmem>> -> memref<8x16xf32, #tpu.memory_space<vmem>>
      %dma_wait3A_1677 = arith.constant 0 : i32
      %dma_wait3A_1678 = arith.constant 0 : i32
      %dma_wait3A_1679 = tpu.memref_slice %arg3[%dma_wait3A_1677, %dma_wait3A_1678] : memref<1000000x16xf32, #tpu.memory_space<hbm>> -> memref<8x16xf32, #tpu.memory_space<hbm>>
      tpu.wait_dma2 semaphore(%arg13 : memref<!tpu.dma_semaphore, #tpu.memory_space<semaphore_mem>>) src(%dma_wait3A_1679 : memref<8x16xf32, #tpu.memory_space<hbm>>) dst(%dma_wait3A_1676 : memref<8x16xf32, #tpu.memory_space<vmem>>)
      %dma_wait3A_1680 = arith.constant 184 : i32
      %dma_wait3A_1681 = arith.constant 0 : i32
      %dma_wait3A_1682 = tpu.memref_slice %arg10[%dma_wait3A_1680, %dma_wait3A_1681] : memref<256x16xf32, #tpu.memory_space<vmem>> -> memref<8x16xf32, #tpu.memory_space<vmem>>
      %dma_wait3A_1683 = arith.constant 0 : i32
      %dma_wait3A_1684 = arith.constant 0 : i32
      %dma_wait3A_1685 = tpu.memref_slice %arg2[%dma_wait3A_1683, %dma_wait3A_1684] : memref<1000000x16xf32, #tpu.memory_space<hbm>> -> memref<8x16xf32, #tpu.memory_space<hbm>>
      %dma_wait3A_1686 = arith.constant 184 : i32
      %dma_wait3A_1687 = arith.constant 0 : i32
      %dma_wait3A_1688 = tpu.memref_slice %arg10[%dma_wait3A_1686, %dma_wait3A_1687] : memref<256x16xf32, #tpu.memory_space<vmem>> -> memref<8x16xf32, #tpu.memory_space<vmem>>
      %dma_wait3A_1689 = arith.constant 0 : i32
      %dma_wait3A_1690 = arith.constant 0 : i32
      %dma_wait3A_1691 = tpu.memref_slice %arg2[%dma_wait3A_1689, %dma_wait3A_1690] : memref<1000000x16xf32, #tpu.memory_space<hbm>> -> memref<8x16xf32, #tpu.memory_space<hbm>>
      tpu.wait_dma2 semaphore(%arg15 : memref<!tpu.dma_semaphore, #tpu.memory_space<semaphore_mem>>) src(%dma_wait3A_1691 : memref<8x16xf32, #tpu.memory_space<hbm>>) dst(%dma_wait3A_1688 : memref<8x16xf32, #tpu.memory_space<vmem>>)
      %dma_wait3A_1692 = arith.constant 192 : i32
      %dma_wait3A_1693 = arith.constant 0 : i32
      %dma_wait3A_1694 = tpu.memref_slice %arg9[%dma_wait3A_1692, %dma_wait3A_1693] : memref<256x16xf32, #tpu.memory_space<vmem>> -> memref<8x16xf32, #tpu.memory_space<vmem>>
      %dma_wait3A_1695 = arith.constant 0 : i32
      %dma_wait3A_1696 = arith.constant 0 : i32
      %dma_wait3A_1697 = tpu.memref_slice %arg3[%dma_wait3A_1695, %dma_wait3A_1696] : memref<1000000x16xf32, #tpu.memory_space<hbm>> -> memref<8x16xf32, #tpu.memory_space<hbm>>
      %dma_wait3A_1698 = arith.constant 192 : i32
      %dma_wait3A_1699 = arith.constant 0 : i32
      %dma_wait3A_1700 = tpu.memref_slice %arg9[%dma_wait3A_1698, %dma_wait3A_1699] : memref<256x16xf32, #tpu.memory_space<vmem>> -> memref<8x16xf32, #tpu.memory_space<vmem>>
      %dma_wait3A_1701 = arith.constant 0 : i32
      %dma_wait3A_1702 = arith.constant 0 : i32
      %dma_wait3A_1703 = tpu.memref_slice %arg3[%dma_wait3A_1701, %dma_wait3A_1702] : memref<1000000x16xf32, #tpu.memory_space<hbm>> -> memref<8x16xf32, #tpu.memory_space<hbm>>
      tpu.wait_dma2 semaphore(%arg13 : memref<!tpu.dma_semaphore, #tpu.memory_space<semaphore_mem>>) src(%dma_wait3A_1703 : memref<8x16xf32, #tpu.memory_space<hbm>>) dst(%dma_wait3A_1700 : memref<8x16xf32, #tpu.memory_space<vmem>>)
      %dma_wait3A_1704 = arith.constant 192 : i32
      %dma_wait3A_1705 = arith.constant 0 : i32
      %dma_wait3A_1706 = tpu.memref_slice %arg10[%dma_wait3A_1704, %dma_wait3A_1705] : memref<256x16xf32, #tpu.memory_space<vmem>> -> memref<8x16xf32, #tpu.memory_space<vmem>>
      %dma_wait3A_1707 = arith.constant 0 : i32
      %dma_wait3A_1708 = arith.constant 0 : i32
      %dma_wait3A_1709 = tpu.memref_slice %arg2[%dma_wait3A_1707, %dma_wait3A_1708] : memref<1000000x16xf32, #tpu.memory_space<hbm>> -> memref<8x16xf32, #tpu.memory_space<hbm>>
      %dma_wait3A_1710 = arith.constant 192 : i32
      %dma_wait3A_1711 = arith.constant 0 : i32
      %dma_wait3A_1712 = tpu.memref_slice %arg10[%dma_wait3A_1710, %dma_wait3A_1711] : memref<256x16xf32, #tpu.memory_space<vmem>> -> memref<8x16xf32, #tpu.memory_space<vmem>>
      %dma_wait3A_1713 = arith.constant 0 : i32
      %dma_wait3A_1714 = arith.constant 0 : i32
      %dma_wait3A_1715 = tpu.memref_slice %arg2[%dma_wait3A_1713, %dma_wait3A_1714] : memref<1000000x16xf32, #tpu.memory_space<hbm>> -> memref<8x16xf32, #tpu.memory_space<hbm>>
      tpu.wait_dma2 semaphore(%arg15 : memref<!tpu.dma_semaphore, #tpu.memory_space<semaphore_mem>>) src(%dma_wait3A_1715 : memref<8x16xf32, #tpu.memory_space<hbm>>) dst(%dma_wait3A_1712 : memref<8x16xf32, #tpu.memory_space<vmem>>)
      %dma_wait3A_1716 = arith.constant 200 : i32
      %dma_wait3A_1717 = arith.constant 0 : i32
      %dma_wait3A_1718 = tpu.memref_slice %arg9[%dma_wait3A_1716, %dma_wait3A_1717] : memref<256x16xf32, #tpu.memory_space<vmem>> -> memref<8x16xf32, #tpu.memory_space<vmem>>
      %dma_wait3A_1719 = arith.constant 0 : i32
      %dma_wait3A_1720 = arith.constant 0 : i32
      %dma_wait3A_1721 = tpu.memref_slice %arg3[%dma_wait3A_1719, %dma_wait3A_1720] : memref<1000000x16xf32, #tpu.memory_space<hbm>> -> memref<8x16xf32, #tpu.memory_space<hbm>>
      %dma_wait3A_1722 = arith.constant 200 : i32
      %dma_wait3A_1723 = arith.constant 0 : i32
      %dma_wait3A_1724 = tpu.memref_slice %arg9[%dma_wait3A_1722, %dma_wait3A_1723] : memref<256x16xf32, #tpu.memory_space<vmem>> -> memref<8x16xf32, #tpu.memory_space<vmem>>
      %dma_wait3A_1725 = arith.constant 0 : i32
      %dma_wait3A_1726 = arith.constant 0 : i32
      %dma_wait3A_1727 = tpu.memref_slice %arg3[%dma_wait3A_1725, %dma_wait3A_1726] : memref<1000000x16xf32, #tpu.memory_space<hbm>> -> memref<8x16xf32, #tpu.memory_space<hbm>>
      tpu.wait_dma2 semaphore(%arg13 : memref<!tpu.dma_semaphore, #tpu.memory_space<semaphore_mem>>) src(%dma_wait3A_1727 : memref<8x16xf32, #tpu.memory_space<hbm>>) dst(%dma_wait3A_1724 : memref<8x16xf32, #tpu.memory_space<vmem>>)
      %dma_wait3A_1728 = arith.constant 200 : i32
      %dma_wait3A_1729 = arith.constant 0 : i32
      %dma_wait3A_1730 = tpu.memref_slice %arg10[%dma_wait3A_1728, %dma_wait3A_1729] : memref<256x16xf32, #tpu.memory_space<vmem>> -> memref<8x16xf32, #tpu.memory_space<vmem>>
      %dma_wait3A_1731 = arith.constant 0 : i32
      %dma_wait3A_1732 = arith.constant 0 : i32
      %dma_wait3A_1733 = tpu.memref_slice %arg2[%dma_wait3A_1731, %dma_wait3A_1732] : memref<1000000x16xf32, #tpu.memory_space<hbm>> -> memref<8x16xf32, #tpu.memory_space<hbm>>
      %dma_wait3A_1734 = arith.constant 200 : i32
      %dma_wait3A_1735 = arith.constant 0 : i32
      %dma_wait3A_1736 = tpu.memref_slice %arg10[%dma_wait3A_1734, %dma_wait3A_1735] : memref<256x16xf32, #tpu.memory_space<vmem>> -> memref<8x16xf32, #tpu.memory_space<vmem>>
      %dma_wait3A_1737 = arith.constant 0 : i32
      %dma_wait3A_1738 = arith.constant 0 : i32
      %dma_wait3A_1739 = tpu.memref_slice %arg2[%dma_wait3A_1737, %dma_wait3A_1738] : memref<1000000x16xf32, #tpu.memory_space<hbm>> -> memref<8x16xf32, #tpu.memory_space<hbm>>
      tpu.wait_dma2 semaphore(%arg15 : memref<!tpu.dma_semaphore, #tpu.memory_space<semaphore_mem>>) src(%dma_wait3A_1739 : memref<8x16xf32, #tpu.memory_space<hbm>>) dst(%dma_wait3A_1736 : memref<8x16xf32, #tpu.memory_space<vmem>>)
      %dma_wait3A_1740 = arith.constant 208 : i32
      %dma_wait3A_1741 = arith.constant 0 : i32
      %dma_wait3A_1742 = tpu.memref_slice %arg9[%dma_wait3A_1740, %dma_wait3A_1741] : memref<256x16xf32, #tpu.memory_space<vmem>> -> memref<8x16xf32, #tpu.memory_space<vmem>>
      %dma_wait3A_1743 = arith.constant 0 : i32
      %dma_wait3A_1744 = arith.constant 0 : i32
      %dma_wait3A_1745 = tpu.memref_slice %arg3[%dma_wait3A_1743, %dma_wait3A_1744] : memref<1000000x16xf32, #tpu.memory_space<hbm>> -> memref<8x16xf32, #tpu.memory_space<hbm>>
      %dma_wait3A_1746 = arith.constant 208 : i32
      %dma_wait3A_1747 = arith.constant 0 : i32
      %dma_wait3A_1748 = tpu.memref_slice %arg9[%dma_wait3A_1746, %dma_wait3A_1747] : memref<256x16xf32, #tpu.memory_space<vmem>> -> memref<8x16xf32, #tpu.memory_space<vmem>>
      %dma_wait3A_1749 = arith.constant 0 : i32
      %dma_wait3A_1750 = arith.constant 0 : i32
      %dma_wait3A_1751 = tpu.memref_slice %arg3[%dma_wait3A_1749, %dma_wait3A_1750] : memref<1000000x16xf32, #tpu.memory_space<hbm>> -> memref<8x16xf32, #tpu.memory_space<hbm>>
      tpu.wait_dma2 semaphore(%arg13 : memref<!tpu.dma_semaphore, #tpu.memory_space<semaphore_mem>>) src(%dma_wait3A_1751 : memref<8x16xf32, #tpu.memory_space<hbm>>) dst(%dma_wait3A_1748 : memref<8x16xf32, #tpu.memory_space<vmem>>)
      %dma_wait3A_1752 = arith.constant 208 : i32
      %dma_wait3A_1753 = arith.constant 0 : i32
      %dma_wait3A_1754 = tpu.memref_slice %arg10[%dma_wait3A_1752, %dma_wait3A_1753] : memref<256x16xf32, #tpu.memory_space<vmem>> -> memref<8x16xf32, #tpu.memory_space<vmem>>
      %dma_wait3A_1755 = arith.constant 0 : i32
      %dma_wait3A_1756 = arith.constant 0 : i32
      %dma_wait3A_1757 = tpu.memref_slice %arg2[%dma_wait3A_1755, %dma_wait3A_1756] : memref<1000000x16xf32, #tpu.memory_space<hbm>> -> memref<8x16xf32, #tpu.memory_space<hbm>>
      %dma_wait3A_1758 = arith.constant 208 : i32
      %dma_wait3A_1759 = arith.constant 0 : i32
      %dma_wait3A_1760 = tpu.memref_slice %arg10[%dma_wait3A_1758, %dma_wait3A_1759] : memref<256x16xf32, #tpu.memory_space<vmem>> -> memref<8x16xf32, #tpu.memory_space<vmem>>
      %dma_wait3A_1761 = arith.constant 0 : i32
      %dma_wait3A_1762 = arith.constant 0 : i32
      %dma_wait3A_1763 = tpu.memref_slice %arg2[%dma_wait3A_1761, %dma_wait3A_1762] : memref<1000000x16xf32, #tpu.memory_space<hbm>> -> memref<8x16xf32, #tpu.memory_space<hbm>>
      tpu.wait_dma2 semaphore(%arg15 : memref<!tpu.dma_semaphore, #tpu.memory_space<semaphore_mem>>) src(%dma_wait3A_1763 : memref<8x16xf32, #tpu.memory_space<hbm>>) dst(%dma_wait3A_1760 : memref<8x16xf32, #tpu.memory_space<vmem>>)
      %dma_wait3A_1764 = arith.constant 216 : i32
      %dma_wait3A_1765 = arith.constant 0 : i32
      %dma_wait3A_1766 = tpu.memref_slice %arg9[%dma_wait3A_1764, %dma_wait3A_1765] : memref<256x16xf32, #tpu.memory_space<vmem>> -> memref<8x16xf32, #tpu.memory_space<vmem>>
      %dma_wait3A_1767 = arith.constant 0 : i32
      %dma_wait3A_1768 = arith.constant 0 : i32
      %dma_wait3A_1769 = tpu.memref_slice %arg3[%dma_wait3A_1767, %dma_wait3A_1768] : memref<1000000x16xf32, #tpu.memory_space<hbm>> -> memref<8x16xf32, #tpu.memory_space<hbm>>
      %dma_wait3A_1770 = arith.constant 216 : i32
      %dma_wait3A_1771 = arith.constant 0 : i32
      %dma_wait3A_1772 = tpu.memref_slice %arg9[%dma_wait3A_1770, %dma_wait3A_1771] : memref<256x16xf32, #tpu.memory_space<vmem>> -> memref<8x16xf32, #tpu.memory_space<vmem>>
      %dma_wait3A_1773 = arith.constant 0 : i32
      %dma_wait3A_1774 = arith.constant 0 : i32
      %dma_wait3A_1775 = tpu.memref_slice %arg3[%dma_wait3A_1773, %dma_wait3A_1774] : memref<1000000x16xf32, #tpu.memory_space<hbm>> -> memref<8x16xf32, #tpu.memory_space<hbm>>
      tpu.wait_dma2 semaphore(%arg13 : memref<!tpu.dma_semaphore, #tpu.memory_space<semaphore_mem>>) src(%dma_wait3A_1775 : memref<8x16xf32, #tpu.memory_space<hbm>>) dst(%dma_wait3A_1772 : memref<8x16xf32, #tpu.memory_space<vmem>>)
      %dma_wait3A_1776 = arith.constant 216 : i32
      %dma_wait3A_1777 = arith.constant 0 : i32
      %dma_wait3A_1778 = tpu.memref_slice %arg10[%dma_wait3A_1776, %dma_wait3A_1777] : memref<256x16xf32, #tpu.memory_space<vmem>> -> memref<8x16xf32, #tpu.memory_space<vmem>>
      %dma_wait3A_1779 = arith.constant 0 : i32
      %dma_wait3A_1780 = arith.constant 0 : i32
      %dma_wait3A_1781 = tpu.memref_slice %arg2[%dma_wait3A_1779, %dma_wait3A_1780] : memref<1000000x16xf32, #tpu.memory_space<hbm>> -> memref<8x16xf32, #tpu.memory_space<hbm>>
      %dma_wait3A_1782 = arith.constant 216 : i32
      %dma_wait3A_1783 = arith.constant 0 : i32
      %dma_wait3A_1784 = tpu.memref_slice %arg10[%dma_wait3A_1782, %dma_wait3A_1783] : memref<256x16xf32, #tpu.memory_space<vmem>> -> memref<8x16xf32, #tpu.memory_space<vmem>>
      %dma_wait3A_1785 = arith.constant 0 : i32
      %dma_wait3A_1786 = arith.constant 0 : i32
      %dma_wait3A_1787 = tpu.memref_slice %arg2[%dma_wait3A_1785, %dma_wait3A_1786] : memref<1000000x16xf32, #tpu.memory_space<hbm>> -> memref<8x16xf32, #tpu.memory_space<hbm>>
      tpu.wait_dma2 semaphore(%arg15 : memref<!tpu.dma_semaphore, #tpu.memory_space<semaphore_mem>>) src(%dma_wait3A_1787 : memref<8x16xf32, #tpu.memory_space<hbm>>) dst(%dma_wait3A_1784 : memref<8x16xf32, #tpu.memory_space<vmem>>)
      %dma_wait3A_1788 = arith.constant 224 : i32
      %dma_wait3A_1789 = arith.constant 0 : i32
      %dma_wait3A_1790 = tpu.memref_slice %arg9[%dma_wait3A_1788, %dma_wait3A_1789] : memref<256x16xf32, #tpu.memory_space<vmem>> -> memref<8x16xf32, #tpu.memory_space<vmem>>
      %dma_wait3A_1791 = arith.constant 0 : i32
      %dma_wait3A_1792 = arith.constant 0 : i32
      %dma_wait3A_1793 = tpu.memref_slice %arg3[%dma_wait3A_1791, %dma_wait3A_1792] : memref<1000000x16xf32, #tpu.memory_space<hbm>> -> memref<8x16xf32, #tpu.memory_space<hbm>>
      %dma_wait3A_1794 = arith.constant 224 : i32
      %dma_wait3A_1795 = arith.constant 0 : i32
      %dma_wait3A_1796 = tpu.memref_slice %arg9[%dma_wait3A_1794, %dma_wait3A_1795] : memref<256x16xf32, #tpu.memory_space<vmem>> -> memref<8x16xf32, #tpu.memory_space<vmem>>
      %dma_wait3A_1797 = arith.constant 0 : i32
      %dma_wait3A_1798 = arith.constant 0 : i32
      %dma_wait3A_1799 = tpu.memref_slice %arg3[%dma_wait3A_1797, %dma_wait3A_1798] : memref<1000000x16xf32, #tpu.memory_space<hbm>> -> memref<8x16xf32, #tpu.memory_space<hbm>>
      tpu.wait_dma2 semaphore(%arg13 : memref<!tpu.dma_semaphore, #tpu.memory_space<semaphore_mem>>) src(%dma_wait3A_1799 : memref<8x16xf32, #tpu.memory_space<hbm>>) dst(%dma_wait3A_1796 : memref<8x16xf32, #tpu.memory_space<vmem>>)
      %dma_wait3A_1800 = arith.constant 224 : i32
      %dma_wait3A_1801 = arith.constant 0 : i32
      %dma_wait3A_1802 = tpu.memref_slice %arg10[%dma_wait3A_1800, %dma_wait3A_1801] : memref<256x16xf32, #tpu.memory_space<vmem>> -> memref<8x16xf32, #tpu.memory_space<vmem>>
      %dma_wait3A_1803 = arith.constant 0 : i32
      %dma_wait3A_1804 = arith.constant 0 : i32
      %dma_wait3A_1805 = tpu.memref_slice %arg2[%dma_wait3A_1803, %dma_wait3A_1804] : memref<1000000x16xf32, #tpu.memory_space<hbm>> -> memref<8x16xf32, #tpu.memory_space<hbm>>
      %dma_wait3A_1806 = arith.constant 224 : i32
      %dma_wait3A_1807 = arith.constant 0 : i32
      %dma_wait3A_1808 = tpu.memref_slice %arg10[%dma_wait3A_1806, %dma_wait3A_1807] : memref<256x16xf32, #tpu.memory_space<vmem>> -> memref<8x16xf32, #tpu.memory_space<vmem>>
      %dma_wait3A_1809 = arith.constant 0 : i32
      %dma_wait3A_1810 = arith.constant 0 : i32
      %dma_wait3A_1811 = tpu.memref_slice %arg2[%dma_wait3A_1809, %dma_wait3A_1810] : memref<1000000x16xf32, #tpu.memory_space<hbm>> -> memref<8x16xf32, #tpu.memory_space<hbm>>
      tpu.wait_dma2 semaphore(%arg15 : memref<!tpu.dma_semaphore, #tpu.memory_space<semaphore_mem>>) src(%dma_wait3A_1811 : memref<8x16xf32, #tpu.memory_space<hbm>>) dst(%dma_wait3A_1808 : memref<8x16xf32, #tpu.memory_space<vmem>>)
      %dma_wait3A_1812 = arith.constant 232 : i32
      %dma_wait3A_1813 = arith.constant 0 : i32
      %dma_wait3A_1814 = tpu.memref_slice %arg9[%dma_wait3A_1812, %dma_wait3A_1813] : memref<256x16xf32, #tpu.memory_space<vmem>> -> memref<8x16xf32, #tpu.memory_space<vmem>>
      %dma_wait3A_1815 = arith.constant 0 : i32
      %dma_wait3A_1816 = arith.constant 0 : i32
      %dma_wait3A_1817 = tpu.memref_slice %arg3[%dma_wait3A_1815, %dma_wait3A_1816] : memref<1000000x16xf32, #tpu.memory_space<hbm>> -> memref<8x16xf32, #tpu.memory_space<hbm>>
      %dma_wait3A_1818 = arith.constant 232 : i32
      %dma_wait3A_1819 = arith.constant 0 : i32
      %dma_wait3A_1820 = tpu.memref_slice %arg9[%dma_wait3A_1818, %dma_wait3A_1819] : memref<256x16xf32, #tpu.memory_space<vmem>> -> memref<8x16xf32, #tpu.memory_space<vmem>>
      %dma_wait3A_1821 = arith.constant 0 : i32
      %dma_wait3A_1822 = arith.constant 0 : i32
      %dma_wait3A_1823 = tpu.memref_slice %arg3[%dma_wait3A_1821, %dma_wait3A_1822] : memref<1000000x16xf32, #tpu.memory_space<hbm>> -> memref<8x16xf32, #tpu.memory_space<hbm>>
      tpu.wait_dma2 semaphore(%arg13 : memref<!tpu.dma_semaphore, #tpu.memory_space<semaphore_mem>>) src(%dma_wait3A_1823 : memref<8x16xf32, #tpu.memory_space<hbm>>) dst(%dma_wait3A_1820 : memref<8x16xf32, #tpu.memory_space<vmem>>)
      %dma_wait3A_1824 = arith.constant 232 : i32
      %dma_wait3A_1825 = arith.constant 0 : i32
      %dma_wait3A_1826 = tpu.memref_slice %arg10[%dma_wait3A_1824, %dma_wait3A_1825] : memref<256x16xf32, #tpu.memory_space<vmem>> -> memref<8x16xf32, #tpu.memory_space<vmem>>
      %dma_wait3A_1827 = arith.constant 0 : i32
      %dma_wait3A_1828 = arith.constant 0 : i32
      %dma_wait3A_1829 = tpu.memref_slice %arg2[%dma_wait3A_1827, %dma_wait3A_1828] : memref<1000000x16xf32, #tpu.memory_space<hbm>> -> memref<8x16xf32, #tpu.memory_space<hbm>>
      %dma_wait3A_1830 = arith.constant 232 : i32
      %dma_wait3A_1831 = arith.constant 0 : i32
      %dma_wait3A_1832 = tpu.memref_slice %arg10[%dma_wait3A_1830, %dma_wait3A_1831] : memref<256x16xf32, #tpu.memory_space<vmem>> -> memref<8x16xf32, #tpu.memory_space<vmem>>
      %dma_wait3A_1833 = arith.constant 0 : i32
      %dma_wait3A_1834 = arith.constant 0 : i32
      %dma_wait3A_1835 = tpu.memref_slice %arg2[%dma_wait3A_1833, %dma_wait3A_1834] : memref<1000000x16xf32, #tpu.memory_space<hbm>> -> memref<8x16xf32, #tpu.memory_space<hbm>>
      tpu.wait_dma2 semaphore(%arg15 : memref<!tpu.dma_semaphore, #tpu.memory_space<semaphore_mem>>) src(%dma_wait3A_1835 : memref<8x16xf32, #tpu.memory_space<hbm>>) dst(%dma_wait3A_1832 : memref<8x16xf32, #tpu.memory_space<vmem>>)
      %dma_wait3A_1836 = arith.constant 240 : i32
      %dma_wait3A_1837 = arith.constant 0 : i32
      %dma_wait3A_1838 = tpu.memref_slice %arg9[%dma_wait3A_1836, %dma_wait3A_1837] : memref<256x16xf32, #tpu.memory_space<vmem>> -> memref<8x16xf32, #tpu.memory_space<vmem>>
      %dma_wait3A_1839 = arith.constant 0 : i32
      %dma_wait3A_1840 = arith.constant 0 : i32
      %dma_wait3A_1841 = tpu.memref_slice %arg3[%dma_wait3A_1839, %dma_wait3A_1840] : memref<1000000x16xf32, #tpu.memory_space<hbm>> -> memref<8x16xf32, #tpu.memory_space<hbm>>
      %dma_wait3A_1842 = arith.constant 240 : i32
      %dma_wait3A_1843 = arith.constant 0 : i32
      %dma_wait3A_1844 = tpu.memref_slice %arg9[%dma_wait3A_1842, %dma_wait3A_1843] : memref<256x16xf32, #tpu.memory_space<vmem>> -> memref<8x16xf32, #tpu.memory_space<vmem>>
      %dma_wait3A_1845 = arith.constant 0 : i32
      %dma_wait3A_1846 = arith.constant 0 : i32
      %dma_wait3A_1847 = tpu.memref_slice %arg3[%dma_wait3A_1845, %dma_wait3A_1846] : memref<1000000x16xf32, #tpu.memory_space<hbm>> -> memref<8x16xf32, #tpu.memory_space<hbm>>
      tpu.wait_dma2 semaphore(%arg13 : memref<!tpu.dma_semaphore, #tpu.memory_space<semaphore_mem>>) src(%dma_wait3A_1847 : memref<8x16xf32, #tpu.memory_space<hbm>>) dst(%dma_wait3A_1844 : memref<8x16xf32, #tpu.memory_space<vmem>>)
      %dma_wait3A_1848 = arith.constant 240 : i32
      %dma_wait3A_1849 = arith.constant 0 : i32
      %dma_wait3A_1850 = tpu.memref_slice %arg10[%dma_wait3A_1848, %dma_wait3A_1849] : memref<256x16xf32, #tpu.memory_space<vmem>> -> memref<8x16xf32, #tpu.memory_space<vmem>>
      %dma_wait3A_1851 = arith.constant 0 : i32
      %dma_wait3A_1852 = arith.constant 0 : i32
      %dma_wait3A_1853 = tpu.memref_slice %arg2[%dma_wait3A_1851, %dma_wait3A_1852] : memref<1000000x16xf32, #tpu.memory_space<hbm>> -> memref<8x16xf32, #tpu.memory_space<hbm>>
      %dma_wait3A_1854 = arith.constant 240 : i32
      %dma_wait3A_1855 = arith.constant 0 : i32
      %dma_wait3A_1856 = tpu.memref_slice %arg10[%dma_wait3A_1854, %dma_wait3A_1855] : memref<256x16xf32, #tpu.memory_space<vmem>> -> memref<8x16xf32, #tpu.memory_space<vmem>>
      %dma_wait3A_1857 = arith.constant 0 : i32
      %dma_wait3A_1858 = arith.constant 0 : i32
      %dma_wait3A_1859 = tpu.memref_slice %arg2[%dma_wait3A_1857, %dma_wait3A_1858] : memref<1000000x16xf32, #tpu.memory_space<hbm>> -> memref<8x16xf32, #tpu.memory_space<hbm>>
      tpu.wait_dma2 semaphore(%arg15 : memref<!tpu.dma_semaphore, #tpu.memory_space<semaphore_mem>>) src(%dma_wait3A_1859 : memref<8x16xf32, #tpu.memory_space<hbm>>) dst(%dma_wait3A_1856 : memref<8x16xf32, #tpu.memory_space<vmem>>)
      %dma_wait3A_1860 = arith.constant 248 : i32
      %dma_wait3A_1861 = arith.constant 0 : i32
      %dma_wait3A_1862 = tpu.memref_slice %arg9[%dma_wait3A_1860, %dma_wait3A_1861] : memref<256x16xf32, #tpu.memory_space<vmem>> -> memref<8x16xf32, #tpu.memory_space<vmem>>
      %dma_wait3A_1863 = arith.constant 0 : i32
      %dma_wait3A_1864 = arith.constant 0 : i32
      %dma_wait3A_1865 = tpu.memref_slice %arg3[%dma_wait3A_1863, %dma_wait3A_1864] : memref<1000000x16xf32, #tpu.memory_space<hbm>> -> memref<8x16xf32, #tpu.memory_space<hbm>>
      %dma_wait3A_1866 = arith.constant 248 : i32
      %dma_wait3A_1867 = arith.constant 0 : i32
      %dma_wait3A_1868 = tpu.memref_slice %arg9[%dma_wait3A_1866, %dma_wait3A_1867] : memref<256x16xf32, #tpu.memory_space<vmem>> -> memref<8x16xf32, #tpu.memory_space<vmem>>
      %dma_wait3A_1869 = arith.constant 0 : i32
      %dma_wait3A_1870 = arith.constant 0 : i32
      %dma_wait3A_1871 = tpu.memref_slice %arg3[%dma_wait3A_1869, %dma_wait3A_1870] : memref<1000000x16xf32, #tpu.memory_space<hbm>> -> memref<8x16xf32, #tpu.memory_space<hbm>>
      tpu.wait_dma2 semaphore(%arg13 : memref<!tpu.dma_semaphore, #tpu.memory_space<semaphore_mem>>) src(%dma_wait3A_1871 : memref<8x16xf32, #tpu.memory_space<hbm>>) dst(%dma_wait3A_1868 : memref<8x16xf32, #tpu.memory_space<vmem>>)
      %dma_wait3A_1872 = arith.constant 248 : i32
      %dma_wait3A_1873 = arith.constant 0 : i32
      %dma_wait3A_1874 = tpu.memref_slice %arg10[%dma_wait3A_1872, %dma_wait3A_1873] : memref<256x16xf32, #tpu.memory_space<vmem>> -> memref<8x16xf32, #tpu.memory_space<vmem>>
      %dma_wait3A_1875 = arith.constant 0 : i32
      %dma_wait3A_1876 = arith.constant 0 : i32
      %dma_wait3A_1877 = tpu.memref_slice %arg2[%dma_wait3A_1875, %dma_wait3A_1876] : memref<1000000x16xf32, #tpu.memory_space<hbm>> -> memref<8x16xf32, #tpu.memory_space<hbm>>
      %dma_wait3A_1878 = arith.constant 248 : i32
      %dma_wait3A_1879 = arith.constant 0 : i32
      %dma_wait3A_1880 = tpu.memref_slice %arg10[%dma_wait3A_1878, %dma_wait3A_1879] : memref<256x16xf32, #tpu.memory_space<vmem>> -> memref<8x16xf32, #tpu.memory_space<vmem>>
      %dma_wait3A_1881 = arith.constant 0 : i32
      %dma_wait3A_1882 = arith.constant 0 : i32
      %dma_wait3A_1883 = tpu.memref_slice %arg2[%dma_wait3A_1881, %dma_wait3A_1882] : memref<1000000x16xf32, #tpu.memory_space<hbm>> -> memref<8x16xf32, #tpu.memory_space<hbm>>
      tpu.wait_dma2 semaphore(%arg15 : memref<!tpu.dma_semaphore, #tpu.memory_space<semaphore_mem>>) src(%dma_wait3A_1883 : memref<8x16xf32, #tpu.memory_space<hbm>>) dst(%dma_wait3A_1880 : memref<8x16xf32, #tpu.memory_space<vmem>>)
      %add3A_1884 = arith.constant 1 : i32
      %add3A_1885 = arith.addi %mul3A_980, %add3A_1884 : i32
      %mul3A_1886 = arith.constant 16 : i32
      %mul3A_1887 = arith.muli %add3A_1885, %mul3A_1886 : i32
      %multiple_of3A_1888 = tpu.assume_multiple %mul3A_1887, 16 : i32
      %get3A_1889 = arith.index_cast %multiple_of3A_1888 : i32 to index
      %get3A_1890 = tpu.vector_load %arg7[%get3A_1889] {strides = array<i32>} : memref<512xi32, #tpu.memory_space<vmem>>, vector<16xi32>,
      %mul3A_1891 = arith.constant 16 : i32
      %mul3A_1892 = arith.muli %add3A_1885, %mul3A_1891 : i32
      %multiple_of3A_1893 = tpu.assume_multiple %mul3A_1892, 16 : i32
      %get3A_1894 = arith.index_cast %multiple_of3A_1893 : i32 to index
      %get3A_1895 = tpu.vector_load %arg8[%get3A_1894] {strides = array<i32>} : memref<512xi32, #tpu.memory_space<vmem>>, vector<16xi32>,
      %mul3A_1896 = arith.constant 8 : i32
      %mul3A_1897 = vector.broadcast %mul3A_1896 : i32 to vector<16xi32>
      %mul3A_1898 = arith.muli %iota3A, %mul3A_1897 : vector<16xi32>
      %add3A_1899 = arith.constant 128 : i32
      %add3A_1900 = vector.broadcast %add3A_1899 : i32 to vector<16xi32>
      %add3A_1901 = arith.addi %add3A_1900, %mul3A_1898 : vector<16xi32>
      %and3A_1902 = arith.constant 7 : i32
      %and3A_1903 = vector.broadcast %and3A_1902 : i32 to vector<16xi32>
      %and3A_1904 = arith.andi %get3A_1890, %and3A_1903 : vector<16xi32>
      %add3A_1905 = arith.addi %add3A_1901, %and3A_1904 : vector<16xi32>
      %and3A_1906 = arith.constant 7 : i32
      %and3A_1907 = vector.broadcast %and3A_1906 : i32 to vector<16xi32>
      %and3A_1908 = arith.andi %get3A_1895, %and3A_1907 : vector<16xi32>
      %add3A_1909 = arith.addi %add3A_1901, %and3A_1908 : vector<16xi32>
      %broadcast_in_dim3A_1910 = arith.constant 0.000000e+00 : f32
      %broadcast_in_dim3A_1911 = vector.broadcast %broadcast_in_dim3A_1910 : f32 to vector<16xf32>
      %broadcast_in_dim3A_1912 = arith.constant 0 : i32
      %broadcast_in_dim3A_1913 = vector.broadcast %broadcast_in_dim3A_1912 : i32 to vector<16xi32>
      %gather3A_1914 = tpu.vector_load_idx %arg9[%add3A_1905, %broadcast_in_dim3A_1913] : memref<256x16xf32, #tpu.memory_space<vmem>>[vector<16xi32>, vector<16xi32>], vector<16xf32>,
      %gather3A_1915 = tpu.vector_load_idx %arg10[%add3A_1909, %broadcast_in_dim3A_1913] : memref<256x16xf32, #tpu.memory_space<vmem>>[vector<16xi32>, vector<16xi32>], vector<16xf32>,
      %mul3A_1916 = arith.mulf %gather3A_1914, %gather3A_1915 : vector<16xf32>
      %add3A_1917 = arith.addf %broadcast_in_dim3A_1911, %mul3A_1916 : vector<16xf32>
      %broadcast_in_dim3A_1918 = arith.constant 1 : i32
      %broadcast_in_dim3A_1919 = vector.broadcast %broadcast_in_dim3A_1918 : i32 to vector<16xi32>
      %gather3A_1920 = tpu.vector_load_idx %arg9[%add3A_1905, %broadcast_in_dim3A_1919] : memref<256x16xf32, #tpu.memory_space<vmem>>[vector<16xi32>, vector<16xi32>], vector<16xf32>,
      %gather3A_1921 = tpu.vector_load_idx %arg10[%add3A_1909, %broadcast_in_dim3A_1919] : memref<256x16xf32, #tpu.memory_space<vmem>>[vector<16xi32>, vector<16xi32>], vector<16xf32>,
      %mul3A_1922 = arith.mulf %gather3A_1920, %gather3A_1921 : vector<16xf32>
      %add3A_1923 = arith.addf %add3A_1917, %mul3A_1922 : vector<16xf32>
      %broadcast_in_dim3A_1924 = arith.constant 2 : i32
      %broadcast_in_dim3A_1925 = vector.broadcast %broadcast_in_dim3A_1924 : i32 to vector<16xi32>
      %gather3A_1926 = tpu.vector_load_idx %arg9[%add3A_1905, %broadcast_in_dim3A_1925] : memref<256x16xf32, #tpu.memory_space<vmem>>[vector<16xi32>, vector<16xi32>], vector<16xf32>,
      %gather3A_1927 = tpu.vector_load_idx %arg10[%add3A_1909, %broadcast_in_dim3A_1925] : memref<256x16xf32, #tpu.memory_space<vmem>>[vector<16xi32>, vector<16xi32>], vector<16xf32>,
      %mul3A_1928 = arith.mulf %gather3A_1926, %gather3A_1927 : vector<16xf32>
      %add3A_1929 = arith.addf %add3A_1923, %mul3A_1928 : vector<16xf32>
      %broadcast_in_dim3A_1930 = arith.constant 3 : i32
      %broadcast_in_dim3A_1931 = vector.broadcast %broadcast_in_dim3A_1930 : i32 to vector<16xi32>
      %gather3A_1932 = tpu.vector_load_idx %arg9[%add3A_1905, %broadcast_in_dim3A_1931] : memref<256x16xf32, #tpu.memory_space<vmem>>[vector<16xi32>, vector<16xi32>], vector<16xf32>,
      %gather3A_1933 = tpu.vector_load_idx %arg10[%add3A_1909, %broadcast_in_dim3A_1931] : memref<256x16xf32, #tpu.memory_space<vmem>>[vector<16xi32>, vector<16xi32>], vector<16xf32>,
      %mul3A_1934 = arith.mulf %gather3A_1932, %gather3A_1933 : vector<16xf32>
      %add3A_1935 = arith.addf %add3A_1929, %mul3A_1934 : vector<16xf32>
      %broadcast_in_dim3A_1936 = arith.constant 4 : i32
      %broadcast_in_dim3A_1937 = vector.broadcast %broadcast_in_dim3A_1936 : i32 to vector<16xi32>
      %gather3A_1938 = tpu.vector_load_idx %arg9[%add3A_1905, %broadcast_in_dim3A_1937] : memref<256x16xf32, #tpu.memory_space<vmem>>[vector<16xi32>, vector<16xi32>], vector<16xf32>,
      %gather3A_1939 = tpu.vector_load_idx %arg10[%add3A_1909, %broadcast_in_dim3A_1937] : memref<256x16xf32, #tpu.memory_space<vmem>>[vector<16xi32>, vector<16xi32>], vector<16xf32>,
      %mul3A_1940 = arith.mulf %gather3A_1938, %gather3A_1939 : vector<16xf32>
      %add3A_1941 = arith.addf %add3A_1935, %mul3A_1940 : vector<16xf32>
      %broadcast_in_dim3A_1942 = arith.constant 5 : i32
      %broadcast_in_dim3A_1943 = vector.broadcast %broadcast_in_dim3A_1942 : i32 to vector<16xi32>
      %gather3A_1944 = tpu.vector_load_idx %arg9[%add3A_1905, %broadcast_in_dim3A_1943] : memref<256x16xf32, #tpu.memory_space<vmem>>[vector<16xi32>, vector<16xi32>], vector<16xf32>,
      %gather3A_1945 = tpu.vector_load_idx %arg10[%add3A_1909, %broadcast_in_dim3A_1943] : memref<256x16xf32, #tpu.memory_space<vmem>>[vector<16xi32>, vector<16xi32>], vector<16xf32>,
      %mul3A_1946 = arith.mulf %gather3A_1944, %gather3A_1945 : vector<16xf32>
      %add3A_1947 = arith.addf %add3A_1941, %mul3A_1946 : vector<16xf32>
      %broadcast_in_dim3A_1948 = arith.constant 6 : i32
      %broadcast_in_dim3A_1949 = vector.broadcast %broadcast_in_dim3A_1948 : i32 to vector<16xi32>
      %gather3A_1950 = tpu.vector_load_idx %arg9[%add3A_1905, %broadcast_in_dim3A_1949] : memref<256x16xf32, #tpu.memory_space<vmem>>[vector<16xi32>, vector<16xi32>], vector<16xf32>,
      %gather3A_1951 = tpu.vector_load_idx %arg10[%add3A_1909, %broadcast_in_dim3A_1949] : memref<256x16xf32, #tpu.memory_space<vmem>>[vector<16xi32>, vector<16xi32>], vector<16xf32>,
      %mul3A_1952 = arith.mulf %gather3A_1950, %gather3A_1951 : vector<16xf32>
      %add3A_1953 = arith.addf %add3A_1947, %mul3A_1952 : vector<16xf32>
      %broadcast_in_dim3A_1954 = arith.constant 7 : i32
      %broadcast_in_dim3A_1955 = vector.broadcast %broadcast_in_dim3A_1954 : i32 to vector<16xi32>
      %gather3A_1956 = tpu.vector_load_idx %arg9[%add3A_1905, %broadcast_in_dim3A_1955] : memref<256x16xf32, #tpu.memory_space<vmem>>[vector<16xi32>, vector<16xi32>], vector<16xf32>,
      %gather3A_1957 = tpu.vector_load_idx %arg10[%add3A_1909, %broadcast_in_dim3A_1955] : memref<256x16xf32, #tpu.memory_space<vmem>>[vector<16xi32>, vector<16xi32>], vector<16xf32>,
      %mul3A_1958 = arith.mulf %gather3A_1956, %gather3A_1957 : vector<16xf32>
      %add3A_1959 = arith.addf %add3A_1953, %mul3A_1958 : vector<16xf32>
      %broadcast_in_dim3A_1960 = arith.constant 8 : i32
      %broadcast_in_dim3A_1961 = vector.broadcast %broadcast_in_dim3A_1960 : i32 to vector<16xi32>
      %gather3A_1962 = tpu.vector_load_idx %arg9[%add3A_1905, %broadcast_in_dim3A_1961] : memref<256x16xf32, #tpu.memory_space<vmem>>[vector<16xi32>, vector<16xi32>], vector<16xf32>,
      %gather3A_1963 = tpu.vector_load_idx %arg10[%add3A_1909, %broadcast_in_dim3A_1961] : memref<256x16xf32, #tpu.memory_space<vmem>>[vector<16xi32>, vector<16xi32>], vector<16xf32>,
      %mul3A_1964 = arith.mulf %gather3A_1962, %gather3A_1963 : vector<16xf32>
      %add3A_1965 = arith.addf %add3A_1959, %mul3A_1964 : vector<16xf32>
      %broadcast_in_dim3A_1966 = arith.constant 9 : i32
      %broadcast_in_dim3A_1967 = vector.broadcast %broadcast_in_dim3A_1966 : i32 to vector<16xi32>
      %gather3A_1968 = tpu.vector_load_idx %arg9[%add3A_1905, %broadcast_in_dim3A_1967] : memref<256x16xf32, #tpu.memory_space<vmem>>[vector<16xi32>, vector<16xi32>], vector<16xf32>,
      %gather3A_1969 = tpu.vector_load_idx %arg10[%add3A_1909, %broadcast_in_dim3A_1967] : memref<256x16xf32, #tpu.memory_space<vmem>>[vector<16xi32>, vector<16xi32>], vector<16xf32>,
      %mul3A_1970 = arith.mulf %gather3A_1968, %gather3A_1969 : vector<16xf32>
      %add3A_1971 = arith.addf %add3A_1965, %mul3A_1970 : vector<16xf32>
      %broadcast_in_dim3A_1972 = arith.constant 10 : i32
      %broadcast_in_dim3A_1973 = vector.broadcast %broadcast_in_dim3A_1972 : i32 to vector<16xi32>
      %gather3A_1974 = tpu.vector_load_idx %arg9[%add3A_1905, %broadcast_in_dim3A_1973] : memref<256x16xf32, #tpu.memory_space<vmem>>[vector<16xi32>, vector<16xi32>], vector<16xf32>,
      %gather3A_1975 = tpu.vector_load_idx %arg10[%add3A_1909, %broadcast_in_dim3A_1973] : memref<256x16xf32, #tpu.memory_space<vmem>>[vector<16xi32>, vector<16xi32>], vector<16xf32>,
      %mul3A_1976 = arith.mulf %gather3A_1974, %gather3A_1975 : vector<16xf32>
      %add3A_1977 = arith.addf %add3A_1971, %mul3A_1976 : vector<16xf32>
      %broadcast_in_dim3A_1978 = arith.constant 11 : i32
      %broadcast_in_dim3A_1979 = vector.broadcast %broadcast_in_dim3A_1978 : i32 to vector<16xi32>
      %gather3A_1980 = tpu.vector_load_idx %arg9[%add3A_1905, %broadcast_in_dim3A_1979] : memref<256x16xf32, #tpu.memory_space<vmem>>[vector<16xi32>, vector<16xi32>], vector<16xf32>,
      %gather3A_1981 = tpu.vector_load_idx %arg10[%add3A_1909, %broadcast_in_dim3A_1979] : memref<256x16xf32, #tpu.memory_space<vmem>>[vector<16xi32>, vector<16xi32>], vector<16xf32>,
      %mul3A_1982 = arith.mulf %gather3A_1980, %gather3A_1981 : vector<16xf32>
      %add3A_1983 = arith.addf %add3A_1977, %mul3A_1982 : vector<16xf32>
      %broadcast_in_dim3A_1984 = arith.constant 12 : i32
      %broadcast_in_dim3A_1985 = vector.broadcast %broadcast_in_dim3A_1984 : i32 to vector<16xi32>
      %gather3A_1986 = tpu.vector_load_idx %arg9[%add3A_1905, %broadcast_in_dim3A_1985] : memref<256x16xf32, #tpu.memory_space<vmem>>[vector<16xi32>, vector<16xi32>], vector<16xf32>,
      %gather3A_1987 = tpu.vector_load_idx %arg10[%add3A_1909, %broadcast_in_dim3A_1985] : memref<256x16xf32, #tpu.memory_space<vmem>>[vector<16xi32>, vector<16xi32>], vector<16xf32>,
      %mul3A_1988 = arith.mulf %gather3A_1986, %gather3A_1987 : vector<16xf32>
      %add3A_1989 = arith.addf %add3A_1983, %mul3A_1988 : vector<16xf32>
      %broadcast_in_dim3A_1990 = arith.constant 13 : i32
      %broadcast_in_dim3A_1991 = vector.broadcast %broadcast_in_dim3A_1990 : i32 to vector<16xi32>
      %gather3A_1992 = tpu.vector_load_idx %arg9[%add3A_1905, %broadcast_in_dim3A_1991] : memref<256x16xf32, #tpu.memory_space<vmem>>[vector<16xi32>, vector<16xi32>], vector<16xf32>,
      %gather3A_1993 = tpu.vector_load_idx %arg10[%add3A_1909, %broadcast_in_dim3A_1991] : memref<256x16xf32, #tpu.memory_space<vmem>>[vector<16xi32>, vector<16xi32>], vector<16xf32>,
      %mul3A_1994 = arith.mulf %gather3A_1992, %gather3A_1993 : vector<16xf32>
      %add3A_1995 = arith.addf %add3A_1989, %mul3A_1994 : vector<16xf32>
      %broadcast_in_dim3A_1996 = arith.constant 14 : i32
      %broadcast_in_dim3A_1997 = vector.broadcast %broadcast_in_dim3A_1996 : i32 to vector<16xi32>
      %gather3A_1998 = tpu.vector_load_idx %arg9[%add3A_1905, %broadcast_in_dim3A_1997] : memref<256x16xf32, #tpu.memory_space<vmem>>[vector<16xi32>, vector<16xi32>], vector<16xf32>,
      %gather3A_1999 = tpu.vector_load_idx %arg10[%add3A_1909, %broadcast_in_dim3A_1997] : memref<256x16xf32, #tpu.memory_space<vmem>>[vector<16xi32>, vector<16xi32>], vector<16xf32>,
      %mul3A_2000 = arith.mulf %gather3A_1998, %gather3A_1999 : vector<16xf32>
      %add3A_2001 = arith.addf %add3A_1995, %mul3A_2000 : vector<16xf32>
      %broadcast_in_dim3A_2002 = arith.constant 15 : i32
      %broadcast_in_dim3A_2003 = vector.broadcast %broadcast_in_dim3A_2002 : i32 to vector<16xi32>
      %gather3A_2004 = tpu.vector_load_idx %arg9[%add3A_1905, %broadcast_in_dim3A_2003] : memref<256x16xf32, #tpu.memory_space<vmem>>[vector<16xi32>, vector<16xi32>], vector<16xf32>,
      %gather3A_2005 = tpu.vector_load_idx %arg10[%add3A_1909, %broadcast_in_dim3A_2003] : memref<256x16xf32, #tpu.memory_space<vmem>>[vector<16xi32>, vector<16xi32>], vector<16xf32>,
      %mul3A_2006 = arith.mulf %gather3A_2004, %gather3A_2005 : vector<16xf32>
      %add3A_2007 = arith.addf %add3A_2001, %mul3A_2006 : vector<16xf32>
      %mul3A_2008 = arith.constant -5.000000e+00 : f32
      %mul3A_2009 = vector.broadcast %mul3A_2008 : f32 to vector<16xf32>
      %mul3A_2010 = arith.mulf %mul3A_2009, %add3A_2007 : vector<16xf32>
      %exp3A_2011 = math.exp %mul3A_2010 : vector<16xf32>
      %add3A_2012 = arith.constant 1.000000e+00 : f32
      %add3A_2013 = vector.broadcast %add3A_2012 : f32 to vector<16xf32>
      %add3A_2014 = arith.addf %add3A_2013, %exp3A_2011 : vector<16xf32>
      %div3A_2015 = arith.constant 1.000000e+00 : f32
      %div3A_2016 = vector.broadcast %div3A_2015 : f32 to vector<16xf32>
      %div3A_2017 = arith.divf %div3A_2016, %add3A_2014 : vector<16xf32>
      %mul3A_2018 = arith.constant 16 : i32
      %mul3A_2019 = arith.muli %add3A_1885, %mul3A_2018 : i32
      %multiple_of3A_2020 = tpu.assume_multiple %mul3A_2019, 16 : i32
      %swap3A_2021 = arith.index_cast %multiple_of3A_2020 : i32 to index
      %swap3A_2022 = tpu.vector_load %arg11[%swap3A_2021] {strides = array<i32>} : memref<512xf32, #tpu.memory_space<vmem>>, vector<16xf32>,
      tpu.vector_store %arg11[%swap3A_2021], %div3A_2017 {strides = array<i32>} : memref<512xf32, #tpu.memory_space<vmem>>, vector<16xf32>,
      %add3A_2023 = arith.constant 3 : i32
      %add3A_2024 = arith.addi %mul3A_980, %add3A_2023 : i32
      %lt3A_2025 = arith.constant 32 : i32
      %lt3A_2026 = arith.cmpi slt, %add3A_2024, %lt3A_2025 : i32
      %convert_element_type3A_2027 = arith.extui %lt3A_2026 : i1 to i32
      %cond3A_2028 = arith.constant 0 : i32
      %cond3A_2029 = arith.cmpi ne, %convert_element_type3A_2027, %cond3A_2028 : i32
      scf.if %cond3A_2029 {
        %add3A_2030 = arith.constant 3 : i32
        %add3A_2031 = arith.addi %mul3A_980, %add3A_2030 : i32
        %mul3A_2032 = arith.constant 16 : i32
        %mul3A_2033 = arith.muli %add3A_2031, %mul3A_2032 : i32
        %multiple_of3A_2034 = tpu.assume_multiple %mul3A_2033, 16 : i32
        %get3A_2035 = arith.index_cast %multiple_of3A_2034 : i32 to index
        %get3A_2036 = tpu.vector_load %arg7[%get3A_2035] {strides = array<i32>} : memref<512xi32, #tpu.memory_space<vmem>>, vector<16xi32>,
        %mul3A_2037 = arith.constant 16 : i32
        %mul3A_2038 = arith.muli %add3A_2031, %mul3A_2037 : i32
        %multiple_of3A_2039 = tpu.assume_multiple %mul3A_2038, 16 : i32
        %get3A_2040 = arith.index_cast %multiple_of3A_2039 : i32 to index
        %get3A_2041 = tpu.vector_load %arg8[%get3A_2040] {strides = array<i32>} : memref<512xi32, #tpu.memory_space<vmem>>, vector<16xi32>,
        %slice3A_2042 = vector.extract_strided_slice %get3A_2036 {offsets = [0], sizes = [1], strides = [1]} : vector<16xi32> to vector<1xi32>
        %squeeze3A_2043 = vector.extract %slice3A_2042[0] : i32 from vector<1xi32>
        %and3A_2044 = arith.constant -8 : i32
        %and3A_2045 = arith.andi %squeeze3A_2043, %and3A_2044 : i32
        %slice3A_2046 = vector.extract_strided_slice %get3A_2041 {offsets = [0], sizes = [1], strides = [1]} : vector<16xi32> to vector<1xi32>
        %squeeze3A_2047 = vector.extract %slice3A_2046[0] : i32 from vector<1xi32>
        %and3A_2048 = arith.constant -8 : i32
        %and3A_2049 = arith.andi %squeeze3A_2047, %and3A_2048 : i32
        %multiple_of3A_2050 = tpu.assume_multiple %and3A_2045, 8 : i32
        %dma_start3A_2051 = arith.constant 128 : i32
        %dma_start3A_2052 = arith.constant 0 : i32
        %dma_start3A_2053 = tpu.memref_slice %arg9[%dma_start3A_2051, %dma_start3A_2052] : memref<256x16xf32, #tpu.memory_space<vmem>> -> memref<8x16xf32, #tpu.memory_space<vmem>>
        %dma_start3A_2054 = arith.constant 0 : i32
        %dma_start3A_2055 = tpu.memref_slice %arg3[%multiple_of3A_2050, %dma_start3A_2054] : memref<1000000x16xf32, #tpu.memory_space<hbm>> -> memref<8x16xf32, #tpu.memory_space<hbm>>
        %dma_start3A_2056 = arith.constant 128 : i32
        %dma_start3A_2057 = arith.constant 0 : i32
        %dma_start3A_2058 = tpu.memref_slice %arg9[%dma_start3A_2056, %dma_start3A_2057] : memref<256x16xf32, #tpu.memory_space<vmem>> -> memref<8x16xf32, #tpu.memory_space<vmem>>
        %dma_start3A_2059 = arith.constant 0 : i32
        %dma_start3A_2060 = tpu.memref_slice %arg3[%multiple_of3A_2050, %dma_start3A_2059] : memref<1000000x16xf32, #tpu.memory_space<hbm>> -> memref<8x16xf32, #tpu.memory_space<hbm>>
        tpu.enqueue_dma source(%dma_start3A_2060 : memref<8x16xf32, #tpu.memory_space<hbm>>) target(%dma_start3A_2058 : memref<8x16xf32, #tpu.memory_space<vmem>>) target_semaphore(%arg13 : memref<!tpu.dma_semaphore, #tpu.memory_space<semaphore_mem>>)
        %multiple_of3A_2061 = tpu.assume_multiple %and3A_2049, 8 : i32
        %dma_start3A_2062 = arith.constant 128 : i32
        %dma_start3A_2063 = arith.constant 0 : i32
        %dma_start3A_2064 = tpu.memref_slice %arg10[%dma_start3A_2062, %dma_start3A_2063] : memref<256x16xf32, #tpu.memory_space<vmem>> -> memref<8x16xf32, #tpu.memory_space<vmem>>
        %dma_start3A_2065 = arith.constant 0 : i32
        %dma_start3A_2066 = tpu.memref_slice %arg2[%multiple_of3A_2061, %dma_start3A_2065] : memref<1000000x16xf32, #tpu.memory_space<hbm>> -> memref<8x16xf32, #tpu.memory_space<hbm>>
        %dma_start3A_2067 = arith.constant 128 : i32
        %dma_start3A_2068 = arith.constant 0 : i32
        %dma_start3A_2069 = tpu.memref_slice %arg10[%dma_start3A_2067, %dma_start3A_2068] : memref<256x16xf32, #tpu.memory_space<vmem>> -> memref<8x16xf32, #tpu.memory_space<vmem>>
        %dma_start3A_2070 = arith.constant 0 : i32
        %dma_start3A_2071 = tpu.memref_slice %arg2[%multiple_of3A_2061, %dma_start3A_2070] : memref<1000000x16xf32, #tpu.memory_space<hbm>> -> memref<8x16xf32, #tpu.memory_space<hbm>>
        tpu.enqueue_dma source(%dma_start3A_2071 : memref<8x16xf32, #tpu.memory_space<hbm>>) target(%dma_start3A_2069 : memref<8x16xf32, #tpu.memory_space<vmem>>) target_semaphore(%arg15 : memref<!tpu.dma_semaphore, #tpu.memory_space<semaphore_mem>>)
        %slice3A_2072 = vector.extract_strided_slice %get3A_2036 {offsets = [1], sizes = [1], strides = [1]} : vector<16xi32> to vector<1xi32>
        %squeeze3A_2073 = vector.extract %slice3A_2072[0] : i32 from vector<1xi32>
        %and3A_2074 = arith.constant -8 : i32
        %and3A_2075 = arith.andi %squeeze3A_2073, %and3A_2074 : i32
        %slice3A_2076 = vector.extract_strided_slice %get3A_2041 {offsets = [1], sizes = [1], strides = [1]} : vector<16xi32> to vector<1xi32>
        %squeeze3A_2077 = vector.extract %slice3A_2076[0] : i32 from vector<1xi32>
        %and3A_2078 = arith.constant -8 : i32
        %and3A_2079 = arith.andi %squeeze3A_2077, %and3A_2078 : i32
        %multiple_of3A_2080 = tpu.assume_multiple %and3A_2075, 8 : i32
        %dma_start3A_2081 = arith.constant 136 : i32
        %dma_start3A_2082 = arith.constant 0 : i32
        %dma_start3A_2083 = tpu.memref_slice %arg9[%dma_start3A_2081, %dma_start3A_2082] : memref<256x16xf32, #tpu.memory_space<vmem>> -> memref<8x16xf32, #tpu.memory_space<vmem>>
        %dma_start3A_2084 = arith.constant 0 : i32
        %dma_start3A_2085 = tpu.memref_slice %arg3[%multiple_of3A_2080, %dma_start3A_2084] : memref<1000000x16xf32, #tpu.memory_space<hbm>> -> memref<8x16xf32, #tpu.memory_space<hbm>>
        %dma_start3A_2086 = arith.constant 136 : i32
        %dma_start3A_2087 = arith.constant 0 : i32
        %dma_start3A_2088 = tpu.memref_slice %arg9[%dma_start3A_2086, %dma_start3A_2087] : memref<256x16xf32, #tpu.memory_space<vmem>> -> memref<8x16xf32, #tpu.memory_space<vmem>>
        %dma_start3A_2089 = arith.constant 0 : i32
        %dma_start3A_2090 = tpu.memref_slice %arg3[%multiple_of3A_2080, %dma_start3A_2089] : memref<1000000x16xf32, #tpu.memory_space<hbm>> -> memref<8x16xf32, #tpu.memory_space<hbm>>
        tpu.enqueue_dma source(%dma_start3A_2090 : memref<8x16xf32, #tpu.memory_space<hbm>>) target(%dma_start3A_2088 : memref<8x16xf32, #tpu.memory_space<vmem>>) target_semaphore(%arg13 : memref<!tpu.dma_semaphore, #tpu.memory_space<semaphore_mem>>)
        %multiple_of3A_2091 = tpu.assume_multiple %and3A_2079, 8 : i32
        %dma_start3A_2092 = arith.constant 136 : i32
        %dma_start3A_2093 = arith.constant 0 : i32
        %dma_start3A_2094 = tpu.memref_slice %arg10[%dma_start3A_2092, %dma_start3A_2093] : memref<256x16xf32, #tpu.memory_space<vmem>> -> memref<8x16xf32, #tpu.memory_space<vmem>>
        %dma_start3A_2095 = arith.constant 0 : i32
        %dma_start3A_2096 = tpu.memref_slice %arg2[%multiple_of3A_2091, %dma_start3A_2095] : memref<1000000x16xf32, #tpu.memory_space<hbm>> -> memref<8x16xf32, #tpu.memory_space<hbm>>
        %dma_start3A_2097 = arith.constant 136 : i32
        %dma_start3A_2098 = arith.constant 0 : i32
        %dma_start3A_2099 = tpu.memref_slice %arg10[%dma_start3A_2097, %dma_start3A_2098] : memref<256x16xf32, #tpu.memory_space<vmem>> -> memref<8x16xf32, #tpu.memory_space<vmem>>
        %dma_start3A_2100 = arith.constant 0 : i32
        %dma_start3A_2101 = tpu.memref_slice %arg2[%multiple_of3A_2091, %dma_start3A_2100] : memref<1000000x16xf32, #tpu.memory_space<hbm>> -> memref<8x16xf32, #tpu.memory_space<hbm>>
        tpu.enqueue_dma source(%dma_start3A_2101 : memref<8x16xf32, #tpu.memory_space<hbm>>) target(%dma_start3A_2099 : memref<8x16xf32, #tpu.memory_space<vmem>>) target_semaphore(%arg15 : memref<!tpu.dma_semaphore, #tpu.memory_space<semaphore_mem>>)
        %slice3A_2102 = vector.extract_strided_slice %get3A_2036 {offsets = [2], sizes = [1], strides = [1]} : vector<16xi32> to vector<1xi32>
        %squeeze3A_2103 = vector.extract %slice3A_2102[0] : i32 from vector<1xi32>
        %and3A_2104 = arith.constant -8 : i32
        %and3A_2105 = arith.andi %squeeze3A_2103, %and3A_2104 : i32
        %slice3A_2106 = vector.extract_strided_slice %get3A_2041 {offsets = [2], sizes = [1], strides = [1]} : vector<16xi32> to vector<1xi32>
        %squeeze3A_2107 = vector.extract %slice3A_2106[0] : i32 from vector<1xi32>
        %and3A_2108 = arith.constant -8 : i32
        %and3A_2109 = arith.andi %squeeze3A_2107, %and3A_2108 : i32
        %multiple_of3A_2110 = tpu.assume_multiple %and3A_2105, 8 : i32
        %dma_start3A_2111 = arith.constant 144 : i32
        %dma_start3A_2112 = arith.constant 0 : i32
        %dma_start3A_2113 = tpu.memref_slice %arg9[%dma_start3A_2111, %dma_start3A_2112] : memref<256x16xf32, #tpu.memory_space<vmem>> -> memref<8x16xf32, #tpu.memory_space<vmem>>
        %dma_start3A_2114 = arith.constant 0 : i32
        %dma_start3A_2115 = tpu.memref_slice %arg3[%multiple_of3A_2110, %dma_start3A_2114] : memref<1000000x16xf32, #tpu.memory_space<hbm>> -> memref<8x16xf32, #tpu.memory_space<hbm>>
        %dma_start3A_2116 = arith.constant 144 : i32
        %dma_start3A_2117 = arith.constant 0 : i32
        %dma_start3A_2118 = tpu.memref_slice %arg9[%dma_start3A_2116, %dma_start3A_2117] : memref<256x16xf32, #tpu.memory_space<vmem>> -> memref<8x16xf32, #tpu.memory_space<vmem>>
        %dma_start3A_2119 = arith.constant 0 : i32
        %dma_start3A_2120 = tpu.memref_slice %arg3[%multiple_of3A_2110, %dma_start3A_2119] : memref<1000000x16xf32, #tpu.memory_space<hbm>> -> memref<8x16xf32, #tpu.memory_space<hbm>>
        tpu.enqueue_dma source(%dma_start3A_2120 : memref<8x16xf32, #tpu.memory_space<hbm>>) target(%dma_start3A_2118 : memref<8x16xf32, #tpu.memory_space<vmem>>) target_semaphore(%arg13 : memref<!tpu.dma_semaphore, #tpu.memory_space<semaphore_mem>>)
        %multiple_of3A_2121 = tpu.assume_multiple %and3A_2109, 8 : i32
        %dma_start3A_2122 = arith.constant 144 : i32
        %dma_start3A_2123 = arith.constant 0 : i32
        %dma_start3A_2124 = tpu.memref_slice %arg10[%dma_start3A_2122, %dma_start3A_2123] : memref<256x16xf32, #tpu.memory_space<vmem>> -> memref<8x16xf32, #tpu.memory_space<vmem>>
        %dma_start3A_2125 = arith.constant 0 : i32
        %dma_start3A_2126 = tpu.memref_slice %arg2[%multiple_of3A_2121, %dma_start3A_2125] : memref<1000000x16xf32, #tpu.memory_space<hbm>> -> memref<8x16xf32, #tpu.memory_space<hbm>>
        %dma_start3A_2127 = arith.constant 144 : i32
        %dma_start3A_2128 = arith.constant 0 : i32
        %dma_start3A_2129 = tpu.memref_slice %arg10[%dma_start3A_2127, %dma_start3A_2128] : memref<256x16xf32, #tpu.memory_space<vmem>> -> memref<8x16xf32, #tpu.memory_space<vmem>>
        %dma_start3A_2130 = arith.constant 0 : i32
        %dma_start3A_2131 = tpu.memref_slice %arg2[%multiple_of3A_2121, %dma_start3A_2130] : memref<1000000x16xf32, #tpu.memory_space<hbm>> -> memref<8x16xf32, #tpu.memory_space<hbm>>
        tpu.enqueue_dma source(%dma_start3A_2131 : memref<8x16xf32, #tpu.memory_space<hbm>>) target(%dma_start3A_2129 : memref<8x16xf32, #tpu.memory_space<vmem>>) target_semaphore(%arg15 : memref<!tpu.dma_semaphore, #tpu.memory_space<semaphore_mem>>)
        %slice3A_2132 = vector.extract_strided_slice %get3A_2036 {offsets = [3], sizes = [1], strides = [1]} : vector<16xi32> to vector<1xi32>
        %squeeze3A_2133 = vector.extract %slice3A_2132[0] : i32 from vector<1xi32>
        %and3A_2134 = arith.constant -8 : i32
        %and3A_2135 = arith.andi %squeeze3A_2133, %and3A_2134 : i32
        %slice3A_2136 = vector.extract_strided_slice %get3A_2041 {offsets = [3], sizes = [1], strides = [1]} : vector<16xi32> to vector<1xi32>
        %squeeze3A_2137 = vector.extract %slice3A_2136[0] : i32 from vector<1xi32>
        %and3A_2138 = arith.constant -8 : i32
        %and3A_2139 = arith.andi %squeeze3A_2137, %and3A_2138 : i32
        %multiple_of3A_2140 = tpu.assume_multiple %and3A_2135, 8 : i32
        %dma_start3A_2141 = arith.constant 152 : i32
        %dma_start3A_2142 = arith.constant 0 : i32
        %dma_start3A_2143 = tpu.memref_slice %arg9[%dma_start3A_2141, %dma_start3A_2142] : memref<256x16xf32, #tpu.memory_space<vmem>> -> memref<8x16xf32, #tpu.memory_space<vmem>>
        %dma_start3A_2144 = arith.constant 0 : i32
        %dma_start3A_2145 = tpu.memref_slice %arg3[%multiple_of3A_2140, %dma_start3A_2144] : memref<1000000x16xf32, #tpu.memory_space<hbm>> -> memref<8x16xf32, #tpu.memory_space<hbm>>
        %dma_start3A_2146 = arith.constant 152 : i32
        %dma_start3A_2147 = arith.constant 0 : i32
        %dma_start3A_2148 = tpu.memref_slice %arg9[%dma_start3A_2146, %dma_start3A_2147] : memref<256x16xf32, #tpu.memory_space<vmem>> -> memref<8x16xf32, #tpu.memory_space<vmem>>
        %dma_start3A_2149 = arith.constant 0 : i32
        %dma_start3A_2150 = tpu.memref_slice %arg3[%multiple_of3A_2140, %dma_start3A_2149] : memref<1000000x16xf32, #tpu.memory_space<hbm>> -> memref<8x16xf32, #tpu.memory_space<hbm>>
        tpu.enqueue_dma source(%dma_start3A_2150 : memref<8x16xf32, #tpu.memory_space<hbm>>) target(%dma_start3A_2148 : memref<8x16xf32, #tpu.memory_space<vmem>>) target_semaphore(%arg13 : memref<!tpu.dma_semaphore, #tpu.memory_space<semaphore_mem>>)
        %multiple_of3A_2151 = tpu.assume_multiple %and3A_2139, 8 : i32
        %dma_start3A_2152 = arith.constant 152 : i32
        %dma_start3A_2153 = arith.constant 0 : i32
        %dma_start3A_2154 = tpu.memref_slice %arg10[%dma_start3A_2152, %dma_start3A_2153] : memref<256x16xf32, #tpu.memory_space<vmem>> -> memref<8x16xf32, #tpu.memory_space<vmem>>
        %dma_start3A_2155 = arith.constant 0 : i32
        %dma_start3A_2156 = tpu.memref_slice %arg2[%multiple_of3A_2151, %dma_start3A_2155] : memref<1000000x16xf32, #tpu.memory_space<hbm>> -> memref<8x16xf32, #tpu.memory_space<hbm>>
        %dma_start3A_2157 = arith.constant 152 : i32
        %dma_start3A_2158 = arith.constant 0 : i32
        %dma_start3A_2159 = tpu.memref_slice %arg10[%dma_start3A_2157, %dma_start3A_2158] : memref<256x16xf32, #tpu.memory_space<vmem>> -> memref<8x16xf32, #tpu.memory_space<vmem>>
        %dma_start3A_2160 = arith.constant 0 : i32
        %dma_start3A_2161 = tpu.memref_slice %arg2[%multiple_of3A_2151, %dma_start3A_2160] : memref<1000000x16xf32, #tpu.memory_space<hbm>> -> memref<8x16xf32, #tpu.memory_space<hbm>>
        tpu.enqueue_dma source(%dma_start3A_2161 : memref<8x16xf32, #tpu.memory_space<hbm>>) target(%dma_start3A_2159 : memref<8x16xf32, #tpu.memory_space<vmem>>) target_semaphore(%arg15 : memref<!tpu.dma_semaphore, #tpu.memory_space<semaphore_mem>>)
        %slice3A_2162 = vector.extract_strided_slice %get3A_2036 {offsets = [4], sizes = [1], strides = [1]} : vector<16xi32> to vector<1xi32>
        %squeeze3A_2163 = vector.extract %slice3A_2162[0] : i32 from vector<1xi32>
        %and3A_2164 = arith.constant -8 : i32
        %and3A_2165 = arith.andi %squeeze3A_2163, %and3A_2164 : i32
        %slice3A_2166 = vector.extract_strided_slice %get3A_2041 {offsets = [4], sizes = [1], strides = [1]} : vector<16xi32> to vector<1xi32>
        %squeeze3A_2167 = vector.extract %slice3A_2166[0] : i32 from vector<1xi32>
        %and3A_2168 = arith.constant -8 : i32
        %and3A_2169 = arith.andi %squeeze3A_2167, %and3A_2168 : i32
        %multiple_of3A_2170 = tpu.assume_multiple %and3A_2165, 8 : i32
        %dma_start3A_2171 = arith.constant 160 : i32
        %dma_start3A_2172 = arith.constant 0 : i32
        %dma_start3A_2173 = tpu.memref_slice %arg9[%dma_start3A_2171, %dma_start3A_2172] : memref<256x16xf32, #tpu.memory_space<vmem>> -> memref<8x16xf32, #tpu.memory_space<vmem>>
        %dma_start3A_2174 = arith.constant 0 : i32
        %dma_start3A_2175 = tpu.memref_slice %arg3[%multiple_of3A_2170, %dma_start3A_2174] : memref<1000000x16xf32, #tpu.memory_space<hbm>> -> memref<8x16xf32, #tpu.memory_space<hbm>>
        %dma_start3A_2176 = arith.constant 160 : i32
        %dma_start3A_2177 = arith.constant 0 : i32
        %dma_start3A_2178 = tpu.memref_slice %arg9[%dma_start3A_2176, %dma_start3A_2177] : memref<256x16xf32, #tpu.memory_space<vmem>> -> memref<8x16xf32, #tpu.memory_space<vmem>>
        %dma_start3A_2179 = arith.constant 0 : i32
        %dma_start3A_2180 = tpu.memref_slice %arg3[%multiple_of3A_2170, %dma_start3A_2179] : memref<1000000x16xf32, #tpu.memory_space<hbm>> -> memref<8x16xf32, #tpu.memory_space<hbm>>
        tpu.enqueue_dma source(%dma_start3A_2180 : memref<8x16xf32, #tpu.memory_space<hbm>>) target(%dma_start3A_2178 : memref<8x16xf32, #tpu.memory_space<vmem>>) target_semaphore(%arg13 : memref<!tpu.dma_semaphore, #tpu.memory_space<semaphore_mem>>)
        %multiple_of3A_2181 = tpu.assume_multiple %and3A_2169, 8 : i32
        %dma_start3A_2182 = arith.constant 160 : i32
        %dma_start3A_2183 = arith.constant 0 : i32
        %dma_start3A_2184 = tpu.memref_slice %arg10[%dma_start3A_2182, %dma_start3A_2183] : memref<256x16xf32, #tpu.memory_space<vmem>> -> memref<8x16xf32, #tpu.memory_space<vmem>>
        %dma_start3A_2185 = arith.constant 0 : i32
        %dma_start3A_2186 = tpu.memref_slice %arg2[%multiple_of3A_2181, %dma_start3A_2185] : memref<1000000x16xf32, #tpu.memory_space<hbm>> -> memref<8x16xf32, #tpu.memory_space<hbm>>
        %dma_start3A_2187 = arith.constant 160 : i32
        %dma_start3A_2188 = arith.constant 0 : i32
        %dma_start3A_2189 = tpu.memref_slice %arg10[%dma_start3A_2187, %dma_start3A_2188] : memref<256x16xf32, #tpu.memory_space<vmem>> -> memref<8x16xf32, #tpu.memory_space<vmem>>
        %dma_start3A_2190 = arith.constant 0 : i32
        %dma_start3A_2191 = tpu.memref_slice %arg2[%multiple_of3A_2181, %dma_start3A_2190] : memref<1000000x16xf32, #tpu.memory_space<hbm>> -> memref<8x16xf32, #tpu.memory_space<hbm>>
        tpu.enqueue_dma source(%dma_start3A_2191 : memref<8x16xf32, #tpu.memory_space<hbm>>) target(%dma_start3A_2189 : memref<8x16xf32, #tpu.memory_space<vmem>>) target_semaphore(%arg15 : memref<!tpu.dma_semaphore, #tpu.memory_space<semaphore_mem>>)
        %slice3A_2192 = vector.extract_strided_slice %get3A_2036 {offsets = [5], sizes = [1], strides = [1]} : vector<16xi32> to vector<1xi32>
        %squeeze3A_2193 = vector.extract %slice3A_2192[0] : i32 from vector<1xi32>
        %and3A_2194 = arith.constant -8 : i32
        %and3A_2195 = arith.andi %squeeze3A_2193, %and3A_2194 : i32
        %slice3A_2196 = vector.extract_strided_slice %get3A_2041 {offsets = [5], sizes = [1], strides = [1]} : vector<16xi32> to vector<1xi32>
        %squeeze3A_2197 = vector.extract %slice3A_2196[0] : i32 from vector<1xi32>
        %and3A_2198 = arith.constant -8 : i32
        %and3A_2199 = arith.andi %squeeze3A_2197, %and3A_2198 : i32
        %multiple_of3A_2200 = tpu.assume_multiple %and3A_2195, 8 : i32
        %dma_start3A_2201 = arith.constant 168 : i32
        %dma_start3A_2202 = arith.constant 0 : i32
        %dma_start3A_2203 = tpu.memref_slice %arg9[%dma_start3A_2201, %dma_start3A_2202] : memref<256x16xf32, #tpu.memory_space<vmem>> -> memref<8x16xf32, #tpu.memory_space<vmem>>
        %dma_start3A_2204 = arith.constant 0 : i32
        %dma_start3A_2205 = tpu.memref_slice %arg3[%multiple_of3A_2200, %dma_start3A_2204] : memref<1000000x16xf32, #tpu.memory_space<hbm>> -> memref<8x16xf32, #tpu.memory_space<hbm>>
        %dma_start3A_2206 = arith.constant 168 : i32
        %dma_start3A_2207 = arith.constant 0 : i32
        %dma_start3A_2208 = tpu.memref_slice %arg9[%dma_start3A_2206, %dma_start3A_2207] : memref<256x16xf32, #tpu.memory_space<vmem>> -> memref<8x16xf32, #tpu.memory_space<vmem>>
        %dma_start3A_2209 = arith.constant 0 : i32
        %dma_start3A_2210 = tpu.memref_slice %arg3[%multiple_of3A_2200, %dma_start3A_2209] : memref<1000000x16xf32, #tpu.memory_space<hbm>> -> memref<8x16xf32, #tpu.memory_space<hbm>>
        tpu.enqueue_dma source(%dma_start3A_2210 : memref<8x16xf32, #tpu.memory_space<hbm>>) target(%dma_start3A_2208 : memref<8x16xf32, #tpu.memory_space<vmem>>) target_semaphore(%arg13 : memref<!tpu.dma_semaphore, #tpu.memory_space<semaphore_mem>>)
        %multiple_of3A_2211 = tpu.assume_multiple %and3A_2199, 8 : i32
        %dma_start3A_2212 = arith.constant 168 : i32
        %dma_start3A_2213 = arith.constant 0 : i32
        %dma_start3A_2214 = tpu.memref_slice %arg10[%dma_start3A_2212, %dma_start3A_2213] : memref<256x16xf32, #tpu.memory_space<vmem>> -> memref<8x16xf32, #tpu.memory_space<vmem>>
        %dma_start3A_2215 = arith.constant 0 : i32
        %dma_start3A_2216 = tpu.memref_slice %arg2[%multiple_of3A_2211, %dma_start3A_2215] : memref<1000000x16xf32, #tpu.memory_space<hbm>> -> memref<8x16xf32, #tpu.memory_space<hbm>>
        %dma_start3A_2217 = arith.constant 168 : i32
        %dma_start3A_2218 = arith.constant 0 : i32
        %dma_start3A_2219 = tpu.memref_slice %arg10[%dma_start3A_2217, %dma_start3A_2218] : memref<256x16xf32, #tpu.memory_space<vmem>> -> memref<8x16xf32, #tpu.memory_space<vmem>>
        %dma_start3A_2220 = arith.constant 0 : i32
        %dma_start3A_2221 = tpu.memref_slice %arg2[%multiple_of3A_2211, %dma_start3A_2220] : memref<1000000x16xf32, #tpu.memory_space<hbm>> -> memref<8x16xf32, #tpu.memory_space<hbm>>
        tpu.enqueue_dma source(%dma_start3A_2221 : memref<8x16xf32, #tpu.memory_space<hbm>>) target(%dma_start3A_2219 : memref<8x16xf32, #tpu.memory_space<vmem>>) target_semaphore(%arg15 : memref<!tpu.dma_semaphore, #tpu.memory_space<semaphore_mem>>)
        %slice3A_2222 = vector.extract_strided_slice %get3A_2036 {offsets = [6], sizes = [1], strides = [1]} : vector<16xi32> to vector<1xi32>
        %squeeze3A_2223 = vector.extract %slice3A_2222[0] : i32 from vector<1xi32>
        %and3A_2224 = arith.constant -8 : i32
        %and3A_2225 = arith.andi %squeeze3A_2223, %and3A_2224 : i32
        %slice3A_2226 = vector.extract_strided_slice %get3A_2041 {offsets = [6], sizes = [1], strides = [1]} : vector<16xi32> to vector<1xi32>
        %squeeze3A_2227 = vector.extract %slice3A_2226[0] : i32 from vector<1xi32>
        %and3A_2228 = arith.constant -8 : i32
        %and3A_2229 = arith.andi %squeeze3A_2227, %and3A_2228 : i32
        %multiple_of3A_2230 = tpu.assume_multiple %and3A_2225, 8 : i32
        %dma_start3A_2231 = arith.constant 176 : i32
        %dma_start3A_2232 = arith.constant 0 : i32
        %dma_start3A_2233 = tpu.memref_slice %arg9[%dma_start3A_2231, %dma_start3A_2232] : memref<256x16xf32, #tpu.memory_space<vmem>> -> memref<8x16xf32, #tpu.memory_space<vmem>>
        %dma_start3A_2234 = arith.constant 0 : i32
        %dma_start3A_2235 = tpu.memref_slice %arg3[%multiple_of3A_2230, %dma_start3A_2234] : memref<1000000x16xf32, #tpu.memory_space<hbm>> -> memref<8x16xf32, #tpu.memory_space<hbm>>
        %dma_start3A_2236 = arith.constant 176 : i32
        %dma_start3A_2237 = arith.constant 0 : i32
        %dma_start3A_2238 = tpu.memref_slice %arg9[%dma_start3A_2236, %dma_start3A_2237] : memref<256x16xf32, #tpu.memory_space<vmem>> -> memref<8x16xf32, #tpu.memory_space<vmem>>
        %dma_start3A_2239 = arith.constant 0 : i32
        %dma_start3A_2240 = tpu.memref_slice %arg3[%multiple_of3A_2230, %dma_start3A_2239] : memref<1000000x16xf32, #tpu.memory_space<hbm>> -> memref<8x16xf32, #tpu.memory_space<hbm>>
        tpu.enqueue_dma source(%dma_start3A_2240 : memref<8x16xf32, #tpu.memory_space<hbm>>) target(%dma_start3A_2238 : memref<8x16xf32, #tpu.memory_space<vmem>>) target_semaphore(%arg13 : memref<!tpu.dma_semaphore, #tpu.memory_space<semaphore_mem>>)
        %multiple_of3A_2241 = tpu.assume_multiple %and3A_2229, 8 : i32
        %dma_start3A_2242 = arith.constant 176 : i32
        %dma_start3A_2243 = arith.constant 0 : i32
        %dma_start3A_2244 = tpu.memref_slice %arg10[%dma_start3A_2242, %dma_start3A_2243] : memref<256x16xf32, #tpu.memory_space<vmem>> -> memref<8x16xf32, #tpu.memory_space<vmem>>
        %dma_start3A_2245 = arith.constant 0 : i32
        %dma_start3A_2246 = tpu.memref_slice %arg2[%multiple_of3A_2241, %dma_start3A_2245] : memref<1000000x16xf32, #tpu.memory_space<hbm>> -> memref<8x16xf32, #tpu.memory_space<hbm>>
        %dma_start3A_2247 = arith.constant 176 : i32
        %dma_start3A_2248 = arith.constant 0 : i32
        %dma_start3A_2249 = tpu.memref_slice %arg10[%dma_start3A_2247, %dma_start3A_2248] : memref<256x16xf32, #tpu.memory_space<vmem>> -> memref<8x16xf32, #tpu.memory_space<vmem>>
        %dma_start3A_2250 = arith.constant 0 : i32
        %dma_start3A_2251 = tpu.memref_slice %arg2[%multiple_of3A_2241, %dma_start3A_2250] : memref<1000000x16xf32, #tpu.memory_space<hbm>> -> memref<8x16xf32, #tpu.memory_space<hbm>>
        tpu.enqueue_dma source(%dma_start3A_2251 : memref<8x16xf32, #tpu.memory_space<hbm>>) target(%dma_start3A_2249 : memref<8x16xf32, #tpu.memory_space<vmem>>) target_semaphore(%arg15 : memref<!tpu.dma_semaphore, #tpu.memory_space<semaphore_mem>>)
        %slice3A_2252 = vector.extract_strided_slice %get3A_2036 {offsets = [7], sizes = [1], strides = [1]} : vector<16xi32> to vector<1xi32>
        %squeeze3A_2253 = vector.extract %slice3A_2252[0] : i32 from vector<1xi32>
        %and3A_2254 = arith.constant -8 : i32
        %and3A_2255 = arith.andi %squeeze3A_2253, %and3A_2254 : i32
        %slice3A_2256 = vector.extract_strided_slice %get3A_2041 {offsets = [7], sizes = [1], strides = [1]} : vector<16xi32> to vector<1xi32>
        %squeeze3A_2257 = vector.extract %slice3A_2256[0] : i32 from vector<1xi32>
        %and3A_2258 = arith.constant -8 : i32
        %and3A_2259 = arith.andi %squeeze3A_2257, %and3A_2258 : i32
        %multiple_of3A_2260 = tpu.assume_multiple %and3A_2255, 8 : i32
        %dma_start3A_2261 = arith.constant 184 : i32
        %dma_start3A_2262 = arith.constant 0 : i32
        %dma_start3A_2263 = tpu.memref_slice %arg9[%dma_start3A_2261, %dma_start3A_2262] : memref<256x16xf32, #tpu.memory_space<vmem>> -> memref<8x16xf32, #tpu.memory_space<vmem>>
        %dma_start3A_2264 = arith.constant 0 : i32
        %dma_start3A_2265 = tpu.memref_slice %arg3[%multiple_of3A_2260, %dma_start3A_2264] : memref<1000000x16xf32, #tpu.memory_space<hbm>> -> memref<8x16xf32, #tpu.memory_space<hbm>>
        %dma_start3A_2266 = arith.constant 184 : i32
        %dma_start3A_2267 = arith.constant 0 : i32
        %dma_start3A_2268 = tpu.memref_slice %arg9[%dma_start3A_2266, %dma_start3A_2267] : memref<256x16xf32, #tpu.memory_space<vmem>> -> memref<8x16xf32, #tpu.memory_space<vmem>>
        %dma_start3A_2269 = arith.constant 0 : i32
        %dma_start3A_2270 = tpu.memref_slice %arg3[%multiple_of3A_2260, %dma_start3A_2269] : memref<1000000x16xf32, #tpu.memory_space<hbm>> -> memref<8x16xf32, #tpu.memory_space<hbm>>
        tpu.enqueue_dma source(%dma_start3A_2270 : memref<8x16xf32, #tpu.memory_space<hbm>>) target(%dma_start3A_2268 : memref<8x16xf32, #tpu.memory_space<vmem>>) target_semaphore(%arg13 : memref<!tpu.dma_semaphore, #tpu.memory_space<semaphore_mem>>)
        %multiple_of3A_2271 = tpu.assume_multiple %and3A_2259, 8 : i32
        %dma_start3A_2272 = arith.constant 184 : i32
        %dma_start3A_2273 = arith.constant 0 : i32
        %dma_start3A_2274 = tpu.memref_slice %arg10[%dma_start3A_2272, %dma_start3A_2273] : memref<256x16xf32, #tpu.memory_space<vmem>> -> memref<8x16xf32, #tpu.memory_space<vmem>>
        %dma_start3A_2275 = arith.constant 0 : i32
        %dma_start3A_2276 = tpu.memref_slice %arg2[%multiple_of3A_2271, %dma_start3A_2275] : memref<1000000x16xf32, #tpu.memory_space<hbm>> -> memref<8x16xf32, #tpu.memory_space<hbm>>
        %dma_start3A_2277 = arith.constant 184 : i32
        %dma_start3A_2278 = arith.constant 0 : i32
        %dma_start3A_2279 = tpu.memref_slice %arg10[%dma_start3A_2277, %dma_start3A_2278] : memref<256x16xf32, #tpu.memory_space<vmem>> -> memref<8x16xf32, #tpu.memory_space<vmem>>
        %dma_start3A_2280 = arith.constant 0 : i32
        %dma_start3A_2281 = tpu.memref_slice %arg2[%multiple_of3A_2271, %dma_start3A_2280] : memref<1000000x16xf32, #tpu.memory_space<hbm>> -> memref<8x16xf32, #tpu.memory_space<hbm>>
        tpu.enqueue_dma source(%dma_start3A_2281 : memref<8x16xf32, #tpu.memory_space<hbm>>) target(%dma_start3A_2279 : memref<8x16xf32, #tpu.memory_space<vmem>>) target_semaphore(%arg15 : memref<!tpu.dma_semaphore, #tpu.memory_space<semaphore_mem>>)
        %slice3A_2282 = vector.extract_strided_slice %get3A_2036 {offsets = [8], sizes = [1], strides = [1]} : vector<16xi32> to vector<1xi32>
        %squeeze3A_2283 = vector.extract %slice3A_2282[0] : i32 from vector<1xi32>
        %and3A_2284 = arith.constant -8 : i32
        %and3A_2285 = arith.andi %squeeze3A_2283, %and3A_2284 : i32
        %slice3A_2286 = vector.extract_strided_slice %get3A_2041 {offsets = [8], sizes = [1], strides = [1]} : vector<16xi32> to vector<1xi32>
        %squeeze3A_2287 = vector.extract %slice3A_2286[0] : i32 from vector<1xi32>
        %and3A_2288 = arith.constant -8 : i32
        %and3A_2289 = arith.andi %squeeze3A_2287, %and3A_2288 : i32
        %multiple_of3A_2290 = tpu.assume_multiple %and3A_2285, 8 : i32
        %dma_start3A_2291 = arith.constant 192 : i32
        %dma_start3A_2292 = arith.constant 0 : i32
        %dma_start3A_2293 = tpu.memref_slice %arg9[%dma_start3A_2291, %dma_start3A_2292] : memref<256x16xf32, #tpu.memory_space<vmem>> -> memref<8x16xf32, #tpu.memory_space<vmem>>
        %dma_start3A_2294 = arith.constant 0 : i32
        %dma_start3A_2295 = tpu.memref_slice %arg3[%multiple_of3A_2290, %dma_start3A_2294] : memref<1000000x16xf32, #tpu.memory_space<hbm>> -> memref<8x16xf32, #tpu.memory_space<hbm>>
        %dma_start3A_2296 = arith.constant 192 : i32
        %dma_start3A_2297 = arith.constant 0 : i32
        %dma_start3A_2298 = tpu.memref_slice %arg9[%dma_start3A_2296, %dma_start3A_2297] : memref<256x16xf32, #tpu.memory_space<vmem>> -> memref<8x16xf32, #tpu.memory_space<vmem>>
        %dma_start3A_2299 = arith.constant 0 : i32
        %dma_start3A_2300 = tpu.memref_slice %arg3[%multiple_of3A_2290, %dma_start3A_2299] : memref<1000000x16xf32, #tpu.memory_space<hbm>> -> memref<8x16xf32, #tpu.memory_space<hbm>>
        tpu.enqueue_dma source(%dma_start3A_2300 : memref<8x16xf32, #tpu.memory_space<hbm>>) target(%dma_start3A_2298 : memref<8x16xf32, #tpu.memory_space<vmem>>) target_semaphore(%arg13 : memref<!tpu.dma_semaphore, #tpu.memory_space<semaphore_mem>>)
        %multiple_of3A_2301 = tpu.assume_multiple %and3A_2289, 8 : i32
        %dma_start3A_2302 = arith.constant 192 : i32
        %dma_start3A_2303 = arith.constant 0 : i32
        %dma_start3A_2304 = tpu.memref_slice %arg10[%dma_start3A_2302, %dma_start3A_2303] : memref<256x16xf32, #tpu.memory_space<vmem>> -> memref<8x16xf32, #tpu.memory_space<vmem>>
        %dma_start3A_2305 = arith.constant 0 : i32
        %dma_start3A_2306 = tpu.memref_slice %arg2[%multiple_of3A_2301, %dma_start3A_2305] : memref<1000000x16xf32, #tpu.memory_space<hbm>> -> memref<8x16xf32, #tpu.memory_space<hbm>>
        %dma_start3A_2307 = arith.constant 192 : i32
        %dma_start3A_2308 = arith.constant 0 : i32
        %dma_start3A_2309 = tpu.memref_slice %arg10[%dma_start3A_2307, %dma_start3A_2308] : memref<256x16xf32, #tpu.memory_space<vmem>> -> memref<8x16xf32, #tpu.memory_space<vmem>>
        %dma_start3A_2310 = arith.constant 0 : i32
        %dma_start3A_2311 = tpu.memref_slice %arg2[%multiple_of3A_2301, %dma_start3A_2310] : memref<1000000x16xf32, #tpu.memory_space<hbm>> -> memref<8x16xf32, #tpu.memory_space<hbm>>
        tpu.enqueue_dma source(%dma_start3A_2311 : memref<8x16xf32, #tpu.memory_space<hbm>>) target(%dma_start3A_2309 : memref<8x16xf32, #tpu.memory_space<vmem>>) target_semaphore(%arg15 : memref<!tpu.dma_semaphore, #tpu.memory_space<semaphore_mem>>)
        %slice3A_2312 = vector.extract_strided_slice %get3A_2036 {offsets = [9], sizes = [1], strides = [1]} : vector<16xi32> to vector<1xi32>
        %squeeze3A_2313 = vector.extract %slice3A_2312[0] : i32 from vector<1xi32>
        %and3A_2314 = arith.constant -8 : i32
        %and3A_2315 = arith.andi %squeeze3A_2313, %and3A_2314 : i32
        %slice3A_2316 = vector.extract_strided_slice %get3A_2041 {offsets = [9], sizes = [1], strides = [1]} : vector<16xi32> to vector<1xi32>
        %squeeze3A_2317 = vector.extract %slice3A_2316[0] : i32 from vector<1xi32>
        %and3A_2318 = arith.constant -8 : i32
        %and3A_2319 = arith.andi %squeeze3A_2317, %and3A_2318 : i32
        %multiple_of3A_2320 = tpu.assume_multiple %and3A_2315, 8 : i32
        %dma_start3A_2321 = arith.constant 200 : i32
        %dma_start3A_2322 = arith.constant 0 : i32
        %dma_start3A_2323 = tpu.memref_slice %arg9[%dma_start3A_2321, %dma_start3A_2322] : memref<256x16xf32, #tpu.memory_space<vmem>> -> memref<8x16xf32, #tpu.memory_space<vmem>>
        %dma_start3A_2324 = arith.constant 0 : i32
        %dma_start3A_2325 = tpu.memref_slice %arg3[%multiple_of3A_2320, %dma_start3A_2324] : memref<1000000x16xf32, #tpu.memory_space<hbm>> -> memref<8x16xf32, #tpu.memory_space<hbm>>
        %dma_start3A_2326 = arith.constant 200 : i32
        %dma_start3A_2327 = arith.constant 0 : i32
        %dma_start3A_2328 = tpu.memref_slice %arg9[%dma_start3A_2326, %dma_start3A_2327] : memref<256x16xf32, #tpu.memory_space<vmem>> -> memref<8x16xf32, #tpu.memory_space<vmem>>
        %dma_start3A_2329 = arith.constant 0 : i32
        %dma_start3A_2330 = tpu.memref_slice %arg3[%multiple_of3A_2320, %dma_start3A_2329] : memref<1000000x16xf32, #tpu.memory_space<hbm>> -> memref<8x16xf32, #tpu.memory_space<hbm>>
        tpu.enqueue_dma source(%dma_start3A_2330 : memref<8x16xf32, #tpu.memory_space<hbm>>) target(%dma_start3A_2328 : memref<8x16xf32, #tpu.memory_space<vmem>>) target_semaphore(%arg13 : memref<!tpu.dma_semaphore, #tpu.memory_space<semaphore_mem>>)
        %multiple_of3A_2331 = tpu.assume_multiple %and3A_2319, 8 : i32
        %dma_start3A_2332 = arith.constant 200 : i32
        %dma_start3A_2333 = arith.constant 0 : i32
        %dma_start3A_2334 = tpu.memref_slice %arg10[%dma_start3A_2332, %dma_start3A_2333] : memref<256x16xf32, #tpu.memory_space<vmem>> -> memref<8x16xf32, #tpu.memory_space<vmem>>
        %dma_start3A_2335 = arith.constant 0 : i32
        %dma_start3A_2336 = tpu.memref_slice %arg2[%multiple_of3A_2331, %dma_start3A_2335] : memref<1000000x16xf32, #tpu.memory_space<hbm>> -> memref<8x16xf32, #tpu.memory_space<hbm>>
        %dma_start3A_2337 = arith.constant 200 : i32
        %dma_start3A_2338 = arith.constant 0 : i32
        %dma_start3A_2339 = tpu.memref_slice %arg10[%dma_start3A_2337, %dma_start3A_2338] : memref<256x16xf32, #tpu.memory_space<vmem>> -> memref<8x16xf32, #tpu.memory_space<vmem>>
        %dma_start3A_2340 = arith.constant 0 : i32
        %dma_start3A_2341 = tpu.memref_slice %arg2[%multiple_of3A_2331, %dma_start3A_2340] : memref<1000000x16xf32, #tpu.memory_space<hbm>> -> memref<8x16xf32, #tpu.memory_space<hbm>>
        tpu.enqueue_dma source(%dma_start3A_2341 : memref<8x16xf32, #tpu.memory_space<hbm>>) target(%dma_start3A_2339 : memref<8x16xf32, #tpu.memory_space<vmem>>) target_semaphore(%arg15 : memref<!tpu.dma_semaphore, #tpu.memory_space<semaphore_mem>>)
        %slice3A_2342 = vector.extract_strided_slice %get3A_2036 {offsets = [10], sizes = [1], strides = [1]} : vector<16xi32> to vector<1xi32>
        %squeeze3A_2343 = vector.extract %slice3A_2342[0] : i32 from vector<1xi32>
        %and3A_2344 = arith.constant -8 : i32
        %and3A_2345 = arith.andi %squeeze3A_2343, %and3A_2344 : i32
        %slice3A_2346 = vector.extract_strided_slice %get3A_2041 {offsets = [10], sizes = [1], strides = [1]} : vector<16xi32> to vector<1xi32>
        %squeeze3A_2347 = vector.extract %slice3A_2346[0] : i32 from vector<1xi32>
        %and3A_2348 = arith.constant -8 : i32
        %and3A_2349 = arith.andi %squeeze3A_2347, %and3A_2348 : i32
        %multiple_of3A_2350 = tpu.assume_multiple %and3A_2345, 8 : i32
        %dma_start3A_2351 = arith.constant 208 : i32
        %dma_start3A_2352 = arith.constant 0 : i32
        %dma_start3A_2353 = tpu.memref_slice %arg9[%dma_start3A_2351, %dma_start3A_2352] : memref<256x16xf32, #tpu.memory_space<vmem>> -> memref<8x16xf32, #tpu.memory_space<vmem>>
        %dma_start3A_2354 = arith.constant 0 : i32
        %dma_start3A_2355 = tpu.memref_slice %arg3[%multiple_of3A_2350, %dma_start3A_2354] : memref<1000000x16xf32, #tpu.memory_space<hbm>> -> memref<8x16xf32, #tpu.memory_space<hbm>>
        %dma_start3A_2356 = arith.constant 208 : i32
        %dma_start3A_2357 = arith.constant 0 : i32
        %dma_start3A_2358 = tpu.memref_slice %arg9[%dma_start3A_2356, %dma_start3A_2357] : memref<256x16xf32, #tpu.memory_space<vmem>> -> memref<8x16xf32, #tpu.memory_space<vmem>>
        %dma_start3A_2359 = arith.constant 0 : i32
        %dma_start3A_2360 = tpu.memref_slice %arg3[%multiple_of3A_2350, %dma_start3A_2359] : memref<1000000x16xf32, #tpu.memory_space<hbm>> -> memref<8x16xf32, #tpu.memory_space<hbm>>
        tpu.enqueue_dma source(%dma_start3A_2360 : memref<8x16xf32, #tpu.memory_space<hbm>>) target(%dma_start3A_2358 : memref<8x16xf32, #tpu.memory_space<vmem>>) target_semaphore(%arg13 : memref<!tpu.dma_semaphore, #tpu.memory_space<semaphore_mem>>)
        %multiple_of3A_2361 = tpu.assume_multiple %and3A_2349, 8 : i32
        %dma_start3A_2362 = arith.constant 208 : i32
        %dma_start3A_2363 = arith.constant 0 : i32
        %dma_start3A_2364 = tpu.memref_slice %arg10[%dma_start3A_2362, %dma_start3A_2363] : memref<256x16xf32, #tpu.memory_space<vmem>> -> memref<8x16xf32, #tpu.memory_space<vmem>>
        %dma_start3A_2365 = arith.constant 0 : i32
        %dma_start3A_2366 = tpu.memref_slice %arg2[%multiple_of3A_2361, %dma_start3A_2365] : memref<1000000x16xf32, #tpu.memory_space<hbm>> -> memref<8x16xf32, #tpu.memory_space<hbm>>
        %dma_start3A_2367 = arith.constant 208 : i32
        %dma_start3A_2368 = arith.constant 0 : i32
        %dma_start3A_2369 = tpu.memref_slice %arg10[%dma_start3A_2367, %dma_start3A_2368] : memref<256x16xf32, #tpu.memory_space<vmem>> -> memref<8x16xf32, #tpu.memory_space<vmem>>
        %dma_start3A_2370 = arith.constant 0 : i32
        %dma_start3A_2371 = tpu.memref_slice %arg2[%multiple_of3A_2361, %dma_start3A_2370] : memref<1000000x16xf32, #tpu.memory_space<hbm>> -> memref<8x16xf32, #tpu.memory_space<hbm>>
        tpu.enqueue_dma source(%dma_start3A_2371 : memref<8x16xf32, #tpu.memory_space<hbm>>) target(%dma_start3A_2369 : memref<8x16xf32, #tpu.memory_space<vmem>>) target_semaphore(%arg15 : memref<!tpu.dma_semaphore, #tpu.memory_space<semaphore_mem>>)
        %slice3A_2372 = vector.extract_strided_slice %get3A_2036 {offsets = [11], sizes = [1], strides = [1]} : vector<16xi32> to vector<1xi32>
        %squeeze3A_2373 = vector.extract %slice3A_2372[0] : i32 from vector<1xi32>
        %and3A_2374 = arith.constant -8 : i32
        %and3A_2375 = arith.andi %squeeze3A_2373, %and3A_2374 : i32
        %slice3A_2376 = vector.extract_strided_slice %get3A_2041 {offsets = [11], sizes = [1], strides = [1]} : vector<16xi32> to vector<1xi32>
        %squeeze3A_2377 = vector.extract %slice3A_2376[0] : i32 from vector<1xi32>
        %and3A_2378 = arith.constant -8 : i32
        %and3A_2379 = arith.andi %squeeze3A_2377, %and3A_2378 : i32
        %multiple_of3A_2380 = tpu.assume_multiple %and3A_2375, 8 : i32
        %dma_start3A_2381 = arith.constant 216 : i32
        %dma_start3A_2382 = arith.constant 0 : i32
        %dma_start3A_2383 = tpu.memref_slice %arg9[%dma_start3A_2381, %dma_start3A_2382] : memref<256x16xf32, #tpu.memory_space<vmem>> -> memref<8x16xf32, #tpu.memory_space<vmem>>
        %dma_start3A_2384 = arith.constant 0 : i32
        %dma_start3A_2385 = tpu.memref_slice %arg3[%multiple_of3A_2380, %dma_start3A_2384] : memref<1000000x16xf32, #tpu.memory_space<hbm>> -> memref<8x16xf32, #tpu.memory_space<hbm>>
        %dma_start3A_2386 = arith.constant 216 : i32
        %dma_start3A_2387 = arith.constant 0 : i32
        %dma_start3A_2388 = tpu.memref_slice %arg9[%dma_start3A_2386, %dma_start3A_2387] : memref<256x16xf32, #tpu.memory_space<vmem>> -> memref<8x16xf32, #tpu.memory_space<vmem>>
        %dma_start3A_2389 = arith.constant 0 : i32
        %dma_start3A_2390 = tpu.memref_slice %arg3[%multiple_of3A_2380, %dma_start3A_2389] : memref<1000000x16xf32, #tpu.memory_space<hbm>> -> memref<8x16xf32, #tpu.memory_space<hbm>>
        tpu.enqueue_dma source(%dma_start3A_2390 : memref<8x16xf32, #tpu.memory_space<hbm>>) target(%dma_start3A_2388 : memref<8x16xf32, #tpu.memory_space<vmem>>) target_semaphore(%arg13 : memref<!tpu.dma_semaphore, #tpu.memory_space<semaphore_mem>>)
        %multiple_of3A_2391 = tpu.assume_multiple %and3A_2379, 8 : i32
        %dma_start3A_2392 = arith.constant 216 : i32
        %dma_start3A_2393 = arith.constant 0 : i32
        %dma_start3A_2394 = tpu.memref_slice %arg10[%dma_start3A_2392, %dma_start3A_2393] : memref<256x16xf32, #tpu.memory_space<vmem>> -> memref<8x16xf32, #tpu.memory_space<vmem>>
        %dma_start3A_2395 = arith.constant 0 : i32
        %dma_start3A_2396 = tpu.memref_slice %arg2[%multiple_of3A_2391, %dma_start3A_2395] : memref<1000000x16xf32, #tpu.memory_space<hbm>> -> memref<8x16xf32, #tpu.memory_space<hbm>>
        %dma_start3A_2397 = arith.constant 216 : i32
        %dma_start3A_2398 = arith.constant 0 : i32
        %dma_start3A_2399 = tpu.memref_slice %arg10[%dma_start3A_2397, %dma_start3A_2398] : memref<256x16xf32, #tpu.memory_space<vmem>> -> memref<8x16xf32, #tpu.memory_space<vmem>>
        %dma_start3A_2400 = arith.constant 0 : i32
        %dma_start3A_2401 = tpu.memref_slice %arg2[%multiple_of3A_2391, %dma_start3A_2400] : memref<1000000x16xf32, #tpu.memory_space<hbm>> -> memref<8x16xf32, #tpu.memory_space<hbm>>
        tpu.enqueue_dma source(%dma_start3A_2401 : memref<8x16xf32, #tpu.memory_space<hbm>>) target(%dma_start3A_2399 : memref<8x16xf32, #tpu.memory_space<vmem>>) target_semaphore(%arg15 : memref<!tpu.dma_semaphore, #tpu.memory_space<semaphore_mem>>)
        %slice3A_2402 = vector.extract_strided_slice %get3A_2036 {offsets = [12], sizes = [1], strides = [1]} : vector<16xi32> to vector<1xi32>
        %squeeze3A_2403 = vector.extract %slice3A_2402[0] : i32 from vector<1xi32>
        %and3A_2404 = arith.constant -8 : i32
        %and3A_2405 = arith.andi %squeeze3A_2403, %and3A_2404 : i32
        %slice3A_2406 = vector.extract_strided_slice %get3A_2041 {offsets = [12], sizes = [1], strides = [1]} : vector<16xi32> to vector<1xi32>
        %squeeze3A_2407 = vector.extract %slice3A_2406[0] : i32 from vector<1xi32>
        %and3A_2408 = arith.constant -8 : i32
        %and3A_2409 = arith.andi %squeeze3A_2407, %and3A_2408 : i32
        %multiple_of3A_2410 = tpu.assume_multiple %and3A_2405, 8 : i32
        %dma_start3A_2411 = arith.constant 224 : i32
        %dma_start3A_2412 = arith.constant 0 : i32
        %dma_start3A_2413 = tpu.memref_slice %arg9[%dma_start3A_2411, %dma_start3A_2412] : memref<256x16xf32, #tpu.memory_space<vmem>> -> memref<8x16xf32, #tpu.memory_space<vmem>>
        %dma_start3A_2414 = arith.constant 0 : i32
        %dma_start3A_2415 = tpu.memref_slice %arg3[%multiple_of3A_2410, %dma_start3A_2414] : memref<1000000x16xf32, #tpu.memory_space<hbm>> -> memref<8x16xf32, #tpu.memory_space<hbm>>
        %dma_start3A_2416 = arith.constant 224 : i32
        %dma_start3A_2417 = arith.constant 0 : i32
        %dma_start3A_2418 = tpu.memref_slice %arg9[%dma_start3A_2416, %dma_start3A_2417] : memref<256x16xf32, #tpu.memory_space<vmem>> -> memref<8x16xf32, #tpu.memory_space<vmem>>
        %dma_start3A_2419 = arith.constant 0 : i32
        %dma_start3A_2420 = tpu.memref_slice %arg3[%multiple_of3A_2410, %dma_start3A_2419] : memref<1000000x16xf32, #tpu.memory_space<hbm>> -> memref<8x16xf32, #tpu.memory_space<hbm>>
        tpu.enqueue_dma source(%dma_start3A_2420 : memref<8x16xf32, #tpu.memory_space<hbm>>) target(%dma_start3A_2418 : memref<8x16xf32, #tpu.memory_space<vmem>>) target_semaphore(%arg13 : memref<!tpu.dma_semaphore, #tpu.memory_space<semaphore_mem>>)
        %multiple_of3A_2421 = tpu.assume_multiple %and3A_2409, 8 : i32
        %dma_start3A_2422 = arith.constant 224 : i32
        %dma_start3A_2423 = arith.constant 0 : i32
        %dma_start3A_2424 = tpu.memref_slice %arg10[%dma_start3A_2422, %dma_start3A_2423] : memref<256x16xf32, #tpu.memory_space<vmem>> -> memref<8x16xf32, #tpu.memory_space<vmem>>
        %dma_start3A_2425 = arith.constant 0 : i32
        %dma_start3A_2426 = tpu.memref_slice %arg2[%multiple_of3A_2421, %dma_start3A_2425] : memref<1000000x16xf32, #tpu.memory_space<hbm>> -> memref<8x16xf32, #tpu.memory_space<hbm>>
        %dma_start3A_2427 = arith.constant 224 : i32
        %dma_start3A_2428 = arith.constant 0 : i32
        %dma_start3A_2429 = tpu.memref_slice %arg10[%dma_start3A_2427, %dma_start3A_2428] : memref<256x16xf32, #tpu.memory_space<vmem>> -> memref<8x16xf32, #tpu.memory_space<vmem>>
        %dma_start3A_2430 = arith.constant 0 : i32
        %dma_start3A_2431 = tpu.memref_slice %arg2[%multiple_of3A_2421, %dma_start3A_2430] : memref<1000000x16xf32, #tpu.memory_space<hbm>> -> memref<8x16xf32, #tpu.memory_space<hbm>>
        tpu.enqueue_dma source(%dma_start3A_2431 : memref<8x16xf32, #tpu.memory_space<hbm>>) target(%dma_start3A_2429 : memref<8x16xf32, #tpu.memory_space<vmem>>) target_semaphore(%arg15 : memref<!tpu.dma_semaphore, #tpu.memory_space<semaphore_mem>>)
        %slice3A_2432 = vector.extract_strided_slice %get3A_2036 {offsets = [13], sizes = [1], strides = [1]} : vector<16xi32> to vector<1xi32>
        %squeeze3A_2433 = vector.extract %slice3A_2432[0] : i32 from vector<1xi32>
        %and3A_2434 = arith.constant -8 : i32
        %and3A_2435 = arith.andi %squeeze3A_2433, %and3A_2434 : i32
        %slice3A_2436 = vector.extract_strided_slice %get3A_2041 {offsets = [13], sizes = [1], strides = [1]} : vector<16xi32> to vector<1xi32>
        %squeeze3A_2437 = vector.extract %slice3A_2436[0] : i32 from vector<1xi32>
        %and3A_2438 = arith.constant -8 : i32
        %and3A_2439 = arith.andi %squeeze3A_2437, %and3A_2438 : i32
        %multiple_of3A_2440 = tpu.assume_multiple %and3A_2435, 8 : i32
        %dma_start3A_2441 = arith.constant 232 : i32
        %dma_start3A_2442 = arith.constant 0 : i32
        %dma_start3A_2443 = tpu.memref_slice %arg9[%dma_start3A_2441, %dma_start3A_2442] : memref<256x16xf32, #tpu.memory_space<vmem>> -> memref<8x16xf32, #tpu.memory_space<vmem>>
        %dma_start3A_2444 = arith.constant 0 : i32
        %dma_start3A_2445 = tpu.memref_slice %arg3[%multiple_of3A_2440, %dma_start3A_2444] : memref<1000000x16xf32, #tpu.memory_space<hbm>> -> memref<8x16xf32, #tpu.memory_space<hbm>>
        %dma_start3A_2446 = arith.constant 232 : i32
        %dma_start3A_2447 = arith.constant 0 : i32
        %dma_start3A_2448 = tpu.memref_slice %arg9[%dma_start3A_2446, %dma_start3A_2447] : memref<256x16xf32, #tpu.memory_space<vmem>> -> memref<8x16xf32, #tpu.memory_space<vmem>>
        %dma_start3A_2449 = arith.constant 0 : i32
        %dma_start3A_2450 = tpu.memref_slice %arg3[%multiple_of3A_2440, %dma_start3A_2449] : memref<1000000x16xf32, #tpu.memory_space<hbm>> -> memref<8x16xf32, #tpu.memory_space<hbm>>
        tpu.enqueue_dma source(%dma_start3A_2450 : memref<8x16xf32, #tpu.memory_space<hbm>>) target(%dma_start3A_2448 : memref<8x16xf32, #tpu.memory_space<vmem>>) target_semaphore(%arg13 : memref<!tpu.dma_semaphore, #tpu.memory_space<semaphore_mem>>)
        %multiple_of3A_2451 = tpu.assume_multiple %and3A_2439, 8 : i32
        %dma_start3A_2452 = arith.constant 232 : i32
        %dma_start3A_2453 = arith.constant 0 : i32
        %dma_start3A_2454 = tpu.memref_slice %arg10[%dma_start3A_2452, %dma_start3A_2453] : memref<256x16xf32, #tpu.memory_space<vmem>> -> memref<8x16xf32, #tpu.memory_space<vmem>>
        %dma_start3A_2455 = arith.constant 0 : i32
        %dma_start3A_2456 = tpu.memref_slice %arg2[%multiple_of3A_2451, %dma_start3A_2455] : memref<1000000x16xf32, #tpu.memory_space<hbm>> -> memref<8x16xf32, #tpu.memory_space<hbm>>
        %dma_start3A_2457 = arith.constant 232 : i32
        %dma_start3A_2458 = arith.constant 0 : i32
        %dma_start3A_2459 = tpu.memref_slice %arg10[%dma_start3A_2457, %dma_start3A_2458] : memref<256x16xf32, #tpu.memory_space<vmem>> -> memref<8x16xf32, #tpu.memory_space<vmem>>
        %dma_start3A_2460 = arith.constant 0 : i32
        %dma_start3A_2461 = tpu.memref_slice %arg2[%multiple_of3A_2451, %dma_start3A_2460] : memref<1000000x16xf32, #tpu.memory_space<hbm>> -> memref<8x16xf32, #tpu.memory_space<hbm>>
        tpu.enqueue_dma source(%dma_start3A_2461 : memref<8x16xf32, #tpu.memory_space<hbm>>) target(%dma_start3A_2459 : memref<8x16xf32, #tpu.memory_space<vmem>>) target_semaphore(%arg15 : memref<!tpu.dma_semaphore, #tpu.memory_space<semaphore_mem>>)
        %slice3A_2462 = vector.extract_strided_slice %get3A_2036 {offsets = [14], sizes = [1], strides = [1]} : vector<16xi32> to vector<1xi32>
        %squeeze3A_2463 = vector.extract %slice3A_2462[0] : i32 from vector<1xi32>
        %and3A_2464 = arith.constant -8 : i32
        %and3A_2465 = arith.andi %squeeze3A_2463, %and3A_2464 : i32
        %slice3A_2466 = vector.extract_strided_slice %get3A_2041 {offsets = [14], sizes = [1], strides = [1]} : vector<16xi32> to vector<1xi32>
        %squeeze3A_2467 = vector.extract %slice3A_2466[0] : i32 from vector<1xi32>
        %and3A_2468 = arith.constant -8 : i32
        %and3A_2469 = arith.andi %squeeze3A_2467, %and3A_2468 : i32
        %multiple_of3A_2470 = tpu.assume_multiple %and3A_2465, 8 : i32
        %dma_start3A_2471 = arith.constant 240 : i32
        %dma_start3A_2472 = arith.constant 0 : i32
        %dma_start3A_2473 = tpu.memref_slice %arg9[%dma_start3A_2471, %dma_start3A_2472] : memref<256x16xf32, #tpu.memory_space<vmem>> -> memref<8x16xf32, #tpu.memory_space<vmem>>
        %dma_start3A_2474 = arith.constant 0 : i32
        %dma_start3A_2475 = tpu.memref_slice %arg3[%multiple_of3A_2470, %dma_start3A_2474] : memref<1000000x16xf32, #tpu.memory_space<hbm>> -> memref<8x16xf32, #tpu.memory_space<hbm>>
        %dma_start3A_2476 = arith.constant 240 : i32
        %dma_start3A_2477 = arith.constant 0 : i32
        %dma_start3A_2478 = tpu.memref_slice %arg9[%dma_start3A_2476, %dma_start3A_2477] : memref<256x16xf32, #tpu.memory_space<vmem>> -> memref<8x16xf32, #tpu.memory_space<vmem>>
        %dma_start3A_2479 = arith.constant 0 : i32
        %dma_start3A_2480 = tpu.memref_slice %arg3[%multiple_of3A_2470, %dma_start3A_2479] : memref<1000000x16xf32, #tpu.memory_space<hbm>> -> memref<8x16xf32, #tpu.memory_space<hbm>>
        tpu.enqueue_dma source(%dma_start3A_2480 : memref<8x16xf32, #tpu.memory_space<hbm>>) target(%dma_start3A_2478 : memref<8x16xf32, #tpu.memory_space<vmem>>) target_semaphore(%arg13 : memref<!tpu.dma_semaphore, #tpu.memory_space<semaphore_mem>>)
        %multiple_of3A_2481 = tpu.assume_multiple %and3A_2469, 8 : i32
        %dma_start3A_2482 = arith.constant 240 : i32
        %dma_start3A_2483 = arith.constant 0 : i32
        %dma_start3A_2484 = tpu.memref_slice %arg10[%dma_start3A_2482, %dma_start3A_2483] : memref<256x16xf32, #tpu.memory_space<vmem>> -> memref<8x16xf32, #tpu.memory_space<vmem>>
        %dma_start3A_2485 = arith.constant 0 : i32
        %dma_start3A_2486 = tpu.memref_slice %arg2[%multiple_of3A_2481, %dma_start3A_2485] : memref<1000000x16xf32, #tpu.memory_space<hbm>> -> memref<8x16xf32, #tpu.memory_space<hbm>>
        %dma_start3A_2487 = arith.constant 240 : i32
        %dma_start3A_2488 = arith.constant 0 : i32
        %dma_start3A_2489 = tpu.memref_slice %arg10[%dma_start3A_2487, %dma_start3A_2488] : memref<256x16xf32, #tpu.memory_space<vmem>> -> memref<8x16xf32, #tpu.memory_space<vmem>>
        %dma_start3A_2490 = arith.constant 0 : i32
        %dma_start3A_2491 = tpu.memref_slice %arg2[%multiple_of3A_2481, %dma_start3A_2490] : memref<1000000x16xf32, #tpu.memory_space<hbm>> -> memref<8x16xf32, #tpu.memory_space<hbm>>
        tpu.enqueue_dma source(%dma_start3A_2491 : memref<8x16xf32, #tpu.memory_space<hbm>>) target(%dma_start3A_2489 : memref<8x16xf32, #tpu.memory_space<vmem>>) target_semaphore(%arg15 : memref<!tpu.dma_semaphore, #tpu.memory_space<semaphore_mem>>)
        %slice3A_2492 = vector.extract_strided_slice %get3A_2036 {offsets = [15], sizes = [1], strides = [1]} : vector<16xi32> to vector<1xi32>
        %squeeze3A_2493 = vector.extract %slice3A_2492[0] : i32 from vector<1xi32>
        %and3A_2494 = arith.constant -8 : i32
        %and3A_2495 = arith.andi %squeeze3A_2493, %and3A_2494 : i32
        %slice3A_2496 = vector.extract_strided_slice %get3A_2041 {offsets = [15], sizes = [1], strides = [1]} : vector<16xi32> to vector<1xi32>
        %squeeze3A_2497 = vector.extract %slice3A_2496[0] : i32 from vector<1xi32>
        %and3A_2498 = arith.constant -8 : i32
        %and3A_2499 = arith.andi %squeeze3A_2497, %and3A_2498 : i32
        %multiple_of3A_2500 = tpu.assume_multiple %and3A_2495, 8 : i32
        %dma_start3A_2501 = arith.constant 248 : i32
        %dma_start3A_2502 = arith.constant 0 : i32
        %dma_start3A_2503 = tpu.memref_slice %arg9[%dma_start3A_2501, %dma_start3A_2502] : memref<256x16xf32, #tpu.memory_space<vmem>> -> memref<8x16xf32, #tpu.memory_space<vmem>>
        %dma_start3A_2504 = arith.constant 0 : i32
        %dma_start3A_2505 = tpu.memref_slice %arg3[%multiple_of3A_2500, %dma_start3A_2504] : memref<1000000x16xf32, #tpu.memory_space<hbm>> -> memref<8x16xf32, #tpu.memory_space<hbm>>
        %dma_start3A_2506 = arith.constant 248 : i32
        %dma_start3A_2507 = arith.constant 0 : i32
        %dma_start3A_2508 = tpu.memref_slice %arg9[%dma_start3A_2506, %dma_start3A_2507] : memref<256x16xf32, #tpu.memory_space<vmem>> -> memref<8x16xf32, #tpu.memory_space<vmem>>
        %dma_start3A_2509 = arith.constant 0 : i32
        %dma_start3A_2510 = tpu.memref_slice %arg3[%multiple_of3A_2500, %dma_start3A_2509] : memref<1000000x16xf32, #tpu.memory_space<hbm>> -> memref<8x16xf32, #tpu.memory_space<hbm>>
        tpu.enqueue_dma source(%dma_start3A_2510 : memref<8x16xf32, #tpu.memory_space<hbm>>) target(%dma_start3A_2508 : memref<8x16xf32, #tpu.memory_space<vmem>>) target_semaphore(%arg13 : memref<!tpu.dma_semaphore, #tpu.memory_space<semaphore_mem>>)
        %multiple_of3A_2511 = tpu.assume_multiple %and3A_2499, 8 : i32
        %dma_start3A_2512 = arith.constant 248 : i32
        %dma_start3A_2513 = arith.constant 0 : i32
        %dma_start3A_2514 = tpu.memref_slice %arg10[%dma_start3A_2512, %dma_start3A_2513] : memref<256x16xf32, #tpu.memory_space<vmem>> -> memref<8x16xf32, #tpu.memory_space<vmem>>
        %dma_start3A_2515 = arith.constant 0 : i32
        %dma_start3A_2516 = tpu.memref_slice %arg2[%multiple_of3A_2511, %dma_start3A_2515] : memref<1000000x16xf32, #tpu.memory_space<hbm>> -> memref<8x16xf32, #tpu.memory_space<hbm>>
        %dma_start3A_2517 = arith.constant 248 : i32
        %dma_start3A_2518 = arith.constant 0 : i32
        %dma_start3A_2519 = tpu.memref_slice %arg10[%dma_start3A_2517, %dma_start3A_2518] : memref<256x16xf32, #tpu.memory_space<vmem>> -> memref<8x16xf32, #tpu.memory_space<vmem>>
        %dma_start3A_2520 = arith.constant 0 : i32
        %dma_start3A_2521 = tpu.memref_slice %arg2[%multiple_of3A_2511, %dma_start3A_2520] : memref<1000000x16xf32, #tpu.memory_space<hbm>> -> memref<8x16xf32, #tpu.memory_space<hbm>>
        tpu.enqueue_dma source(%dma_start3A_2521 : memref<8x16xf32, #tpu.memory_space<hbm>>) target(%dma_start3A_2519 : memref<8x16xf32, #tpu.memory_space<vmem>>) target_semaphore(%arg15 : memref<!tpu.dma_semaphore, #tpu.memory_space<semaphore_mem>>)
      } else {
      }
    }
    %scan3A_977 = arith.constant 16 : i32
    "tpu.region"() ({
      %run_scoped3A = tpu.sem_alloc : memref<!tpu.dma_semaphore, #tpu.memory_space<semaphore_mem>>
      %dma_start3A_978 = tpu.memref_slice %arg6[%mul3A_2] : memref<16384xf32, #tpu.memory_space<hbm>> -> memref<512xf32, #tpu.memory_space<hbm>>
      %dma_start3A_979 = tpu.memref_slice %arg6[%mul3A_2] : memref<16384xf32, #tpu.memory_space<hbm>> -> memref<512xf32, #tpu.memory_space<hbm>>
      tpu.enqueue_dma source(%arg11 : memref<512xf32, #tpu.memory_space<vmem>>) target(%dma_start3A_979 : memref<512xf32, #tpu.memory_space<hbm>>) target_semaphore(%run_scoped3A : memref<!tpu.dma_semaphore, #tpu.memory_space<semaphore_mem>>)
      %dma_wait3A = tpu.memref_slice %arg6[%mul3A_2] : memref<16384xf32, #tpu.memory_space<hbm>> -> memref<512xf32, #tpu.memory_space<hbm>>
      %dma_wait3A_980 = tpu.memref_slice %arg6[%mul3A_2] : memref<16384xf32, #tpu.memory_space<hbm>> -> memref<512xf32, #tpu.memory_space<hbm>>
      tpu.wait_dma2 semaphore(%run_scoped3A : memref<!tpu.dma_semaphore, #tpu.memory_space<semaphore_mem>>) src(%arg11 : memref<512xf32, #tpu.memory_space<vmem>>) dst(%dma_wait3A_980 : memref<512xf32, #tpu.memory_space<hbm>>)
      tpu.yield
    }) : () -> ()
    return
  }
}

</mosaic_0001>

<sc_bundles>
// kernel: kernel.3.cloned.1.call-start
scs
__scs_entry_jumppad:
0x0: {  	(pc) =	sbr.rel $0x88, $3  }
0x1: {  	(tag) =	ssettag $0x0;
	lr =	simm.s32 $0x1  }
0x2: {  	[smem:$0x3F9D] =	sst lr;
	_ =	strace $0xD0000000  }
0x3: {  	_ = 	snop  }
0x4: {  	_ = 	snop  }
0x5: {  	_ = 	snop  }
0x6: {  	_ = 	snop  }
0x7: {  	_ = 	snop  }
__scs_overlays_trampoline_lowered:
0x8: {  	[smem:$0x3FAC] =	sst s0  }
0x9: {  	[smem:$0x3FAD] =	sst s1  }
0xa: {  	[smem:$0x3FAE] =	sst s2  }
0xb: {  	[smem:$0x3FAF] =	sst s3  }
0xc: {  	[smem:$0x3FB0] =	sst s4  }
0xd: {  	[smem:$0x3FB1] =	sst s5  }
0xe: {  	[smem:$0x3FB2] =	sst s6  }
0xf: {  	[smem:$0x3FB3] =	sst s7  }
0x10: {  	[smem:$0x3FB4] =	sst s8  }
0x11: {  	[smem:$0x3FB5] =	sst s9;
	s0 =	simm.s32 @!p0 $0x0  }
0x12: {  	s1 =	sld [smem:$0x3F9B];
	s0 =	simm.s32 @p0 $0x1  }
0x13: {  	[smem:$0x3FB6] =	sst s0;
	s0 =	simm.s32 @!p1 $0x0  }
0x14: {  	s2 =	sld [smem:$0x3F9A];
	s0 =	simm.s32 @p1 $0x1  }
0x15: {  	[smem:$0x3FB7] =	sst s0;
	s0 =	simm.s32 @!p2 $0x0  }
0x16: {  	s3 =	sld [smem:$0x3FDB];
	s0 =	simm.s32 @p2 $0x1  }
0x17: {  	s4 =	simm.s32 $0x1BF5;
	[smem:$0x3FB9] =	sst s0  }
0x18: {  	s0 =	sld [smem:$0x3F9C];
	_ =	swait.ge [sflag:s4], $0x0  }
0x19: {  	s7 =	sld [smem:$0x3F9D]  }
0x1a: {  	s8 =	sadd.s32 $0xFFFFE003, lr  }
0x1b: {  	s9 =	sadd.s32 $0xFFFFFEF7, lr;
	s5 =	simm.s32 $0xFFFFFFFF;
	p2 =	slt.u32 s8, $0xFFFFF086  }
0x1c: {  	p1 =	slt.u32 s9, $0xF7A;
	s5 =	simm.s32 @!p2 $0x0  }
0x1d: {  	s5 =	simm.s32 @p1 $0x1;
	p0 =	seq.s32 s7, s2  }
0x1e: {  	s7 =	smul.u32 @!p0 $0xF7A, s2;
	p2 =	seq.s32 @!p0 s5, $0x0  }
0x1f: {  	s9 =	smul.u32 $0xF7A, s1;
	s8 =	simm.s32 @!p0 $0x1BF5;
	p2 =	por !p2, p0  }
0x20: {  	[sflag:s8] =	ssyncset.s32 @!p0 $0xFFFFF086;
	s6 =	sadd.s32 @!p0 s3, s7;
	s7 =	simm.s32 @!p0 $0x108  }
0x21: {  	s3 =	sadd.s32 s3, s9;
	s6 =	sadd.s32 @!p0 $0x88, s6;
	s7 =	simm.s32 @p2 $0x1082  }
0x22: {  	[simem:s7], [sflag:s8] =	dma.local @!p0 [hbm:s6], $0xF7A  }
0x23: {  	s9 =	sor.u32 $0xD0000000, s2;
	s6 =	simm.s32 $0x108;
	_ =	swait.ge @!p0 [sflag:s8], $0x0  }
0x24: {  	s3 =	sadd.s32 $0x88, s3;
	s6 =	simm.s32 @!p1 $0x1082;
	[sflag:s4] =	ssyncset.s32 $0xFFFFF086  }
0x25: {  	[simem:s6], [sflag:s4] =	dma.local [hbm:s3], $0xF7A  }
0x26: {  	[smem:$0x3F9D] =	sst s1;
	(tag) =	ssettag s2;
	_ =	strace s9  }
0x27: {  	s1 =	sld [smem:$0x3FAD]  }
0x28: {  	s2 =	sld [smem:$0x3FAE]  }
0x29: {  	s4 =	sld [smem:$0x3FB0]  }
0x2a: {  	p0 =	seq.s32 s5, $0x0;
	s5 =	sld [smem:$0x3FB1]  }
0x2b: {  	s6 =	sld [smem:$0x3FB2]  }
0x2c: {  	s7 =	sld [smem:$0x3FB3]  }
0x2d: {  	s3 =	simm.s32 $0x108;
	s8 =	sld [smem:$0x3FB4]  }
0x2e: {  	s3 =	simm.s32 @!p0 $0x1082;
	s9 =	sld [smem:$0x3FB5]  }
0x2f: {  	lr =	sadd.s32 s0, s3;
	s0 =	sld [smem:$0x3FAC]  }
0x30: {  	s3 =	sld [smem:$0x3FAF]  }
0x31: {  	[smem:$0x3FB8] =	sst s10  }
0x32: {  	s10 =	sld [smem:$0x3FB6];
	_ =	sdelay $0x3  }
0x33: {  	p0 =	seq.s32 s10, $0x1;
	s10 =	sld [smem:$0x3FB8];
	_ =	sdelay $0x3  }
0x34: {  	[smem:$0x3FB8] =	sst s10  }
0x35: {  	s10 =	sld [smem:$0x3FB7];
	_ =	sdelay $0x3  }
0x36: {  	p1 =	seq.s32 s10, $0x1;
	s10 =	sld [smem:$0x3FB8];
	_ =	sdelay $0x3  }
0x37: {  	[smem:$0x3FB8] =	sst s10  }
0x38: {  	s10 =	sld [smem:$0x3FB9]  }
0x39: {  	_ = 	snop;
	(pc) =	sbr.ind lr, $3  }
0x3a: {  	_ = 	snop  }
0x3b: {  	_ = 	snop  }
0x3c: {  	p2 =	seq.s32 s10, $0x1;
	s10 =	sld [smem:$0x3FB8]  }
0x3d: {  	_ =	shalt  }
0x3e: {  	_ =	shalt  }
0x3f: {  	_ =	shalt  }
0x40: {  	_ =	shalt  }
0x41: {  	_ =	shalt  }
0x42: {  	_ =	shalt  }
0x43: {  	_ =	shalt  }
0x44: {  	_ =	shalt  }
0x45: {  	_ =	shalt  }
0x46: {  	_ =	shalt  }
0x47: {  	_ =	shalt  }
0x48: {  	_ =	shalt  }
0x49: {  	_ =	shalt  }
0x4a: {  	_ =	shalt  }
0x4b: {  	_ =	shalt  }
0x4c: {  	_ =	shalt  }
0x4d: {  	_ =	shalt  }
0x4e: {  	_ =	shalt  }
0x4f: {  	_ =	shalt  }
0x50: {  	_ =	shalt  }
0x51: {  	_ =	shalt  }
0x52: {  	_ =	shalt  }
0x53: {  	_ =	shalt  }
0x54: {  	_ =	shalt  }
0x55: {  	_ =	shalt  }
0x56: {  	_ =	shalt  }
0x57: {  	_ =	shalt  }
0x58: {  	_ =	shalt  }
0x59: {  	_ =	shalt  }
0x5a: {  	_ =	shalt  }
0x5b: {  	_ =	shalt  }
0x5c: {  	_ =	shalt  }
0x5d: {  	_ =	shalt  }
0x5e: {  	_ =	shalt  }
0x5f: {  	_ =	shalt  }
0x60: {  	_ =	shalt  }
0x61: {  	_ =	shalt  }
0x62: {  	_ =	shalt  }
0x63: {  	_ =	shalt  }
0x64: {  	_ =	shalt  }
0x65: {  	_ =	shalt  }
0x66: {  	_ =	shalt  }
0x67: {  	_ =	shalt  }
0x68: {  	_ =	shalt  }
0x69: {  	_ =	shalt  }
0x6a: {  	_ =	shalt  }
0x6b: {  	_ =	shalt  }
0x6c: {  	_ =	shalt  }
0x6d: {  	_ =	shalt  }
0x6e: {  	_ =	shalt  }
0x6f: {  	_ =	shalt  }
0x70: {  	_ =	shalt  }
0x71: {  	_ =	shalt  }
0x72: {  	_ =	shalt  }
0x73: {  	_ =	shalt  }
0x74: {  	_ =	shalt  }
0x75: {  	_ =	shalt  }
0x76: {  	_ =	shalt  }
0x77: {  	_ =	shalt  }
0x78: {  	_ =	shalt  }
0x79: {  	_ =	shalt  }
0x7a: {  	_ =	shalt  }
0x7b: {  	_ =	shalt  }
0x7c: {  	_ =	shalt  }
0x7d: {  	_ =	shalt  }
0x7e: {  	_ =	shalt  }
0x7f: {  	_ =	shalt  }
0x80: {  	_ =	shalt  }
0x81: {  	_ =	shalt  }
0x82: {  	_ =	shalt  }
0x83: {  	_ =	shalt  }
0x84: {  	_ =	shalt  }
0x85: {  	_ =	shalt  }
0x86: {  	_ =	shalt  }
0x87: {  	_ =	shalt  }
.Lfunc_end0:
.L_simem_size_0:
called_computation_lowered:
.L_overlay_start_0:
0x88: {  	s2 =	sld [smem:$0x3FD9]  }
0x89: {  	s3 =	sld [smem:$0x3FFE];
	_ =	sdelay $0x1  }
0x8a: {  	s1 =	srdreg.scid  }
0x8b: {  	s0 =	sand.u32 $0x1, s1  }
0x8c: {  	s17 =	sshll.u32 s0, $0xA;
	s2 =	sadd.s32 s3, s2  }
0x8d: {  	s2 =	sadd.s32 s2, s17  }
0x8e: {  	[smem:$0x3FC4] =	sst s2  }
0x8f: {  	_ = 	snop  }
0x90: {  	s2 =	sld [smem:$0x3FC7]  }
0x91: {  	s18 =	sld [smem:$0x3FC6]  }
0x92: {  	s4 =	sld [smem:$0x3FD0];
	(tm) =	ssettm $0x1  }
0x93: {  	s5 =	sld [smem:$0x3FFB];
	_ =	sdelay $0x3  }
0x94: {  	_ =	strace s5  }
0x95: {  	s5 =	sld [smem:$0x3FFC];
	_ =	sdelay $0x3  }
0x96: {  	_ =	strace s5  }
0x97: {  	s5 =	sld [smem:$0x3FFD];
	_ =	sdelay $0x3  }
0x98: {  	_ =	strace s5  }
0x99: {  	_ =	strace $0x8FFFFFFF  }
0x9a: {  	s19 =	sld [smem:$0x3FDB];
	_ =	sdelay $0x1  }
0x9b: {  	s6 =	simm.s32 $_scs_section_size  }
0x9c: {  	s7 =	simm.s32 $_size__tile_overlayer_lowered;
	s8 =	simm.s32 $_tile_overlayer_lowered  }
0x9d: {  	s22 =	simm.s32 $0x1BFF;
	s21 =	sshll.u32 s8, $0x1;
	s5 =	sadd.s32 s6, s19  }
0x9e: {  	s9 =	simm.s32 $0x0;
	s20 =	sshll.u32 s7, $0x1;
	s7 =	sadd.s32 s21, s5  }
0x9f: {  	[timem:s9], [sflag:s22] =	dma.local [hbm:s7], s20  }
0xa0: {  	_ =	swait.ge [sflag:s22], s20  }
0xa1: {  	s6 =	ssub.s32 $0x0, s20;
	[sflag:s22] =	ssyncset.done $0x0  }
0xa2: {  	[sflag:s22] =	ssyncadd.s32 s6;
	_ =	sdelay $0x1  }
0xa3: {  	s23 =	simm.s32 $0x1B8B  }
0xa4: {  	_ =	swait.ge [sflag:s23], $0x1  }
0xa5: {  	[sflag:s23] =	ssyncset.done $0x0  }
0xa6: {  	s25 =	simm.s32 $0x1B8E;
	s24 =	sld [smem:$0x3FFE];
	[sflag:s23] =	ssyncadd.s32 $0xFFFFFFFF  }
0xa7: {  	s26 =	simm.s32 $execute0_lowered;
	[smem:$0x3FD2] =	sst s25  }
0xa8: {  	s7 =	sshll.u32 s26, $0x1;
	_ =	strace $0x80000046;
	[dreg:$0x1] =	wrdreg $0xFFFFFFFF  }
0xa9: {  	s28 =	simm.s32 $_size_execute0_lowered;
	s5 =	sadd.s32 s5, s7;
	[dreg:$0x0] =	wrdreg $0x0  }
0xaa: {  	s7 =	sshll.u32 s28, $0x1;
	[dreg:$0x2] =	wrdreg s5  }
0xab: {  	[dreg:$0x3] =	wrdreg s7  }
0xac: {  	[dreg:$0x4] =	wrdreg $0xC0  }
0xad: {  	_ =	task [dreg:s9], $0x5FFFF  }
0xae: {  	[dreg:$0x1] =	wrdreg $0xFFFFFFFF  }
0xaf: {  	[dreg:$0x0] =	wrdreg $0x60  }
0xb0: {  	[dreg:$0x2] =	wrdreg s24  }
0xb1: {  	[dreg:$0x3] =	wrdreg s2  }
0xb2: {  	[dreg:$0x4] =	wrdreg s18  }
0xb3: {  	[dreg:$0x5] =	wrdreg s4  }
0xb4: {  	[dreg:$0x6] =	wrdreg $0x9  }
0xb5: {  	_ =	task.clear_ibuf [dreg:s9], $0x7FFFF;
	_ =	strace $0x90000046  }
0xb6: {  	s29 =	simm.s32 $0x9;
	_ =	strace $0x80000048  }
0xb7: {  	_ =	swait.ge [sflag:s29], $0x1  }
0xb8: {  	[sflag:s29] =	ssyncadd.s32 $0xFFFFFFFF  }
0xb9: {  	_ =	strace $0x90000048  }
0xba: {  	_ =	sfence  }
0xbb: {  	s30 =	sld [smem:$0x0];
	_ =	sdelay $0x2  }
0xbc: {  	s31 =	sshll.u32 s1, $0xD;
	s1 =	sshrl.u32 s1, $0x2  }
0xbd: {  	s3 =	sand.u32 $0x4000, s31;
	s1 =	sadd.s32 s1, s30  }
0xbe: {  	s0 =	sor.u32 s3, s0;
	s1 =	sshll.u32 s1, $0x11  }
0xbf: {  	s0 =	sor.u32 s1, s0  }
0xc0: {  	s0 =	sadd.s32 $0x8F2B, s0  }
0xc1: {  	[sflag:s0] =	ssyncadd.remote.s32 $0x1  }
0xc2: {  	_ =	sfence.sel $0xFFFF  }
0xc3: {  	[dreg:$0x0] =	wrdreg $0xFFFFFFFF;
	(pc) =	sbr.abs _section_cstart, $3  }
0xc4: {  	[dreg:$0x1] =	wrdreg $0xFFFFFFFF  }
0xc5: {  	_ =	task.clear_ibuf [dreg:s9], $0x2FFFF;
	_ =	strace $0x9FFFFFFF  }
0xc6: {  	(tm) =	ssettm $0x7FFFFFFF  }
0xc7: {  	_ =	shalt  }
tec
execute0_lowered:
.L_overlay_start_1:
0x0: {  	(tag) =	ssettag $0x1  }
0x1: {  	s0 =	rddreg [dreg:$0x0]  }
0x2: {  	s1 =	rddreg [dreg:$0x1]  }
0x3: {  	s5 =	rddreg [dreg:$0x2]  }
0x4: {  	s6 =	rddreg [dreg:$0x3];
	s2 =	simm.s32 $0x0;
	s3 =	srdreg.scid  }
0x5: {  	s4 =	stileid.u32;
	s29 =	simm.s32 $0x5;
	s11 =	simm.s32 $0x400  }
0x6: {  	s12 =	simm.s32 $0x8400;
	s31 =	simm.s32 $0x4400;
	s10 =	simm.s32 $0x6400  }
0x7: {  	s13 =	simm.s32 $0x7000;
	s14 =	simm.s32 $0xF000;
	s15 =	simm.s32 $0x7400  }
0x8: {  	s16 =	simm.s32 $0xF400;
	s17 =	simm.s32 $0x7800;
	s18 =	simm.s32 $0xF800  }
0x9: {  	s19 =	simm.s32 $0x7C00;
	s20 =	simm.s32 $0xFC00;
	s21 =	simm.s32 $0x8000  }
0xa: {  	s22 =	simm.s32 $0x10000;
	s23 =	simm.s32 $0x1;
	s24 =	simm.s32 $0x3  }
0xb: {  	s30 =	simm.s32 $0x0;
	[smem:$0x7FF] =	sst s2;
	s3 =	sand.u32 $0x1, s3  }
0xc: {  	s4 =	sshll.u32 s4, $0x7;
	_ =	strace $0x80000047;
	s7 =	ssub.s32 $0x2, s3  }
0xd: {  	s8 =	sshll.u32 s3, $0x6;
	s3 =	sadd.s32 $0x400, s0;
	s9 =	sshrl.u32 s7, $0x1  }
0xe: {  	s8 =	sor.u32 s8, s4;
	s4 =	sadd.s32 $0xF42800, s0;
	s25 =	ssub.s32 s7, s9  }
0xf: {  	s1 =	sadd.s32 s1, s8;
	s26 =	sadd.s32 s5, s8;
	s28 =	sadd.s32 s6, s8  }
.Ltmp0:
0x10: {  	s5 =	simm.s32 $0xE400;
	[dreg:$0x5] =	wrdreg s1;
	(pc) =	sbr.rel .LBB2_1-.Ltmp0, $4  }
0x11: {  	v0 =	vlaneseq.u32;
	s6 =	simm.s32 $0x6800;
	s7 =	simm.s32 $0xE800;
	[dreg:$0x6] =	wrdreg s26  }
0x12: {  	v0 =	vmul.u32 $0x400, v0;
	s8 =	simm.s32 $0x6C00;
	s9 =	simm.s32 $0xEC00;
	[dreg:$0x7] =	wrdreg s28  }
0x13: {  	s0 =	smax.u32 s25, $0x1;
	s1 =	simm.s32 $0xE000;
	s25 =	simm.s32 $0x2  }
0x14: {  	v1 =	vor.u32 $0x4000, v0;
	s26 =	simm.s32 $0x4;
	[dreg:$0x8] =	wrdreg s0;
	s0 =	simm.s32 $0x6000  }
.LBB2_6:
0x15: {  	s28 =	rddreg [dreg:$0x7];
	s29 =	simm.s32 $0x10400  }
0x16: {  	[hbm4b:s28+s2] =	stream.linear.scatter [tilespmem:s29], [sflag:$0x5], $0x200, $0x38;
	[tilespmem:$0x10600] =	vst v63  }
0x17: {  	s29 =	simm.s32 $0x5  }
0x18: {  	_ =	swait.ge [sflag:s29], $0x200  }
0x19: {  	s30 =	rddreg [dreg:$0x9]  }
0x1a: {  	s28 =	rddreg [dreg:$0x8];
	s30 =	sadd.s32 $0x1, s30  }
0x1b: {  	p0 =	sne.s32 s30, s28  }
.Ltmp1:
0x1c: {  	_ = 	snop;
	(pc) =	sbr.rel @!p0 .LBB2_7-.Ltmp1, $3  }
0x1d: {  	_ =	sdelay $0x1  }
0x1e: {  	[sflag:s29] =	ssyncset.done $0x0  }
0x1f: {  	[sflag:s29] =	ssyncadd.s32 $0xFFFFFE00  }
.LBB2_1:
0x20: {  	[dreg:$0x9] =	wrdreg s30  }
0x21: {  	s28 =	rddreg [dreg:$0x5]  }
0x22: {  	[tilespmem:s2], [sflag:$0x5] =	stream.linear.gather [hbm4b:s28+s2], $0x200, $0x38;
	[tilespmem:$0x10600] =	vst v63  }
0x23: {  	_ =	swait.ge [sflag:s29], $0x200  }
0x24: {  	[sflag:s29] =	ssyncset.done $0x0  }
0x25: {  	s30 =	simm.s32 $0x200;
	s28 =	rddreg [dreg:$0x6];
	[sflag:s29] =	ssyncadd.s32 $0xFFFFFE00  }
0x26: {  	[tilespmem:s30], [sflag:$0x5] =	stream.linear.gather [hbm4b:s28+s2], $0x200, $0x38;
	[tilespmem:$0x10600] =	vst v63  }
0x27: {  	_ =	swait.ge [sflag:s29], $0x200  }
0x28: {  	[sflag:s29] =	ssyncset.done $0x0  }
0x29: {  	[sflag:s29] =	ssyncadd.s32 $0xFFFFFE00  }
0x2a: {  	v2 =	vld [tilespmem:$0x0];
	_ =	sdelay $0x3  }
0x2b: {  	v4 =	vld [tilespmem:$0x200]  }
0x2c: {  	v3 =	vshll.u32 v2, $0x4  }
0x2d: {  	(v2sf) =	vpush v3, $0x0;
	_ =	sdelay $0x2  }
0x2e: {  	v2 =	vshll.u32 v4, $0x4  }
0x2f: {  	(v2sf) =	vpush v2, $0x0;
	_ =	sdelay $0x3  }
0x30: {  	(v2sf) =	vpush v3, $0x1;
	_ =	sdelay $0x3  }
0x31: {  	(v2sf) =	vpush v2, $0x1;
	_ =	sdelay $0x2  }
0x32: {  	s28 =	spop (v2sf)  }
0x33: {  	(v2sf) =	vpush v3, $0x2;
	s28 =	sand.u32 $0xFFFFF80, s28  }
0x34: {  	s28 =	sadd.s32 s4, s28  }
0x35: {  	[tilespmem:s11], [sflag:$0x1] =	stream.linear.gather [hbm4b:s28+s2], $0x400, $0x38;
	[tilespmem:$0x10600] =	vst v63  }
0x36: {  	s28 =	spop (v2sf)  }
0x37: {  	(v2sf) =	vpush v2, $0x2;
	s28 =	sand.u32 $0xFFFFF80, s28  }
0x38: {  	s28 =	sadd.s32 s3, s28  }
0x39: {  	[tilespmem:s12], [sflag:$0x3] =	stream.linear.gather [hbm4b:s28+s2], $0x400, $0x38;
	[tilespmem:$0x10600] =	vst v63  }
0x3a: {  	s28 =	spop (v2sf)  }
0x3b: {  	(v2sf) =	vpush v3, $0x3;
	s28 =	sand.u32 $0xFFFFF80, s28  }
0x3c: {  	s30 =	simm.s32 $0x800;
	s28 =	sadd.s32 s4, s28  }
0x3d: {  	[tilespmem:s30], [sflag:$0x1] =	stream.linear.gather [hbm4b:s28+s2], $0x400, $0x38;
	[tilespmem:$0x10600] =	vst v63  }
0x3e: {  	s28 =	spop (v2sf)  }
0x3f: {  	(v2sf) =	vpush v2, $0x3;
	s28 =	sand.u32 $0xFFFFF80, s28  }
0x40: {  	s30 =	simm.s32 $0x8800;
	s28 =	sadd.s32 s3, s28  }
0x41: {  	[tilespmem:s30], [sflag:$0x3] =	stream.linear.gather [hbm4b:s28+s2], $0x400, $0x38;
	[tilespmem:$0x10600] =	vst v63  }
0x42: {  	s28 =	spop (v2sf)  }
0x43: {  	(v2sf) =	vpush v3, $0x4;
	s28 =	sand.u32 $0xFFFFF80, s28  }
0x44: {  	s30 =	simm.s32 $0xC00;
	s28 =	sadd.s32 s4, s28  }
0x45: {  	[tilespmem:s30], [sflag:$0x1] =	stream.linear.gather [hbm4b:s28+s2], $0x400, $0x38;
	[tilespmem:$0x10600] =	vst v63  }
0x46: {  	s28 =	spop (v2sf)  }
0x47: {  	(v2sf) =	vpush v2, $0x4;
	s28 =	sand.u32 $0xFFFFF80, s28  }
0x48: {  	s30 =	simm.s32 $0x8C00;
	s28 =	sadd.s32 s3, s28  }
0x49: {  	[tilespmem:s30], [sflag:$0x3] =	stream.linear.gather [hbm4b:s28+s2], $0x400, $0x38;
	[tilespmem:$0x10600] =	vst v63  }
0x4a: {  	s28 =	spop (v2sf)  }
0x4b: {  	(v2sf) =	vpush v3, $0x5;
	s28 =	sand.u32 $0xFFFFF80, s28  }
0x4c: {  	s30 =	simm.s32 $0x1000;
	s28 =	sadd.s32 s4, s28  }
0x4d: {  	[tilespmem:s30], [sflag:$0x1] =	stream.linear.gather [hbm4b:s28+s2], $0x400, $0x38;
	[tilespmem:$0x10600] =	vst v63  }
0x4e: {  	s28 =	spop (v2sf)  }
0x4f: {  	(v2sf) =	vpush v2, $0x5;
	s28 =	sand.u32 $0xFFFFF80, s28  }
0x50: {  	s30 =	simm.s32 $0x9000;
	s28 =	sadd.s32 s3, s28  }
0x51: {  	[tilespmem:s30], [sflag:$0x3] =	stream.linear.gather [hbm4b:s28+s2], $0x400, $0x38;
	[tilespmem:$0x10600] =	vst v63  }
0x52: {  	s28 =	spop (v2sf)  }
0x53: {  	(v2sf) =	vpush v3, $0x6;
	s28 =	sand.u32 $0xFFFFF80, s28  }
0x54: {  	s30 =	simm.s32 $0x1400;
	s28 =	sadd.s32 s4, s28  }
0x55: {  	[tilespmem:s30], [sflag:$0x1] =	stream.linear.gather [hbm4b:s28+s2], $0x400, $0x38;
	[tilespmem:$0x10600] =	vst v63  }
0x56: {  	s28 =	spop (v2sf)  }
0x57: {  	(v2sf) =	vpush v2, $0x6;
	s28 =	sand.u32 $0xFFFFF80, s28  }
0x58: {  	s30 =	simm.s32 $0x9400;
	s28 =	sadd.s32 s3, s28  }
0x59: {  	[tilespmem:s30], [sflag:$0x3] =	stream.linear.gather [hbm4b:s28+s2], $0x400, $0x38;
	[tilespmem:$0x10600] =	vst v63  }
0x5a: {  	s28 =	spop (v2sf)  }
0x5b: {  	(v2sf) =	vpush v3, $0x7;
	s28 =	sand.u32 $0xFFFFF80, s28  }
0x5c: {  	s30 =	simm.s32 $0x1800;
	s28 =	sadd.s32 s4, s28  }
0x5d: {  	[tilespmem:s30], [sflag:$0x1] =	stream.linear.gather [hbm4b:s28+s2], $0x400, $0x38;
	[tilespmem:$0x10600] =	vst v63  }
0x5e: {  	s28 =	spop (v2sf)  }
0x5f: {  	(v2sf) =	vpush v2, $0x7;
	s28 =	sand.u32 $0xFFFFF80, s28  }
0x60: {  	s30 =	simm.s32 $0x9800;
	s28 =	sadd.s32 s3, s28  }
0x61: {  	[tilespmem:s30], [sflag:$0x3] =	stream.linear.gather [hbm4b:s28+s2], $0x400, $0x38;
	[tilespmem:$0x10600] =	vst v63  }
0x62: {  	s28 =	spop (v2sf)  }
0x63: {  	(v2sf) =	vpush v3, $0x8;
	s28 =	sand.u32 $0xFFFFF80, s28  }
0x64: {  	s30 =	simm.s32 $0x1C00;
	s28 =	sadd.s32 s4, s28  }
0x65: {  	[tilespmem:s30], [sflag:$0x1] =	stream.linear.gather [hbm4b:s28+s2], $0x400, $0x38;
	[tilespmem:$0x10600] =	vst v63  }
0x66: {  	s28 =	spop (v2sf)  }
0x67: {  	(v2sf) =	vpush v2, $0x8;
	s28 =	sand.u32 $0xFFFFF80, s28  }
0x68: {  	s30 =	simm.s32 $0x9C00;
	s28 =	sadd.s32 s3, s28  }
0x69: {  	[tilespmem:s30], [sflag:$0x3] =	stream.linear.gather [hbm4b:s28+s2], $0x400, $0x38;
	[tilespmem:$0x10600] =	vst v63  }
0x6a: {  	s28 =	spop (v2sf)  }
0x6b: {  	(v2sf) =	vpush v3, $0x9;
	s28 =	sand.u32 $0xFFFFF80, s28  }
0x6c: {  	s30 =	simm.s32 $0x2000;
	s28 =	sadd.s32 s4, s28  }
0x6d: {  	[tilespmem:s30], [sflag:$0x1] =	stream.linear.gather [hbm4b:s28+s2], $0x400, $0x38;
	[tilespmem:$0x10600] =	vst v63  }
0x6e: {  	s28 =	spop (v2sf)  }
0x6f: {  	(v2sf) =	vpush v2, $0x9;
	s28 =	sand.u32 $0xFFFFF80, s28  }
0x70: {  	s30 =	simm.s32 $0xA000;
	s28 =	sadd.s32 s3, s28  }
0x71: {  	[tilespmem:s30], [sflag:$0x3] =	stream.linear.gather [hbm4b:s28+s2], $0x400, $0x38;
	[tilespmem:$0x10600] =	vst v63  }
0x72: {  	s28 =	spop (v2sf)  }
0x73: {  	(v2sf) =	vpush v3, $0xA;
	s28 =	sand.u32 $0xFFFFF80, s28  }
0x74: {  	s30 =	simm.s32 $0x2400;
	s28 =	sadd.s32 s4, s28  }
0x75: {  	[tilespmem:s30], [sflag:$0x1] =	stream.linear.gather [hbm4b:s28+s2], $0x400, $0x38;
	[tilespmem:$0x10600] =	vst v63  }
0x76: {  	s28 =	spop (v2sf)  }
0x77: {  	(v2sf) =	vpush v2, $0xA;
	s28 =	sand.u32 $0xFFFFF80, s28  }
0x78: {  	s30 =	simm.s32 $0xA400;
	s28 =	sadd.s32 s3, s28  }
0x79: {  	[tilespmem:s30], [sflag:$0x3] =	stream.linear.gather [hbm4b:s28+s2], $0x400, $0x38;
	[tilespmem:$0x10600] =	vst v63  }
0x7a: {  	s28 =	spop (v2sf)  }
0x7b: {  	(v2sf) =	vpush v3, $0xB;
	s28 =	sand.u32 $0xFFFFF80, s28  }
0x7c: {  	s30 =	simm.s32 $0x2800;
	s28 =	sadd.s32 s4, s28  }
0x7d: {  	[tilespmem:s30], [sflag:$0x1] =	stream.linear.gather [hbm4b:s28+s2], $0x400, $0x38;
	[tilespmem:$0x10600] =	vst v63  }
0x7e: {  	s28 =	spop (v2sf)  }
0x7f: {  	(v2sf) =	vpush v2, $0xB;
	s28 =	sand.u32 $0xFFFFF80, s28  }
0x80: {  	s30 =	simm.s32 $0xA800;
	s28 =	sadd.s32 s3, s28  }
0x81: {  	[tilespmem:s30], [sflag:$0x3] =	stream.linear.gather [hbm4b:s28+s2], $0x400, $0x38;
	[tilespmem:$0x10600] =	vst v63  }
0x82: {  	s28 =	spop (v2sf)  }
0x83: {  	(v2sf) =	vpush v3, $0xC;
	s28 =	sand.u32 $0xFFFFF80, s28  }
0x84: {  	s30 =	simm.s32 $0x2C00;
	s28 =	sadd.s32 s4, s28  }
0x85: {  	[tilespmem:s30], [sflag:$0x1] =	stream.linear.gather [hbm4b:s28+s2], $0x400, $0x38;
	[tilespmem:$0x10600] =	vst v63  }
0x86: {  	s28 =	spop (v2sf)  }
0x87: {  	(v2sf) =	vpush v2, $0xC;
	s28 =	sand.u32 $0xFFFFF80, s28  }
0x88: {  	s30 =	simm.s32 $0xAC00;
	s28 =	sadd.s32 s3, s28  }
0x89: {  	[tilespmem:s30], [sflag:$0x3] =	stream.linear.gather [hbm4b:s28+s2], $0x400, $0x38;
	[tilespmem:$0x10600] =	vst v63  }
0x8a: {  	s28 =	spop (v2sf)  }
0x8b: {  	(v2sf) =	vpush v3, $0xD;
	s28 =	sand.u32 $0xFFFFF80, s28  }
0x8c: {  	s30 =	simm.s32 $0x3000;
	s28 =	sadd.s32 s4, s28  }
0x8d: {  	[tilespmem:s30], [sflag:$0x1] =	stream.linear.gather [hbm4b:s28+s2], $0x400, $0x38;
	[tilespmem:$0x10600] =	vst v63  }
0x8e: {  	s28 =	spop (v2sf)  }
0x8f: {  	(v2sf) =	vpush v2, $0xD;
	s28 =	sand.u32 $0xFFFFF80, s28  }
0x90: {  	s30 =	simm.s32 $0xB000;
	s28 =	sadd.s32 s3, s28  }
0x91: {  	[tilespmem:s30], [sflag:$0x3] =	stream.linear.gather [hbm4b:s28+s2], $0x400, $0x38;
	[tilespmem:$0x10600] =	vst v63  }
0x92: {  	s28 =	spop (v2sf)  }
0x93: {  	(v2sf) =	vpush v3, $0xE;
	s28 =	sand.u32 $0xFFFFF80, s28  }
0x94: {  	s30 =	simm.s32 $0x3400;
	s28 =	sadd.s32 s4, s28  }
0x95: {  	[tilespmem:s30], [sflag:$0x1] =	stream.linear.gather [hbm4b:s28+s2], $0x400, $0x38;
	[tilespmem:$0x10600] =	vst v63  }
0x96: {  	s28 =	spop (v2sf)  }
0x97: {  	(v2sf) =	vpush v2, $0xE;
	s28 =	sand.u32 $0xFFFFF80, s28  }
0x98: {  	s30 =	simm.s32 $0xB400;
	s28 =	sadd.s32 s3, s28  }
0x99: {  	[tilespmem:s30], [sflag:$0x3] =	stream.linear.gather [hbm4b:s28+s2], $0x400, $0x38;
	[tilespmem:$0x10600] =	vst v63  }
0x9a: {  	s28 =	spop (v2sf)  }
0x9b: {  	(v2sf) =	vpush v3, $0xF;
	s28 =	sand.u32 $0xFFFFF80, s28  }
0x9c: {  	s30 =	simm.s32 $0x3800;
	s28 =	sadd.s32 s4, s28  }
0x9d: {  	[tilespmem:s30], [sflag:$0x1] =	stream.linear.gather [hbm4b:s28+s2], $0x400, $0x38;
	[tilespmem:$0x10600] =	vst v63  }
0x9e: {  	s28 =	spop (v2sf)  }
0x9f: {  	(v2sf) =	vpush v2, $0xF;
	s28 =	sand.u32 $0xFFFFF80, s28  }
0xa0: {  	s30 =	simm.s32 $0xB800;
	s28 =	sadd.s32 s3, s28  }
0xa1: {  	[tilespmem:s30], [sflag:$0x3] =	stream.linear.gather [hbm4b:s28+s2], $0x400, $0x38;
	[tilespmem:$0x10600] =	vst v63  }
0xa2: {  	s28 =	spop (v2sf)  }
0xa3: {  	s28 =	sand.u32 $0xFFFFF80, s28  }
0xa4: {  	s30 =	simm.s32 $0x3C00;
	s28 =	sadd.s32 s4, s28  }
0xa5: {  	[tilespmem:s30], [sflag:$0x1] =	stream.linear.gather [hbm4b:s28+s2], $0x400, $0x38;
	[tilespmem:$0x10600] =	vst v63  }
0xa6: {  	s28 =	spop (v2sf)  }
0xa7: {  	s28 =	sand.u32 $0xFFFFF80, s28  }
0xa8: {  	s30 =	simm.s32 $0xBC00;
	s28 =	sadd.s32 s3, s28  }
0xa9: {  	[tilespmem:s30], [sflag:$0x3] =	stream.linear.gather [hbm4b:s28+s2], $0x400, $0x38;
	[tilespmem:$0x10600] =	vst v63  }
0xaa: {  	s28 =	spop (v2sf)  }
0xab: {  	s28 =	sand.u32 $0xFFFFF80, s28  }
0xac: {  	s30 =	simm.s32 $0x4000;
	s28 =	sadd.s32 s4, s28  }
0xad: {  	[tilespmem:s30], [sflag:$0x1] =	stream.linear.gather [hbm4b:s28+s2], $0x400, $0x38;
	[tilespmem:$0x10600] =	vst v63  }
0xae: {  	s28 =	spop (v2sf)  }
0xaf: {  	s28 =	sand.u32 $0xFFFFF80, s28  }
0xb0: {  	s30 =	simm.s32 $0xC000;
	s28 =	sadd.s32 s3, s28  }
0xb1: {  	[tilespmem:s30], [sflag:$0x3] =	stream.linear.gather [hbm4b:s28+s2], $0x400, $0x38;
	[tilespmem:$0x10600] =	vst v63  }
0xb2: {  	v2 =	vld [tilespmem:$0x10];
	_ =	sdelay $0x3  }
0xb3: {  	v63 =	vld [tilespmem:$0x210]  }
0xb4: {  	v3 =	vshll.u32 v2, $0x4  }
0xb5: {  	(v2sf) =	vpush v3, $0x0;
	_ =	sdelay $0x2  }
0xb6: {  	v2 =	vshll.u32 v63, $0x4  }
0xb7: {  	(v2sf) =	vpush v2, $0x0;
	_ =	sdelay $0x3  }
0xb8: {  	(v2sf) =	vpush v3, $0x1;
	_ =	sdelay $0x3  }
0xb9: {  	(v2sf) =	vpush v2, $0x1;
	_ =	sdelay $0x2  }
0xba: {  	s28 =	spop (v2sf)  }
0xbb: {  	(v2sf) =	vpush v3, $0x2;
	s28 =	sand.u32 $0xFFFFF80, s28  }
0xbc: {  	s28 =	sadd.s32 s4, s28  }
0xbd: {  	[tilespmem:s31], [sflag:$0x2] =	stream.linear.gather [hbm4b:s28+s2], $0x400, $0x38;
	[tilespmem:$0x10600] =	vst v63  }
0xbe: {  	s28 =	spop (v2sf)  }
0xbf: {  	(v2sf) =	vpush v2, $0x2;
	s28 =	sand.u32 $0xFFFFF80, s28  }
0xc0: {  	s30 =	simm.s32 $0xC400;
	s28 =	sadd.s32 s3, s28  }
0xc1: {  	[tilespmem:s30], [sflag:$0x4] =	stream.linear.gather [hbm4b:s28+s2], $0x400, $0x38;
	[tilespmem:$0x10600] =	vst v63  }
0xc2: {  	s28 =	spop (v2sf)  }
0xc3: {  	(v2sf) =	vpush v3, $0x3;
	s28 =	sand.u32 $0xFFFFF80, s28  }
0xc4: {  	s30 =	simm.s32 $0x4800;
	s28 =	sadd.s32 s4, s28  }
0xc5: {  	[tilespmem:s30], [sflag:$0x2] =	stream.linear.gather [hbm4b:s28+s2], $0x400, $0x38;
	[tilespmem:$0x10600] =	vst v63  }
0xc6: {  	s28 =	spop (v2sf)  }
0xc7: {  	(v2sf) =	vpush v2, $0x3;
	s28 =	sand.u32 $0xFFFFF80, s28  }
0xc8: {  	s30 =	simm.s32 $0xC800;
	s28 =	sadd.s32 s3, s28  }
0xc9: {  	[tilespmem:s30], [sflag:$0x4] =	stream.linear.gather [hbm4b:s28+s2], $0x400, $0x38;
	[tilespmem:$0x10600] =	vst v63  }
0xca: {  	s28 =	spop (v2sf)  }
0xcb: {  	(v2sf) =	vpush v3, $0x4;
	s28 =	sand.u32 $0xFFFFF80, s28  }
0xcc: {  	s30 =	simm.s32 $0x4C00;
	s28 =	sadd.s32 s4, s28  }
0xcd: {  	[tilespmem:s30], [sflag:$0x2] =	stream.linear.gather [hbm4b:s28+s2], $0x400, $0x38;
	[tilespmem:$0x10600] =	vst v63  }
0xce: {  	s28 =	spop (v2sf)  }
0xcf: {  	(v2sf) =	vpush v2, $0x4;
	s28 =	sand.u32 $0xFFFFF80, s28  }
0xd0: {  	s30 =	simm.s32 $0xCC00;
	s28 =	sadd.s32 s3, s28  }
0xd1: {  	[tilespmem:s30], [sflag:$0x4] =	stream.linear.gather [hbm4b:s28+s2], $0x400, $0x38;
	[tilespmem:$0x10600] =	vst v63  }
0xd2: {  	s28 =	spop (v2sf)  }
0xd3: {  	(v2sf) =	vpush v3, $0x5;
	s28 =	sand.u32 $0xFFFFF80, s28  }
0xd4: {  	s30 =	simm.s32 $0x5000;
	s28 =	sadd.s32 s4, s28  }
0xd5: {  	[tilespmem:s30], [sflag:$0x2] =	stream.linear.gather [hbm4b:s28+s2], $0x400, $0x38;
	[tilespmem:$0x10600] =	vst v63  }
0xd6: {  	s28 =	spop (v2sf)  }
0xd7: {  	(v2sf) =	vpush v2, $0x5;
	s28 =	sand.u32 $0xFFFFF80, s28  }
0xd8: {  	s30 =	simm.s32 $0xD000;
	s28 =	sadd.s32 s3, s28  }
0xd9: {  	[tilespmem:s30], [sflag:$0x4] =	stream.linear.gather [hbm4b:s28+s2], $0x400, $0x38;
	[tilespmem:$0x10600] =	vst v63  }
0xda: {  	s28 =	spop (v2sf)  }
0xdb: {  	(v2sf) =	vpush v3, $0x6;
	s28 =	sand.u32 $0xFFFFF80, s28  }
0xdc: {  	s30 =	simm.s32 $0x5400;
	s28 =	sadd.s32 s4, s28  }
0xdd: {  	[tilespmem:s30], [sflag:$0x2] =	stream.linear.gather [hbm4b:s28+s2], $0x400, $0x38;
	[tilespmem:$0x10600] =	vst v63  }
0xde: {  	s28 =	spop (v2sf)  }
0xdf: {  	(v2sf) =	vpush v2, $0x6;
	s28 =	sand.u32 $0xFFFFF80, s28  }
0xe0: {  	s30 =	simm.s32 $0xD400;
	s28 =	sadd.s32 s3, s28  }
0xe1: {  	[tilespmem:s30], [sflag:$0x4] =	stream.linear.gather [hbm4b:s28+s2], $0x400, $0x38;
	[tilespmem:$0x10600] =	vst v63  }
0xe2: {  	s28 =	spop (v2sf)  }
0xe3: {  	(v2sf) =	vpush v3, $0x7;
	s28 =	sand.u32 $0xFFFFF80, s28  }
0xe4: {  	s30 =	simm.s32 $0x5800;
	s28 =	sadd.s32 s4, s28  }
0xe5: {  	[tilespmem:s30], [sflag:$0x2] =	stream.linear.gather [hbm4b:s28+s2], $0x400, $0x38;
	[tilespmem:$0x10600] =	vst v63  }
0xe6: {  	s28 =	spop (v2sf)  }
0xe7: {  	(v2sf) =	vpush v2, $0x7;
	s28 =	sand.u32 $0xFFFFF80, s28  }
0xe8: {  	s30 =	simm.s32 $0xD800;
	s28 =	sadd.s32 s3, s28  }
0xe9: {  	[tilespmem:s30], [sflag:$0x4] =	stream.linear.gather [hbm4b:s28+s2], $0x400, $0x38;
	[tilespmem:$0x10600] =	vst v63  }
0xea: {  	s28 =	spop (v2sf)  }
0xeb: {  	(v2sf) =	vpush v3, $0x8;
	s28 =	sand.u32 $0xFFFFF80, s28  }
0xec: {  	s30 =	simm.s32 $0x5C00;
	s28 =	sadd.s32 s4, s28  }
0xed: {  	[tilespmem:s30], [sflag:$0x2] =	stream.linear.gather [hbm4b:s28+s2], $0x400, $0x38;
	[tilespmem:$0x10600] =	vst v63  }
0xee: {  	s28 =	spop (v2sf)  }
0xef: {  	(v2sf) =	vpush v2, $0x8;
	s28 =	sand.u32 $0xFFFFF80, s28  }
0xf0: {  	s30 =	simm.s32 $0xDC00;
	s28 =	sadd.s32 s3, s28  }
0xf1: {  	[tilespmem:s30], [sflag:$0x4] =	stream.linear.gather [hbm4b:s28+s2], $0x400, $0x38;
	[tilespmem:$0x10600] =	vst v63  }
0xf2: {  	s28 =	spop (v2sf)  }
0xf3: {  	(v2sf) =	vpush v3, $0x9;
	s28 =	sand.u32 $0xFFFFF80, s28  }
0xf4: {  	s28 =	sadd.s32 s4, s28  }
0xf5: {  	[tilespmem:s0], [sflag:$0x2] =	stream.linear.gather [hbm4b:s28+s2], $0x400, $0x38;
	[tilespmem:$0x10600] =	vst v63  }
0xf6: {  	s28 =	spop (v2sf)  }
0xf7: {  	(v2sf) =	vpush v2, $0x9;
	s28 =	sand.u32 $0xFFFFF80, s28  }
0xf8: {  	s28 =	sadd.s32 s3, s28  }
0xf9: {  	[tilespmem:s1], [sflag:$0x4] =	stream.linear.gather [hbm4b:s28+s2], $0x400, $0x38;
	[tilespmem:$0x10600] =	vst v63  }
0xfa: {  	s28 =	spop (v2sf)  }
0xfb: {  	(v2sf) =	vpush v3, $0xA;
	s28 =	sand.u32 $0xFFFFF80, s28  }
0xfc: {  	s28 =	sadd.s32 s4, s28  }
0xfd: {  	[tilespmem:s10], [sflag:$0x2] =	stream.linear.gather [hbm4b:s28+s2], $0x400, $0x38;
	[tilespmem:$0x10600] =	vst v63  }
0xfe: {  	s28 =	spop (v2sf)  }
0xff: {  	(v2sf) =	vpush v2, $0xA;
	s28 =	sand.u32 $0xFFFFF80, s28  }
0x100: {  	s28 =	sadd.s32 s3, s28  }
0x101: {  	[tilespmem:s5], [sflag:$0x4] =	stream.linear.gather [hbm4b:s28+s2], $0x400, $0x38;
	[tilespmem:$0x10600] =	vst v63  }
0x102: {  	s28 =	spop (v2sf)  }
0x103: {  	(v2sf) =	vpush v3, $0xB;
	s28 =	sand.u32 $0xFFFFF80, s28  }
0x104: {  	s28 =	sadd.s32 s4, s28  }
0x105: {  	[tilespmem:s6], [sflag:$0x2] =	stream.linear.gather [hbm4b:s28+s2], $0x400, $0x38;
	[tilespmem:$0x10600] =	vst v63  }
0x106: {  	s28 =	spop (v2sf)  }
0x107: {  	(v2sf) =	vpush v2, $0xB;
	s28 =	sand.u32 $0xFFFFF80, s28  }
0x108: {  	s28 =	sadd.s32 s3, s28  }
0x109: {  	[tilespmem:s7], [sflag:$0x4] =	stream.linear.gather [hbm4b:s28+s2], $0x400, $0x38;
	[tilespmem:$0x10600] =	vst v63  }
0x10a: {  	s28 =	spop (v2sf)  }
0x10b: {  	(v2sf) =	vpush v3, $0xC;
	s28 =	sand.u32 $0xFFFFF80, s28  }
0x10c: {  	s28 =	sadd.s32 s4, s28  }
0x10d: {  	[tilespmem:s8], [sflag:$0x2] =	stream.linear.gather [hbm4b:s28+s2], $0x400, $0x38;
	[tilespmem:$0x10600] =	vst v63  }
0x10e: {  	s28 =	spop (v2sf)  }
0x10f: {  	(v2sf) =	vpush v2, $0xC;
	s28 =	sand.u32 $0xFFFFF80, s28  }
0x110: {  	s28 =	sadd.s32 s3, s28  }
0x111: {  	[tilespmem:s9], [sflag:$0x4] =	stream.linear.gather [hbm4b:s28+s2], $0x400, $0x38;
	[tilespmem:$0x10600] =	vst v63  }
0x112: {  	s28 =	spop (v2sf)  }
0x113: {  	(v2sf) =	vpush v3, $0xD;
	s28 =	sand.u32 $0xFFFFF80, s28  }
0x114: {  	s28 =	sadd.s32 s4, s28  }
0x115: {  	[tilespmem:s13], [sflag:$0x2] =	stream.linear.gather [hbm4b:s28+s2], $0x400, $0x38;
	[tilespmem:$0x10600] =	vst v63  }
0x116: {  	s28 =	spop (v2sf)  }
0x117: {  	(v2sf) =	vpush v2, $0xD;
	s28 =	sand.u32 $0xFFFFF80, s28  }
0x118: {  	s28 =	sadd.s32 s3, s28  }
0x119: {  	[tilespmem:s14], [sflag:$0x4] =	stream.linear.gather [hbm4b:s28+s2], $0x400, $0x38;
	[tilespmem:$0x10600] =	vst v63  }
0x11a: {  	s28 =	spop (v2sf)  }
0x11b: {  	(v2sf) =	vpush v3, $0xE;
	s28 =	sand.u32 $0xFFFFF80, s28  }
0x11c: {  	s28 =	sadd.s32 s4, s28  }
0x11d: {  	[tilespmem:s15], [sflag:$0x2] =	stream.linear.gather [hbm4b:s28+s2], $0x400, $0x38;
	[tilespmem:$0x10600] =	vst v63  }
0x11e: {  	s28 =	spop (v2sf)  }
0x11f: {  	(v2sf) =	vpush v2, $0xE;
	s28 =	sand.u32 $0xFFFFF80, s28  }
0x120: {  	s28 =	sadd.s32 s3, s28  }
0x121: {  	[tilespmem:s16], [sflag:$0x4] =	stream.linear.gather [hbm4b:s28+s2], $0x400, $0x38;
	[tilespmem:$0x10600] =	vst v63  }
0x122: {  	s28 =	spop (v2sf)  }
0x123: {  	(v2sf) =	vpush v3, $0xF;
	s28 =	sand.u32 $0xFFFFF80, s28  }
0x124: {  	s28 =	sadd.s32 s4, s28  }
0x125: {  	[tilespmem:s17], [sflag:$0x2] =	stream.linear.gather [hbm4b:s28+s2], $0x400, $0x38;
	[tilespmem:$0x10600] =	vst v63  }
0x126: {  	s28 =	spop (v2sf)  }
0x127: {  	(v2sf) =	vpush v2, $0xF;
	s28 =	sand.u32 $0xFFFFF80, s28  }
0x128: {  	s28 =	sadd.s32 s3, s28  }
0x129: {  	[tilespmem:s18], [sflag:$0x4] =	stream.linear.gather [hbm4b:s28+s2], $0x400, $0x38;
	[tilespmem:$0x10600] =	vst v63  }
0x12a: {  	s28 =	spop (v2sf)  }
0x12b: {  	s28 =	sand.u32 $0xFFFFF80, s28  }
0x12c: {  	s28 =	sadd.s32 s4, s28  }
0x12d: {  	[tilespmem:s19], [sflag:$0x2] =	stream.linear.gather [hbm4b:s28+s2], $0x400, $0x38;
	[tilespmem:$0x10600] =	vst v63  }
0x12e: {  	s28 =	spop (v2sf)  }
0x12f: {  	s28 =	sand.u32 $0xFFFFF80, s28  }
0x130: {  	s28 =	sadd.s32 s3, s28  }
0x131: {  	[tilespmem:s20], [sflag:$0x4] =	stream.linear.gather [hbm4b:s28+s2], $0x400, $0x38;
	[tilespmem:$0x10600] =	vst v63  }
0x132: {  	s28 =	spop (v2sf)  }
0x133: {  	s28 =	sand.u32 $0xFFFFF80, s28  }
0x134: {  	s28 =	sadd.s32 s4, s28  }
0x135: {  	[tilespmem:s21], [sflag:$0x2] =	stream.linear.gather [hbm4b:s28+s2], $0x400, $0x38;
	[tilespmem:$0x10600] =	vst v63  }
0x136: {  	s28 =	spop (v2sf)  }
0x137: {  	s28 =	sand.u32 $0xFFFFF80, s28  }
0x138: {  	s28 =	sadd.s32 s3, s28  }
0x139: {  	[tilespmem:s22], [sflag:$0x4] =	stream.linear.gather [hbm4b:s28+s2], $0x400, $0x38;
	[tilespmem:$0x10600] =	vst v63  }
0x13a: {  	s28 =	simm.s32 $0x0  }
.LBB2_2:
0x13b: {  	_ =	swait.ge [sflag:s23], $0x400  }
0x13c: {  	[sflag:s23] =	ssyncset.done $0x0  }
0x13d: {  	[sflag:s23] =	ssyncadd.s32 $0xFFFFFC00  }
0x13e: {  	_ =	swait.ge [sflag:s24], $0x400  }
0x13f: {  	[sflag:s24] =	ssyncset.done $0x0  }
0x140: {  	[sflag:s24] =	ssyncadd.s32 $0xFFFFFC00  }
0x141: {  	_ =	swait.ge [sflag:s23], $0x400  }
0x142: {  	[sflag:s23] =	ssyncset.done $0x0  }
0x143: {  	[sflag:s23] =	ssyncadd.s32 $0xFFFFFC00  }
0x144: {  	_ =	swait.ge [sflag:s24], $0x400  }
0x145: {  	[sflag:s24] =	ssyncset.done $0x0  }
0x146: {  	[sflag:s24] =	ssyncadd.s32 $0xFFFFFC00  }
0x147: {  	_ =	swait.ge [sflag:s23], $0x400  }
0x148: {  	[sflag:s23] =	ssyncset.done $0x0  }
0x149: {  	[sflag:s23] =	ssyncadd.s32 $0xFFFFFC00  }
0x14a: {  	_ =	swait.ge [sflag:s24], $0x400  }
0x14b: {  	[sflag:s24] =	ssyncset.done $0x0  }
0x14c: {  	[sflag:s24] =	ssyncadd.s32 $0xFFFFFC00  }
0x14d: {  	_ =	swait.ge [sflag:s23], $0x400  }
0x14e: {  	[sflag:s23] =	ssyncset.done $0x0  }
0x14f: {  	[sflag:s23] =	ssyncadd.s32 $0xFFFFFC00  }
0x150: {  	_ =	swait.ge [sflag:s24], $0x400  }
0x151: {  	[sflag:s24] =	ssyncset.done $0x0  }
0x152: {  	[sflag:s24] =	ssyncadd.s32 $0xFFFFFC00  }
0x153: {  	_ =	swait.ge [sflag:s23], $0x400  }
0x154: {  	[sflag:s23] =	ssyncset.done $0x0  }
0x155: {  	[sflag:s23] =	ssyncadd.s32 $0xFFFFFC00  }
0x156: {  	_ =	swait.ge [sflag:s24], $0x400  }
0x157: {  	[sflag:s24] =	ssyncset.done $0x0  }
0x158: {  	[sflag:s24] =	ssyncadd.s32 $0xFFFFFC00  }
0x159: {  	_ =	swait.ge [sflag:s23], $0x400  }
0x15a: {  	[sflag:s23] =	ssyncset.done $0x0  }
0x15b: {  	[sflag:s23] =	ssyncadd.s32 $0xFFFFFC00  }
0x15c: {  	_ =	swait.ge [sflag:s24], $0x400  }
0x15d: {  	[sflag:s24] =	ssyncset.done $0x0  }
0x15e: {  	[sflag:s24] =	ssyncadd.s32 $0xFFFFFC00  }
0x15f: {  	_ =	swait.ge [sflag:s23], $0x400  }
0x160: {  	[sflag:s23] =	ssyncset.done $0x0  }
0x161: {  	[sflag:s23] =	ssyncadd.s32 $0xFFFFFC00  }
0x162: {  	_ =	swait.ge [sflag:s24], $0x400  }
0x163: {  	[sflag:s24] =	ssyncset.done $0x0  }
0x164: {  	[sflag:s24] =	ssyncadd.s32 $0xFFFFFC00  }
0x165: {  	_ =	swait.ge [sflag:s23], $0x400  }
0x166: {  	[sflag:s23] =	ssyncset.done $0x0  }
0x167: {  	[sflag:s23] =	ssyncadd.s32 $0xFFFFFC00  }
0x168: {  	_ =	swait.ge [sflag:s24], $0x400  }
0x169: {  	[sflag:s24] =	ssyncset.done $0x0  }
0x16a: {  	[sflag:s24] =	ssyncadd.s32 $0xFFFFFC00  }
0x16b: {  	_ =	swait.ge [sflag:s23], $0x400  }
0x16c: {  	[sflag:s23] =	ssyncset.done $0x0  }
0x16d: {  	[sflag:s23] =	ssyncadd.s32 $0xFFFFFC00  }
0x16e: {  	_ =	swait.ge [sflag:s24], $0x400  }
0x16f: {  	[sflag:s24] =	ssyncset.done $0x0  }
0x170: {  	[sflag:s24] =	ssyncadd.s32 $0xFFFFFC00  }
0x171: {  	_ =	swait.ge [sflag:s23], $0x400  }
0x172: {  	[sflag:s23] =	ssyncset.done $0x0  }
0x173: {  	[sflag:s23] =	ssyncadd.s32 $0xFFFFFC00  }
0x174: {  	_ =	swait.ge [sflag:s24], $0x400  }
0x175: {  	[sflag:s24] =	ssyncset.done $0x0  }
0x176: {  	[sflag:s24] =	ssyncadd.s32 $0xFFFFFC00  }
0x177: {  	_ =	swait.ge [sflag:s23], $0x400  }
0x178: {  	[sflag:s23] =	ssyncset.done $0x0  }
0x179: {  	[sflag:s23] =	ssyncadd.s32 $0xFFFFFC00  }
0x17a: {  	_ =	swait.ge [sflag:s24], $0x400  }
0x17b: {  	[sflag:s24] =	ssyncset.done $0x0  }
0x17c: {  	[sflag:s24] =	ssyncadd.s32 $0xFFFFFC00  }
0x17d: {  	_ =	swait.ge [sflag:s23], $0x400  }
0x17e: {  	[sflag:s23] =	ssyncset.done $0x0  }
0x17f: {  	[sflag:s23] =	ssyncadd.s32 $0xFFFFFC00  }
0x180: {  	_ =	swait.ge [sflag:s24], $0x400  }
0x181: {  	[sflag:s24] =	ssyncset.done $0x0  }
0x182: {  	[sflag:s24] =	ssyncadd.s32 $0xFFFFFC00  }
0x183: {  	_ =	swait.ge [sflag:s23], $0x400  }
0x184: {  	[sflag:s23] =	ssyncset.done $0x0  }
0x185: {  	[sflag:s23] =	ssyncadd.s32 $0xFFFFFC00  }
0x186: {  	_ =	swait.ge [sflag:s24], $0x400  }
0x187: {  	[sflag:s24] =	ssyncset.done $0x0  }
0x188: {  	[sflag:s24] =	ssyncadd.s32 $0xFFFFFC00  }
0x189: {  	_ =	swait.ge [sflag:s23], $0x400  }
0x18a: {  	[sflag:s23] =	ssyncset.done $0x0  }
0x18b: {  	[sflag:s23] =	ssyncadd.s32 $0xFFFFFC00  }
0x18c: {  	_ =	swait.ge [sflag:s24], $0x400  }
0x18d: {  	[sflag:s24] =	ssyncset.done $0x0  }
0x18e: {  	[sflag:s24] =	ssyncadd.s32 $0xFFFFFC00  }
0x18f: {  	_ =	swait.ge [sflag:s23], $0x400  }
0x190: {  	[sflag:s23] =	ssyncset.done $0x0  }
0x191: {  	[sflag:s23] =	ssyncadd.s32 $0xFFFFFC00  }
0x192: {  	_ =	swait.ge [sflag:s24], $0x400  }
0x193: {  	[sflag:s24] =	ssyncset.done $0x0  }
0x194: {  	[sflag:s24] =	ssyncadd.s32 $0xFFFFFC00  }
0x195: {  	_ =	swait.ge [sflag:s23], $0x400  }
0x196: {  	[sflag:s23] =	ssyncset.done $0x0  }
0x197: {  	[sflag:s23] =	ssyncadd.s32 $0xFFFFFC00  }
0x198: {  	_ =	swait.ge [sflag:s24], $0x400  }
0x199: {  	[sflag:s24] =	ssyncset.done $0x0  }
0x19a: {  	s29 =	sshra.s32 s28, $0x2;
	[sflag:s24] =	ssyncadd.s32 $0xFFFFFC00  }
0x19b: {  	v2 =	vld [tilespmem:s29+$0x0]  }
0x19c: {  	v3 =	vld [tilespmem:s29+$0x200];
	_ =	sdelay $0x3  }
0x19d: {  	v2 =	vand.u32 $0x7, v2  }
0x19e: {  	v3 =	vand.u32 $0x7, v3;
	v2 =	vshll.u32 v2, $0x7  }
0x19f: {  	v3 =	vshll.u32 v3, $0x7;
	v2 =	vor.u32 v0, v2  }
0x1a0: {  	v3 =	vor.u32 v0, v3  }
0x1a1: {  	v4 =	vor.u32 $0x1, v2  }
0x1a2: {  	v5 =	vor.u32 $0x1, v3  }
0x1a3: {  	v6 =	vor.u32 $0x2, v2  }
0x1a4: {  	v8 =	vor.u32 $0x2, v3;
	v7 =	vld.idx.msk [tilespmem:v2+s11+$0x0], $0xffff  }
0x1a5: {  	v10 =	vor.u32 $0x3, v2;
	v9 =	vld.idx.msk [tilespmem:v3+s12+$0x0], $0xffff  }
0x1a6: {  	v11 =	vor.u32 $0x3, v3;
	v4 =	vld.idx.msk [tilespmem:v4+s11+$0x0], $0xffff  }
0x1a7: {  	v12 =	vor.u32 $0x4, v2;
	v5 =	vld.idx.msk [tilespmem:v5+s12+$0x0], $0xffff  }
0x1a8: {  	v13 =	vor.u32 $0x4, v3;
	v6 =	vld.idx.msk [tilespmem:v6+s11+$0x0], $0xffff  }
0x1a9: {  	v14 =	vor.u32 $0x5, v2;
	v8 =	vld.idx.msk [tilespmem:v8+s12+$0x0], $0xffff  }
0x1aa: {  	v23 =	vor.u32 $0x5, v3;
	v22 =	vld.idx.msk [tilespmem:v10+s11+$0x0], $0xffff;
	v7 =	vmul.f32 v9, v7  }
0x1ab: {  	v15 =	vor.u32 $0x6, v2;
	v11 =	vld.idx.msk [tilespmem:v11+s12+$0x0], $0xffff  }
0x1ac: {  	v25 =	vor.u32 $0x6, v3;
	v24 =	vld.idx.msk [tilespmem:v12+s11+$0x0], $0xffff;
	v4 =	vmul.f32 v5, v4;
	v7 =	vadd.f32 $0.0e+00, v7  }
0x1ad: {  	v16 =	vor.u32 $0x7, v2;
	v13 =	vld.idx.msk [tilespmem:v13+s12+$0x0], $0xffff  }
0x1ae: {  	v27 =	vor.u32 $0x7, v3;
	v26 =	vld.idx.msk [tilespmem:v14+s11+$0x0], $0xffff;
	v6 =	vmul.f32 v8, v6;
	v4 =	vadd.f32 v4, v7  }
0x1af: {  	v28 =	vor.u32 $0x8, v2;
	v10 =	vld.idx.msk [tilespmem:v23+s12+$0x0], $0xffff  }
0x1b0: {  	v31 =	vor.u32 $0x8, v3;
	v30 =	vld.idx.msk [tilespmem:v15+s11+$0x0], $0xffff;
	v29 =	vmul.f32 v11, v22;
	v4 =	vadd.f32 v6, v4  }
0x1b1: {  	v32 =	vor.u32 $0x9, v2;
	v12 =	vld.idx.msk [tilespmem:v25+s12+$0x0], $0xffff  }
0x1b2: {  	v34 =	vor.u32 $0x9, v3;
	v33 =	vld.idx.msk [tilespmem:v16+s11+$0x0], $0xffff;
	v5 =	vmul.f32 v13, v24;
	v4 =	vadd.f32 v29, v4  }
0x1b3: {  	v35 =	vor.u32 $0xA, v2;
	v8 =	vld.idx.msk [tilespmem:v27+s12+$0x0], $0xffff  }
0x1b4: {  	v38 =	vor.u32 $0xA, v3;
	v37 =	vld.idx.msk [tilespmem:v28+s11+$0x0], $0xffff;
	v36 =	vmul.f32 v10, v26;
	v4 =	vadd.f32 v5, v4  }
0x1b5: {  	v39 =	vor.u32 $0xB, v2;
	v11 =	vld.idx.msk [tilespmem:v31+s12+$0x0], $0xffff  }
0x1b6: {  	v42 =	vor.u32 $0xB, v3;
	v41 =	vld.idx.msk [tilespmem:v32+s11+$0x0], $0xffff;
	v40 =	vmul.f32 v12, v30;
	v4 =	vadd.f32 v36, v4  }
0x1b7: {  	v43 =	vor.u32 $0xC, v2;
	v13 =	vld.idx.msk [tilespmem:v34+s12+$0x0], $0xffff  }
0x1b8: {  	v46 =	vor.u32 $0xC, v3;
	v45 =	vld.idx.msk [tilespmem:v35+s11+$0x0], $0xffff;
	v44 =	vmul.f32 v8, v33;
	v4 =	vadd.f32 v40, v4  }
0x1b9: {  	v47 =	vor.u32 $0xD, v2;
	v10 =	vld.idx.msk [tilespmem:v38+s12+$0x0], $0xffff  }
0x1ba: {  	v50 =	vor.u32 $0xD, v3;
	v49 =	vld.idx.msk [tilespmem:v39+s11+$0x0], $0xffff;
	v48 =	vmul.f32 v11, v37;
	v4 =	vadd.f32 v44, v4  }
0x1bb: {  	v51 =	vor.u32 $0xE, v2;
	v12 =	vld.idx.msk [tilespmem:v42+s12+$0x0], $0xffff  }
0x1bc: {  	v54 =	vor.u32 $0xE, v3;
	v53 =	vld.idx.msk [tilespmem:v43+s11+$0x0], $0xffff;
	v52 =	vmul.f32 v13, v41;
	v4 =	vadd.f32 v48, v4  }
0x1bd: {  	v2 =	vor.u32 $0xF, v2;
	v8 =	vld.idx.msk [tilespmem:v46+s12+$0x0], $0xffff  }
0x1be: {  	v3 =	vor.u32 $0xF, v3;
	v56 =	vld.idx.msk [tilespmem:v47+s11+$0x0], $0xffff;
	v55 =	vmul.f32 v10, v45;
	v4 =	vadd.f32 v52, v4  }
0x1bf: {  	v57 =	vld.idx.msk [tilespmem:v50+s12+$0x0], $0xffff  }
0x1c0: {  	v59 =	vld.idx.msk [tilespmem:v51+s11+$0x0], $0xffff;
	v58 =	vmul.f32 v12, v49;
	v4 =	vadd.f32 v55, v4  }
0x1c1: {  	v60 =	vld.idx.msk [tilespmem:v54+s12+$0x0], $0xffff  }
0x1c2: {  	v2 =	vld.idx.msk [tilespmem:v2+s11+$0x0], $0xffff;
	v61 =	vmul.f32 v8, v53;
	v4 =	vadd.f32 v58, v4  }
0x1c3: {  	v3 =	vld.idx.msk [tilespmem:v3+s12+$0x0], $0xffff  }
0x1c4: {  	v62 =	vmul.f32 v57, v56;
	v4 =	vadd.f32 v61, v4;
	_ =	sdelay $0x1  }
0x1c5: {  	v63 =	vmul.f32 v60, v59;
	v4 =	vadd.f32 v62, v4;
	_ =	sdelay $0x1  }
0x1c6: {  	v2 =	vmul.f32 v3, v2;
	v4 =	vadd.f32 v63, v4;
	_ =	sdelay $0x1  }
0x1c7: {  	v2 =	vadd.f32 v2, v4;
	_ =	sdelay $0x1  }
0x1c8: {  	v2 =	vmul.f32 $-5.000000000e+00, v2;
	_ =	sdelay $0x1  }
0x1c9: {  	v2 =	vmul.f32 $1.442695020e+00, v2;
	_ =	sdelay $0x1  }
0x1ca: {  	(erf) = vpow2.f32 v2;
	_ =	sdelay $0x8  }
0x1cb: {  	v2 =	vpop (erf)  }
0x1cc: {  	v2 =	vadd.f32 $1.000000000e+00, v2;
	_ =	sdelay $0x1  }
0x1cd: {  	(erf) = vrcp.f32 v2;
	_ =	sdelay $0x4  }
0x1ce: {  	p0 =	seq.s32 s28, $0x780  }
.Ltmp2:
0x1cf: {  	_ = 	snop;
	(pc) =	sbr.rel @p0 .LBB2_4-.Ltmp2, $3  }
0x1d0: {  	_ =	sdelay $0x1  }
0x1d1: {  	v2 =	vpop (erf)  }
0x1d2: {  	[tilespmem:s29+$0x10400] =	vst v2  }
0x1d3: {  	v2 =	vld [tilespmem:s29+$0x20];
	_ =	sdelay $0x3  }
0x1d4: {  	v4 =	vld [tilespmem:s29+$0x220]  }
0x1d5: {  	v3 =	vshll.u32 v2, $0x4  }
0x1d6: {  	(v2sf) =	vpush v3, $0x0;
	_ =	sdelay $0x2  }
0x1d7: {  	v2 =	vshll.u32 v4, $0x4  }
0x1d8: {  	(v2sf) =	vpush v2, $0x0;
	_ =	sdelay $0x3  }
0x1d9: {  	(v2sf) =	vpush v3, $0x1;
	_ =	sdelay $0x3  }
0x1da: {  	(v2sf) =	vpush v2, $0x1;
	_ =	sdelay $0x2  }
0x1db: {  	s30 =	spop (v2sf)  }
0x1dc: {  	(v2sf) =	vpush v3, $0x2;
	s30 =	sand.u32 $0xFFFFF80, s30  }
0x1dd: {  	s30 =	sadd.s32 s4, s30  }
0x1de: {  	[tilespmem:s11], [sflag:$0x1] =	stream.linear.gather [hbm4b:s30+s2], $0x400, $0x38;
	[tilespmem:$0x10600] =	vst v63  }
0x1df: {  	s30 =	spop (v2sf)  }
0x1e0: {  	(v2sf) =	vpush v2, $0x2;
	s30 =	sand.u32 $0xFFFFF80, s30  }
0x1e1: {  	s30 =	sadd.s32 s3, s30  }
0x1e2: {  	[tilespmem:s12], [sflag:$0x3] =	stream.linear.gather [hbm4b:s30+s2], $0x400, $0x38;
	[tilespmem:$0x10600] =	vst v63  }
0x1e3: {  	s30 =	spop (v2sf)  }
0x1e4: {  	(v2sf) =	vpush v3, $0x3;
	s30 =	sand.u32 $0xFFFFF80, s30  }
0x1e5: {  	s31 =	simm.s32 $0x800;
	s30 =	sadd.s32 s4, s30  }
0x1e6: {  	[tilespmem:s31], [sflag:$0x1] =	stream.linear.gather [hbm4b:s30+s2], $0x400, $0x38;
	[tilespmem:$0x10600] =	vst v63  }
0x1e7: {  	s30 =	spop (v2sf)  }
0x1e8: {  	(v2sf) =	vpush v2, $0x3;
	s30 =	sand.u32 $0xFFFFF80, s30  }
0x1e9: {  	s31 =	simm.s32 $0x8800;
	s30 =	sadd.s32 s3, s30  }
0x1ea: {  	[tilespmem:s31], [sflag:$0x3] =	stream.linear.gather [hbm4b:s30+s2], $0x400, $0x38;
	[tilespmem:$0x10600] =	vst v63  }
0x1eb: {  	s30 =	spop (v2sf)  }
0x1ec: {  	(v2sf) =	vpush v3, $0x4;
	s30 =	sand.u32 $0xFFFFF80, s30  }
0x1ed: {  	s31 =	simm.s32 $0xC00;
	s30 =	sadd.s32 s4, s30  }
0x1ee: {  	[tilespmem:s31], [sflag:$0x1] =	stream.linear.gather [hbm4b:s30+s2], $0x400, $0x38;
	[tilespmem:$0x10600] =	vst v63  }
0x1ef: {  	s30 =	spop (v2sf)  }
0x1f0: {  	(v2sf) =	vpush v2, $0x4;
	s30 =	sand.u32 $0xFFFFF80, s30  }
0x1f1: {  	s31 =	simm.s32 $0x8C00;
	s30 =	sadd.s32 s3, s30  }
0x1f2: {  	[tilespmem:s31], [sflag:$0x3] =	stream.linear.gather [hbm4b:s30+s2], $0x400, $0x38;
	[tilespmem:$0x10600] =	vst v63  }
0x1f3: {  	s30 =	spop (v2sf)  }
0x1f4: {  	(v2sf) =	vpush v3, $0x5;
	s30 =	sand.u32 $0xFFFFF80, s30  }
0x1f5: {  	s31 =	simm.s32 $0x1000;
	s30 =	sadd.s32 s4, s30  }
0x1f6: {  	[tilespmem:s31], [sflag:$0x1] =	stream.linear.gather [hbm4b:s30+s2], $0x400, $0x38;
	[tilespmem:$0x10600] =	vst v63  }
0x1f7: {  	s30 =	spop (v2sf)  }
0x1f8: {  	(v2sf) =	vpush v2, $0x5;
	s30 =	sand.u32 $0xFFFFF80, s30  }
0x1f9: {  	s31 =	simm.s32 $0x9000;
	s30 =	sadd.s32 s3, s30  }
0x1fa: {  	[tilespmem:s31], [sflag:$0x3] =	stream.linear.gather [hbm4b:s30+s2], $0x400, $0x38;
	[tilespmem:$0x10600] =	vst v63  }
0x1fb: {  	s30 =	spop (v2sf)  }
0x1fc: {  	(v2sf) =	vpush v3, $0x6;
	s30 =	sand.u32 $0xFFFFF80, s30  }
0x1fd: {  	s31 =	simm.s32 $0x1400;
	s30 =	sadd.s32 s4, s30  }
0x1fe: {  	[tilespmem:s31], [sflag:$0x1] =	stream.linear.gather [hbm4b:s30+s2], $0x400, $0x38;
	[tilespmem:$0x10600] =	vst v63  }
0x1ff: {  	s30 =	spop (v2sf)  }
0x200: {  	(v2sf) =	vpush v2, $0x6;
	s30 =	sand.u32 $0xFFFFF80, s30  }
0x201: {  	s31 =	simm.s32 $0x9400;
	s30 =	sadd.s32 s3, s30  }
0x202: {  	[tilespmem:s31], [sflag:$0x3] =	stream.linear.gather [hbm4b:s30+s2], $0x400, $0x38;
	[tilespmem:$0x10600] =	vst v63  }
0x203: {  	s30 =	spop (v2sf)  }
0x204: {  	(v2sf) =	vpush v3, $0x7;
	s30 =	sand.u32 $0xFFFFF80, s30  }
0x205: {  	s31 =	simm.s32 $0x1800;
	s30 =	sadd.s32 s4, s30  }
0x206: {  	[tilespmem:s31], [sflag:$0x1] =	stream.linear.gather [hbm4b:s30+s2], $0x400, $0x38;
	[tilespmem:$0x10600] =	vst v63  }
0x207: {  	s30 =	spop (v2sf)  }
0x208: {  	(v2sf) =	vpush v2, $0x7;
	s30 =	sand.u32 $0xFFFFF80, s30  }
0x209: {  	s31 =	simm.s32 $0x9800;
	s30 =	sadd.s32 s3, s30  }
0x20a: {  	[tilespmem:s31], [sflag:$0x3] =	stream.linear.gather [hbm4b:s30+s2], $0x400, $0x38;
	[tilespmem:$0x10600] =	vst v63  }
0x20b: {  	s30 =	spop (v2sf)  }
0x20c: {  	(v2sf) =	vpush v3, $0x8;
	s30 =	sand.u32 $0xFFFFF80, s30  }
0x20d: {  	s31 =	simm.s32 $0x1C00;
	s30 =	sadd.s32 s4, s30  }
0x20e: {  	[tilespmem:s31], [sflag:$0x1] =	stream.linear.gather [hbm4b:s30+s2], $0x400, $0x38;
	[tilespmem:$0x10600] =	vst v63  }
0x20f: {  	s30 =	spop (v2sf)  }
0x210: {  	(v2sf) =	vpush v2, $0x8;
	s30 =	sand.u32 $0xFFFFF80, s30  }
0x211: {  	s31 =	simm.s32 $0x9C00;
	s30 =	sadd.s32 s3, s30  }
0x212: {  	[tilespmem:s31], [sflag:$0x3] =	stream.linear.gather [hbm4b:s30+s2], $0x400, $0x38;
	[tilespmem:$0x10600] =	vst v63  }
0x213: {  	s30 =	spop (v2sf)  }
0x214: {  	(v2sf) =	vpush v3, $0x9;
	s30 =	sand.u32 $0xFFFFF80, s30  }
0x215: {  	s31 =	simm.s32 $0x2000;
	s30 =	sadd.s32 s4, s30  }
0x216: {  	[tilespmem:s31], [sflag:$0x1] =	stream.linear.gather [hbm4b:s30+s2], $0x400, $0x38;
	[tilespmem:$0x10600] =	vst v63  }
0x217: {  	s30 =	spop (v2sf)  }
0x218: {  	(v2sf) =	vpush v2, $0x9;
	s30 =	sand.u32 $0xFFFFF80, s30  }
0x219: {  	s31 =	simm.s32 $0xA000;
	s30 =	sadd.s32 s3, s30  }
0x21a: {  	[tilespmem:s31], [sflag:$0x3] =	stream.linear.gather [hbm4b:s30+s2], $0x400, $0x38;
	[tilespmem:$0x10600] =	vst v63  }
0x21b: {  	s30 =	spop (v2sf)  }
0x21c: {  	(v2sf) =	vpush v3, $0xA;
	s30 =	sand.u32 $0xFFFFF80, s30  }
0x21d: {  	s31 =	simm.s32 $0x2400;
	s30 =	sadd.s32 s4, s30  }
0x21e: {  	[tilespmem:s31], [sflag:$0x1] =	stream.linear.gather [hbm4b:s30+s2], $0x400, $0x38;
	[tilespmem:$0x10600] =	vst v63  }
0x21f: {  	s30 =	spop (v2sf)  }
0x220: {  	(v2sf) =	vpush v2, $0xA;
	s30 =	sand.u32 $0xFFFFF80, s30  }
0x221: {  	s31 =	simm.s32 $0xA400;
	s30 =	sadd.s32 s3, s30  }
0x222: {  	[tilespmem:s31], [sflag:$0x3] =	stream.linear.gather [hbm4b:s30+s2], $0x400, $0x38;
	[tilespmem:$0x10600] =	vst v63  }
0x223: {  	s30 =	spop (v2sf)  }
0x224: {  	(v2sf) =	vpush v3, $0xB;
	s30 =	sand.u32 $0xFFFFF80, s30  }
0x225: {  	s31 =	simm.s32 $0x2800;
	s30 =	sadd.s32 s4, s30  }
0x226: {  	[tilespmem:s31], [sflag:$0x1] =	stream.linear.gather [hbm4b:s30+s2], $0x400, $0x38;
	[tilespmem:$0x10600] =	vst v63  }
0x227: {  	s30 =	spop (v2sf)  }
0x228: {  	(v2sf) =	vpush v2, $0xB;
	s30 =	sand.u32 $0xFFFFF80, s30  }
0x229: {  	s31 =	simm.s32 $0xA800;
	s30 =	sadd.s32 s3, s30  }
0x22a: {  	[tilespmem:s31], [sflag:$0x3] =	stream.linear.gather [hbm4b:s30+s2], $0x400, $0x38;
	[tilespmem:$0x10600] =	vst v63  }
0x22b: {  	s30 =	spop (v2sf)  }
0x22c: {  	(v2sf) =	vpush v3, $0xC;
	s30 =	sand.u32 $0xFFFFF80, s30  }
0x22d: {  	s31 =	simm.s32 $0x2C00;
	s30 =	sadd.s32 s4, s30  }
0x22e: {  	[tilespmem:s31], [sflag:$0x1] =	stream.linear.gather [hbm4b:s30+s2], $0x400, $0x38;
	[tilespmem:$0x10600] =	vst v63  }
0x22f: {  	s30 =	spop (v2sf)  }
0x230: {  	(v2sf) =	vpush v2, $0xC;
	s30 =	sand.u32 $0xFFFFF80, s30  }
0x231: {  	s31 =	simm.s32 $0xAC00;
	s30 =	sadd.s32 s3, s30  }
0x232: {  	[tilespmem:s31], [sflag:$0x3] =	stream.linear.gather [hbm4b:s30+s2], $0x400, $0x38;
	[tilespmem:$0x10600] =	vst v63  }
0x233: {  	s30 =	spop (v2sf)  }
0x234: {  	(v2sf) =	vpush v3, $0xD;
	s30 =	sand.u32 $0xFFFFF80, s30  }
0x235: {  	s31 =	simm.s32 $0x3000;
	s30 =	sadd.s32 s4, s30  }
0x236: {  	[tilespmem:s31], [sflag:$0x1] =	stream.linear.gather [hbm4b:s30+s2], $0x400, $0x38;
	[tilespmem:$0x10600] =	vst v63  }
0x237: {  	s30 =	spop (v2sf)  }
0x238: {  	(v2sf) =	vpush v2, $0xD;
	s30 =	sand.u32 $0xFFFFF80, s30  }
0x239: {  	s31 =	simm.s32 $0xB000;
	s30 =	sadd.s32 s3, s30  }
0x23a: {  	[tilespmem:s31], [sflag:$0x3] =	stream.linear.gather [hbm4b:s30+s2], $0x400, $0x38;
	[tilespmem:$0x10600] =	vst v63  }
0x23b: {  	s30 =	spop (v2sf)  }
0x23c: {  	(v2sf) =	vpush v3, $0xE;
	s30 =	sand.u32 $0xFFFFF80, s30  }
0x23d: {  	s31 =	simm.s32 $0x3400;
	s30 =	sadd.s32 s4, s30  }
0x23e: {  	[tilespmem:s31], [sflag:$0x1] =	stream.linear.gather [hbm4b:s30+s2], $0x400, $0x38;
	[tilespmem:$0x10600] =	vst v63  }
0x23f: {  	s30 =	spop (v2sf)  }
0x240: {  	(v2sf) =	vpush v2, $0xE;
	s30 =	sand.u32 $0xFFFFF80, s30  }
0x241: {  	s31 =	simm.s32 $0xB400;
	s30 =	sadd.s32 s3, s30  }
0x242: {  	[tilespmem:s31], [sflag:$0x3] =	stream.linear.gather [hbm4b:s30+s2], $0x400, $0x38;
	[tilespmem:$0x10600] =	vst v63  }
0x243: {  	s30 =	spop (v2sf)  }
0x244: {  	(v2sf) =	vpush v3, $0xF;
	s30 =	sand.u32 $0xFFFFF80, s30  }
0x245: {  	s31 =	simm.s32 $0x3800;
	s30 =	sadd.s32 s4, s30  }
0x246: {  	[tilespmem:s31], [sflag:$0x1] =	stream.linear.gather [hbm4b:s30+s2], $0x400, $0x38;
	[tilespmem:$0x10600] =	vst v63  }
0x247: {  	s30 =	spop (v2sf)  }
0x248: {  	(v2sf) =	vpush v2, $0xF;
	s30 =	sand.u32 $0xFFFFF80, s30  }
0x249: {  	s31 =	simm.s32 $0xB800;
	s30 =	sadd.s32 s3, s30  }
0x24a: {  	[tilespmem:s31], [sflag:$0x3] =	stream.linear.gather [hbm4b:s30+s2], $0x400, $0x38;
	[tilespmem:$0x10600] =	vst v63  }
0x24b: {  	s30 =	spop (v2sf)  }
0x24c: {  	s30 =	sand.u32 $0xFFFFF80, s30  }
0x24d: {  	s31 =	simm.s32 $0x3C00;
	s30 =	sadd.s32 s4, s30  }
0x24e: {  	[tilespmem:s31], [sflag:$0x1] =	stream.linear.gather [hbm4b:s30+s2], $0x400, $0x38;
	[tilespmem:$0x10600] =	vst v63  }
0x24f: {  	s30 =	spop (v2sf)  }
0x250: {  	s30 =	sand.u32 $0xFFFFF80, s30  }
0x251: {  	s31 =	simm.s32 $0xBC00;
	s30 =	sadd.s32 s3, s30  }
0x252: {  	[tilespmem:s31], [sflag:$0x3] =	stream.linear.gather [hbm4b:s30+s2], $0x400, $0x38;
	[tilespmem:$0x10600] =	vst v63  }
0x253: {  	s30 =	spop (v2sf)  }
0x254: {  	s30 =	sand.u32 $0xFFFFF80, s30  }
0x255: {  	s31 =	simm.s32 $0x4000;
	s30 =	sadd.s32 s4, s30  }
0x256: {  	[tilespmem:s31], [sflag:$0x1] =	stream.linear.gather [hbm4b:s30+s2], $0x400, $0x38;
	[tilespmem:$0x10600] =	vst v63  }
0x257: {  	s30 =	spop (v2sf)  }
0x258: {  	s30 =	sand.u32 $0xFFFFF80, s30  }
0x259: {  	s31 =	simm.s32 $0xC000;
	s30 =	sadd.s32 s3, s30  }
0x25a: {  	[tilespmem:s31], [sflag:$0x3] =	stream.linear.gather [hbm4b:s30+s2], $0x400, $0x38;
	[tilespmem:$0x10600] =	vst v63  }
0x25b: {  	s31 =	simm.s32 $0x4400  }
.LBB2_4:
0x25c: {  	_ =	swait.ge [sflag:s25], $0x400  }
0x25d: {  	[sflag:s25] =	ssyncset.done $0x0  }
0x25e: {  	[sflag:s25] =	ssyncadd.s32 $0xFFFFFC00  }
0x25f: {  	_ =	swait.ge [sflag:s26], $0x400  }
0x260: {  	[sflag:s26] =	ssyncset.done $0x0  }
0x261: {  	[sflag:s26] =	ssyncadd.s32 $0xFFFFFC00  }
0x262: {  	_ =	swait.ge [sflag:s25], $0x400  }
0x263: {  	[sflag:s25] =	ssyncset.done $0x0  }
0x264: {  	[sflag:s25] =	ssyncadd.s32 $0xFFFFFC00  }
0x265: {  	_ =	swait.ge [sflag:s26], $0x400  }
0x266: {  	[sflag:s26] =	ssyncset.done $0x0  }
0x267: {  	[sflag:s26] =	ssyncadd.s32 $0xFFFFFC00  }
0x268: {  	_ =	swait.ge [sflag:s25], $0x400  }
0x269: {  	[sflag:s25] =	ssyncset.done $0x0  }
0x26a: {  	[sflag:s25] =	ssyncadd.s32 $0xFFFFFC00  }
0x26b: {  	_ =	swait.ge [sflag:s26], $0x400  }
0x26c: {  	[sflag:s26] =	ssyncset.done $0x0  }
0x26d: {  	[sflag:s26] =	ssyncadd.s32 $0xFFFFFC00  }
0x26e: {  	_ =	swait.ge [sflag:s25], $0x400  }
0x26f: {  	[sflag:s25] =	ssyncset.done $0x0  }
0x270: {  	[sflag:s25] =	ssyncadd.s32 $0xFFFFFC00  }
0x271: {  	_ =	swait.ge [sflag:s26], $0x400  }
0x272: {  	[sflag:s26] =	ssyncset.done $0x0  }
0x273: {  	[sflag:s26] =	ssyncadd.s32 $0xFFFFFC00  }
0x274: {  	_ =	swait.ge [sflag:s25], $0x400  }
0x275: {  	[sflag:s25] =	ssyncset.done $0x0  }
0x276: {  	[sflag:s25] =	ssyncadd.s32 $0xFFFFFC00  }
0x277: {  	_ =	swait.ge [sflag:s26], $0x400  }
0x278: {  	[sflag:s26] =	ssyncset.done $0x0  }
0x279: {  	[sflag:s26] =	ssyncadd.s32 $0xFFFFFC00  }
0x27a: {  	_ =	swait.ge [sflag:s25], $0x400  }
0x27b: {  	[sflag:s25] =	ssyncset.done $0x0  }
0x27c: {  	[sflag:s25] =	ssyncadd.s32 $0xFFFFFC00  }
0x27d: {  	_ =	swait.ge [sflag:s26], $0x400  }
0x27e: {  	[sflag:s26] =	ssyncset.done $0x0  }
0x27f: {  	[sflag:s26] =	ssyncadd.s32 $0xFFFFFC00  }
0x280: {  	_ =	swait.ge [sflag:s25], $0x400  }
0x281: {  	[sflag:s25] =	ssyncset.done $0x0  }
0x282: {  	[sflag:s25] =	ssyncadd.s32 $0xFFFFFC00  }
0x283: {  	_ =	swait.ge [sflag:s26], $0x400  }
0x284: {  	[sflag:s26] =	ssyncset.done $0x0  }
0x285: {  	[sflag:s26] =	ssyncadd.s32 $0xFFFFFC00  }
0x286: {  	_ =	swait.ge [sflag:s25], $0x400  }
0x287: {  	[sflag:s25] =	ssyncset.done $0x0  }
0x288: {  	[sflag:s25] =	ssyncadd.s32 $0xFFFFFC00  }
0x289: {  	_ =	swait.ge [sflag:s26], $0x400  }
0x28a: {  	[sflag:s26] =	ssyncset.done $0x0  }
0x28b: {  	[sflag:s26] =	ssyncadd.s32 $0xFFFFFC00  }
0x28c: {  	_ =	swait.ge [sflag:s25], $0x400  }
0x28d: {  	[sflag:s25] =	ssyncset.done $0x0  }
0x28e: {  	[sflag:s25] =	ssyncadd.s32 $0xFFFFFC00  }
0x28f: {  	_ =	swait.ge [sflag:s26], $0x400  }
0x290: {  	[sflag:s26] =	ssyncset.done $0x0  }
0x291: {  	[sflag:s26] =	ssyncadd.s32 $0xFFFFFC00  }
0x292: {  	_ =	swait.ge [sflag:s25], $0x400  }
0x293: {  	[sflag:s25] =	ssyncset.done $0x0  }
0x294: {  	[sflag:s25] =	ssyncadd.s32 $0xFFFFFC00  }
0x295: {  	_ =	swait.ge [sflag:s26], $0x400  }
0x296: {  	[sflag:s26] =	ssyncset.done $0x0  }
0x297: {  	[sflag:s26] =	ssyncadd.s32 $0xFFFFFC00  }
0x298: {  	_ =	swait.ge [sflag:s25], $0x400  }
0x299: {  	[sflag:s25] =	ssyncset.done $0x0  }
0x29a: {  	[sflag:s25] =	ssyncadd.s32 $0xFFFFFC00  }
0x29b: {  	_ =	swait.ge [sflag:s26], $0x400  }
0x29c: {  	[sflag:s26] =	ssyncset.done $0x0  }
0x29d: {  	[sflag:s26] =	ssyncadd.s32 $0xFFFFFC00  }
0x29e: {  	_ =	swait.ge [sflag:s25], $0x400  }
0x29f: {  	[sflag:s25] =	ssyncset.done $0x0  }
0x2a0: {  	[sflag:s25] =	ssyncadd.s32 $0xFFFFFC00  }
0x2a1: {  	_ =	swait.ge [sflag:s26], $0x400  }
0x2a2: {  	[sflag:s26] =	ssyncset.done $0x0  }
0x2a3: {  	[sflag:s26] =	ssyncadd.s32 $0xFFFFFC00  }
0x2a4: {  	_ =	swait.ge [sflag:s25], $0x400  }
0x2a5: {  	[sflag:s25] =	ssyncset.done $0x0  }
0x2a6: {  	[sflag:s25] =	ssyncadd.s32 $0xFFFFFC00  }
0x2a7: {  	_ =	swait.ge [sflag:s26], $0x400  }
0x2a8: {  	[sflag:s26] =	ssyncset.done $0x0  }
0x2a9: {  	[sflag:s26] =	ssyncadd.s32 $0xFFFFFC00  }
0x2aa: {  	_ =	swait.ge [sflag:s25], $0x400  }
0x2ab: {  	[sflag:s25] =	ssyncset.done $0x0  }
0x2ac: {  	[sflag:s25] =	ssyncadd.s32 $0xFFFFFC00  }
0x2ad: {  	_ =	swait.ge [sflag:s26], $0x400  }
0x2ae: {  	[sflag:s26] =	ssyncset.done $0x0  }
0x2af: {  	[sflag:s26] =	ssyncadd.s32 $0xFFFFFC00  }
0x2b0: {  	_ =	swait.ge [sflag:s25], $0x400  }
0x2b1: {  	[sflag:s25] =	ssyncset.done $0x0  }
0x2b2: {  	[sflag:s25] =	ssyncadd.s32 $0xFFFFFC00  }
0x2b3: {  	_ =	swait.ge [sflag:s26], $0x400  }
0x2b4: {  	[sflag:s26] =	ssyncset.done $0x0  }
0x2b5: {  	[sflag:s26] =	ssyncadd.s32 $0xFFFFFC00  }
0x2b6: {  	_ =	swait.ge [sflag:s25], $0x400  }
0x2b7: {  	[sflag:s25] =	ssyncset.done $0x0  }
0x2b8: {  	[sflag:s25] =	ssyncadd.s32 $0xFFFFFC00  }
0x2b9: {  	_ =	swait.ge [sflag:s26], $0x400  }
0x2ba: {  	[sflag:s26] =	ssyncset.done $0x0  }
0x2bb: {  	[sflag:s26] =	ssyncadd.s32 $0xFFFFFC00  }
0x2bc: {  	v2 =	vld [tilespmem:s29+$0x10]  }
0x2bd: {  	v3 =	vld [tilespmem:s29+$0x210];
	_ =	sdelay $0x3  }
0x2be: {  	v2 =	vand.u32 $0x7, v2  }
0x2bf: {  	v3 =	vand.u32 $0x7, v3;
	v2 =	vshll.u32 v2, $0x7  }
0x2c0: {  	v3 =	vshll.u32 v3, $0x7;
	v2 =	vor.u32 v1, v2  }
0x2c1: {  	v3 =	vor.u32 v1, v3  }
0x2c2: {  	v4 =	vor.u32 $0x1, v2  }
0x2c3: {  	v5 =	vor.u32 $0x1, v3  }
0x2c4: {  	v6 =	vor.u32 $0x2, v2  }
0x2c5: {  	v8 =	vor.u32 $0x2, v3;
	v7 =	vld.idx.msk [tilespmem:v2+s11+$0x0], $0xffff  }
0x2c6: {  	v10 =	vor.u32 $0x3, v2;
	v9 =	vld.idx.msk [tilespmem:v3+s12+$0x0], $0xffff  }
0x2c7: {  	v11 =	vor.u32 $0x3, v3;
	v4 =	vld.idx.msk [tilespmem:v4+s11+$0x0], $0xffff  }
0x2c8: {  	v12 =	vor.u32 $0x4, v2;
	v5 =	vld.idx.msk [tilespmem:v5+s12+$0x0], $0xffff  }
0x2c9: {  	v13 =	vor.u32 $0x4, v3;
	v6 =	vld.idx.msk [tilespmem:v6+s11+$0x0], $0xffff  }
0x2ca: {  	v14 =	vor.u32 $0x5, v2;
	v8 =	vld.idx.msk [tilespmem:v8+s12+$0x0], $0xffff  }
0x2cb: {  	v23 =	vor.u32 $0x5, v3;
	v22 =	vld.idx.msk [tilespmem:v10+s11+$0x0], $0xffff;
	v7 =	vmul.f32 v9, v7  }
0x2cc: {  	v15 =	vor.u32 $0x6, v2;
	v11 =	vld.idx.msk [tilespmem:v11+s12+$0x0], $0xffff  }
0x2cd: {  	v25 =	vor.u32 $0x6, v3;
	v24 =	vld.idx.msk [tilespmem:v12+s11+$0x0], $0xffff;
	v4 =	vmul.f32 v5, v4;
	v7 =	vadd.f32 $0.0e+00, v7  }
0x2ce: {  	v16 =	vor.u32 $0x7, v2;
	v13 =	vld.idx.msk [tilespmem:v13+s12+$0x0], $0xffff  }
0x2cf: {  	v27 =	vor.u32 $0x7, v3;
	v26 =	vld.idx.msk [tilespmem:v14+s11+$0x0], $0xffff;
	v6 =	vmul.f32 v8, v6;
	v4 =	vadd.f32 v4, v7  }
0x2d0: {  	v28 =	vor.u32 $0x8, v2;
	v10 =	vld.idx.msk [tilespmem:v23+s12+$0x0], $0xffff  }
0x2d1: {  	v31 =	vor.u32 $0x8, v3;
	v30 =	vld.idx.msk [tilespmem:v15+s11+$0x0], $0xffff;
	v29 =	vmul.f32 v11, v22;
	v4 =	vadd.f32 v6, v4  }
0x2d2: {  	v32 =	vor.u32 $0x9, v2;
	v12 =	vld.idx.msk [tilespmem:v25+s12+$0x0], $0xffff  }
0x2d3: {  	v34 =	vor.u32 $0x9, v3;
	v33 =	vld.idx.msk [tilespmem:v16+s11+$0x0], $0xffff;
	v5 =	vmul.f32 v13, v24;
	v4 =	vadd.f32 v29, v4  }
0x2d4: {  	v35 =	vor.u32 $0xA, v2;
	v8 =	vld.idx.msk [tilespmem:v27+s12+$0x0], $0xffff  }
0x2d5: {  	v38 =	vor.u32 $0xA, v3;
	v37 =	vld.idx.msk [tilespmem:v28+s11+$0x0], $0xffff;
	v36 =	vmul.f32 v10, v26;
	v4 =	vadd.f32 v5, v4  }
0x2d6: {  	v39 =	vor.u32 $0xB, v2;
	v11 =	vld.idx.msk [tilespmem:v31+s12+$0x0], $0xffff  }
0x2d7: {  	v42 =	vor.u32 $0xB, v3;
	v41 =	vld.idx.msk [tilespmem:v32+s11+$0x0], $0xffff;
	v40 =	vmul.f32 v12, v30;
	v4 =	vadd.f32 v36, v4  }
0x2d8: {  	v43 =	vor.u32 $0xC, v2;
	v13 =	vld.idx.msk [tilespmem:v34+s12+$0x0], $0xffff  }
0x2d9: {  	v46 =	vor.u32 $0xC, v3;
	v45 =	vld.idx.msk [tilespmem:v35+s11+$0x0], $0xffff;
	v44 =	vmul.f32 v8, v33;
	v4 =	vadd.f32 v40, v4  }
0x2da: {  	v47 =	vor.u32 $0xD, v2;
	v10 =	vld.idx.msk [tilespmem:v38+s12+$0x0], $0xffff  }
0x2db: {  	v50 =	vor.u32 $0xD, v3;
	v49 =	vld.idx.msk [tilespmem:v39+s11+$0x0], $0xffff;
	v48 =	vmul.f32 v11, v37;
	v4 =	vadd.f32 v44, v4  }
0x2dc: {  	v51 =	vor.u32 $0xE, v2;
	v12 =	vld.idx.msk [tilespmem:v42+s12+$0x0], $0xffff  }
0x2dd: {  	v54 =	vor.u32 $0xE, v3;
	v53 =	vld.idx.msk [tilespmem:v43+s11+$0x0], $0xffff;
	v52 =	vmul.f32 v13, v41;
	v4 =	vadd.f32 v48, v4  }
0x2de: {  	v2 =	vor.u32 $0xF, v2;
	v8 =	vld.idx.msk [tilespmem:v46+s12+$0x0], $0xffff  }
0x2df: {  	v3 =	vor.u32 $0xF, v3;
	v56 =	vld.idx.msk [tilespmem:v47+s11+$0x0], $0xffff;
	v55 =	vmul.f32 v10, v45;
	v4 =	vadd.f32 v52, v4  }
0x2e0: {  	v57 =	vld.idx.msk [tilespmem:v50+s12+$0x0], $0xffff  }
0x2e1: {  	v59 =	vld.idx.msk [tilespmem:v51+s11+$0x0], $0xffff;
	v58 =	vmul.f32 v12, v49;
	v4 =	vadd.f32 v55, v4  }
0x2e2: {  	v60 =	vld.idx.msk [tilespmem:v54+s12+$0x0], $0xffff  }
0x2e3: {  	v2 =	vld.idx.msk [tilespmem:v2+s11+$0x0], $0xffff;
	v61 =	vmul.f32 v8, v53;
	v4 =	vadd.f32 v58, v4  }
0x2e4: {  	v3 =	vld.idx.msk [tilespmem:v3+s12+$0x0], $0xffff  }
0x2e5: {  	v62 =	vmul.f32 v57, v56;
	v4 =	vadd.f32 v61, v4;
	_ =	sdelay $0x1  }
0x2e6: {  	v63 =	vmul.f32 v60, v59;
	v4 =	vadd.f32 v62, v4;
	_ =	sdelay $0x1  }
0x2e7: {  	v2 =	vmul.f32 v3, v2;
	v4 =	vadd.f32 v63, v4;
	_ =	sdelay $0x1  }
0x2e8: {  	v2 =	vadd.f32 v2, v4;
	_ =	sdelay $0x1  }
0x2e9: {  	v2 =	vmul.f32 $-5.000000000e+00, v2;
	_ =	sdelay $0x1  }
0x2ea: {  	v2 =	vmul.f32 $1.442695020e+00, v2;
	_ =	sdelay $0x1  }
0x2eb: {  	(erf) = vpow2.f32 v2;
	_ =	sdelay $0x8  }
0x2ec: {  	v2 =	vpop (erf)  }
0x2ed: {  	v2 =	vadd.f32 $1.000000000e+00, v2;
	_ =	sdelay $0x1  }
0x2ee: {  	(erf) = vrcp.f32 v2;
	_ =	sdelay $0x5  }
.Ltmp3:
0x2ef: {  	_ = 	snop;
	(pc) =	sbr.rel @p0 .LBB2_6-.Ltmp3, $3  }
0x2f0: {  	_ =	sdelay $0x1  }
0x2f1: {  	v2 =	vpop (erf)  }
0x2f2: {  	[tilespmem:s29+$0x10410] =	vst v2  }
0x2f3: {  	v2 =	vld [tilespmem:s29+$0x30];
	_ =	sdelay $0x1  }
0x2f4: {  	v4 =	vld [tilespmem:s29+$0x230];
	_ =	sdelay $0x2  }
0x2f5: {  	v3 =	vshll.u32 v2, $0x4  }
0x2f6: {  	(v2sf) =	vpush v3, $0x0  }
0x2f7: {  	v2 =	vshll.u32 v4, $0x4  }
0x2f8: {  	(v2sf) =	vpush v2, $0x0;
	_ =	sdelay $0x4  }
0x2f9: {  	(v2sf) =	vpush v3, $0x1;
	_ =	sdelay $0x3  }
0x2fa: {  	(v2sf) =	vpush v2, $0x1;
	_ =	sdelay $0x3  }
0x2fb: {  	s30 =	spop (v2sf);
	(v2sf) =	vpush v3, $0x2  }
0x2fc: {  	s29 =	sand.u32 $0xFFFFF80, s30  }
0x2fd: {  	s30 =	spop (v2sf);
	s29 =	sadd.s32 s4, s29  }
0x2fe: {  	[tilespmem:s31], [sflag:$0x2] =	stream.linear.gather [hbm4b:s29+s2], $0x400, $0x38;
	[tilespmem:$0x10600] =	vst v63  }
0x2ff: {  	(v2sf) =	vpush v2, $0x2;
	s29 =	sand.u32 $0xFFFFF80, s30  }
0x300: {  	s30 =	simm.s32 $0xC400;
	s29 =	sadd.s32 s3, s29  }
0x301: {  	[tilespmem:s30], [sflag:$0x4] =	stream.linear.gather [hbm4b:s29+s2], $0x400, $0x38;
	[tilespmem:$0x10600] =	vst v63  }
0x302: {  	s30 =	spop (v2sf)  }
0x303: {  	(v2sf) =	vpush v3, $0x3;
	s29 =	sand.u32 $0xFFFFF80, s30  }
0x304: {  	s30 =	simm.s32 $0x4800;
	s29 =	sadd.s32 s4, s29  }
0x305: {  	[tilespmem:s30], [sflag:$0x2] =	stream.linear.gather [hbm4b:s29+s2], $0x400, $0x38;
	[tilespmem:$0x10600] =	vst v63  }
0x306: {  	s30 =	spop (v2sf)  }
0x307: {  	(v2sf) =	vpush v2, $0x3;
	s29 =	sand.u32 $0xFFFFF80, s30  }
0x308: {  	s30 =	simm.s32 $0xC800;
	s29 =	sadd.s32 s3, s29  }
0x309: {  	[tilespmem:s30], [sflag:$0x4] =	stream.linear.gather [hbm4b:s29+s2], $0x400, $0x38;
	[tilespmem:$0x10600] =	vst v63  }
0x30a: {  	s30 =	spop (v2sf)  }
0x30b: {  	(v2sf) =	vpush v3, $0x4;
	s29 =	sand.u32 $0xFFFFF80, s30  }
0x30c: {  	s30 =	simm.s32 $0x4C00;
	s29 =	sadd.s32 s4, s29  }
0x30d: {  	[tilespmem:s30], [sflag:$0x2] =	stream.linear.gather [hbm4b:s29+s2], $0x400, $0x38;
	[tilespmem:$0x10600] =	vst v63  }
0x30e: {  	s30 =	spop (v2sf)  }
0x30f: {  	(v2sf) =	vpush v2, $0x4;
	s29 =	sand.u32 $0xFFFFF80, s30  }
0x310: {  	s30 =	simm.s32 $0xCC00;
	s29 =	sadd.s32 s3, s29  }
0x311: {  	[tilespmem:s30], [sflag:$0x4] =	stream.linear.gather [hbm4b:s29+s2], $0x400, $0x38;
	[tilespmem:$0x10600] =	vst v63  }
0x312: {  	s30 =	spop (v2sf)  }
0x313: {  	(v2sf) =	vpush v3, $0x5;
	s29 =	sand.u32 $0xFFFFF80, s30  }
0x314: {  	s30 =	simm.s32 $0x5000;
	s29 =	sadd.s32 s4, s29  }
0x315: {  	[tilespmem:s30], [sflag:$0x2] =	stream.linear.gather [hbm4b:s29+s2], $0x400, $0x38;
	[tilespmem:$0x10600] =	vst v63  }
0x316: {  	s30 =	spop (v2sf)  }
0x317: {  	(v2sf) =	vpush v2, $0x5;
	s29 =	sand.u32 $0xFFFFF80, s30  }
0x318: {  	s30 =	simm.s32 $0xD000;
	s29 =	sadd.s32 s3, s29  }
0x319: {  	[tilespmem:s30], [sflag:$0x4] =	stream.linear.gather [hbm4b:s29+s2], $0x400, $0x38;
	[tilespmem:$0x10600] =	vst v63  }
0x31a: {  	s30 =	spop (v2sf)  }
0x31b: {  	(v2sf) =	vpush v3, $0x6;
	s29 =	sand.u32 $0xFFFFF80, s30  }
0x31c: {  	s30 =	simm.s32 $0x5400;
	s29 =	sadd.s32 s4, s29  }
0x31d: {  	[tilespmem:s30], [sflag:$0x2] =	stream.linear.gather [hbm4b:s29+s2], $0x400, $0x38;
	[tilespmem:$0x10600] =	vst v63  }
0x31e: {  	s30 =	spop (v2sf)  }
0x31f: {  	(v2sf) =	vpush v2, $0x6;
	s29 =	sand.u32 $0xFFFFF80, s30  }
0x320: {  	s30 =	simm.s32 $0xD400;
	s29 =	sadd.s32 s3, s29  }
0x321: {  	[tilespmem:s30], [sflag:$0x4] =	stream.linear.gather [hbm4b:s29+s2], $0x400, $0x38;
	[tilespmem:$0x10600] =	vst v63  }
0x322: {  	s30 =	spop (v2sf)  }
0x323: {  	(v2sf) =	vpush v3, $0x7;
	s29 =	sand.u32 $0xFFFFF80, s30  }
0x324: {  	s30 =	simm.s32 $0x5800;
	s29 =	sadd.s32 s4, s29  }
0x325: {  	[tilespmem:s30], [sflag:$0x2] =	stream.linear.gather [hbm4b:s29+s2], $0x400, $0x38;
	[tilespmem:$0x10600] =	vst v63  }
0x326: {  	s30 =	spop (v2sf)  }
0x327: {  	(v2sf) =	vpush v2, $0x7;
	s29 =	sand.u32 $0xFFFFF80, s30  }
0x328: {  	s30 =	simm.s32 $0xD800;
	s29 =	sadd.s32 s3, s29  }
0x329: {  	[tilespmem:s30], [sflag:$0x4] =	stream.linear.gather [hbm4b:s29+s2], $0x400, $0x38;
	[tilespmem:$0x10600] =	vst v63  }
0x32a: {  	s30 =	spop (v2sf)  }
0x32b: {  	(v2sf) =	vpush v3, $0x8;
	s29 =	sand.u32 $0xFFFFF80, s30  }
0x32c: {  	s30 =	simm.s32 $0x5C00;
	s29 =	sadd.s32 s4, s29  }
0x32d: {  	[tilespmem:s30], [sflag:$0x2] =	stream.linear.gather [hbm4b:s29+s2], $0x400, $0x38;
	[tilespmem:$0x10600] =	vst v63  }
0x32e: {  	s30 =	spop (v2sf)  }
0x32f: {  	(v2sf) =	vpush v2, $0x8;
	s29 =	sand.u32 $0xFFFFF80, s30  }
0x330: {  	s30 =	simm.s32 $0xDC00;
	s29 =	sadd.s32 s3, s29  }
0x331: {  	[tilespmem:s30], [sflag:$0x4] =	stream.linear.gather [hbm4b:s29+s2], $0x400, $0x38;
	[tilespmem:$0x10600] =	vst v63  }
0x332: {  	s30 =	spop (v2sf)  }
0x333: {  	(v2sf) =	vpush v3, $0x9;
	s29 =	sand.u32 $0xFFFFF80, s30  }
0x334: {  	s29 =	sadd.s32 s4, s29  }
0x335: {  	[tilespmem:s0], [sflag:$0x2] =	stream.linear.gather [hbm4b:s29+s2], $0x400, $0x38;
	[tilespmem:$0x10600] =	vst v63  }
0x336: {  	s30 =	spop (v2sf)  }
0x337: {  	(v2sf) =	vpush v2, $0x9;
	s29 =	sand.u32 $0xFFFFF80, s30  }
0x338: {  	s29 =	sadd.s32 s3, s29  }
0x339: {  	[tilespmem:s1], [sflag:$0x4] =	stream.linear.gather [hbm4b:s29+s2], $0x400, $0x38;
	[tilespmem:$0x10600] =	vst v63  }
0x33a: {  	s30 =	spop (v2sf)  }
0x33b: {  	(v2sf) =	vpush v3, $0xA;
	s29 =	sand.u32 $0xFFFFF80, s30  }
0x33c: {  	s29 =	sadd.s32 s4, s29  }
0x33d: {  	[tilespmem:s10], [sflag:$0x2] =	stream.linear.gather [hbm4b:s29+s2], $0x400, $0x38;
	[tilespmem:$0x10600] =	vst v63  }
0x33e: {  	s30 =	spop (v2sf)  }
0x33f: {  	(v2sf) =	vpush v2, $0xA;
	s29 =	sand.u32 $0xFFFFF80, s30  }
0x340: {  	s29 =	sadd.s32 s3, s29  }
0x341: {  	[tilespmem:s5], [sflag:$0x4] =	stream.linear.gather [hbm4b:s29+s2], $0x400, $0x38;
	[tilespmem:$0x10600] =	vst v63  }
0x342: {  	s30 =	spop (v2sf)  }
0x343: {  	(v2sf) =	vpush v3, $0xB;
	s29 =	sand.u32 $0xFFFFF80, s30  }
0x344: {  	s29 =	sadd.s32 s4, s29  }
0x345: {  	[tilespmem:s6], [sflag:$0x2] =	stream.linear.gather [hbm4b:s29+s2], $0x400, $0x38;
	[tilespmem:$0x10600] =	vst v63  }
0x346: {  	s30 =	spop (v2sf)  }
0x347: {  	(v2sf) =	vpush v2, $0xB;
	s29 =	sand.u32 $0xFFFFF80, s30  }
0x348: {  	s29 =	sadd.s32 s3, s29  }
0x349: {  	[tilespmem:s7], [sflag:$0x4] =	stream.linear.gather [hbm4b:s29+s2], $0x400, $0x38;
	[tilespmem:$0x10600] =	vst v63  }
0x34a: {  	s30 =	spop (v2sf)  }
0x34b: {  	(v2sf) =	vpush v3, $0xC;
	s29 =	sand.u32 $0xFFFFF80, s30  }
0x34c: {  	s29 =	sadd.s32 s4, s29  }
0x34d: {  	[tilespmem:s8], [sflag:$0x2] =	stream.linear.gather [hbm4b:s29+s2], $0x400, $0x38;
	[tilespmem:$0x10600] =	vst v63  }
0x34e: {  	s30 =	spop (v2sf)  }
0x34f: {  	(v2sf) =	vpush v2, $0xC;
	s29 =	sand.u32 $0xFFFFF80, s30  }
0x350: {  	s29 =	sadd.s32 s3, s29  }
0x351: {  	[tilespmem:s9], [sflag:$0x4] =	stream.linear.gather [hbm4b:s29+s2], $0x400, $0x38;
	[tilespmem:$0x10600] =	vst v63  }
0x352: {  	s30 =	spop (v2sf)  }
0x353: {  	(v2sf) =	vpush v3, $0xD;
	s29 =	sand.u32 $0xFFFFF80, s30  }
0x354: {  	s29 =	sadd.s32 s4, s29  }
0x355: {  	[tilespmem:s13], [sflag:$0x2] =	stream.linear.gather [hbm4b:s29+s2], $0x400, $0x38;
	[tilespmem:$0x10600] =	vst v63  }
0x356: {  	s30 =	spop (v2sf)  }
0x357: {  	(v2sf) =	vpush v2, $0xD;
	s29 =	sand.u32 $0xFFFFF80, s30  }
0x358: {  	s29 =	sadd.s32 s3, s29  }
0x359: {  	[tilespmem:s14], [sflag:$0x4] =	stream.linear.gather [hbm4b:s29+s2], $0x400, $0x38;
	[tilespmem:$0x10600] =	vst v63  }
0x35a: {  	s30 =	spop (v2sf)  }
0x35b: {  	(v2sf) =	vpush v3, $0xE;
	s29 =	sand.u32 $0xFFFFF80, s30  }
0x35c: {  	s29 =	sadd.s32 s4, s29  }
0x35d: {  	[tilespmem:s15], [sflag:$0x2] =	stream.linear.gather [hbm4b:s29+s2], $0x400, $0x38;
	[tilespmem:$0x10600] =	vst v63  }
0x35e: {  	s30 =	spop (v2sf)  }
0x35f: {  	(v2sf) =	vpush v2, $0xE;
	s29 =	sand.u32 $0xFFFFF80, s30  }
0x360: {  	s29 =	sadd.s32 s3, s29  }
0x361: {  	[tilespmem:s16], [sflag:$0x4] =	stream.linear.gather [hbm4b:s29+s2], $0x400, $0x38;
	[tilespmem:$0x10600] =	vst v63  }
0x362: {  	s30 =	spop (v2sf)  }
0x363: {  	(v2sf) =	vpush v3, $0xF;
	s29 =	sand.u32 $0xFFFFF80, s30  }
0x364: {  	s29 =	sadd.s32 s4, s29  }
0x365: {  	[tilespmem:s17], [sflag:$0x2] =	stream.linear.gather [hbm4b:s29+s2], $0x400, $0x38;
	[tilespmem:$0x10600] =	vst v63  }
0x366: {  	s30 =	spop (v2sf)  }
0x367: {  	s29 =	sand.u32 $0xFFFFF80, s30  }
0x368: {  	(v2sf) =	vpush v2, $0xF;
	s29 =	sadd.s32 s3, s29  }
0x369: {  	[tilespmem:s18], [sflag:$0x4] =	stream.linear.gather [hbm4b:s29+s2], $0x400, $0x38;
	[tilespmem:$0x10600] =	vst v63  }
0x36a: {  	s30 =	spop (v2sf)  }
0x36b: {  	s29 =	sand.u32 $0xFFFFF80, s30  }
0x36c: {  	s29 =	sadd.s32 s4, s29  }
0x36d: {  	[tilespmem:s19], [sflag:$0x2] =	stream.linear.gather [hbm4b:s29+s2], $0x400, $0x38;
	[tilespmem:$0x10600] =	vst v63  }
0x36e: {  	s30 =	spop (v2sf)  }
0x36f: {  	s29 =	sand.u32 $0xFFFFF80, s30  }
0x370: {  	s29 =	sadd.s32 s3, s29  }
0x371: {  	[tilespmem:s20], [sflag:$0x4] =	stream.linear.gather [hbm4b:s29+s2], $0x400, $0x38;
	[tilespmem:$0x10600] =	vst v63  }
0x372: {  	s30 =	spop (v2sf)  }
0x373: {  	s29 =	sand.u32 $0xFFFFF80, s30  }
0x374: {  	s29 =	sadd.s32 s4, s29  }
0x375: {  	[tilespmem:s21], [sflag:$0x2] =	stream.linear.gather [hbm4b:s29+s2], $0x400, $0x38;
	[tilespmem:$0x10600] =	vst v63  }
.Ltmp4:
0x376: {  	_ = 	snop;
	(pc) =	sbr.rel .LBB2_2-.Ltmp4, $4  }
0x377: {  	s30 =	spop (v2sf)  }
0x378: {  	s29 =	sand.u32 $0xFFFFF80, s30  }
0x379: {  	s28 =	sadd.s32 $0x80, s28;
	s29 =	sadd.s32 s3, s29  }
0x37a: {  	[tilespmem:s22], [sflag:$0x4] =	stream.linear.gather [hbm4b:s29+s2], $0x400, $0x38;
	[tilespmem:$0x10600] =	vst v63  }
.LBB2_7:
0x37b: {  	_ =	sfence.sel $0x180000  }
0x37c: {  	[bflag:$0x0] =	sbarrier.arrive $0xFFFF  }
0x37d: {  	_ =	strace $0x90000047  }
0x37e: {  	s0 =	stileid.u32;
	[bflag:$0x2] =	sbarrier.arrive $0xFFFF  }
0x37f: {  	p0 =	sne.s32 s0, $0x0;
	s0 =	rddreg [dreg:$0x4]  }
0x380: {  	s0 =	sadd.s32 @!p0 $0x100000, s0  }
0x381: {  	[sflag:s0] =	ssyncadd.tile.s32 @!p0 $0x1;
	_ =	shalt  }
.Lfunc_end2:
_tile_overlayer_lowered:
.L_overlay_start_2:
0x382: {  	(tag) =	ssettag $0x2  }
0x383: {  	s0 =	rddreg [dreg:$0x0];
	s2 =	stileid.u32  }
0x384: {  	s1 =	rddreg [dreg:$0x1];
	p0 =	sne.s32 s2, $0x0  }
0x385: {  	s3 =	rddreg [dreg:$0x2];
	[bflag:$0x3] =	sbarrier.arrive $0xFFFF;
	s2 =	simm.s32 @!p0 $0x1C05  }
0x386: {  	[timem:s3], [sflag:s2] =	dma.local @!p0 [hbm:s0], s1  }
0x387: {  	s0 =	simm.s32 @!p0 $0x5  }
0x388: {  	_ =	swait.ge @!p0 [sflag:s0], s1  }
0x389: {  	s1 =	ssub.s32 @!p0 $0x0, s1;
	[sflag:s0] =	ssyncset.done @!p0 $0x0  }
0x38a: {  	[sflag:s0] =	ssyncadd.s32 @!p0 s1  }
0x38b: {  	[bflag:$0x3] =	sbarrier.arrive $0xFFFF  }
0x38c: {  	_ =	shalt  }

</sc_bundles>
